<compile_context>
chip_gen: v7x
topology: tpu7x:2x2x1
jax: 0.10.2.dev20260603
libtpu: 0.0.44.dev20260713+nightly
codegen_flags: <defaults>
</compile_context>

<pallas_src>
import functools
import jax
import jax.numpy as jnp
from jax import lax
from jax.experimental import pallas as pl
from jax.experimental.pallas import tpu as pltpu
from jax.experimental.pallas import tpu_sc as plsc

B = 4096
PEP_LEN = 21
MHC_LEN = 34
CORE_LEN = 15
EMB = 128
PAD = 3
VOCAB = 30

NC = 2
NS = 16
NW = NC * NS

ROWS_W = B // NW
MSK_W = ROWS_W * CORE_LEN

GP = 4
NBUF = 8
PEP_ITERS = ROWS_W // (GP * NBUF)

_mesh = plsc.VectorSubcoreMesh(core_axis_name="c", subcore_axis_name="s")


@functools.partial(
    pl.kernel,
    mesh=_mesh,
    out_type=[
        jax.ShapeDtypeStruct((B, PEP_LEN, EMB), jnp.float32),
        jax.ShapeDtypeStruct((B * CORE_LEN,), jnp.int32),
    ],
    scratch_types=[
        pltpu.VMEM((ROWS_W, PEP_LEN), jnp.int32),
        pltpu.VMEM((MSK_W + 16,), jnp.int32),
        pltpu.VMEM_SHARED((VOCAB, EMB), jnp.float32),
    ]
    + [pltpu.VMEM((GP, PEP_LEN, EMB), jnp.float32) for _ in range(NBUF)]
    + [pltpu.SemaphoreType.DMA for _ in range(2 * NBUF + 1)],
)
def _pep_lookup(pep_x2, pep_tab, pep_out, msk_out,
                pep_idx2_v, msk_v, pep_tab_v, *bufs_and_sems):
    bufs = list(bufs_and_sems[:NBUF])
    gsems = list(bufs_and_sems[NBUF:2 * NBUF])
    osems = list(bufs_and_sems[2 * NBUF:3 * NBUF])
    msem = bufs_and_sems[3 * NBUF]

    wid = lax.axis_index("s") * NC + lax.axis_index("c")
    row0 = wid * ROWS_W

    pltpu.sync_copy(pep_x2.at[pl.ds(row0, ROWS_W)], pep_idx2_v)

    @pl.when(lax.axis_index("s") == 0)
    def _stage_table():
        pltpu.sync_copy(pep_tab, pep_tab_v)

    plsc.subcore_barrier()

    def mask_body(b, carry):
        mv = pep_idx2_v[b, pl.ds(PAD, 16)]
        m = jnp.where(mv != jnp.zeros((16,), jnp.int32),
                      jnp.ones((16,), jnp.int32),
                      jnp.zeros((16,), jnp.int32))
        msk_v[pl.ds(b * CORE_LEN, 16)] = m
        return carry

    lax.fori_loop(0, ROWS_W, mask_body, 0)
    mcopy = pltpu.async_copy(msk_v.at[pl.ds(0, MSK_W)],
                             msk_out.at[pl.ds(wid * MSK_W, MSK_W)], msem)

    half = NBUF // 2

    def run_half(hs, g0):
        for s in range(hs, hs + half):
            b0 = (g0 + s - hs) * GP
            cps = [pltpu.async_copy(
                pep_tab_v.at[pep_idx2_v.at[b0 + r]], bufs[s].at[r],
                gsems[s]) for r in range(GP)]
            for cp in cps:
                cp.wait()
            pltpu.async_copy(bufs[s], pep_out.at[pl.ds(row0 + b0, GP)],
                             osems[s])

    def drain_half(hs):
        for s in range(hs, hs + half):
            pltpu.make_async_copy(
                bufs[s], pep_out.at[pl.ds(row0, GP)], osems[s]).wait()

    def body(gg, carry):
        @pl.when(gg > 0)
        def _drain_a():
            drain_half(0)

        run_half(0, gg * NBUF)

        @pl.when(gg > 0)
        def _drain_b():
            drain_half(half)

        run_half(half, gg * NBUF + half)
        return carry

    lax.fori_loop(0, PEP_ITERS, body, 0)
    drain_half(0)
    drain_half(half)
    mcopy.wait()


GM = 2
MBUF = 8
MHC_ITERS = ROWS_W // (GM * MBUF)


@functools.partial(
    pl.kernel,
    mesh=_mesh,
    out_type=jax.ShapeDtypeStruct((B, MHC_LEN, EMB), jnp.float32),
    scratch_types=[
        pltpu.VMEM((ROWS_W, MHC_LEN), jnp.int32),
        pltpu.VMEM_SHARED((VOCAB, EMB), jnp.float32),
    ]
    + [pltpu.VMEM((GM, MHC_LEN, EMB), jnp.float32) for _ in range(MBUF)]
    + [pltpu.SemaphoreType.DMA for _ in range(2 * MBUF)],
)
def _mhc_lookup(mhc_x2, mhc_tab, mhc_out,
                mhc_idx2_v, mhc_tab_v, *bufs_and_sems):
    bufs = list(bufs_and_sems[:MBUF])
    gsems = list(bufs_and_sems[MBUF:2 * MBUF])
    osems = list(bufs_and_sems[2 * MBUF:3 * MBUF])

    wid = lax.axis_index("s") * NC + lax.axis_index("c")
    row0 = wid * ROWS_W

    pltpu.sync_copy(mhc_x2.at[pl.ds(row0, ROWS_W)], mhc_idx2_v)

    @pl.when(lax.axis_index("s") == 0)
    def _stage_table():
        pltpu.sync_copy(mhc_tab, mhc_tab_v)

    plsc.subcore_barrier()

    half = MBUF // 2

    def run_half(hs, g0):
        for s in range(hs, hs + half):
            b0 = (g0 + s - hs) * GM
            cps = [pltpu.async_copy(
                mhc_tab_v.at[mhc_idx2_v.at[b0 + r]], bufs[s].at[r],
                gsems[s]) for r in range(GM)]
            for cp in cps:
                cp.wait()
            pltpu.async_copy(bufs[s], mhc_out.at[pl.ds(row0 + b0, GM)],
                             osems[s])

    def drain_half(hs):
        for s in range(hs, hs + half):
            pltpu.make_async_copy(
                bufs[s], mhc_out.at[pl.ds(row0, GM)], osems[s]).wait()

    def body(gg, carry):
        @pl.when(gg > 0)
        def _drain_a():
            drain_half(0)

        run_half(0, gg * MBUF)

        @pl.when(gg > 0)
        def _drain_b():
            drain_half(half)

        run_half(half, gg * MBUF + half)
        return carry

    lax.fori_loop(0, MHC_ITERS, body, 0)
    drain_half(0)
    drain_half(half)


def kernel(peptide_x, peptide_esm_x, mhc_x, peptide_emb, mhc_emb):
    del peptide_esm_x
    pep_out, msk = _pep_lookup(peptide_x.astype(jnp.int32), peptide_emb)
    mhc_out = _mhc_lookup(mhc_x.astype(jnp.int32), mhc_emb)
    masks = msk.reshape(B, CORE_LEN).astype(jnp.bool_)
    return (pep_out, masks, mhc_out)

# --- scband reference (transcript-rebuilt; emitter-appended) ---
"""Pipeline reference for scband-network-53137335386179 (READ-ONLY COPY).

The authoritative reference and input builder live on the scoring server;
editing this copy changes nothing except your own understanding.
"""

import jax, jax.numpy as jnp
import numpy as np

PEPTIDE_PAD = 3
PADDING_IDX = 0


def setup_inputs(seed: int = 0) -> dict:
    key = jax.random.key(seed)
    ks = jax.random.split(key, 5)
    B, pep_len, mhc_len = 4096, 21, 34
    vocab, emb, esm_dim = 30, 128, 320
    peptide_x = jax.random.randint(ks[0], (B, pep_len), 0, vocab)
    mhc_x = jax.random.randint(ks[1], (B, mhc_len), 0, vocab)
    peptide_esm_x = jax.random.normal(ks[2], (B, pep_len, esm_dim), dtype=jnp.float32)
    peptide_emb = jax.random.uniform(ks[3], (vocab, emb), minval=-0.1, maxval=0.1, dtype=jnp.float32)
    mhc_emb = jax.random.uniform(ks[4], (vocab, emb), minval=-0.1, maxval=0.1, dtype=jnp.float32)
    return {
        "peptide_x": peptide_x,
        "peptide_esm_x": peptide_esm_x,
        "mhc_x": mhc_x,
        "peptide_emb": peptide_emb,
        "mhc_emb": mhc_emb,
    }


def reference(peptide_x, peptide_esm_x, mhc_x, peptide_emb, mhc_emb):
    # nn.Embedding lookups -> row gathers
    peptide_out = jnp.take(peptide_emb, peptide_x, axis=0)
    mhc_out = jnp.take(mhc_emb, mhc_x, axis=0)
    # strip peptide padding columns and build mask (peptide_esm_x is unused in forward,
    # matching the original torch module)
    core = peptide_x[:, PEPTIDE_PAD:-PEPTIDE_PAD]
    masks = core != PADDING_IDX
    return (peptide_out, masks, mhc_out)

if __name__ == "__main__":
    import jax
    _d = setup_inputs()
    print(jax.jit(kernel)(*tuple(_d.values())))

</pallas_src>

<mosaic_0001>
#map = affine_map<(d0, d1) -> (0, 0)>
#map1 = affine_map<(d0, d1) -> (0, 0, 0)>
module attributes {stable_mosaic.version = 14 : i64} {
  func.func @_mhc_lookup(%arg0: i32, %arg1: i32, %arg2: memref<4096x34xi32, #tpu.memory_space<hbm>>, %arg3: memref<30x128xf32, #tpu.memory_space<hbm>>, %arg4: memref<4096x34x128xf32, #tpu.memory_space<hbm>>, %arg5: memref<128x34xi32, #tpu.memory_space<vmem>>, %arg6: memref<30x128xf32, #tpu.memory_space<vmem_shared>>, %arg7: memref<2x34x128xf32, #tpu.memory_space<vmem>>, %arg8: memref<2x34x128xf32, #tpu.memory_space<vmem>>, %arg9: memref<2x34x128xf32, #tpu.memory_space<vmem>>, %arg10: memref<2x34x128xf32, #tpu.memory_space<vmem>>, %arg11: memref<2x34x128xf32, #tpu.memory_space<vmem>>, %arg12: memref<2x34x128xf32, #tpu.memory_space<vmem>>, %arg13: memref<2x34x128xf32, #tpu.memory_space<vmem>>, %arg14: memref<2x34x128xf32, #tpu.memory_space<vmem>>, %arg15: memref<!tpu.dma_semaphore, #tpu.memory_space<semaphore_mem>>, %arg16: memref<!tpu.dma_semaphore, #tpu.memory_space<semaphore_mem>>, %arg17: memref<!tpu.dma_semaphore, #tpu.memory_space<semaphore_mem>>, %arg18: memref<!tpu.dma_semaphore, #tpu.memory_space<semaphore_mem>>, %arg19: memref<!tpu.dma_semaphore, #tpu.memory_space<semaphore_mem>>, %arg20: memref<!tpu.dma_semaphore, #tpu.memory_space<semaphore_mem>>, %arg21: memref<!tpu.dma_semaphore, #tpu.memory_space<semaphore_mem>>, %arg22: memref<!tpu.dma_semaphore, #tpu.memory_space<semaphore_mem>>, %arg23: memref<!tpu.dma_semaphore, #tpu.memory_space<semaphore_mem>>, %arg24: memref<!tpu.dma_semaphore, #tpu.memory_space<semaphore_mem>>, %arg25: memref<!tpu.dma_semaphore, #tpu.memory_space<semaphore_mem>>, %arg26: memref<!tpu.dma_semaphore, #tpu.memory_space<semaphore_mem>>, %arg27: memref<!tpu.dma_semaphore, #tpu.memory_space<semaphore_mem>>, %arg28: memref<!tpu.dma_semaphore, #tpu.memory_space<semaphore_mem>>, %arg29: memref<!tpu.dma_semaphore, #tpu.memory_space<semaphore_mem>>, %arg30: memref<!tpu.dma_semaphore, #tpu.memory_space<semaphore_mem>>) attributes {dimension_semantics = [#tpu.dimension_semantics<core_parallel>, #tpu.dimension_semantics<subcore_parallel>], iteration_bounds = array<i64: 2, 16>, scalar_prefetch = 0 : i64, scratch_operands = 26 : i64, tpu.core_type = #tpu.core_type<sc_vector_subcore>, window_params = [{transform_indices = #map}, {transform_indices = #map}, {transform_indices = #map1}]} {
    %mul3A = arith.constant 2 : i32
    %mul3A_0 = arith.muli %arg1, %mul3A : i32
    %add3A = arith.addi %mul3A_0, %arg0 : i32
    %mul3A_1 = arith.constant 128 : i32
    %mul3A_2 = arith.muli %add3A, %mul3A_1 : i32
    "tpu.region"() ({
      %run_scoped3A = tpu.sem_alloc : memref<!tpu.dma_semaphore, #tpu.memory_space<semaphore_mem>>
      %dma_start3A = arith.constant 0 : i32
      %dma_start3A_57 = tpu.memref_slice %arg2[%mul3A_2, %dma_start3A] : memref<4096x34xi32, #tpu.memory_space<hbm>> -> memref<128x34xi32, #tpu.memory_space<hbm>>
      %dma_start3A_58 = arith.constant 0 : i32
      %dma_start3A_59 = tpu.memref_slice %arg2[%mul3A_2, %dma_start3A_58] : memref<4096x34xi32, #tpu.memory_space<hbm>> -> memref<128x34xi32, #tpu.memory_space<hbm>>
      tpu.enqueue_dma source(%dma_start3A_59 : memref<128x34xi32, #tpu.memory_space<hbm>>) target(%arg5 : memref<128x34xi32, #tpu.memory_space<vmem>>) target_semaphore(%run_scoped3A : memref<!tpu.dma_semaphore, #tpu.memory_space<semaphore_mem>>)
      %dma_wait3A_60 = arith.constant 0 : i32
      %dma_wait3A_61 = tpu.memref_slice %arg2[%mul3A_2, %dma_wait3A_60] : memref<4096x34xi32, #tpu.memory_space<hbm>> -> memref<128x34xi32, #tpu.memory_space<hbm>>
      %dma_wait3A_62 = arith.constant 0 : i32
      %dma_wait3A_63 = tpu.memref_slice %arg2[%mul3A_2, %dma_wait3A_62] : memref<4096x34xi32, #tpu.memory_space<hbm>> -> memref<128x34xi32, #tpu.memory_space<hbm>>
      tpu.wait_dma2 semaphore(%run_scoped3A : memref<!tpu.dma_semaphore, #tpu.memory_space<semaphore_mem>>) src(%dma_wait3A_63 : memref<128x34xi32, #tpu.memory_space<hbm>>) dst(%arg5 : memref<128x34xi32, #tpu.memory_space<vmem>>)
      tpu.yield
    }) : () -> ()
    %eq3A = arith.constant 0 : i32
    %eq3A_3 = arith.cmpi eq, %arg1, %eq3A : i32
    %convert_element_type3A = arith.extui %eq3A_3 : i1 to i32
    %cond3A = arith.constant 0 : i32
    %cond3A_4 = arith.cmpi ne, %convert_element_type3A, %cond3A : i32
    scf.if %cond3A_4 {
      "tpu.region"() ({
        %run_scoped3A = tpu.sem_alloc : memref<!tpu.dma_semaphore, #tpu.memory_space<semaphore_mem>>
        tpu.enqueue_dma source(%arg3 : memref<30x128xf32, #tpu.memory_space<hbm>>) target(%arg6 : memref<30x128xf32, #tpu.memory_space<vmem_shared>>) target_semaphore(%run_scoped3A : memref<!tpu.dma_semaphore, #tpu.memory_space<semaphore_mem>>)
        tpu.wait_dma2 semaphore(%run_scoped3A : memref<!tpu.dma_semaphore, #tpu.memory_space<semaphore_mem>>) src(%arg3 : memref<30x128xf32, #tpu.memory_space<hbm>>) dst(%arg6 : memref<30x128xf32, #tpu.memory_space<vmem_shared>>)
        tpu.yield
      }) : () -> ()
    } else {
    }
    %barrier3A = arith.constant 0 : index
    tpu.barrier barrier_id(%barrier3A)
    %scan3A = arith.constant 0 : i32
    %scan3A_5 = arith.constant 0 : i32
    %scan3A_6 = arith.constant 8 : i32
    %scan3A_7 = arith.addi %scan3A_5, %scan3A_6 : i32
    %scan3A_8 = arith.constant 1 : i32
    scf.for %scan3A_57 = %scan3A_5 to %scan3A_7 step %scan3A_8  : i32 {
      %gt3A = arith.constant 0 : i32
      %gt3A_58 = arith.cmpi sgt, %scan3A_57, %gt3A : i32
      %convert_element_type3A_59 = arith.extui %gt3A_58 : i1 to i32
      %cond3A_60 = arith.constant 0 : i32
      %cond3A_61 = arith.cmpi ne, %convert_element_type3A_59, %cond3A_60 : i32
      scf.if %cond3A_61 {
        %dma_wait3A_559 = arith.constant 0 : i32
        %dma_wait3A_560 = arith.constant 0 : i32
        %dma_wait3A_561 = tpu.memref_slice %arg4[%mul3A_2, %dma_wait3A_559, %dma_wait3A_560] : memref<4096x34x128xf32, #tpu.memory_space<hbm>> -> memref<2x34x128xf32, #tpu.memory_space<hbm>>
        %dma_wait3A_562 = arith.constant 0 : i32
        %dma_wait3A_563 = arith.constant 0 : i32
        %dma_wait3A_564 = tpu.memref_slice %arg4[%mul3A_2, %dma_wait3A_562, %dma_wait3A_563] : memref<4096x34x128xf32, #tpu.memory_space<hbm>> -> memref<2x34x128xf32, #tpu.memory_space<hbm>>
        tpu.wait_dma2 semaphore(%arg23 : memref<!tpu.dma_semaphore, #tpu.memory_space<semaphore_mem>>) src(%arg7 : memref<2x34x128xf32, #tpu.memory_space<vmem>>) dst(%dma_wait3A_564 : memref<2x34x128xf32, #tpu.memory_space<hbm>>)
        %dma_wait3A_565 = arith.constant 0 : i32
        %dma_wait3A_566 = arith.constant 0 : i32
        %dma_wait3A_567 = tpu.memref_slice %arg4[%mul3A_2, %dma_wait3A_565, %dma_wait3A_566] : memref<4096x34x128xf32, #tpu.memory_space<hbm>> -> memref<2x34x128xf32, #tpu.memory_space<hbm>>
        %dma_wait3A_568 = arith.constant 0 : i32
        %dma_wait3A_569 = arith.constant 0 : i32
        %dma_wait3A_570 = tpu.memref_slice %arg4[%mul3A_2, %dma_wait3A_568, %dma_wait3A_569] : memref<4096x34x128xf32, #tpu.memory_space<hbm>> -> memref<2x34x128xf32, #tpu.memory_space<hbm>>
        tpu.wait_dma2 semaphore(%arg24 : memref<!tpu.dma_semaphore, #tpu.memory_space<semaphore_mem>>) src(%arg8 : memref<2x34x128xf32, #tpu.memory_space<vmem>>) dst(%dma_wait3A_570 : memref<2x34x128xf32, #tpu.memory_space<hbm>>)
        %dma_wait3A_571 = arith.constant 0 : i32
        %dma_wait3A_572 = arith.constant 0 : i32
        %dma_wait3A_573 = tpu.memref_slice %arg4[%mul3A_2, %dma_wait3A_571, %dma_wait3A_572] : memref<4096x34x128xf32, #tpu.memory_space<hbm>> -> memref<2x34x128xf32, #tpu.memory_space<hbm>>
        %dma_wait3A_574 = arith.constant 0 : i32
        %dma_wait3A_575 = arith.constant 0 : i32
        %dma_wait3A_576 = tpu.memref_slice %arg4[%mul3A_2, %dma_wait3A_574, %dma_wait3A_575] : memref<4096x34x128xf32, #tpu.memory_space<hbm>> -> memref<2x34x128xf32, #tpu.memory_space<hbm>>
        tpu.wait_dma2 semaphore(%arg25 : memref<!tpu.dma_semaphore, #tpu.memory_space<semaphore_mem>>) src(%arg9 : memref<2x34x128xf32, #tpu.memory_space<vmem>>) dst(%dma_wait3A_576 : memref<2x34x128xf32, #tpu.memory_space<hbm>>)
        %dma_wait3A_577 = arith.constant 0 : i32
        %dma_wait3A_578 = arith.constant 0 : i32
        %dma_wait3A_579 = tpu.memref_slice %arg4[%mul3A_2, %dma_wait3A_577, %dma_wait3A_578] : memref<4096x34x128xf32, #tpu.memory_space<hbm>> -> memref<2x34x128xf32, #tpu.memory_space<hbm>>
        %dma_wait3A_580 = arith.constant 0 : i32
        %dma_wait3A_581 = arith.constant 0 : i32
        %dma_wait3A_582 = tpu.memref_slice %arg4[%mul3A_2, %dma_wait3A_580, %dma_wait3A_581] : memref<4096x34x128xf32, #tpu.memory_space<hbm>> -> memref<2x34x128xf32, #tpu.memory_space<hbm>>
        tpu.wait_dma2 semaphore(%arg26 : memref<!tpu.dma_semaphore, #tpu.memory_space<semaphore_mem>>) src(%arg10 : memref<2x34x128xf32, #tpu.memory_space<vmem>>) dst(%dma_wait3A_582 : memref<2x34x128xf32, #tpu.memory_space<hbm>>)
      } else {
      }
      %mul3A_62 = arith.constant 8 : i32
      %mul3A_63 = arith.muli %scan3A_57, %mul3A_62 : i32
      %add3A_64 = arith.constant 0 : i32
      %add3A_65 = arith.addi %mul3A_63, %add3A_64 : i32
      %sub3A = arith.constant 0 : i32
      %sub3A_66 = arith.subi %add3A_65, %sub3A : i32
      %mul3A_67 = arith.constant 2 : i32
      %mul3A_68 = arith.muli %sub3A_66, %mul3A_67 : i32
      %add3A_69 = arith.constant 0 : i32
      %add3A_70 = arith.addi %mul3A_68, %add3A_69 : i32
      %dma_start3A = arith.constant 0 : i32
      %dma_start3A_71 = arith.constant 0 : i32
      %dma_start3A_72 = arith.constant 0 : i32
      %dma_start3A_73 = tpu.memref_slice %arg7[%dma_start3A, %dma_start3A_71, %dma_start3A_72] : memref<2x34x128xf32, #tpu.memory_space<vmem>> -> memref<1x34x128xf32, #tpu.memory_space<vmem>>
      %dma_start3A_74 = tpu.memref_squeeze %dma_start3A_73 : memref<1x34x128xf32, #tpu.memory_space<vmem>> -> memref<34x128xf32, #tpu.memory_space<vmem>>
      %dma_start3A_75 = arith.constant 0 : i32
      %dma_start3A_76 = tpu.memref_slice %arg5[%add3A_70, %dma_start3A_75] : memref<128x34xi32, #tpu.memory_space<vmem>> -> memref<1x34xi32, #tpu.memory_space<vmem>>
      %dma_start3A_77 = tpu.memref_squeeze %dma_start3A_76 : memref<1x34xi32, #tpu.memory_space<vmem>> -> memref<34xi32, #tpu.memory_space<vmem>>
      %dma_start3A_78 = arith.constant 0 : i32
      %dma_start3A_79 = arith.constant 0 : i32
      %dma_start3A_80 = tpu.memref_slice %arg6[%dma_start3A_78, %dma_start3A_79] : memref<30x128xf32, #tpu.memory_space<vmem_shared>> -> memref<30x128xf32, #tpu.memory_space<vmem_shared>>
      tpu.enqueue_indirect_dma source(%dma_start3A_80 : memref<30x128xf32, #tpu.memory_space<vmem_shared>>) target(%dma_start3A_74 : memref<34x128xf32, #tpu.memory_space<vmem>>) offsets(%dma_start3A_77 : memref<34xi32, #tpu.memory_space<vmem>>) semaphore(%arg15 : memref<!tpu.dma_semaphore, #tpu.memory_space<semaphore_mem>>)
      %add3A_81 = arith.constant 1 : i32
      %add3A_82 = arith.addi %mul3A_68, %add3A_81 : i32
      %dma_start3A_83 = arith.constant 1 : i32
      %dma_start3A_84 = arith.constant 0 : i32
      %dma_start3A_85 = arith.constant 0 : i32
      %dma_start3A_86 = tpu.memref_slice %arg7[%dma_start3A_83, %dma_start3A_84, %dma_start3A_85] : memref<2x34x128xf32, #tpu.memory_space<vmem>> -> memref<1x34x128xf32, #tpu.memory_space<vmem>>
      %dma_start3A_87 = tpu.memref_squeeze %dma_start3A_86 : memref<1x34x128xf32, #tpu.memory_space<vmem>> -> memref<34x128xf32, #tpu.memory_space<vmem>>
      %dma_start3A_88 = arith.constant 0 : i32
      %dma_start3A_89 = tpu.memref_slice %arg5[%add3A_82, %dma_start3A_88] : memref<128x34xi32, #tpu.memory_space<vmem>> -> memref<1x34xi32, #tpu.memory_space<vmem>>
      %dma_start3A_90 = tpu.memref_squeeze %dma_start3A_89 : memref<1x34xi32, #tpu.memory_space<vmem>> -> memref<34xi32, #tpu.memory_space<vmem>>
      %dma_start3A_91 = arith.constant 0 : i32
      %dma_start3A_92 = arith.constant 0 : i32
      %dma_start3A_93 = tpu.memref_slice %arg6[%dma_start3A_91, %dma_start3A_92] : memref<30x128xf32, #tpu.memory_space<vmem_shared>> -> memref<30x128xf32, #tpu.memory_space<vmem_shared>>
      tpu.enqueue_indirect_dma source(%dma_start3A_93 : memref<30x128xf32, #tpu.memory_space<vmem_shared>>) target(%dma_start3A_87 : memref<34x128xf32, #tpu.memory_space<vmem>>) offsets(%dma_start3A_90 : memref<34xi32, #tpu.memory_space<vmem>>) semaphore(%arg15 : memref<!tpu.dma_semaphore, #tpu.memory_space<semaphore_mem>>)
      %dma_wait3A_94 = arith.constant 0 : i32
      %dma_wait3A_95 = arith.constant 0 : i32
      %dma_wait3A_96 = arith.constant 0 : i32
      %dma_wait3A_97 = tpu.memref_slice %arg7[%dma_wait3A_94, %dma_wait3A_95, %dma_wait3A_96] : memref<2x34x128xf32, #tpu.memory_space<vmem>> -> memref<1x34x128xf32, #tpu.memory_space<vmem>>
      %dma_wait3A_98 = tpu.memref_squeeze %dma_wait3A_97 : memref<1x34x128xf32, #tpu.memory_space<vmem>> -> memref<34x128xf32, #tpu.memory_space<vmem>>
      %dma_wait3A_99 = arith.constant 0 : i32
      %dma_wait3A_100 = tpu.memref_slice %arg5[%add3A_70, %dma_wait3A_99] : memref<128x34xi32, #tpu.memory_space<vmem>> -> memref<1x34xi32, #tpu.memory_space<vmem>>
      %dma_wait3A_101 = tpu.memref_squeeze %dma_wait3A_100 : memref<1x34xi32, #tpu.memory_space<vmem>> -> memref<34xi32, #tpu.memory_space<vmem>>
      %dma_wait3A_102 = arith.constant 0 : i32
      %dma_wait3A_103 = arith.constant 0 : i32
      %dma_wait3A_104 = tpu.memref_slice %arg6[%dma_wait3A_102, %dma_wait3A_103] : memref<30x128xf32, #tpu.memory_space<vmem_shared>> -> memref<30x128xf32, #tpu.memory_space<vmem_shared>>
      tpu.wait_indirect_dma semaphore(%arg15 : memref<!tpu.dma_semaphore, #tpu.memory_space<semaphore_mem>>) src(%dma_wait3A_104 : memref<30x128xf32, #tpu.memory_space<vmem_shared>>) dst(%dma_wait3A_98 : memref<34x128xf32, #tpu.memory_space<vmem>>)
      %dma_wait3A_105 = arith.constant 1 : i32
      %dma_wait3A_106 = arith.constant 0 : i32
      %dma_wait3A_107 = arith.constant 0 : i32
      %dma_wait3A_108 = tpu.memref_slice %arg7[%dma_wait3A_105, %dma_wait3A_106, %dma_wait3A_107] : memref<2x34x128xf32, #tpu.memory_space<vmem>> -> memref<1x34x128xf32, #tpu.memory_space<vmem>>
      %dma_wait3A_109 = tpu.memref_squeeze %dma_wait3A_108 : memref<1x34x128xf32, #tpu.memory_space<vmem>> -> memref<34x128xf32, #tpu.memory_space<vmem>>
      %dma_wait3A_110 = arith.constant 0 : i32
      %dma_wait3A_111 = tpu.memref_slice %arg5[%add3A_82, %dma_wait3A_110] : memref<128x34xi32, #tpu.memory_space<vmem>> -> memref<1x34xi32, #tpu.memory_space<vmem>>
      %dma_wait3A_112 = tpu.memref_squeeze %dma_wait3A_111 : memref<1x34xi32, #tpu.memory_space<vmem>> -> memref<34xi32, #tpu.memory_space<vmem>>
      %dma_wait3A_113 = arith.constant 0 : i32
      %dma_wait3A_114 = arith.constant 0 : i32
      %dma_wait3A_115 = tpu.memref_slice %arg6[%dma_wait3A_113, %dma_wait3A_114] : memref<30x128xf32, #tpu.memory_space<vmem_shared>> -> memref<30x128xf32, #tpu.memory_space<vmem_shared>>
      tpu.wait_indirect_dma semaphore(%arg15 : memref<!tpu.dma_semaphore, #tpu.memory_space<semaphore_mem>>) src(%dma_wait3A_115 : memref<30x128xf32, #tpu.memory_space<vmem_shared>>) dst(%dma_wait3A_109 : memref<34x128xf32, #tpu.memory_space<vmem>>)
      %add3A_116 = arith.addi %mul3A_2, %mul3A_68 : i32
      %dma_start3A_117 = arith.constant 0 : i32
      %dma_start3A_118 = arith.constant 0 : i32
      %dma_start3A_119 = tpu.memref_slice %arg4[%add3A_116, %dma_start3A_117, %dma_start3A_118] : memref<4096x34x128xf32, #tpu.memory_space<hbm>> -> memref<2x34x128xf32, #tpu.memory_space<hbm>>
      %dma_start3A_120 = arith.constant 0 : i32
      %dma_start3A_121 = arith.constant 0 : i32
      %dma_start3A_122 = tpu.memref_slice %arg4[%add3A_116, %dma_start3A_120, %dma_start3A_121] : memref<4096x34x128xf32, #tpu.memory_space<hbm>> -> memref<2x34x128xf32, #tpu.memory_space<hbm>>
      tpu.enqueue_dma source(%arg7 : memref<2x34x128xf32, #tpu.memory_space<vmem>>) target(%dma_start3A_122 : memref<2x34x128xf32, #tpu.memory_space<hbm>>) target_semaphore(%arg23 : memref<!tpu.dma_semaphore, #tpu.memory_space<semaphore_mem>>)
      %add3A_123 = arith.constant 1 : i32
      %add3A_124 = arith.addi %mul3A_63, %add3A_123 : i32
      %sub3A_125 = arith.constant 0 : i32
      %sub3A_126 = arith.subi %add3A_124, %sub3A_125 : i32
      %mul3A_127 = arith.constant 2 : i32
      %mul3A_128 = arith.muli %sub3A_126, %mul3A_127 : i32
      %add3A_129 = arith.constant 0 : i32
      %add3A_130 = arith.addi %mul3A_128, %add3A_129 : i32
      %dma_start3A_131 = arith.constant 0 : i32
      %dma_start3A_132 = arith.constant 0 : i32
      %dma_start3A_133 = arith.constant 0 : i32
      %dma_start3A_134 = tpu.memref_slice %arg8[%dma_start3A_131, %dma_start3A_132, %dma_start3A_133] : memref<2x34x128xf32, #tpu.memory_space<vmem>> -> memref<1x34x128xf32, #tpu.memory_space<vmem>>
      %dma_start3A_135 = tpu.memref_squeeze %dma_start3A_134 : memref<1x34x128xf32, #tpu.memory_space<vmem>> -> memref<34x128xf32, #tpu.memory_space<vmem>>
      %dma_start3A_136 = arith.constant 0 : i32
      %dma_start3A_137 = tpu.memref_slice %arg5[%add3A_130, %dma_start3A_136] : memref<128x34xi32, #tpu.memory_space<vmem>> -> memref<1x34xi32, #tpu.memory_space<vmem>>
      %dma_start3A_138 = tpu.memref_squeeze %dma_start3A_137 : memref<1x34xi32, #tpu.memory_space<vmem>> -> memref<34xi32, #tpu.memory_space<vmem>>
      %dma_start3A_139 = arith.constant 0 : i32
      %dma_start3A_140 = arith.constant 0 : i32
      %dma_start3A_141 = tpu.memref_slice %arg6[%dma_start3A_139, %dma_start3A_140] : memref<30x128xf32, #tpu.memory_space<vmem_shared>> -> memref<30x128xf32, #tpu.memory_space<vmem_shared>>
      tpu.enqueue_indirect_dma source(%dma_start3A_141 : memref<30x128xf32, #tpu.memory_space<vmem_shared>>) target(%dma_start3A_135 : memref<34x128xf32, #tpu.memory_space<vmem>>) offsets(%dma_start3A_138 : memref<34xi32, #tpu.memory_space<vmem>>) semaphore(%arg16 : memref<!tpu.dma_semaphore, #tpu.memory_space<semaphore_mem>>)
      %add3A_142 = arith.constant 1 : i32
      %add3A_143 = arith.addi %mul3A_128, %add3A_142 : i32
      %dma_start3A_144 = arith.constant 1 : i32
      %dma_start3A_145 = arith.constant 0 : i32
      %dma_start3A_146 = arith.constant 0 : i32
      %dma_start3A_147 = tpu.memref_slice %arg8[%dma_start3A_144, %dma_start3A_145, %dma_start3A_146] : memref<2x34x128xf32, #tpu.memory_space<vmem>> -> memref<1x34x128xf32, #tpu.memory_space<vmem>>
      %dma_start3A_148 = tpu.memref_squeeze %dma_start3A_147 : memref<1x34x128xf32, #tpu.memory_space<vmem>> -> memref<34x128xf32, #tpu.memory_space<vmem>>
      %dma_start3A_149 = arith.constant 0 : i32
      %dma_start3A_150 = tpu.memref_slice %arg5[%add3A_143, %dma_start3A_149] : memref<128x34xi32, #tpu.memory_space<vmem>> -> memref<1x34xi32, #tpu.memory_space<vmem>>
      %dma_start3A_151 = tpu.memref_squeeze %dma_start3A_150 : memref<1x34xi32, #tpu.memory_space<vmem>> -> memref<34xi32, #tpu.memory_space<vmem>>
      %dma_start3A_152 = arith.constant 0 : i32
      %dma_start3A_153 = arith.constant 0 : i32
      %dma_start3A_154 = tpu.memref_slice %arg6[%dma_start3A_152, %dma_start3A_153] : memref<30x128xf32, #tpu.memory_space<vmem_shared>> -> memref<30x128xf32, #tpu.memory_space<vmem_shared>>
      tpu.enqueue_indirect_dma source(%dma_start3A_154 : memref<30x128xf32, #tpu.memory_space<vmem_shared>>) target(%dma_start3A_148 : memref<34x128xf32, #tpu.memory_space<vmem>>) offsets(%dma_start3A_151 : memref<34xi32, #tpu.memory_space<vmem>>) semaphore(%arg16 : memref<!tpu.dma_semaphore, #tpu.memory_space<semaphore_mem>>)
      %dma_wait3A_155 = arith.constant 0 : i32
      %dma_wait3A_156 = arith.constant 0 : i32
      %dma_wait3A_157 = arith.constant 0 : i32
      %dma_wait3A_158 = tpu.memref_slice %arg8[%dma_wait3A_155, %dma_wait3A_156, %dma_wait3A_157] : memref<2x34x128xf32, #tpu.memory_space<vmem>> -> memref<1x34x128xf32, #tpu.memory_space<vmem>>
      %dma_wait3A_159 = tpu.memref_squeeze %dma_wait3A_158 : memref<1x34x128xf32, #tpu.memory_space<vmem>> -> memref<34x128xf32, #tpu.memory_space<vmem>>
      %dma_wait3A_160 = arith.constant 0 : i32
      %dma_wait3A_161 = tpu.memref_slice %arg5[%add3A_130, %dma_wait3A_160] : memref<128x34xi32, #tpu.memory_space<vmem>> -> memref<1x34xi32, #tpu.memory_space<vmem>>
      %dma_wait3A_162 = tpu.memref_squeeze %dma_wait3A_161 : memref<1x34xi32, #tpu.memory_space<vmem>> -> memref<34xi32, #tpu.memory_space<vmem>>
      %dma_wait3A_163 = arith.constant 0 : i32
      %dma_wait3A_164 = arith.constant 0 : i32
      %dma_wait3A_165 = tpu.memref_slice %arg6[%dma_wait3A_163, %dma_wait3A_164] : memref<30x128xf32, #tpu.memory_space<vmem_shared>> -> memref<30x128xf32, #tpu.memory_space<vmem_shared>>
      tpu.wait_indirect_dma semaphore(%arg16 : memref<!tpu.dma_semaphore, #tpu.memory_space<semaphore_mem>>) src(%dma_wait3A_165 : memref<30x128xf32, #tpu.memory_space<vmem_shared>>) dst(%dma_wait3A_159 : memref<34x128xf32, #tpu.memory_space<vmem>>)
      %dma_wait3A_166 = arith.constant 1 : i32
      %dma_wait3A_167 = arith.constant 0 : i32
      %dma_wait3A_168 = arith.constant 0 : i32
      %dma_wait3A_169 = tpu.memref_slice %arg8[%dma_wait3A_166, %dma_wait3A_167, %dma_wait3A_168] : memref<2x34x128xf32, #tpu.memory_space<vmem>> -> memref<1x34x128xf32, #tpu.memory_space<vmem>>
      %dma_wait3A_170 = tpu.memref_squeeze %dma_wait3A_169 : memref<1x34x128xf32, #tpu.memory_space<vmem>> -> memref<34x128xf32, #tpu.memory_space<vmem>>
      %dma_wait3A_171 = arith.constant 0 : i32
      %dma_wait3A_172 = tpu.memref_slice %arg5[%add3A_143, %dma_wait3A_171] : memref<128x34xi32, #tpu.memory_space<vmem>> -> memref<1x34xi32, #tpu.memory_space<vmem>>
      %dma_wait3A_173 = tpu.memref_squeeze %dma_wait3A_172 : memref<1x34xi32, #tpu.memory_space<vmem>> -> memref<34xi32, #tpu.memory_space<vmem>>
      %dma_wait3A_174 = arith.constant 0 : i32
      %dma_wait3A_175 = arith.constant 0 : i32
      %dma_wait3A_176 = tpu.memref_slice %arg6[%dma_wait3A_174, %dma_wait3A_175] : memref<30x128xf32, #tpu.memory_space<vmem_shared>> -> memref<30x128xf32, #tpu.memory_space<vmem_shared>>
      tpu.wait_indirect_dma semaphore(%arg16 : memref<!tpu.dma_semaphore, #tpu.memory_space<semaphore_mem>>) src(%dma_wait3A_176 : memref<30x128xf32, #tpu.memory_space<vmem_shared>>) dst(%dma_wait3A_170 : memref<34x128xf32, #tpu.memory_space<vmem>>)
      %add3A_177 = arith.addi %mul3A_2, %mul3A_128 : i32
      %dma_start3A_178 = arith.constant 0 : i32
      %dma_start3A_179 = arith.constant 0 : i32
      %dma_start3A_180 = tpu.memref_slice %arg4[%add3A_177, %dma_start3A_178, %dma_start3A_179] : memref<4096x34x128xf32, #tpu.memory_space<hbm>> -> memref<2x34x128xf32, #tpu.memory_space<hbm>>
      %dma_start3A_181 = arith.constant 0 : i32
      %dma_start3A_182 = arith.constant 0 : i32
      %dma_start3A_183 = tpu.memref_slice %arg4[%add3A_177, %dma_start3A_181, %dma_start3A_182] : memref<4096x34x128xf32, #tpu.memory_space<hbm>> -> memref<2x34x128xf32, #tpu.memory_space<hbm>>
      tpu.enqueue_dma source(%arg8 : memref<2x34x128xf32, #tpu.memory_space<vmem>>) target(%dma_start3A_183 : memref<2x34x128xf32, #tpu.memory_space<hbm>>) target_semaphore(%arg24 : memref<!tpu.dma_semaphore, #tpu.memory_space<semaphore_mem>>)
      %add3A_184 = arith.constant 2 : i32
      %add3A_185 = arith.addi %mul3A_63, %add3A_184 : i32
      %sub3A_186 = arith.constant 0 : i32
      %sub3A_187 = arith.subi %add3A_185, %sub3A_186 : i32
      %mul3A_188 = arith.constant 2 : i32
      %mul3A_189 = arith.muli %sub3A_187, %mul3A_188 : i32
      %add3A_190 = arith.constant 0 : i32
      %add3A_191 = arith.addi %mul3A_189, %add3A_190 : i32
      %dma_start3A_192 = arith.constant 0 : i32
      %dma_start3A_193 = arith.constant 0 : i32
      %dma_start3A_194 = arith.constant 0 : i32
      %dma_start3A_195 = tpu.memref_slice %arg9[%dma_start3A_192, %dma_start3A_193, %dma_start3A_194] : memref<2x34x128xf32, #tpu.memory_space<vmem>> -> memref<1x34x128xf32, #tpu.memory_space<vmem>>
      %dma_start3A_196 = tpu.memref_squeeze %dma_start3A_195 : memref<1x34x128xf32, #tpu.memory_space<vmem>> -> memref<34x128xf32, #tpu.memory_space<vmem>>
      %dma_start3A_197 = arith.constant 0 : i32
      %dma_start3A_198 = tpu.memref_slice %arg5[%add3A_191, %dma_start3A_197] : memref<128x34xi32, #tpu.memory_space<vmem>> -> memref<1x34xi32, #tpu.memory_space<vmem>>
      %dma_start3A_199 = tpu.memref_squeeze %dma_start3A_198 : memref<1x34xi32, #tpu.memory_space<vmem>> -> memref<34xi32, #tpu.memory_space<vmem>>
      %dma_start3A_200 = arith.constant 0 : i32
      %dma_start3A_201 = arith.constant 0 : i32
      %dma_start3A_202 = tpu.memref_slice %arg6[%dma_start3A_200, %dma_start3A_201] : memref<30x128xf32, #tpu.memory_space<vmem_shared>> -> memref<30x128xf32, #tpu.memory_space<vmem_shared>>
      tpu.enqueue_indirect_dma source(%dma_start3A_202 : memref<30x128xf32, #tpu.memory_space<vmem_shared>>) target(%dma_start3A_196 : memref<34x128xf32, #tpu.memory_space<vmem>>) offsets(%dma_start3A_199 : memref<34xi32, #tpu.memory_space<vmem>>) semaphore(%arg17 : memref<!tpu.dma_semaphore, #tpu.memory_space<semaphore_mem>>)
      %add3A_203 = arith.constant 1 : i32
      %add3A_204 = arith.addi %mul3A_189, %add3A_203 : i32
      %dma_start3A_205 = arith.constant 1 : i32
      %dma_start3A_206 = arith.constant 0 : i32
      %dma_start3A_207 = arith.constant 0 : i32
      %dma_start3A_208 = tpu.memref_slice %arg9[%dma_start3A_205, %dma_start3A_206, %dma_start3A_207] : memref<2x34x128xf32, #tpu.memory_space<vmem>> -> memref<1x34x128xf32, #tpu.memory_space<vmem>>
      %dma_start3A_209 = tpu.memref_squeeze %dma_start3A_208 : memref<1x34x128xf32, #tpu.memory_space<vmem>> -> memref<34x128xf32, #tpu.memory_space<vmem>>
      %dma_start3A_210 = arith.constant 0 : i32
      %dma_start3A_211 = tpu.memref_slice %arg5[%add3A_204, %dma_start3A_210] : memref<128x34xi32, #tpu.memory_space<vmem>> -> memref<1x34xi32, #tpu.memory_space<vmem>>
      %dma_start3A_212 = tpu.memref_squeeze %dma_start3A_211 : memref<1x34xi32, #tpu.memory_space<vmem>> -> memref<34xi32, #tpu.memory_space<vmem>>
      %dma_start3A_213 = arith.constant 0 : i32
      %dma_start3A_214 = arith.constant 0 : i32
      %dma_start3A_215 = tpu.memref_slice %arg6[%dma_start3A_213, %dma_start3A_214] : memref<30x128xf32, #tpu.memory_space<vmem_shared>> -> memref<30x128xf32, #tpu.memory_space<vmem_shared>>
      tpu.enqueue_indirect_dma source(%dma_start3A_215 : memref<30x128xf32, #tpu.memory_space<vmem_shared>>) target(%dma_start3A_209 : memref<34x128xf32, #tpu.memory_space<vmem>>) offsets(%dma_start3A_212 : memref<34xi32, #tpu.memory_space<vmem>>) semaphore(%arg17 : memref<!tpu.dma_semaphore, #tpu.memory_space<semaphore_mem>>)
      %dma_wait3A_216 = arith.constant 0 : i32
      %dma_wait3A_217 = arith.constant 0 : i32
      %dma_wait3A_218 = arith.constant 0 : i32
      %dma_wait3A_219 = tpu.memref_slice %arg9[%dma_wait3A_216, %dma_wait3A_217, %dma_wait3A_218] : memref<2x34x128xf32, #tpu.memory_space<vmem>> -> memref<1x34x128xf32, #tpu.memory_space<vmem>>
      %dma_wait3A_220 = tpu.memref_squeeze %dma_wait3A_219 : memref<1x34x128xf32, #tpu.memory_space<vmem>> -> memref<34x128xf32, #tpu.memory_space<vmem>>
      %dma_wait3A_221 = arith.constant 0 : i32
      %dma_wait3A_222 = tpu.memref_slice %arg5[%add3A_191, %dma_wait3A_221] : memref<128x34xi32, #tpu.memory_space<vmem>> -> memref<1x34xi32, #tpu.memory_space<vmem>>
      %dma_wait3A_223 = tpu.memref_squeeze %dma_wait3A_222 : memref<1x34xi32, #tpu.memory_space<vmem>> -> memref<34xi32, #tpu.memory_space<vmem>>
      %dma_wait3A_224 = arith.constant 0 : i32
      %dma_wait3A_225 = arith.constant 0 : i32
      %dma_wait3A_226 = tpu.memref_slice %arg6[%dma_wait3A_224, %dma_wait3A_225] : memref<30x128xf32, #tpu.memory_space<vmem_shared>> -> memref<30x128xf32, #tpu.memory_space<vmem_shared>>
      tpu.wait_indirect_dma semaphore(%arg17 : memref<!tpu.dma_semaphore, #tpu.memory_space<semaphore_mem>>) src(%dma_wait3A_226 : memref<30x128xf32, #tpu.memory_space<vmem_shared>>) dst(%dma_wait3A_220 : memref<34x128xf32, #tpu.memory_space<vmem>>)
      %dma_wait3A_227 = arith.constant 1 : i32
      %dma_wait3A_228 = arith.constant 0 : i32
      %dma_wait3A_229 = arith.constant 0 : i32
      %dma_wait3A_230 = tpu.memref_slice %arg9[%dma_wait3A_227, %dma_wait3A_228, %dma_wait3A_229] : memref<2x34x128xf32, #tpu.memory_space<vmem>> -> memref<1x34x128xf32, #tpu.memory_space<vmem>>
      %dma_wait3A_231 = tpu.memref_squeeze %dma_wait3A_230 : memref<1x34x128xf32, #tpu.memory_space<vmem>> -> memref<34x128xf32, #tpu.memory_space<vmem>>
      %dma_wait3A_232 = arith.constant 0 : i32
      %dma_wait3A_233 = tpu.memref_slice %arg5[%add3A_204, %dma_wait3A_232] : memref<128x34xi32, #tpu.memory_space<vmem>> -> memref<1x34xi32, #tpu.memory_space<vmem>>
      %dma_wait3A_234 = tpu.memref_squeeze %dma_wait3A_233 : memref<1x34xi32, #tpu.memory_space<vmem>> -> memref<34xi32, #tpu.memory_space<vmem>>
      %dma_wait3A_235 = arith.constant 0 : i32
      %dma_wait3A_236 = arith.constant 0 : i32
      %dma_wait3A_237 = tpu.memref_slice %arg6[%dma_wait3A_235, %dma_wait3A_236] : memref<30x128xf32, #tpu.memory_space<vmem_shared>> -> memref<30x128xf32, #tpu.memory_space<vmem_shared>>
      tpu.wait_indirect_dma semaphore(%arg17 : memref<!tpu.dma_semaphore, #tpu.memory_space<semaphore_mem>>) src(%dma_wait3A_237 : memref<30x128xf32, #tpu.memory_space<vmem_shared>>) dst(%dma_wait3A_231 : memref<34x128xf32, #tpu.memory_space<vmem>>)
      %add3A_238 = arith.addi %mul3A_2, %mul3A_189 : i32
      %dma_start3A_239 = arith.constant 0 : i32
      %dma_start3A_240 = arith.constant 0 : i32
      %dma_start3A_241 = tpu.memref_slice %arg4[%add3A_238, %dma_start3A_239, %dma_start3A_240] : memref<4096x34x128xf32, #tpu.memory_space<hbm>> -> memref<2x34x128xf32, #tpu.memory_space<hbm>>
      %dma_start3A_242 = arith.constant 0 : i32
      %dma_start3A_243 = arith.constant 0 : i32
      %dma_start3A_244 = tpu.memref_slice %arg4[%add3A_238, %dma_start3A_242, %dma_start3A_243] : memref<4096x34x128xf32, #tpu.memory_space<hbm>> -> memref<2x34x128xf32, #tpu.memory_space<hbm>>
      tpu.enqueue_dma source(%arg9 : memref<2x34x128xf32, #tpu.memory_space<vmem>>) target(%dma_start3A_244 : memref<2x34x128xf32, #tpu.memory_space<hbm>>) target_semaphore(%arg25 : memref<!tpu.dma_semaphore, #tpu.memory_space<semaphore_mem>>)
      %add3A_245 = arith.constant 3 : i32
      %add3A_246 = arith.addi %mul3A_63, %add3A_245 : i32
      %sub3A_247 = arith.constant 0 : i32
      %sub3A_248 = arith.subi %add3A_246, %sub3A_247 : i32
      %mul3A_249 = arith.constant 2 : i32
      %mul3A_250 = arith.muli %sub3A_248, %mul3A_249 : i32
      %add3A_251 = arith.constant 0 : i32
      %add3A_252 = arith.addi %mul3A_250, %add3A_251 : i32
      %dma_start3A_253 = arith.constant 0 : i32
      %dma_start3A_254 = arith.constant 0 : i32
      %dma_start3A_255 = arith.constant 0 : i32
      %dma_start3A_256 = tpu.memref_slice %arg10[%dma_start3A_253, %dma_start3A_254, %dma_start3A_255] : memref<2x34x128xf32, #tpu.memory_space<vmem>> -> memref<1x34x128xf32, #tpu.memory_space<vmem>>
      %dma_start3A_257 = tpu.memref_squeeze %dma_start3A_256 : memref<1x34x128xf32, #tpu.memory_space<vmem>> -> memref<34x128xf32, #tpu.memory_space<vmem>>
      %dma_start3A_258 = arith.constant 0 : i32
      %dma_start3A_259 = tpu.memref_slice %arg5[%add3A_252, %dma_start3A_258] : memref<128x34xi32, #tpu.memory_space<vmem>> -> memref<1x34xi32, #tpu.memory_space<vmem>>
      %dma_start3A_260 = tpu.memref_squeeze %dma_start3A_259 : memref<1x34xi32, #tpu.memory_space<vmem>> -> memref<34xi32, #tpu.memory_space<vmem>>
      %dma_start3A_261 = arith.constant 0 : i32
      %dma_start3A_262 = arith.constant 0 : i32
      %dma_start3A_263 = tpu.memref_slice %arg6[%dma_start3A_261, %dma_start3A_262] : memref<30x128xf32, #tpu.memory_space<vmem_shared>> -> memref<30x128xf32, #tpu.memory_space<vmem_shared>>
      tpu.enqueue_indirect_dma source(%dma_start3A_263 : memref<30x128xf32, #tpu.memory_space<vmem_shared>>) target(%dma_start3A_257 : memref<34x128xf32, #tpu.memory_space<vmem>>) offsets(%dma_start3A_260 : memref<34xi32, #tpu.memory_space<vmem>>) semaphore(%arg18 : memref<!tpu.dma_semaphore, #tpu.memory_space<semaphore_mem>>)
      %add3A_264 = arith.constant 1 : i32
      %add3A_265 = arith.addi %mul3A_250, %add3A_264 : i32
      %dma_start3A_266 = arith.constant 1 : i32
      %dma_start3A_267 = arith.constant 0 : i32
      %dma_start3A_268 = arith.constant 0 : i32
      %dma_start3A_269 = tpu.memref_slice %arg10[%dma_start3A_266, %dma_start3A_267, %dma_start3A_268] : memref<2x34x128xf32, #tpu.memory_space<vmem>> -> memref<1x34x128xf32, #tpu.memory_space<vmem>>
      %dma_start3A_270 = tpu.memref_squeeze %dma_start3A_269 : memref<1x34x128xf32, #tpu.memory_space<vmem>> -> memref<34x128xf32, #tpu.memory_space<vmem>>
      %dma_start3A_271 = arith.constant 0 : i32
      %dma_start3A_272 = tpu.memref_slice %arg5[%add3A_265, %dma_start3A_271] : memref<128x34xi32, #tpu.memory_space<vmem>> -> memref<1x34xi32, #tpu.memory_space<vmem>>
      %dma_start3A_273 = tpu.memref_squeeze %dma_start3A_272 : memref<1x34xi32, #tpu.memory_space<vmem>> -> memref<34xi32, #tpu.memory_space<vmem>>
      %dma_start3A_274 = arith.constant 0 : i32
      %dma_start3A_275 = arith.constant 0 : i32
      %dma_start3A_276 = tpu.memref_slice %arg6[%dma_start3A_274, %dma_start3A_275] : memref<30x128xf32, #tpu.memory_space<vmem_shared>> -> memref<30x128xf32, #tpu.memory_space<vmem_shared>>
      tpu.enqueue_indirect_dma source(%dma_start3A_276 : memref<30x128xf32, #tpu.memory_space<vmem_shared>>) target(%dma_start3A_270 : memref<34x128xf32, #tpu.memory_space<vmem>>) offsets(%dma_start3A_273 : memref<34xi32, #tpu.memory_space<vmem>>) semaphore(%arg18 : memref<!tpu.dma_semaphore, #tpu.memory_space<semaphore_mem>>)
      %dma_wait3A_277 = arith.constant 0 : i32
      %dma_wait3A_278 = arith.constant 0 : i32
      %dma_wait3A_279 = arith.constant 0 : i32
      %dma_wait3A_280 = tpu.memref_slice %arg10[%dma_wait3A_277, %dma_wait3A_278, %dma_wait3A_279] : memref<2x34x128xf32, #tpu.memory_space<vmem>> -> memref<1x34x128xf32, #tpu.memory_space<vmem>>
      %dma_wait3A_281 = tpu.memref_squeeze %dma_wait3A_280 : memref<1x34x128xf32, #tpu.memory_space<vmem>> -> memref<34x128xf32, #tpu.memory_space<vmem>>
      %dma_wait3A_282 = arith.constant 0 : i32
      %dma_wait3A_283 = tpu.memref_slice %arg5[%add3A_252, %dma_wait3A_282] : memref<128x34xi32, #tpu.memory_space<vmem>> -> memref<1x34xi32, #tpu.memory_space<vmem>>
      %dma_wait3A_284 = tpu.memref_squeeze %dma_wait3A_283 : memref<1x34xi32, #tpu.memory_space<vmem>> -> memref<34xi32, #tpu.memory_space<vmem>>
      %dma_wait3A_285 = arith.constant 0 : i32
      %dma_wait3A_286 = arith.constant 0 : i32
      %dma_wait3A_287 = tpu.memref_slice %arg6[%dma_wait3A_285, %dma_wait3A_286] : memref<30x128xf32, #tpu.memory_space<vmem_shared>> -> memref<30x128xf32, #tpu.memory_space<vmem_shared>>
      tpu.wait_indirect_dma semaphore(%arg18 : memref<!tpu.dma_semaphore, #tpu.memory_space<semaphore_mem>>) src(%dma_wait3A_287 : memref<30x128xf32, #tpu.memory_space<vmem_shared>>) dst(%dma_wait3A_281 : memref<34x128xf32, #tpu.memory_space<vmem>>)
      %dma_wait3A_288 = arith.constant 1 : i32
      %dma_wait3A_289 = arith.constant 0 : i32
      %dma_wait3A_290 = arith.constant 0 : i32
      %dma_wait3A_291 = tpu.memref_slice %arg10[%dma_wait3A_288, %dma_wait3A_289, %dma_wait3A_290] : memref<2x34x128xf32, #tpu.memory_space<vmem>> -> memref<1x34x128xf32, #tpu.memory_space<vmem>>
      %dma_wait3A_292 = tpu.memref_squeeze %dma_wait3A_291 : memref<1x34x128xf32, #tpu.memory_space<vmem>> -> memref<34x128xf32, #tpu.memory_space<vmem>>
      %dma_wait3A_293 = arith.constant 0 : i32
      %dma_wait3A_294 = tpu.memref_slice %arg5[%add3A_265, %dma_wait3A_293] : memref<128x34xi32, #tpu.memory_space<vmem>> -> memref<1x34xi32, #tpu.memory_space<vmem>>
      %dma_wait3A_295 = tpu.memref_squeeze %dma_wait3A_294 : memref<1x34xi32, #tpu.memory_space<vmem>> -> memref<34xi32, #tpu.memory_space<vmem>>
      %dma_wait3A_296 = arith.constant 0 : i32
      %dma_wait3A_297 = arith.constant 0 : i32
      %dma_wait3A_298 = tpu.memref_slice %arg6[%dma_wait3A_296, %dma_wait3A_297] : memref<30x128xf32, #tpu.memory_space<vmem_shared>> -> memref<30x128xf32, #tpu.memory_space<vmem_shared>>
      tpu.wait_indirect_dma semaphore(%arg18 : memref<!tpu.dma_semaphore, #tpu.memory_space<semaphore_mem>>) src(%dma_wait3A_298 : memref<30x128xf32, #tpu.memory_space<vmem_shared>>) dst(%dma_wait3A_292 : memref<34x128xf32, #tpu.memory_space<vmem>>)
      %add3A_299 = arith.addi %mul3A_2, %mul3A_250 : i32
      %dma_start3A_300 = arith.constant 0 : i32
      %dma_start3A_301 = arith.constant 0 : i32
      %dma_start3A_302 = tpu.memref_slice %arg4[%add3A_299, %dma_start3A_300, %dma_start3A_301] : memref<4096x34x128xf32, #tpu.memory_space<hbm>> -> memref<2x34x128xf32, #tpu.memory_space<hbm>>
      %dma_start3A_303 = arith.constant 0 : i32
      %dma_start3A_304 = arith.constant 0 : i32
      %dma_start3A_305 = tpu.memref_slice %arg4[%add3A_299, %dma_start3A_303, %dma_start3A_304] : memref<4096x34x128xf32, #tpu.memory_space<hbm>> -> memref<2x34x128xf32, #tpu.memory_space<hbm>>
      tpu.enqueue_dma source(%arg10 : memref<2x34x128xf32, #tpu.memory_space<vmem>>) target(%dma_start3A_305 : memref<2x34x128xf32, #tpu.memory_space<hbm>>) target_semaphore(%arg26 : memref<!tpu.dma_semaphore, #tpu.memory_space<semaphore_mem>>)
      %gt3A_306 = arith.constant 0 : i32
      %gt3A_307 = arith.cmpi sgt, %scan3A_57, %gt3A_306 : i32
      %convert_element_type3A_308 = arith.extui %gt3A_307 : i1 to i32
      %cond3A_309 = arith.constant 0 : i32
      %cond3A_310 = arith.cmpi ne, %convert_element_type3A_308, %cond3A_309 : i32
      scf.if %cond3A_310 {
        %dma_wait3A_559 = arith.constant 0 : i32
        %dma_wait3A_560 = arith.constant 0 : i32
        %dma_wait3A_561 = tpu.memref_slice %arg4[%mul3A_2, %dma_wait3A_559, %dma_wait3A_560] : memref<4096x34x128xf32, #tpu.memory_space<hbm>> -> memref<2x34x128xf32, #tpu.memory_space<hbm>>
        %dma_wait3A_562 = arith.constant 0 : i32
        %dma_wait3A_563 = arith.constant 0 : i32
        %dma_wait3A_564 = tpu.memref_slice %arg4[%mul3A_2, %dma_wait3A_562, %dma_wait3A_563] : memref<4096x34x128xf32, #tpu.memory_space<hbm>> -> memref<2x34x128xf32, #tpu.memory_space<hbm>>
        tpu.wait_dma2 semaphore(%arg27 : memref<!tpu.dma_semaphore, #tpu.memory_space<semaphore_mem>>) src(%arg11 : memref<2x34x128xf32, #tpu.memory_space<vmem>>) dst(%dma_wait3A_564 : memref<2x34x128xf32, #tpu.memory_space<hbm>>)
        %dma_wait3A_565 = arith.constant 0 : i32
        %dma_wait3A_566 = arith.constant 0 : i32
        %dma_wait3A_567 = tpu.memref_slice %arg4[%mul3A_2, %dma_wait3A_565, %dma_wait3A_566] : memref<4096x34x128xf32, #tpu.memory_space<hbm>> -> memref<2x34x128xf32, #tpu.memory_space<hbm>>
        %dma_wait3A_568 = arith.constant 0 : i32
        %dma_wait3A_569 = arith.constant 0 : i32
        %dma_wait3A_570 = tpu.memref_slice %arg4[%mul3A_2, %dma_wait3A_568, %dma_wait3A_569] : memref<4096x34x128xf32, #tpu.memory_space<hbm>> -> memref<2x34x128xf32, #tpu.memory_space<hbm>>
        tpu.wait_dma2 semaphore(%arg28 : memref<!tpu.dma_semaphore, #tpu.memory_space<semaphore_mem>>) src(%arg12 : memref<2x34x128xf32, #tpu.memory_space<vmem>>) dst(%dma_wait3A_570 : memref<2x34x128xf32, #tpu.memory_space<hbm>>)
        %dma_wait3A_571 = arith.constant 0 : i32
        %dma_wait3A_572 = arith.constant 0 : i32
        %dma_wait3A_573 = tpu.memref_slice %arg4[%mul3A_2, %dma_wait3A_571, %dma_wait3A_572] : memref<4096x34x128xf32, #tpu.memory_space<hbm>> -> memref<2x34x128xf32, #tpu.memory_space<hbm>>
        %dma_wait3A_574 = arith.constant 0 : i32
        %dma_wait3A_575 = arith.constant 0 : i32
        %dma_wait3A_576 = tpu.memref_slice %arg4[%mul3A_2, %dma_wait3A_574, %dma_wait3A_575] : memref<4096x34x128xf32, #tpu.memory_space<hbm>> -> memref<2x34x128xf32, #tpu.memory_space<hbm>>
        tpu.wait_dma2 semaphore(%arg29 : memref<!tpu.dma_semaphore, #tpu.memory_space<semaphore_mem>>) src(%arg13 : memref<2x34x128xf32, #tpu.memory_space<vmem>>) dst(%dma_wait3A_576 : memref<2x34x128xf32, #tpu.memory_space<hbm>>)
        %dma_wait3A_577 = arith.constant 0 : i32
        %dma_wait3A_578 = arith.constant 0 : i32
        %dma_wait3A_579 = tpu.memref_slice %arg4[%mul3A_2, %dma_wait3A_577, %dma_wait3A_578] : memref<4096x34x128xf32, #tpu.memory_space<hbm>> -> memref<2x34x128xf32, #tpu.memory_space<hbm>>
        %dma_wait3A_580 = arith.constant 0 : i32
        %dma_wait3A_581 = arith.constant 0 : i32
        %dma_wait3A_582 = tpu.memref_slice %arg4[%mul3A_2, %dma_wait3A_580, %dma_wait3A_581] : memref<4096x34x128xf32, #tpu.memory_space<hbm>> -> memref<2x34x128xf32, #tpu.memory_space<hbm>>
        tpu.wait_dma2 semaphore(%arg30 : memref<!tpu.dma_semaphore, #tpu.memory_space<semaphore_mem>>) src(%arg14 : memref<2x34x128xf32, #tpu.memory_space<vmem>>) dst(%dma_wait3A_582 : memref<2x34x128xf32, #tpu.memory_space<hbm>>)
      } else {
      }
      %mul3A_311 = arith.constant 8 : i32
      %mul3A_312 = arith.muli %scan3A_57, %mul3A_311 : i32
      %add3A_313 = arith.constant 4 : i32
      %add3A_314 = arith.addi %mul3A_312, %add3A_313 : i32
      %add3A_315 = arith.constant 4 : i32
      %add3A_316 = arith.addi %add3A_314, %add3A_315 : i32
      %sub3A_317 = arith.constant 4 : i32
      %sub3A_318 = arith.subi %add3A_316, %sub3A_317 : i32
      %mul3A_319 = arith.constant 2 : i32
      %mul3A_320 = arith.muli %sub3A_318, %mul3A_319 : i32
      %add3A_321 = arith.constant 0 : i32
      %add3A_322 = arith.addi %mul3A_320, %add3A_321 : i32
      %dma_start3A_323 = arith.constant 0 : i32
      %dma_start3A_324 = arith.constant 0 : i32
      %dma_start3A_325 = arith.constant 0 : i32
      %dma_start3A_326 = tpu.memref_slice %arg11[%dma_start3A_323, %dma_start3A_324, %dma_start3A_325] : memref<2x34x128xf32, #tpu.memory_space<vmem>> -> memref<1x34x128xf32, #tpu.memory_space<vmem>>
      %dma_start3A_327 = tpu.memref_squeeze %dma_start3A_326 : memref<1x34x128xf32, #tpu.memory_space<vmem>> -> memref<34x128xf32, #tpu.memory_space<vmem>>
      %dma_start3A_328 = arith.constant 0 : i32
      %dma_start3A_329 = tpu.memref_slice %arg5[%add3A_322, %dma_start3A_328] : memref<128x34xi32, #tpu.memory_space<vmem>> -> memref<1x34xi32, #tpu.memory_space<vmem>>
      %dma_start3A_330 = tpu.memref_squeeze %dma_start3A_329 : memref<1x34xi32, #tpu.memory_space<vmem>> -> memref<34xi32, #tpu.memory_space<vmem>>
      %dma_start3A_331 = arith.constant 0 : i32
      %dma_start3A_332 = arith.constant 0 : i32
      %dma_start3A_333 = tpu.memref_slice %arg6[%dma_start3A_331, %dma_start3A_332] : memref<30x128xf32, #tpu.memory_space<vmem_shared>> -> memref<30x128xf32, #tpu.memory_space<vmem_shared>>
      tpu.enqueue_indirect_dma source(%dma_start3A_333 : memref<30x128xf32, #tpu.memory_space<vmem_shared>>) target(%dma_start3A_327 : memref<34x128xf32, #tpu.memory_space<vmem>>) offsets(%dma_start3A_330 : memref<34xi32, #tpu.memory_space<vmem>>) semaphore(%arg19 : memref<!tpu.dma_semaphore, #tpu.memory_space<semaphore_mem>>)
      %add3A_334 = arith.constant 1 : i32
      %add3A_335 = arith.addi %mul3A_320, %add3A_334 : i32
      %dma_start3A_336 = arith.constant 1 : i32
      %dma_start3A_337 = arith.constant 0 : i32
      %dma_start3A_338 = arith.constant 0 : i32
      %dma_start3A_339 = tpu.memref_slice %arg11[%dma_start3A_336, %dma_start3A_337, %dma_start3A_338] : memref<2x34x128xf32, #tpu.memory_space<vmem>> -> memref<1x34x128xf32, #tpu.memory_space<vmem>>
      %dma_start3A_340 = tpu.memref_squeeze %dma_start3A_339 : memref<1x34x128xf32, #tpu.memory_space<vmem>> -> memref<34x128xf32, #tpu.memory_space<vmem>>
      %dma_start3A_341 = arith.constant 0 : i32
      %dma_start3A_342 = tpu.memref_slice %arg5[%add3A_335, %dma_start3A_341] : memref<128x34xi32, #tpu.memory_space<vmem>> -> memref<1x34xi32, #tpu.memory_space<vmem>>
      %dma_start3A_343 = tpu.memref_squeeze %dma_start3A_342 : memref<1x34xi32, #tpu.memory_space<vmem>> -> memref<34xi32, #tpu.memory_space<vmem>>
      %dma_start3A_344 = arith.constant 0 : i32
      %dma_start3A_345 = arith.constant 0 : i32
      %dma_start3A_346 = tpu.memref_slice %arg6[%dma_start3A_344, %dma_start3A_345] : memref<30x128xf32, #tpu.memory_space<vmem_shared>> -> memref<30x128xf32, #tpu.memory_space<vmem_shared>>
      tpu.enqueue_indirect_dma source(%dma_start3A_346 : memref<30x128xf32, #tpu.memory_space<vmem_shared>>) target(%dma_start3A_340 : memref<34x128xf32, #tpu.memory_space<vmem>>) offsets(%dma_start3A_343 : memref<34xi32, #tpu.memory_space<vmem>>) semaphore(%arg19 : memref<!tpu.dma_semaphore, #tpu.memory_space<semaphore_mem>>)
      %dma_wait3A_347 = arith.constant 0 : i32
      %dma_wait3A_348 = arith.constant 0 : i32
      %dma_wait3A_349 = arith.constant 0 : i32
      %dma_wait3A_350 = tpu.memref_slice %arg11[%dma_wait3A_347, %dma_wait3A_348, %dma_wait3A_349] : memref<2x34x128xf32, #tpu.memory_space<vmem>> -> memref<1x34x128xf32, #tpu.memory_space<vmem>>
      %dma_wait3A_351 = tpu.memref_squeeze %dma_wait3A_350 : memref<1x34x128xf32, #tpu.memory_space<vmem>> -> memref<34x128xf32, #tpu.memory_space<vmem>>
      %dma_wait3A_352 = arith.constant 0 : i32
      %dma_wait3A_353 = tpu.memref_slice %arg5[%add3A_322, %dma_wait3A_352] : memref<128x34xi32, #tpu.memory_space<vmem>> -> memref<1x34xi32, #tpu.memory_space<vmem>>
      %dma_wait3A_354 = tpu.memref_squeeze %dma_wait3A_353 : memref<1x34xi32, #tpu.memory_space<vmem>> -> memref<34xi32, #tpu.memory_space<vmem>>
      %dma_wait3A_355 = arith.constant 0 : i32
      %dma_wait3A_356 = arith.constant 0 : i32
      %dma_wait3A_357 = tpu.memref_slice %arg6[%dma_wait3A_355, %dma_wait3A_356] : memref<30x128xf32, #tpu.memory_space<vmem_shared>> -> memref<30x128xf32, #tpu.memory_space<vmem_shared>>
      tpu.wait_indirect_dma semaphore(%arg19 : memref<!tpu.dma_semaphore, #tpu.memory_space<semaphore_mem>>) src(%dma_wait3A_357 : memref<30x128xf32, #tpu.memory_space<vmem_shared>>) dst(%dma_wait3A_351 : memref<34x128xf32, #tpu.memory_space<vmem>>)
      %dma_wait3A_358 = arith.constant 1 : i32
      %dma_wait3A_359 = arith.constant 0 : i32
      %dma_wait3A_360 = arith.constant 0 : i32
      %dma_wait3A_361 = tpu.memref_slice %arg11[%dma_wait3A_358, %dma_wait3A_359, %dma_wait3A_360] : memref<2x34x128xf32, #tpu.memory_space<vmem>> -> memref<1x34x128xf32, #tpu.memory_space<vmem>>
      %dma_wait3A_362 = tpu.memref_squeeze %dma_wait3A_361 : memref<1x34x128xf32, #tpu.memory_space<vmem>> -> memref<34x128xf32, #tpu.memory_space<vmem>>
      %dma_wait3A_363 = arith.constant 0 : i32
      %dma_wait3A_364 = tpu.memref_slice %arg5[%add3A_335, %dma_wait3A_363] : memref<128x34xi32, #tpu.memory_space<vmem>> -> memref<1x34xi32, #tpu.memory_space<vmem>>
      %dma_wait3A_365 = tpu.memref_squeeze %dma_wait3A_364 : memref<1x34xi32, #tpu.memory_space<vmem>> -> memref<34xi32, #tpu.memory_space<vmem>>
      %dma_wait3A_366 = arith.constant 0 : i32
      %dma_wait3A_367 = arith.constant 0 : i32
      %dma_wait3A_368 = tpu.memref_slice %arg6[%dma_wait3A_366, %dma_wait3A_367] : memref<30x128xf32, #tpu.memory_space<vmem_shared>> -> memref<30x128xf32, #tpu.memory_space<vmem_shared>>
      tpu.wait_indirect_dma semaphore(%arg19 : memref<!tpu.dma_semaphore, #tpu.memory_space<semaphore_mem>>) src(%dma_wait3A_368 : memref<30x128xf32, #tpu.memory_space<vmem_shared>>) dst(%dma_wait3A_362 : memref<34x128xf32, #tpu.memory_space<vmem>>)
      %add3A_369 = arith.addi %mul3A_2, %mul3A_320 : i32
      %dma_start3A_370 = arith.constant 0 : i32
      %dma_start3A_371 = arith.constant 0 : i32
      %dma_start3A_372 = tpu.memref_slice %arg4[%add3A_369, %dma_start3A_370, %dma_start3A_371] : memref<4096x34x128xf32, #tpu.memory_space<hbm>> -> memref<2x34x128xf32, #tpu.memory_space<hbm>>
      %dma_start3A_373 = arith.constant 0 : i32
      %dma_start3A_374 = arith.constant 0 : i32
      %dma_start3A_375 = tpu.memref_slice %arg4[%add3A_369, %dma_start3A_373, %dma_start3A_374] : memref<4096x34x128xf32, #tpu.memory_space<hbm>> -> memref<2x34x128xf32, #tpu.memory_space<hbm>>
      tpu.enqueue_dma source(%arg11 : memref<2x34x128xf32, #tpu.memory_space<vmem>>) target(%dma_start3A_375 : memref<2x34x128xf32, #tpu.memory_space<hbm>>) target_semaphore(%arg27 : memref<!tpu.dma_semaphore, #tpu.memory_space<semaphore_mem>>)
      %add3A_376 = arith.constant 5 : i32
      %add3A_377 = arith.addi %add3A_314, %add3A_376 : i32
      %sub3A_378 = arith.constant 4 : i32
      %sub3A_379 = arith.subi %add3A_377, %sub3A_378 : i32
      %mul3A_380 = arith.constant 2 : i32
      %mul3A_381 = arith.muli %sub3A_379, %mul3A_380 : i32
      %add3A_382 = arith.constant 0 : i32
      %add3A_383 = arith.addi %mul3A_381, %add3A_382 : i32
      %dma_start3A_384 = arith.constant 0 : i32
      %dma_start3A_385 = arith.constant 0 : i32
      %dma_start3A_386 = arith.constant 0 : i32
      %dma_start3A_387 = tpu.memref_slice %arg12[%dma_start3A_384, %dma_start3A_385, %dma_start3A_386] : memref<2x34x128xf32, #tpu.memory_space<vmem>> -> memref<1x34x128xf32, #tpu.memory_space<vmem>>
      %dma_start3A_388 = tpu.memref_squeeze %dma_start3A_387 : memref<1x34x128xf32, #tpu.memory_space<vmem>> -> memref<34x128xf32, #tpu.memory_space<vmem>>
      %dma_start3A_389 = arith.constant 0 : i32
      %dma_start3A_390 = tpu.memref_slice %arg5[%add3A_383, %dma_start3A_389] : memref<128x34xi32, #tpu.memory_space<vmem>> -> memref<1x34xi32, #tpu.memory_space<vmem>>
      %dma_start3A_391 = tpu.memref_squeeze %dma_start3A_390 : memref<1x34xi32, #tpu.memory_space<vmem>> -> memref<34xi32, #tpu.memory_space<vmem>>
      %dma_start3A_392 = arith.constant 0 : i32
      %dma_start3A_393 = arith.constant 0 : i32
      %dma_start3A_394 = tpu.memref_slice %arg6[%dma_start3A_392, %dma_start3A_393] : memref<30x128xf32, #tpu.memory_space<vmem_shared>> -> memref<30x128xf32, #tpu.memory_space<vmem_shared>>
      tpu.enqueue_indirect_dma source(%dma_start3A_394 : memref<30x128xf32, #tpu.memory_space<vmem_shared>>) target(%dma_start3A_388 : memref<34x128xf32, #tpu.memory_space<vmem>>) offsets(%dma_start3A_391 : memref<34xi32, #tpu.memory_space<vmem>>) semaphore(%arg20 : memref<!tpu.dma_semaphore, #tpu.memory_space<semaphore_mem>>)
      %add3A_395 = arith.constant 1 : i32
      %add3A_396 = arith.addi %mul3A_381, %add3A_395 : i32
      %dma_start3A_397 = arith.constant 1 : i32
      %dma_start3A_398 = arith.constant 0 : i32
      %dma_start3A_399 = arith.constant 0 : i32
      %dma_start3A_400 = tpu.memref_slice %arg12[%dma_start3A_397, %dma_start3A_398, %dma_start3A_399] : memref<2x34x128xf32, #tpu.memory_space<vmem>> -> memref<1x34x128xf32, #tpu.memory_space<vmem>>
      %dma_start3A_401 = tpu.memref_squeeze %dma_start3A_400 : memref<1x34x128xf32, #tpu.memory_space<vmem>> -> memref<34x128xf32, #tpu.memory_space<vmem>>
      %dma_start3A_402 = arith.constant 0 : i32
      %dma_start3A_403 = tpu.memref_slice %arg5[%add3A_396, %dma_start3A_402] : memref<128x34xi32, #tpu.memory_space<vmem>> -> memref<1x34xi32, #tpu.memory_space<vmem>>
      %dma_start3A_404 = tpu.memref_squeeze %dma_start3A_403 : memref<1x34xi32, #tpu.memory_space<vmem>> -> memref<34xi32, #tpu.memory_space<vmem>>
      %dma_start3A_405 = arith.constant 0 : i32
      %dma_start3A_406 = arith.constant 0 : i32
      %dma_start3A_407 = tpu.memref_slice %arg6[%dma_start3A_405, %dma_start3A_406] : memref<30x128xf32, #tpu.memory_space<vmem_shared>> -> memref<30x128xf32, #tpu.memory_space<vmem_shared>>
      tpu.enqueue_indirect_dma source(%dma_start3A_407 : memref<30x128xf32, #tpu.memory_space<vmem_shared>>) target(%dma_start3A_401 : memref<34x128xf32, #tpu.memory_space<vmem>>) offsets(%dma_start3A_404 : memref<34xi32, #tpu.memory_space<vmem>>) semaphore(%arg20 : memref<!tpu.dma_semaphore, #tpu.memory_space<semaphore_mem>>)
      %dma_wait3A_408 = arith.constant 0 : i32
      %dma_wait3A_409 = arith.constant 0 : i32
      %dma_wait3A_410 = arith.constant 0 : i32
      %dma_wait3A_411 = tpu.memref_slice %arg12[%dma_wait3A_408, %dma_wait3A_409, %dma_wait3A_410] : memref<2x34x128xf32, #tpu.memory_space<vmem>> -> memref<1x34x128xf32, #tpu.memory_space<vmem>>
      %dma_wait3A_412 = tpu.memref_squeeze %dma_wait3A_411 : memref<1x34x128xf32, #tpu.memory_space<vmem>> -> memref<34x128xf32, #tpu.memory_space<vmem>>
      %dma_wait3A_413 = arith.constant 0 : i32
      %dma_wait3A_414 = tpu.memref_slice %arg5[%add3A_383, %dma_wait3A_413] : memref<128x34xi32, #tpu.memory_space<vmem>> -> memref<1x34xi32, #tpu.memory_space<vmem>>
      %dma_wait3A_415 = tpu.memref_squeeze %dma_wait3A_414 : memref<1x34xi32, #tpu.memory_space<vmem>> -> memref<34xi32, #tpu.memory_space<vmem>>
      %dma_wait3A_416 = arith.constant 0 : i32
      %dma_wait3A_417 = arith.constant 0 : i32
      %dma_wait3A_418 = tpu.memref_slice %arg6[%dma_wait3A_416, %dma_wait3A_417] : memref<30x128xf32, #tpu.memory_space<vmem_shared>> -> memref<30x128xf32, #tpu.memory_space<vmem_shared>>
      tpu.wait_indirect_dma semaphore(%arg20 : memref<!tpu.dma_semaphore, #tpu.memory_space<semaphore_mem>>) src(%dma_wait3A_418 : memref<30x128xf32, #tpu.memory_space<vmem_shared>>) dst(%dma_wait3A_412 : memref<34x128xf32, #tpu.memory_space<vmem>>)
      %dma_wait3A_419 = arith.constant 1 : i32
      %dma_wait3A_420 = arith.constant 0 : i32
      %dma_wait3A_421 = arith.constant 0 : i32
      %dma_wait3A_422 = tpu.memref_slice %arg12[%dma_wait3A_419, %dma_wait3A_420, %dma_wait3A_421] : memref<2x34x128xf32, #tpu.memory_space<vmem>> -> memref<1x34x128xf32, #tpu.memory_space<vmem>>
      %dma_wait3A_423 = tpu.memref_squeeze %dma_wait3A_422 : memref<1x34x128xf32, #tpu.memory_space<vmem>> -> memref<34x128xf32, #tpu.memory_space<vmem>>
      %dma_wait3A_424 = arith.constant 0 : i32
      %dma_wait3A_425 = tpu.memref_slice %arg5[%add3A_396, %dma_wait3A_424] : memref<128x34xi32, #tpu.memory_space<vmem>> -> memref<1x34xi32, #tpu.memory_space<vmem>>
      %dma_wait3A_426 = tpu.memref_squeeze %dma_wait3A_425 : memref<1x34xi32, #tpu.memory_space<vmem>> -> memref<34xi32, #tpu.memory_space<vmem>>
      %dma_wait3A_427 = arith.constant 0 : i32
      %dma_wait3A_428 = arith.constant 0 : i32
      %dma_wait3A_429 = tpu.memref_slice %arg6[%dma_wait3A_427, %dma_wait3A_428] : memref<30x128xf32, #tpu.memory_space<vmem_shared>> -> memref<30x128xf32, #tpu.memory_space<vmem_shared>>
      tpu.wait_indirect_dma semaphore(%arg20 : memref<!tpu.dma_semaphore, #tpu.memory_space<semaphore_mem>>) src(%dma_wait3A_429 : memref<30x128xf32, #tpu.memory_space<vmem_shared>>) dst(%dma_wait3A_423 : memref<34x128xf32, #tpu.memory_space<vmem>>)
      %add3A_430 = arith.addi %mul3A_2, %mul3A_381 : i32
      %dma_start3A_431 = arith.constant 0 : i32
      %dma_start3A_432 = arith.constant 0 : i32
      %dma_start3A_433 = tpu.memref_slice %arg4[%add3A_430, %dma_start3A_431, %dma_start3A_432] : memref<4096x34x128xf32, #tpu.memory_space<hbm>> -> memref<2x34x128xf32, #tpu.memory_space<hbm>>
      %dma_start3A_434 = arith.constant 0 : i32
      %dma_start3A_435 = arith.constant 0 : i32
      %dma_start3A_436 = tpu.memref_slice %arg4[%add3A_430, %dma_start3A_434, %dma_start3A_435] : memref<4096x34x128xf32, #tpu.memory_space<hbm>> -> memref<2x34x128xf32, #tpu.memory_space<hbm>>
      tpu.enqueue_dma source(%arg12 : memref<2x34x128xf32, #tpu.memory_space<vmem>>) target(%dma_start3A_436 : memref<2x34x128xf32, #tpu.memory_space<hbm>>) target_semaphore(%arg28 : memref<!tpu.dma_semaphore, #tpu.memory_space<semaphore_mem>>)
      %add3A_437 = arith.constant 6 : i32
      %add3A_438 = arith.addi %add3A_314, %add3A_437 : i32
      %sub3A_439 = arith.constant 4 : i32
      %sub3A_440 = arith.subi %add3A_438, %sub3A_439 : i32
      %mul3A_441 = arith.constant 2 : i32
      %mul3A_442 = arith.muli %sub3A_440, %mul3A_441 : i32
      %add3A_443 = arith.constant 0 : i32
      %add3A_444 = arith.addi %mul3A_442, %add3A_443 : i32
      %dma_start3A_445 = arith.constant 0 : i32
      %dma_start3A_446 = arith.constant 0 : i32
      %dma_start3A_447 = arith.constant 0 : i32
      %dma_start3A_448 = tpu.memref_slice %arg13[%dma_start3A_445, %dma_start3A_446, %dma_start3A_447] : memref<2x34x128xf32, #tpu.memory_space<vmem>> -> memref<1x34x128xf32, #tpu.memory_space<vmem>>
      %dma_start3A_449 = tpu.memref_squeeze %dma_start3A_448 : memref<1x34x128xf32, #tpu.memory_space<vmem>> -> memref<34x128xf32, #tpu.memory_space<vmem>>
      %dma_start3A_450 = arith.constant 0 : i32
      %dma_start3A_451 = tpu.memref_slice %arg5[%add3A_444, %dma_start3A_450] : memref<128x34xi32, #tpu.memory_space<vmem>> -> memref<1x34xi32, #tpu.memory_space<vmem>>
      %dma_start3A_452 = tpu.memref_squeeze %dma_start3A_451 : memref<1x34xi32, #tpu.memory_space<vmem>> -> memref<34xi32, #tpu.memory_space<vmem>>
      %dma_start3A_453 = arith.constant 0 : i32
      %dma_start3A_454 = arith.constant 0 : i32
      %dma_start3A_455 = tpu.memref_slice %arg6[%dma_start3A_453, %dma_start3A_454] : memref<30x128xf32, #tpu.memory_space<vmem_shared>> -> memref<30x128xf32, #tpu.memory_space<vmem_shared>>
      tpu.enqueue_indirect_dma source(%dma_start3A_455 : memref<30x128xf32, #tpu.memory_space<vmem_shared>>) target(%dma_start3A_449 : memref<34x128xf32, #tpu.memory_space<vmem>>) offsets(%dma_start3A_452 : memref<34xi32, #tpu.memory_space<vmem>>) semaphore(%arg21 : memref<!tpu.dma_semaphore, #tpu.memory_space<semaphore_mem>>)
      %add3A_456 = arith.constant 1 : i32
      %add3A_457 = arith.addi %mul3A_442, %add3A_456 : i32
      %dma_start3A_458 = arith.constant 1 : i32
      %dma_start3A_459 = arith.constant 0 : i32
      %dma_start3A_460 = arith.constant 0 : i32
      %dma_start3A_461 = tpu.memref_slice %arg13[%dma_start3A_458, %dma_start3A_459, %dma_start3A_460] : memref<2x34x128xf32, #tpu.memory_space<vmem>> -> memref<1x34x128xf32, #tpu.memory_space<vmem>>
      %dma_start3A_462 = tpu.memref_squeeze %dma_start3A_461 : memref<1x34x128xf32, #tpu.memory_space<vmem>> -> memref<34x128xf32, #tpu.memory_space<vmem>>
      %dma_start3A_463 = arith.constant 0 : i32
      %dma_start3A_464 = tpu.memref_slice %arg5[%add3A_457, %dma_start3A_463] : memref<128x34xi32, #tpu.memory_space<vmem>> -> memref<1x34xi32, #tpu.memory_space<vmem>>
      %dma_start3A_465 = tpu.memref_squeeze %dma_start3A_464 : memref<1x34xi32, #tpu.memory_space<vmem>> -> memref<34xi32, #tpu.memory_space<vmem>>
      %dma_start3A_466 = arith.constant 0 : i32
      %dma_start3A_467 = arith.constant 0 : i32
      %dma_start3A_468 = tpu.memref_slice %arg6[%dma_start3A_466, %dma_start3A_467] : memref<30x128xf32, #tpu.memory_space<vmem_shared>> -> memref<30x128xf32, #tpu.memory_space<vmem_shared>>
      tpu.enqueue_indirect_dma source(%dma_start3A_468 : memref<30x128xf32, #tpu.memory_space<vmem_shared>>) target(%dma_start3A_462 : memref<34x128xf32, #tpu.memory_space<vmem>>) offsets(%dma_start3A_465 : memref<34xi32, #tpu.memory_space<vmem>>) semaphore(%arg21 : memref<!tpu.dma_semaphore, #tpu.memory_space<semaphore_mem>>)
      %dma_wait3A_469 = arith.constant 0 : i32
      %dma_wait3A_470 = arith.constant 0 : i32
      %dma_wait3A_471 = arith.constant 0 : i32
      %dma_wait3A_472 = tpu.memref_slice %arg13[%dma_wait3A_469, %dma_wait3A_470, %dma_wait3A_471] : memref<2x34x128xf32, #tpu.memory_space<vmem>> -> memref<1x34x128xf32, #tpu.memory_space<vmem>>
      %dma_wait3A_473 = tpu.memref_squeeze %dma_wait3A_472 : memref<1x34x128xf32, #tpu.memory_space<vmem>> -> memref<34x128xf32, #tpu.memory_space<vmem>>
      %dma_wait3A_474 = arith.constant 0 : i32
      %dma_wait3A_475 = tpu.memref_slice %arg5[%add3A_444, %dma_wait3A_474] : memref<128x34xi32, #tpu.memory_space<vmem>> -> memref<1x34xi32, #tpu.memory_space<vmem>>
      %dma_wait3A_476 = tpu.memref_squeeze %dma_wait3A_475 : memref<1x34xi32, #tpu.memory_space<vmem>> -> memref<34xi32, #tpu.memory_space<vmem>>
      %dma_wait3A_477 = arith.constant 0 : i32
      %dma_wait3A_478 = arith.constant 0 : i32
      %dma_wait3A_479 = tpu.memref_slice %arg6[%dma_wait3A_477, %dma_wait3A_478] : memref<30x128xf32, #tpu.memory_space<vmem_shared>> -> memref<30x128xf32, #tpu.memory_space<vmem_shared>>
      tpu.wait_indirect_dma semaphore(%arg21 : memref<!tpu.dma_semaphore, #tpu.memory_space<semaphore_mem>>) src(%dma_wait3A_479 : memref<30x128xf32, #tpu.memory_space<vmem_shared>>) dst(%dma_wait3A_473 : memref<34x128xf32, #tpu.memory_space<vmem>>)
      %dma_wait3A_480 = arith.constant 1 : i32
      %dma_wait3A_481 = arith.constant 0 : i32
      %dma_wait3A_482 = arith.constant 0 : i32
      %dma_wait3A_483 = tpu.memref_slice %arg13[%dma_wait3A_480, %dma_wait3A_481, %dma_wait3A_482] : memref<2x34x128xf32, #tpu.memory_space<vmem>> -> memref<1x34x128xf32, #tpu.memory_space<vmem>>
      %dma_wait3A_484 = tpu.memref_squeeze %dma_wait3A_483 : memref<1x34x128xf32, #tpu.memory_space<vmem>> -> memref<34x128xf32, #tpu.memory_space<vmem>>
      %dma_wait3A_485 = arith.constant 0 : i32
      %dma_wait3A_486 = tpu.memref_slice %arg5[%add3A_457, %dma_wait3A_485] : memref<128x34xi32, #tpu.memory_space<vmem>> -> memref<1x34xi32, #tpu.memory_space<vmem>>
      %dma_wait3A_487 = tpu.memref_squeeze %dma_wait3A_486 : memref<1x34xi32, #tpu.memory_space<vmem>> -> memref<34xi32, #tpu.memory_space<vmem>>
      %dma_wait3A_488 = arith.constant 0 : i32
      %dma_wait3A_489 = arith.constant 0 : i32
      %dma_wait3A_490 = tpu.memref_slice %arg6[%dma_wait3A_488, %dma_wait3A_489] : memref<30x128xf32, #tpu.memory_space<vmem_shared>> -> memref<30x128xf32, #tpu.memory_space<vmem_shared>>
      tpu.wait_indirect_dma semaphore(%arg21 : memref<!tpu.dma_semaphore, #tpu.memory_space<semaphore_mem>>) src(%dma_wait3A_490 : memref<30x128xf32, #tpu.memory_space<vmem_shared>>) dst(%dma_wait3A_484 : memref<34x128xf32, #tpu.memory_space<vmem>>)
      %add3A_491 = arith.addi %mul3A_2, %mul3A_442 : i32
      %dma_start3A_492 = arith.constant 0 : i32
      %dma_start3A_493 = arith.constant 0 : i32
      %dma_start3A_494 = tpu.memref_slice %arg4[%add3A_491, %dma_start3A_492, %dma_start3A_493] : memref<4096x34x128xf32, #tpu.memory_space<hbm>> -> memref<2x34x128xf32, #tpu.memory_space<hbm>>
      %dma_start3A_495 = arith.constant 0 : i32
      %dma_start3A_496 = arith.constant 0 : i32
      %dma_start3A_497 = tpu.memref_slice %arg4[%add3A_491, %dma_start3A_495, %dma_start3A_496] : memref<4096x34x128xf32, #tpu.memory_space<hbm>> -> memref<2x34x128xf32, #tpu.memory_space<hbm>>
      tpu.enqueue_dma source(%arg13 : memref<2x34x128xf32, #tpu.memory_space<vmem>>) target(%dma_start3A_497 : memref<2x34x128xf32, #tpu.memory_space<hbm>>) target_semaphore(%arg29 : memref<!tpu.dma_semaphore, #tpu.memory_space<semaphore_mem>>)
      %add3A_498 = arith.constant 7 : i32
      %add3A_499 = arith.addi %add3A_314, %add3A_498 : i32
      %sub3A_500 = arith.constant 4 : i32
      %sub3A_501 = arith.subi %add3A_499, %sub3A_500 : i32
      %mul3A_502 = arith.constant 2 : i32
      %mul3A_503 = arith.muli %sub3A_501, %mul3A_502 : i32
      %add3A_504 = arith.constant 0 : i32
      %add3A_505 = arith.addi %mul3A_503, %add3A_504 : i32
      %dma_start3A_506 = arith.constant 0 : i32
      %dma_start3A_507 = arith.constant 0 : i32
      %dma_start3A_508 = arith.constant 0 : i32
      %dma_start3A_509 = tpu.memref_slice %arg14[%dma_start3A_506, %dma_start3A_507, %dma_start3A_508] : memref<2x34x128xf32, #tpu.memory_space<vmem>> -> memref<1x34x128xf32, #tpu.memory_space<vmem>>
      %dma_start3A_510 = tpu.memref_squeeze %dma_start3A_509 : memref<1x34x128xf32, #tpu.memory_space<vmem>> -> memref<34x128xf32, #tpu.memory_space<vmem>>
      %dma_start3A_511 = arith.constant 0 : i32
      %dma_start3A_512 = tpu.memref_slice %arg5[%add3A_505, %dma_start3A_511] : memref<128x34xi32, #tpu.memory_space<vmem>> -> memref<1x34xi32, #tpu.memory_space<vmem>>
      %dma_start3A_513 = tpu.memref_squeeze %dma_start3A_512 : memref<1x34xi32, #tpu.memory_space<vmem>> -> memref<34xi32, #tpu.memory_space<vmem>>
      %dma_start3A_514 = arith.constant 0 : i32
      %dma_start3A_515 = arith.constant 0 : i32
      %dma_start3A_516 = tpu.memref_slice %arg6[%dma_start3A_514, %dma_start3A_515] : memref<30x128xf32, #tpu.memory_space<vmem_shared>> -> memref<30x128xf32, #tpu.memory_space<vmem_shared>>
      tpu.enqueue_indirect_dma source(%dma_start3A_516 : memref<30x128xf32, #tpu.memory_space<vmem_shared>>) target(%dma_start3A_510 : memref<34x128xf32, #tpu.memory_space<vmem>>) offsets(%dma_start3A_513 : memref<34xi32, #tpu.memory_space<vmem>>) semaphore(%arg22 : memref<!tpu.dma_semaphore, #tpu.memory_space<semaphore_mem>>)
      %add3A_517 = arith.constant 1 : i32
      %add3A_518 = arith.addi %mul3A_503, %add3A_517 : i32
      %dma_start3A_519 = arith.constant 1 : i32
      %dma_start3A_520 = arith.constant 0 : i32
      %dma_start3A_521 = arith.constant 0 : i32
      %dma_start3A_522 = tpu.memref_slice %arg14[%dma_start3A_519, %dma_start3A_520, %dma_start3A_521] : memref<2x34x128xf32, #tpu.memory_space<vmem>> -> memref<1x34x128xf32, #tpu.memory_space<vmem>>
      %dma_start3A_523 = tpu.memref_squeeze %dma_start3A_522 : memref<1x34x128xf32, #tpu.memory_space<vmem>> -> memref<34x128xf32, #tpu.memory_space<vmem>>
      %dma_start3A_524 = arith.constant 0 : i32
      %dma_start3A_525 = tpu.memref_slice %arg5[%add3A_518, %dma_start3A_524] : memref<128x34xi32, #tpu.memory_space<vmem>> -> memref<1x34xi32, #tpu.memory_space<vmem>>
      %dma_start3A_526 = tpu.memref_squeeze %dma_start3A_525 : memref<1x34xi32, #tpu.memory_space<vmem>> -> memref<34xi32, #tpu.memory_space<vmem>>
      %dma_start3A_527 = arith.constant 0 : i32
      %dma_start3A_528 = arith.constant 0 : i32
      %dma_start3A_529 = tpu.memref_slice %arg6[%dma_start3A_527, %dma_start3A_528] : memref<30x128xf32, #tpu.memory_space<vmem_shared>> -> memref<30x128xf32, #tpu.memory_space<vmem_shared>>
      tpu.enqueue_indirect_dma source(%dma_start3A_529 : memref<30x128xf32, #tpu.memory_space<vmem_shared>>) target(%dma_start3A_523 : memref<34x128xf32, #tpu.memory_space<vmem>>) offsets(%dma_start3A_526 : memref<34xi32, #tpu.memory_space<vmem>>) semaphore(%arg22 : memref<!tpu.dma_semaphore, #tpu.memory_space<semaphore_mem>>)
      %dma_wait3A_530 = arith.constant 0 : i32
      %dma_wait3A_531 = arith.constant 0 : i32
      %dma_wait3A_532 = arith.constant 0 : i32
      %dma_wait3A_533 = tpu.memref_slice %arg14[%dma_wait3A_530, %dma_wait3A_531, %dma_wait3A_532] : memref<2x34x128xf32, #tpu.memory_space<vmem>> -> memref<1x34x128xf32, #tpu.memory_space<vmem>>
      %dma_wait3A_534 = tpu.memref_squeeze %dma_wait3A_533 : memref<1x34x128xf32, #tpu.memory_space<vmem>> -> memref<34x128xf32, #tpu.memory_space<vmem>>
      %dma_wait3A_535 = arith.constant 0 : i32
      %dma_wait3A_536 = tpu.memref_slice %arg5[%add3A_505, %dma_wait3A_535] : memref<128x34xi32, #tpu.memory_space<vmem>> -> memref<1x34xi32, #tpu.memory_space<vmem>>
      %dma_wait3A_537 = tpu.memref_squeeze %dma_wait3A_536 : memref<1x34xi32, #tpu.memory_space<vmem>> -> memref<34xi32, #tpu.memory_space<vmem>>
      %dma_wait3A_538 = arith.constant 0 : i32
      %dma_wait3A_539 = arith.constant 0 : i32
      %dma_wait3A_540 = tpu.memref_slice %arg6[%dma_wait3A_538, %dma_wait3A_539] : memref<30x128xf32, #tpu.memory_space<vmem_shared>> -> memref<30x128xf32, #tpu.memory_space<vmem_shared>>
      tpu.wait_indirect_dma semaphore(%arg22 : memref<!tpu.dma_semaphore, #tpu.memory_space<semaphore_mem>>) src(%dma_wait3A_540 : memref<30x128xf32, #tpu.memory_space<vmem_shared>>) dst(%dma_wait3A_534 : memref<34x128xf32, #tpu.memory_space<vmem>>)
      %dma_wait3A_541 = arith.constant 1 : i32
      %dma_wait3A_542 = arith.constant 0 : i32
      %dma_wait3A_543 = arith.constant 0 : i32
      %dma_wait3A_544 = tpu.memref_slice %arg14[%dma_wait3A_541, %dma_wait3A_542, %dma_wait3A_543] : memref<2x34x128xf32, #tpu.memory_space<vmem>> -> memref<1x34x128xf32, #tpu.memory_space<vmem>>
      %dma_wait3A_545 = tpu.memref_squeeze %dma_wait3A_544 : memref<1x34x128xf32, #tpu.memory_space<vmem>> -> memref<34x128xf32, #tpu.memory_space<vmem>>
      %dma_wait3A_546 = arith.constant 0 : i32
      %dma_wait3A_547 = tpu.memref_slice %arg5[%add3A_518, %dma_wait3A_546] : memref<128x34xi32, #tpu.memory_space<vmem>> -> memref<1x34xi32, #tpu.memory_space<vmem>>
      %dma_wait3A_548 = tpu.memref_squeeze %dma_wait3A_547 : memref<1x34xi32, #tpu.memory_space<vmem>> -> memref<34xi32, #tpu.memory_space<vmem>>
      %dma_wait3A_549 = arith.constant 0 : i32
      %dma_wait3A_550 = arith.constant 0 : i32
      %dma_wait3A_551 = tpu.memref_slice %arg6[%dma_wait3A_549, %dma_wait3A_550] : memref<30x128xf32, #tpu.memory_space<vmem_shared>> -> memref<30x128xf32, #tpu.memory_space<vmem_shared>>
      tpu.wait_indirect_dma semaphore(%arg22 : memref<!tpu.dma_semaphore, #tpu.memory_space<semaphore_mem>>) src(%dma_wait3A_551 : memref<30x128xf32, #tpu.memory_space<vmem_shared>>) dst(%dma_wait3A_545 : memref<34x128xf32, #tpu.memory_space<vmem>>)
      %add3A_552 = arith.addi %mul3A_2, %mul3A_503 : i32
      %dma_start3A_553 = arith.constant 0 : i32
      %dma_start3A_554 = arith.constant 0 : i32
      %dma_start3A_555 = tpu.memref_slice %arg4[%add3A_552, %dma_start3A_553, %dma_start3A_554] : memref<4096x34x128xf32, #tpu.memory_space<hbm>> -> memref<2x34x128xf32, #tpu.memory_space<hbm>>
      %dma_start3A_556 = arith.constant 0 : i32
      %dma_start3A_557 = arith.constant 0 : i32
      %dma_start3A_558 = tpu.memref_slice %arg4[%add3A_552, %dma_start3A_556, %dma_start3A_557] : memref<4096x34x128xf32, #tpu.memory_space<hbm>> -> memref<2x34x128xf32, #tpu.memory_space<hbm>>
      tpu.enqueue_dma source(%arg14 : memref<2x34x128xf32, #tpu.memory_space<vmem>>) target(%dma_start3A_558 : memref<2x34x128xf32, #tpu.memory_space<hbm>>) target_semaphore(%arg30 : memref<!tpu.dma_semaphore, #tpu.memory_space<semaphore_mem>>)
    }
    %scan3A_9 = arith.constant 8 : i32
    %dma_wait3A = arith.constant 0 : i32
    %dma_wait3A_10 = arith.constant 0 : i32
    %dma_wait3A_11 = tpu.memref_slice %arg4[%mul3A_2, %dma_wait3A, %dma_wait3A_10] : memref<4096x34x128xf32, #tpu.memory_space<hbm>> -> memref<2x34x128xf32, #tpu.memory_space<hbm>>
    %dma_wait3A_12 = arith.constant 0 : i32
    %dma_wait3A_13 = arith.constant 0 : i32
    %dma_wait3A_14 = tpu.memref_slice %arg4[%mul3A_2, %dma_wait3A_12, %dma_wait3A_13] : memref<4096x34x128xf32, #tpu.memory_space<hbm>> -> memref<2x34x128xf32, #tpu.memory_space<hbm>>
    tpu.wait_dma2 semaphore(%arg23 : memref<!tpu.dma_semaphore, #tpu.memory_space<semaphore_mem>>) src(%arg7 : memref<2x34x128xf32, #tpu.memory_space<vmem>>) dst(%dma_wait3A_14 : memref<2x34x128xf32, #tpu.memory_space<hbm>>)
    %dma_wait3A_15 = arith.constant 0 : i32
    %dma_wait3A_16 = arith.constant 0 : i32
    %dma_wait3A_17 = tpu.memref_slice %arg4[%mul3A_2, %dma_wait3A_15, %dma_wait3A_16] : memref<4096x34x128xf32, #tpu.memory_space<hbm>> -> memref<2x34x128xf32, #tpu.memory_space<hbm>>
    %dma_wait3A_18 = arith.constant 0 : i32
    %dma_wait3A_19 = arith.constant 0 : i32
    %dma_wait3A_20 = tpu.memref_slice %arg4[%mul3A_2, %dma_wait3A_18, %dma_wait3A_19] : memref<4096x34x128xf32, #tpu.memory_space<hbm>> -> memref<2x34x128xf32, #tpu.memory_space<hbm>>
    tpu.wait_dma2 semaphore(%arg24 : memref<!tpu.dma_semaphore, #tpu.memory_space<semaphore_mem>>) src(%arg8 : memref<2x34x128xf32, #tpu.memory_space<vmem>>) dst(%dma_wait3A_20 : memref<2x34x128xf32, #tpu.memory_space<hbm>>)
    %dma_wait3A_21 = arith.constant 0 : i32
    %dma_wait3A_22 = arith.constant 0 : i32
    %dma_wait3A_23 = tpu.memref_slice %arg4[%mul3A_2, %dma_wait3A_21, %dma_wait3A_22] : memref<4096x34x128xf32, #tpu.memory_space<hbm>> -> memref<2x34x128xf32, #tpu.memory_space<hbm>>
    %dma_wait3A_24 = arith.constant 0 : i32
    %dma_wait3A_25 = arith.constant 0 : i32
    %dma_wait3A_26 = tpu.memref_slice %arg4[%mul3A_2, %dma_wait3A_24, %dma_wait3A_25] : memref<4096x34x128xf32, #tpu.memory_space<hbm>> -> memref<2x34x128xf32, #tpu.memory_space<hbm>>
    tpu.wait_dma2 semaphore(%arg25 : memref<!tpu.dma_semaphore, #tpu.memory_space<semaphore_mem>>) src(%arg9 : memref<2x34x128xf32, #tpu.memory_space<vmem>>) dst(%dma_wait3A_26 : memref<2x34x128xf32, #tpu.memory_space<hbm>>)
    %dma_wait3A_27 = arith.constant 0 : i32
    %dma_wait3A_28 = arith.constant 0 : i32
    %dma_wait3A_29 = tpu.memref_slice %arg4[%mul3A_2, %dma_wait3A_27, %dma_wait3A_28] : memref<4096x34x128xf32, #tpu.memory_space<hbm>> -> memref<2x34x128xf32, #tpu.memory_space<hbm>>
    %dma_wait3A_30 = arith.constant 0 : i32
    %dma_wait3A_31 = arith.constant 0 : i32
    %dma_wait3A_32 = tpu.memref_slice %arg4[%mul3A_2, %dma_wait3A_30, %dma_wait3A_31] : memref<4096x34x128xf32, #tpu.memory_space<hbm>> -> memref<2x34x128xf32, #tpu.memory_space<hbm>>
    tpu.wait_dma2 semaphore(%arg26 : memref<!tpu.dma_semaphore, #tpu.memory_space<semaphore_mem>>) src(%arg10 : memref<2x34x128xf32, #tpu.memory_space<vmem>>) dst(%dma_wait3A_32 : memref<2x34x128xf32, #tpu.memory_space<hbm>>)
    %dma_wait3A_33 = arith.constant 0 : i32
    %dma_wait3A_34 = arith.constant 0 : i32
    %dma_wait3A_35 = tpu.memref_slice %arg4[%mul3A_2, %dma_wait3A_33, %dma_wait3A_34] : memref<4096x34x128xf32, #tpu.memory_space<hbm>> -> memref<2x34x128xf32, #tpu.memory_space<hbm>>
    %dma_wait3A_36 = arith.constant 0 : i32
    %dma_wait3A_37 = arith.constant 0 : i32
    %dma_wait3A_38 = tpu.memref_slice %arg4[%mul3A_2, %dma_wait3A_36, %dma_wait3A_37] : memref<4096x34x128xf32, #tpu.memory_space<hbm>> -> memref<2x34x128xf32, #tpu.memory_space<hbm>>
    tpu.wait_dma2 semaphore(%arg27 : memref<!tpu.dma_semaphore, #tpu.memory_space<semaphore_mem>>) src(%arg11 : memref<2x34x128xf32, #tpu.memory_space<vmem>>) dst(%dma_wait3A_38 : memref<2x34x128xf32, #tpu.memory_space<hbm>>)
    %dma_wait3A_39 = arith.constant 0 : i32
    %dma_wait3A_40 = arith.constant 0 : i32
    %dma_wait3A_41 = tpu.memref_slice %arg4[%mul3A_2, %dma_wait3A_39, %dma_wait3A_40] : memref<4096x34x128xf32, #tpu.memory_space<hbm>> -> memref<2x34x128xf32, #tpu.memory_space<hbm>>
    %dma_wait3A_42 = arith.constant 0 : i32
    %dma_wait3A_43 = arith.constant 0 : i32
    %dma_wait3A_44 = tpu.memref_slice %arg4[%mul3A_2, %dma_wait3A_42, %dma_wait3A_43] : memref<4096x34x128xf32, #tpu.memory_space<hbm>> -> memref<2x34x128xf32, #tpu.memory_space<hbm>>
    tpu.wait_dma2 semaphore(%arg28 : memref<!tpu.dma_semaphore, #tpu.memory_space<semaphore_mem>>) src(%arg12 : memref<2x34x128xf32, #tpu.memory_space<vmem>>) dst(%dma_wait3A_44 : memref<2x34x128xf32, #tpu.memory_space<hbm>>)
    %dma_wait3A_45 = arith.constant 0 : i32
    %dma_wait3A_46 = arith.constant 0 : i32
    %dma_wait3A_47 = tpu.memref_slice %arg4[%mul3A_2, %dma_wait3A_45, %dma_wait3A_46] : memref<4096x34x128xf32, #tpu.memory_space<hbm>> -> memref<2x34x128xf32, #tpu.memory_space<hbm>>
    %dma_wait3A_48 = arith.constant 0 : i32
    %dma_wait3A_49 = arith.constant 0 : i32
    %dma_wait3A_50 = tpu.memref_slice %arg4[%mul3A_2, %dma_wait3A_48, %dma_wait3A_49] : memref<4096x34x128xf32, #tpu.memory_space<hbm>> -> memref<2x34x128xf32, #tpu.memory_space<hbm>>
    tpu.wait_dma2 semaphore(%arg29 : memref<!tpu.dma_semaphore, #tpu.memory_space<semaphore_mem>>) src(%arg13 : memref<2x34x128xf32, #tpu.memory_space<vmem>>) dst(%dma_wait3A_50 : memref<2x34x128xf32, #tpu.memory_space<hbm>>)
    %dma_wait3A_51 = arith.constant 0 : i32
    %dma_wait3A_52 = arith.constant 0 : i32
    %dma_wait3A_53 = tpu.memref_slice %arg4[%mul3A_2, %dma_wait3A_51, %dma_wait3A_52] : memref<4096x34x128xf32, #tpu.memory_space<hbm>> -> memref<2x34x128xf32, #tpu.memory_space<hbm>>
    %dma_wait3A_54 = arith.constant 0 : i32
    %dma_wait3A_55 = arith.constant 0 : i32
    %dma_wait3A_56 = tpu.memref_slice %arg4[%mul3A_2, %dma_wait3A_54, %dma_wait3A_55] : memref<4096x34x128xf32, #tpu.memory_space<hbm>> -> memref<2x34x128xf32, #tpu.memory_space<hbm>>
    tpu.wait_dma2 semaphore(%arg30 : memref<!tpu.dma_semaphore, #tpu.memory_space<semaphore_mem>>) src(%arg14 : memref<2x34x128xf32, #tpu.memory_space<vmem>>) dst(%dma_wait3A_56 : memref<2x34x128xf32, #tpu.memory_space<hbm>>)
    return
  }
}

#map = affine_map<(d0, d1) -> (0, 0)>
#map1 = affine_map<(d0, d1) -> (0, 0, 0)>
#map2 = affine_map<(d0, d1) -> (0)>
module attributes {stable_mosaic.version = 14 : i64} {
  func.func @_pep_lookup(%arg0: i32, %arg1: i32, %arg2: memref<4096x21xi32, #tpu.memory_space<hbm>>, %arg3: memref<30x128xf32, #tpu.memory_space<hbm>>, %arg4: memref<4096x21x128xf32, #tpu.memory_space<hbm>>, %arg5: memref<61440xi32, #tpu.memory_space<hbm>>, %arg6: memref<128x21xi32, #tpu.memory_space<vmem>>, %arg7: memref<1936xi32, #tpu.memory_space<vmem>>, %arg8: memref<30x128xf32, #tpu.memory_space<vmem_shared>>, %arg9: memref<4x21x128xf32, #tpu.memory_space<vmem>>, %arg10: memref<4x21x128xf32, #tpu.memory_space<vmem>>, %arg11: memref<4x21x128xf32, #tpu.memory_space<vmem>>, %arg12: memref<4x21x128xf32, #tpu.memory_space<vmem>>, %arg13: memref<4x21x128xf32, #tpu.memory_space<vmem>>, %arg14: memref<4x21x128xf32, #tpu.memory_space<vmem>>, %arg15: memref<4x21x128xf32, #tpu.memory_space<vmem>>, %arg16: memref<4x21x128xf32, #tpu.memory_space<vmem>>, %arg17: memref<!tpu.dma_semaphore, #tpu.memory_space<semaphore_mem>>, %arg18: memref<!tpu.dma_semaphore, #tpu.memory_space<semaphore_mem>>, %arg19: memref<!tpu.dma_semaphore, #tpu.memory_space<semaphore_mem>>, %arg20: memref<!tpu.dma_semaphore, #tpu.memory_space<semaphore_mem>>, %arg21: memref<!tpu.dma_semaphore, #tpu.memory_space<semaphore_mem>>, %arg22: memref<!tpu.dma_semaphore, #tpu.memory_space<semaphore_mem>>, %arg23: memref<!tpu.dma_semaphore, #tpu.memory_space<semaphore_mem>>, %arg24: memref<!tpu.dma_semaphore, #tpu.memory_space<semaphore_mem>>, %arg25: memref<!tpu.dma_semaphore, #tpu.memory_space<semaphore_mem>>, %arg26: memref<!tpu.dma_semaphore, #tpu.memory_space<semaphore_mem>>, %arg27: memref<!tpu.dma_semaphore, #tpu.memory_space<semaphore_mem>>, %arg28: memref<!tpu.dma_semaphore, #tpu.memory_space<semaphore_mem>>, %arg29: memref<!tpu.dma_semaphore, #tpu.memory_space<semaphore_mem>>, %arg30: memref<!tpu.dma_semaphore, #tpu.memory_space<semaphore_mem>>, %arg31: memref<!tpu.dma_semaphore, #tpu.memory_space<semaphore_mem>>, %arg32: memref<!tpu.dma_semaphore, #tpu.memory_space<semaphore_mem>>, %arg33: memref<!tpu.dma_semaphore, #tpu.memory_space<semaphore_mem>>) attributes {dimension_semantics = [#tpu.dimension_semantics<core_parallel>, #tpu.dimension_semantics<subcore_parallel>], iteration_bounds = array<i64: 2, 16>, scalar_prefetch = 0 : i64, scratch_operands = 28 : i64, tpu.core_type = #tpu.core_type<sc_vector_subcore>, window_params = [{transform_indices = #map}, {transform_indices = #map}, {transform_indices = #map1}, {transform_indices = #map2}]} {
    %mul3A = arith.constant 2 : i32
    %mul3A_0 = arith.muli %arg1, %mul3A : i32
    %add3A = arith.addi %mul3A_0, %arg0 : i32
    %mul3A_1 = arith.constant 128 : i32
    %mul3A_2 = arith.muli %add3A, %mul3A_1 : i32
    "tpu.region"() ({
      %run_scoped3A = tpu.sem_alloc : memref<!tpu.dma_semaphore, #tpu.memory_space<semaphore_mem>>
      %dma_start3A_76 = arith.constant 0 : i32
      %dma_start3A_77 = tpu.memref_slice %arg2[%mul3A_2, %dma_start3A_76] : memref<4096x21xi32, #tpu.memory_space<hbm>> -> memref<128x21xi32, #tpu.memory_space<hbm>>
      %dma_start3A_78 = arith.constant 0 : i32
      %dma_start3A_79 = tpu.memref_slice %arg2[%mul3A_2, %dma_start3A_78] : memref<4096x21xi32, #tpu.memory_space<hbm>> -> memref<128x21xi32, #tpu.memory_space<hbm>>
      tpu.enqueue_dma source(%dma_start3A_79 : memref<128x21xi32, #tpu.memory_space<hbm>>) target(%arg6 : memref<128x21xi32, #tpu.memory_space<vmem>>) target_semaphore(%run_scoped3A : memref<!tpu.dma_semaphore, #tpu.memory_space<semaphore_mem>>)
      %dma_wait3A_80 = arith.constant 0 : i32
      %dma_wait3A_81 = tpu.memref_slice %arg2[%mul3A_2, %dma_wait3A_80] : memref<4096x21xi32, #tpu.memory_space<hbm>> -> memref<128x21xi32, #tpu.memory_space<hbm>>
      %dma_wait3A_82 = arith.constant 0 : i32
      %dma_wait3A_83 = tpu.memref_slice %arg2[%mul3A_2, %dma_wait3A_82] : memref<4096x21xi32, #tpu.memory_space<hbm>> -> memref<128x21xi32, #tpu.memory_space<hbm>>
      tpu.wait_dma2 semaphore(%run_scoped3A : memref<!tpu.dma_semaphore, #tpu.memory_space<semaphore_mem>>) src(%dma_wait3A_83 : memref<128x21xi32, #tpu.memory_space<hbm>>) dst(%arg6 : memref<128x21xi32, #tpu.memory_space<vmem>>)
      tpu.yield
    }) : () -> ()
    %eq3A = arith.constant 0 : i32
    %eq3A_3 = arith.cmpi eq, %arg1, %eq3A : i32
    %convert_element_type3A = arith.extui %eq3A_3 : i1 to i32
    %cond3A = arith.constant 0 : i32
    %cond3A_4 = arith.cmpi ne, %convert_element_type3A, %cond3A : i32
    scf.if %cond3A_4 {
      "tpu.region"() ({
        %run_scoped3A = tpu.sem_alloc : memref<!tpu.dma_semaphore, #tpu.memory_space<semaphore_mem>>
        tpu.enqueue_dma source(%arg3 : memref<30x128xf32, #tpu.memory_space<hbm>>) target(%arg8 : memref<30x128xf32, #tpu.memory_space<vmem_shared>>) target_semaphore(%run_scoped3A : memref<!tpu.dma_semaphore, #tpu.memory_space<semaphore_mem>>)
        tpu.wait_dma2 semaphore(%run_scoped3A : memref<!tpu.dma_semaphore, #tpu.memory_space<semaphore_mem>>) src(%arg3 : memref<30x128xf32, #tpu.memory_space<hbm>>) dst(%arg8 : memref<30x128xf32, #tpu.memory_space<vmem_shared>>)
        tpu.yield
      }) : () -> ()
    } else {
    }
    %barrier3A = arith.constant 0 : index
    tpu.barrier barrier_id(%barrier3A)
    %scan3A = arith.constant 0 : i32
    %scan3A_5 = arith.constant 0 : i32
    %scan3A_6 = arith.constant 128 : i32
    %scan3A_7 = arith.addi %scan3A_5, %scan3A_6 : i32
    %scan3A_8 = arith.constant 1 : i32
    scf.for %scan3A_76 = %scan3A_5 to %scan3A_7 step %scan3A_8  : i32 {
      %get3A = arith.index_cast %scan3A_76 : i32 to index
      %get3A_77 = arith.constant 3 : index
      %get3A_78 = tpu.vector_load %arg6[%get3A, %get3A_77] {strides = array<i32>} : memref<128x21xi32, #tpu.memory_space<vmem>>, vector<1x16xi32>,
      %get3A_79 = vector.shape_cast %get3A_78 : vector<1x16xi32> to vector<16xi32>
      %broadcast_in_dim3A = arith.constant 0 : i32
      %broadcast_in_dim3A_80 = vector.broadcast %broadcast_in_dim3A : i32 to vector<16xi32>
      %ne3A = arith.cmpi ne, %get3A_79, %broadcast_in_dim3A_80 : vector<16xi32>
      %broadcast_in_dim3A_81 = arith.constant 1 : i32
      %broadcast_in_dim3A_82 = vector.broadcast %broadcast_in_dim3A_81 : i32 to vector<16xi32>
      %broadcast_in_dim3A_83 = arith.constant 0 : i32
      %broadcast_in_dim3A_84 = vector.broadcast %broadcast_in_dim3A_83 : i32 to vector<16xi32>
      %select_n3A = arith.select %ne3A, %broadcast_in_dim3A_82, %broadcast_in_dim3A_84 : vector<16xi1>, vector<16xi32>
      %mul3A_85 = arith.constant 15 : i32
      %mul3A_86 = arith.muli %scan3A_76, %mul3A_85 : i32
      %swap3A = arith.index_cast %mul3A_86 : i32 to index
      %swap3A_87 = tpu.vector_load %arg7[%swap3A] {strides = array<i32>} : memref<1936xi32, #tpu.memory_space<vmem>>, vector<16xi32>,
      %swap3A_88 = vector.shape_cast %swap3A_87 : vector<16xi32> to vector<16xi32>
      %swap3A_89 = vector.shape_cast %select_n3A : vector<16xi32> to vector<16xi32>
      tpu.vector_store %arg7[%swap3A], %swap3A_89 {strides = array<i32>} : memref<1936xi32, #tpu.memory_space<vmem>>, vector<16xi32>,
    }
    %scan3A_9 = arith.constant 128 : i32
    %mul3A_10 = arith.constant 1920 : i32
    %mul3A_11 = arith.muli %add3A, %mul3A_10 : i32
    %dma_start3A = arith.constant 0 : i32
    %dma_start3A_12 = tpu.memref_slice %arg7[%dma_start3A] : memref<1936xi32, #tpu.memory_space<vmem>> -> memref<1920xi32, #tpu.memory_space<vmem>>
    %dma_start3A_13 = tpu.memref_slice %arg5[%mul3A_11] : memref<61440xi32, #tpu.memory_space<hbm>> -> memref<1920xi32, #tpu.memory_space<hbm>>
    %dma_start3A_14 = tpu.memref_slice %arg5[%mul3A_11] : memref<61440xi32, #tpu.memory_space<hbm>> -> memref<1920xi32, #tpu.memory_space<hbm>>
    %dma_start3A_15 = arith.constant 0 : i32
    %dma_start3A_16 = tpu.memref_slice %arg7[%dma_start3A_15] : memref<1936xi32, #tpu.memory_space<vmem>> -> memref<1920xi32, #tpu.memory_space<vmem>>
    tpu.enqueue_dma source(%dma_start3A_16 : memref<1920xi32, #tpu.memory_space<vmem>>) target(%dma_start3A_14 : memref<1920xi32, #tpu.memory_space<hbm>>) target_semaphore(%arg33 : memref<!tpu.dma_semaphore, #tpu.memory_space<semaphore_mem>>)
    %scan3A_17 = arith.constant 0 : i32
    %scan3A_18 = arith.constant 0 : i32
    %scan3A_19 = arith.constant 4 : i32
    %scan3A_20 = arith.addi %scan3A_18, %scan3A_19 : i32
    %scan3A_21 = arith.constant 1 : i32
    scf.for %scan3A_76 = %scan3A_18 to %scan3A_20 step %scan3A_21  : i32 {
      %gt3A = arith.constant 0 : i32
      %gt3A_77 = arith.cmpi sgt, %scan3A_76, %gt3A : i32
      %convert_element_type3A_78 = arith.extui %gt3A_77 : i1 to i32
      %cond3A_79 = arith.constant 0 : i32
      %cond3A_80 = arith.cmpi ne, %convert_element_type3A_78, %cond3A_79 : i32
      scf.if %cond3A_80 {
        %dma_wait3A_963 = arith.constant 0 : i32
        %dma_wait3A_964 = arith.constant 0 : i32
        %dma_wait3A_965 = tpu.memref_slice %arg4[%mul3A_2, %dma_wait3A_963, %dma_wait3A_964] : memref<4096x21x128xf32, #tpu.memory_space<hbm>> -> memref<4x21x128xf32, #tpu.memory_space<hbm>>
        %dma_wait3A_966 = arith.constant 0 : i32
        %dma_wait3A_967 = arith.constant 0 : i32
        %dma_wait3A_968 = tpu.memref_slice %arg4[%mul3A_2, %dma_wait3A_966, %dma_wait3A_967] : memref<4096x21x128xf32, #tpu.memory_space<hbm>> -> memref<4x21x128xf32, #tpu.memory_space<hbm>>
        tpu.wait_dma2 semaphore(%arg25 : memref<!tpu.dma_semaphore, #tpu.memory_space<semaphore_mem>>) src(%arg9 : memref<4x21x128xf32, #tpu.memory_space<vmem>>) dst(%dma_wait3A_968 : memref<4x21x128xf32, #tpu.memory_space<hbm>>)
        %dma_wait3A_969 = arith.constant 0 : i32
        %dma_wait3A_970 = arith.constant 0 : i32
        %dma_wait3A_971 = tpu.memref_slice %arg4[%mul3A_2, %dma_wait3A_969, %dma_wait3A_970] : memref<4096x21x128xf32, #tpu.memory_space<hbm>> -> memref<4x21x128xf32, #tpu.memory_space<hbm>>
        %dma_wait3A_972 = arith.constant 0 : i32
        %dma_wait3A_973 = arith.constant 0 : i32
        %dma_wait3A_974 = tpu.memref_slice %arg4[%mul3A_2, %dma_wait3A_972, %dma_wait3A_973] : memref<4096x21x128xf32, #tpu.memory_space<hbm>> -> memref<4x21x128xf32, #tpu.memory_space<hbm>>
        tpu.wait_dma2 semaphore(%arg26 : memref<!tpu.dma_semaphore, #tpu.memory_space<semaphore_mem>>) src(%arg10 : memref<4x21x128xf32, #tpu.memory_space<vmem>>) dst(%dma_wait3A_974 : memref<4x21x128xf32, #tpu.memory_space<hbm>>)
        %dma_wait3A_975 = arith.constant 0 : i32
        %dma_wait3A_976 = arith.constant 0 : i32
        %dma_wait3A_977 = tpu.memref_slice %arg4[%mul3A_2, %dma_wait3A_975, %dma_wait3A_976] : memref<4096x21x128xf32, #tpu.memory_space<hbm>> -> memref<4x21x128xf32, #tpu.memory_space<hbm>>
        %dma_wait3A_978 = arith.constant 0 : i32
        %dma_wait3A_979 = arith.constant 0 : i32
        %dma_wait3A_980 = tpu.memref_slice %arg4[%mul3A_2, %dma_wait3A_978, %dma_wait3A_979] : memref<4096x21x128xf32, #tpu.memory_space<hbm>> -> memref<4x21x128xf32, #tpu.memory_space<hbm>>
        tpu.wait_dma2 semaphore(%arg27 : memref<!tpu.dma_semaphore, #tpu.memory_space<semaphore_mem>>) src(%arg11 : memref<4x21x128xf32, #tpu.memory_space<vmem>>) dst(%dma_wait3A_980 : memref<4x21x128xf32, #tpu.memory_space<hbm>>)
        %dma_wait3A_981 = arith.constant 0 : i32
        %dma_wait3A_982 = arith.constant 0 : i32
        %dma_wait3A_983 = tpu.memref_slice %arg4[%mul3A_2, %dma_wait3A_981, %dma_wait3A_982] : memref<4096x21x128xf32, #tpu.memory_space<hbm>> -> memref<4x21x128xf32, #tpu.memory_space<hbm>>
        %dma_wait3A_984 = arith.constant 0 : i32
        %dma_wait3A_985 = arith.constant 0 : i32
        %dma_wait3A_986 = tpu.memref_slice %arg4[%mul3A_2, %dma_wait3A_984, %dma_wait3A_985] : memref<4096x21x128xf32, #tpu.memory_space<hbm>> -> memref<4x21x128xf32, #tpu.memory_space<hbm>>
        tpu.wait_dma2 semaphore(%arg28 : memref<!tpu.dma_semaphore, #tpu.memory_space<semaphore_mem>>) src(%arg12 : memref<4x21x128xf32, #tpu.memory_space<vmem>>) dst(%dma_wait3A_986 : memref<4x21x128xf32, #tpu.memory_space<hbm>>)
      } else {
      }
      %mul3A_81 = arith.constant 8 : i32
      %mul3A_82 = arith.muli %scan3A_76, %mul3A_81 : i32
      %add3A_83 = arith.constant 0 : i32
      %add3A_84 = arith.addi %mul3A_82, %add3A_83 : i32
      %sub3A = arith.constant 0 : i32
      %sub3A_85 = arith.subi %add3A_84, %sub3A : i32
      %mul3A_86 = arith.constant 4 : i32
      %mul3A_87 = arith.muli %sub3A_85, %mul3A_86 : i32
      %add3A_88 = arith.constant 0 : i32
      %add3A_89 = arith.addi %mul3A_87, %add3A_88 : i32
      %dma_start3A_90 = arith.constant 0 : i32
      %dma_start3A_91 = arith.constant 0 : i32
      %dma_start3A_92 = arith.constant 0 : i32
      %dma_start3A_93 = tpu.memref_slice %arg9[%dma_start3A_90, %dma_start3A_91, %dma_start3A_92] : memref<4x21x128xf32, #tpu.memory_space<vmem>> -> memref<1x21x128xf32, #tpu.memory_space<vmem>>
      %dma_start3A_94 = tpu.memref_squeeze %dma_start3A_93 : memref<1x21x128xf32, #tpu.memory_space<vmem>> -> memref<21x128xf32, #tpu.memory_space<vmem>>
      %dma_start3A_95 = arith.constant 0 : i32
      %dma_start3A_96 = tpu.memref_slice %arg6[%add3A_89, %dma_start3A_95] : memref<128x21xi32, #tpu.memory_space<vmem>> -> memref<1x21xi32, #tpu.memory_space<vmem>>
      %dma_start3A_97 = tpu.memref_squeeze %dma_start3A_96 : memref<1x21xi32, #tpu.memory_space<vmem>> -> memref<21xi32, #tpu.memory_space<vmem>>
      %dma_start3A_98 = arith.constant 0 : i32
      %dma_start3A_99 = arith.constant 0 : i32
      %dma_start3A_100 = tpu.memref_slice %arg8[%dma_start3A_98, %dma_start3A_99] : memref<30x128xf32, #tpu.memory_space<vmem_shared>> -> memref<30x128xf32, #tpu.memory_space<vmem_shared>>
      tpu.enqueue_indirect_dma source(%dma_start3A_100 : memref<30x128xf32, #tpu.memory_space<vmem_shared>>) target(%dma_start3A_94 : memref<21x128xf32, #tpu.memory_space<vmem>>) offsets(%dma_start3A_97 : memref<21xi32, #tpu.memory_space<vmem>>) semaphore(%arg17 : memref<!tpu.dma_semaphore, #tpu.memory_space<semaphore_mem>>)
      %add3A_101 = arith.constant 1 : i32
      %add3A_102 = arith.addi %mul3A_87, %add3A_101 : i32
      %dma_start3A_103 = arith.constant 1 : i32
      %dma_start3A_104 = arith.constant 0 : i32
      %dma_start3A_105 = arith.constant 0 : i32
      %dma_start3A_106 = tpu.memref_slice %arg9[%dma_start3A_103, %dma_start3A_104, %dma_start3A_105] : memref<4x21x128xf32, #tpu.memory_space<vmem>> -> memref<1x21x128xf32, #tpu.memory_space<vmem>>
      %dma_start3A_107 = tpu.memref_squeeze %dma_start3A_106 : memref<1x21x128xf32, #tpu.memory_space<vmem>> -> memref<21x128xf32, #tpu.memory_space<vmem>>
      %dma_start3A_108 = arith.constant 0 : i32
      %dma_start3A_109 = tpu.memref_slice %arg6[%add3A_102, %dma_start3A_108] : memref<128x21xi32, #tpu.memory_space<vmem>> -> memref<1x21xi32, #tpu.memory_space<vmem>>
      %dma_start3A_110 = tpu.memref_squeeze %dma_start3A_109 : memref<1x21xi32, #tpu.memory_space<vmem>> -> memref<21xi32, #tpu.memory_space<vmem>>
      %dma_start3A_111 = arith.constant 0 : i32
      %dma_start3A_112 = arith.constant 0 : i32
      %dma_start3A_113 = tpu.memref_slice %arg8[%dma_start3A_111, %dma_start3A_112] : memref<30x128xf32, #tpu.memory_space<vmem_shared>> -> memref<30x128xf32, #tpu.memory_space<vmem_shared>>
      tpu.enqueue_indirect_dma source(%dma_start3A_113 : memref<30x128xf32, #tpu.memory_space<vmem_shared>>) target(%dma_start3A_107 : memref<21x128xf32, #tpu.memory_space<vmem>>) offsets(%dma_start3A_110 : memref<21xi32, #tpu.memory_space<vmem>>) semaphore(%arg17 : memref<!tpu.dma_semaphore, #tpu.memory_space<semaphore_mem>>)
      %add3A_114 = arith.constant 2 : i32
      %add3A_115 = arith.addi %mul3A_87, %add3A_114 : i32
      %dma_start3A_116 = arith.constant 2 : i32
      %dma_start3A_117 = arith.constant 0 : i32
      %dma_start3A_118 = arith.constant 0 : i32
      %dma_start3A_119 = tpu.memref_slice %arg9[%dma_start3A_116, %dma_start3A_117, %dma_start3A_118] : memref<4x21x128xf32, #tpu.memory_space<vmem>> -> memref<1x21x128xf32, #tpu.memory_space<vmem>>
      %dma_start3A_120 = tpu.memref_squeeze %dma_start3A_119 : memref<1x21x128xf32, #tpu.memory_space<vmem>> -> memref<21x128xf32, #tpu.memory_space<vmem>>
      %dma_start3A_121 = arith.constant 0 : i32
      %dma_start3A_122 = tpu.memref_slice %arg6[%add3A_115, %dma_start3A_121] : memref<128x21xi32, #tpu.memory_space<vmem>> -> memref<1x21xi32, #tpu.memory_space<vmem>>
      %dma_start3A_123 = tpu.memref_squeeze %dma_start3A_122 : memref<1x21xi32, #tpu.memory_space<vmem>> -> memref<21xi32, #tpu.memory_space<vmem>>
      %dma_start3A_124 = arith.constant 0 : i32
      %dma_start3A_125 = arith.constant 0 : i32
      %dma_start3A_126 = tpu.memref_slice %arg8[%dma_start3A_124, %dma_start3A_125] : memref<30x128xf32, #tpu.memory_space<vmem_shared>> -> memref<30x128xf32, #tpu.memory_space<vmem_shared>>
      tpu.enqueue_indirect_dma source(%dma_start3A_126 : memref<30x128xf32, #tpu.memory_space<vmem_shared>>) target(%dma_start3A_120 : memref<21x128xf32, #tpu.memory_space<vmem>>) offsets(%dma_start3A_123 : memref<21xi32, #tpu.memory_space<vmem>>) semaphore(%arg17 : memref<!tpu.dma_semaphore, #tpu.memory_space<semaphore_mem>>)
      %add3A_127 = arith.constant 3 : i32
      %add3A_128 = arith.addi %mul3A_87, %add3A_127 : i32
      %dma_start3A_129 = arith.constant 3 : i32
      %dma_start3A_130 = arith.constant 0 : i32
      %dma_start3A_131 = arith.constant 0 : i32
      %dma_start3A_132 = tpu.memref_slice %arg9[%dma_start3A_129, %dma_start3A_130, %dma_start3A_131] : memref<4x21x128xf32, #tpu.memory_space<vmem>> -> memref<1x21x128xf32, #tpu.memory_space<vmem>>
      %dma_start3A_133 = tpu.memref_squeeze %dma_start3A_132 : memref<1x21x128xf32, #tpu.memory_space<vmem>> -> memref<21x128xf32, #tpu.memory_space<vmem>>
      %dma_start3A_134 = arith.constant 0 : i32
      %dma_start3A_135 = tpu.memref_slice %arg6[%add3A_128, %dma_start3A_134] : memref<128x21xi32, #tpu.memory_space<vmem>> -> memref<1x21xi32, #tpu.memory_space<vmem>>
      %dma_start3A_136 = tpu.memref_squeeze %dma_start3A_135 : memref<1x21xi32, #tpu.memory_space<vmem>> -> memref<21xi32, #tpu.memory_space<vmem>>
      %dma_start3A_137 = arith.constant 0 : i32
      %dma_start3A_138 = arith.constant 0 : i32
      %dma_start3A_139 = tpu.memref_slice %arg8[%dma_start3A_137, %dma_start3A_138] : memref<30x128xf32, #tpu.memory_space<vmem_shared>> -> memref<30x128xf32, #tpu.memory_space<vmem_shared>>
      tpu.enqueue_indirect_dma source(%dma_start3A_139 : memref<30x128xf32, #tpu.memory_space<vmem_shared>>) target(%dma_start3A_133 : memref<21x128xf32, #tpu.memory_space<vmem>>) offsets(%dma_start3A_136 : memref<21xi32, #tpu.memory_space<vmem>>) semaphore(%arg17 : memref<!tpu.dma_semaphore, #tpu.memory_space<semaphore_mem>>)
      %dma_wait3A_140 = arith.constant 0 : i32
      %dma_wait3A_141 = arith.constant 0 : i32
      %dma_wait3A_142 = arith.constant 0 : i32
      %dma_wait3A_143 = tpu.memref_slice %arg9[%dma_wait3A_140, %dma_wait3A_141, %dma_wait3A_142] : memref<4x21x128xf32, #tpu.memory_space<vmem>> -> memref<1x21x128xf32, #tpu.memory_space<vmem>>
      %dma_wait3A_144 = tpu.memref_squeeze %dma_wait3A_143 : memref<1x21x128xf32, #tpu.memory_space<vmem>> -> memref<21x128xf32, #tpu.memory_space<vmem>>
      %dma_wait3A_145 = arith.constant 0 : i32
      %dma_wait3A_146 = tpu.memref_slice %arg6[%add3A_89, %dma_wait3A_145] : memref<128x21xi32, #tpu.memory_space<vmem>> -> memref<1x21xi32, #tpu.memory_space<vmem>>
      %dma_wait3A_147 = tpu.memref_squeeze %dma_wait3A_146 : memref<1x21xi32, #tpu.memory_space<vmem>> -> memref<21xi32, #tpu.memory_space<vmem>>
      %dma_wait3A_148 = arith.constant 0 : i32
      %dma_wait3A_149 = arith.constant 0 : i32
      %dma_wait3A_150 = tpu.memref_slice %arg8[%dma_wait3A_148, %dma_wait3A_149] : memref<30x128xf32, #tpu.memory_space<vmem_shared>> -> memref<30x128xf32, #tpu.memory_space<vmem_shared>>
      tpu.wait_indirect_dma semaphore(%arg17 : memref<!tpu.dma_semaphore, #tpu.memory_space<semaphore_mem>>) src(%dma_wait3A_150 : memref<30x128xf32, #tpu.memory_space<vmem_shared>>) dst(%dma_wait3A_144 : memref<21x128xf32, #tpu.memory_space<vmem>>)
      %dma_wait3A_151 = arith.constant 1 : i32
      %dma_wait3A_152 = arith.constant 0 : i32
      %dma_wait3A_153 = arith.constant 0 : i32
      %dma_wait3A_154 = tpu.memref_slice %arg9[%dma_wait3A_151, %dma_wait3A_152, %dma_wait3A_153] : memref<4x21x128xf32, #tpu.memory_space<vmem>> -> memref<1x21x128xf32, #tpu.memory_space<vmem>>
      %dma_wait3A_155 = tpu.memref_squeeze %dma_wait3A_154 : memref<1x21x128xf32, #tpu.memory_space<vmem>> -> memref<21x128xf32, #tpu.memory_space<vmem>>
      %dma_wait3A_156 = arith.constant 0 : i32
      %dma_wait3A_157 = tpu.memref_slice %arg6[%add3A_102, %dma_wait3A_156] : memref<128x21xi32, #tpu.memory_space<vmem>> -> memref<1x21xi32, #tpu.memory_space<vmem>>
      %dma_wait3A_158 = tpu.memref_squeeze %dma_wait3A_157 : memref<1x21xi32, #tpu.memory_space<vmem>> -> memref<21xi32, #tpu.memory_space<vmem>>
      %dma_wait3A_159 = arith.constant 0 : i32
      %dma_wait3A_160 = arith.constant 0 : i32
      %dma_wait3A_161 = tpu.memref_slice %arg8[%dma_wait3A_159, %dma_wait3A_160] : memref<30x128xf32, #tpu.memory_space<vmem_shared>> -> memref<30x128xf32, #tpu.memory_space<vmem_shared>>
      tpu.wait_indirect_dma semaphore(%arg17 : memref<!tpu.dma_semaphore, #tpu.memory_space<semaphore_mem>>) src(%dma_wait3A_161 : memref<30x128xf32, #tpu.memory_space<vmem_shared>>) dst(%dma_wait3A_155 : memref<21x128xf32, #tpu.memory_space<vmem>>)
      %dma_wait3A_162 = arith.constant 2 : i32
      %dma_wait3A_163 = arith.constant 0 : i32
      %dma_wait3A_164 = arith.constant 0 : i32
      %dma_wait3A_165 = tpu.memref_slice %arg9[%dma_wait3A_162, %dma_wait3A_163, %dma_wait3A_164] : memref<4x21x128xf32, #tpu.memory_space<vmem>> -> memref<1x21x128xf32, #tpu.memory_space<vmem>>
      %dma_wait3A_166 = tpu.memref_squeeze %dma_wait3A_165 : memref<1x21x128xf32, #tpu.memory_space<vmem>> -> memref<21x128xf32, #tpu.memory_space<vmem>>
      %dma_wait3A_167 = arith.constant 0 : i32
      %dma_wait3A_168 = tpu.memref_slice %arg6[%add3A_115, %dma_wait3A_167] : memref<128x21xi32, #tpu.memory_space<vmem>> -> memref<1x21xi32, #tpu.memory_space<vmem>>
      %dma_wait3A_169 = tpu.memref_squeeze %dma_wait3A_168 : memref<1x21xi32, #tpu.memory_space<vmem>> -> memref<21xi32, #tpu.memory_space<vmem>>
      %dma_wait3A_170 = arith.constant 0 : i32
      %dma_wait3A_171 = arith.constant 0 : i32
      %dma_wait3A_172 = tpu.memref_slice %arg8[%dma_wait3A_170, %dma_wait3A_171] : memref<30x128xf32, #tpu.memory_space<vmem_shared>> -> memref<30x128xf32, #tpu.memory_space<vmem_shared>>
      tpu.wait_indirect_dma semaphore(%arg17 : memref<!tpu.dma_semaphore, #tpu.memory_space<semaphore_mem>>) src(%dma_wait3A_172 : memref<30x128xf32, #tpu.memory_space<vmem_shared>>) dst(%dma_wait3A_166 : memref<21x128xf32, #tpu.memory_space<vmem>>)
      %dma_wait3A_173 = arith.constant 3 : i32
      %dma_wait3A_174 = arith.constant 0 : i32
      %dma_wait3A_175 = arith.constant 0 : i32
      %dma_wait3A_176 = tpu.memref_slice %arg9[%dma_wait3A_173, %dma_wait3A_174, %dma_wait3A_175] : memref<4x21x128xf32, #tpu.memory_space<vmem>> -> memref<1x21x128xf32, #tpu.memory_space<vmem>>
      %dma_wait3A_177 = tpu.memref_squeeze %dma_wait3A_176 : memref<1x21x128xf32, #tpu.memory_space<vmem>> -> memref<21x128xf32, #tpu.memory_space<vmem>>
      %dma_wait3A_178 = arith.constant 0 : i32
      %dma_wait3A_179 = tpu.memref_slice %arg6[%add3A_128, %dma_wait3A_178] : memref<128x21xi32, #tpu.memory_space<vmem>> -> memref<1x21xi32, #tpu.memory_space<vmem>>
      %dma_wait3A_180 = tpu.memref_squeeze %dma_wait3A_179 : memref<1x21xi32, #tpu.memory_space<vmem>> -> memref<21xi32, #tpu.memory_space<vmem>>
      %dma_wait3A_181 = arith.constant 0 : i32
      %dma_wait3A_182 = arith.constant 0 : i32
      %dma_wait3A_183 = tpu.memref_slice %arg8[%dma_wait3A_181, %dma_wait3A_182] : memref<30x128xf32, #tpu.memory_space<vmem_shared>> -> memref<30x128xf32, #tpu.memory_space<vmem_shared>>
      tpu.wait_indirect_dma semaphore(%arg17 : memref<!tpu.dma_semaphore, #tpu.memory_space<semaphore_mem>>) src(%dma_wait3A_183 : memref<30x128xf32, #tpu.memory_space<vmem_shared>>) dst(%dma_wait3A_177 : memref<21x128xf32, #tpu.memory_space<vmem>>)
      %add3A_184 = arith.addi %mul3A_2, %mul3A_87 : i32
      %dma_start3A_185 = arith.constant 0 : i32
      %dma_start3A_186 = arith.constant 0 : i32
      %dma_start3A_187 = tpu.memref_slice %arg4[%add3A_184, %dma_start3A_185, %dma_start3A_186] : memref<4096x21x128xf32, #tpu.memory_space<hbm>> -> memref<4x21x128xf32, #tpu.memory_space<hbm>>
      %dma_start3A_188 = arith.constant 0 : i32
      %dma_start3A_189 = arith.constant 0 : i32
      %dma_start3A_190 = tpu.memref_slice %arg4[%add3A_184, %dma_start3A_188, %dma_start3A_189] : memref<4096x21x128xf32, #tpu.memory_space<hbm>> -> memref<4x21x128xf32, #tpu.memory_space<hbm>>
      tpu.enqueue_dma source(%arg9 : memref<4x21x128xf32, #tpu.memory_space<vmem>>) target(%dma_start3A_190 : memref<4x21x128xf32, #tpu.memory_space<hbm>>) target_semaphore(%arg25 : memref<!tpu.dma_semaphore, #tpu.memory_space<semaphore_mem>>)
      %add3A_191 = arith.constant 1 : i32
      %add3A_192 = arith.addi %mul3A_82, %add3A_191 : i32
      %sub3A_193 = arith.constant 0 : i32
      %sub3A_194 = arith.subi %add3A_192, %sub3A_193 : i32
      %mul3A_195 = arith.constant 4 : i32
      %mul3A_196 = arith.muli %sub3A_194, %mul3A_195 : i32
      %add3A_197 = arith.constant 0 : i32
      %add3A_198 = arith.addi %mul3A_196, %add3A_197 : i32
      %dma_start3A_199 = arith.constant 0 : i32
      %dma_start3A_200 = arith.constant 0 : i32
      %dma_start3A_201 = arith.constant 0 : i32
      %dma_start3A_202 = tpu.memref_slice %arg10[%dma_start3A_199, %dma_start3A_200, %dma_start3A_201] : memref<4x21x128xf32, #tpu.memory_space<vmem>> -> memref<1x21x128xf32, #tpu.memory_space<vmem>>
      %dma_start3A_203 = tpu.memref_squeeze %dma_start3A_202 : memref<1x21x128xf32, #tpu.memory_space<vmem>> -> memref<21x128xf32, #tpu.memory_space<vmem>>
      %dma_start3A_204 = arith.constant 0 : i32
      %dma_start3A_205 = tpu.memref_slice %arg6[%add3A_198, %dma_start3A_204] : memref<128x21xi32, #tpu.memory_space<vmem>> -> memref<1x21xi32, #tpu.memory_space<vmem>>
      %dma_start3A_206 = tpu.memref_squeeze %dma_start3A_205 : memref<1x21xi32, #tpu.memory_space<vmem>> -> memref<21xi32, #tpu.memory_space<vmem>>
      %dma_start3A_207 = arith.constant 0 : i32
      %dma_start3A_208 = arith.constant 0 : i32
      %dma_start3A_209 = tpu.memref_slice %arg8[%dma_start3A_207, %dma_start3A_208] : memref<30x128xf32, #tpu.memory_space<vmem_shared>> -> memref<30x128xf32, #tpu.memory_space<vmem_shared>>
      tpu.enqueue_indirect_dma source(%dma_start3A_209 : memref<30x128xf32, #tpu.memory_space<vmem_shared>>) target(%dma_start3A_203 : memref<21x128xf32, #tpu.memory_space<vmem>>) offsets(%dma_start3A_206 : memref<21xi32, #tpu.memory_space<vmem>>) semaphore(%arg18 : memref<!tpu.dma_semaphore, #tpu.memory_space<semaphore_mem>>)
      %add3A_210 = arith.constant 1 : i32
      %add3A_211 = arith.addi %mul3A_196, %add3A_210 : i32
      %dma_start3A_212 = arith.constant 1 : i32
      %dma_start3A_213 = arith.constant 0 : i32
      %dma_start3A_214 = arith.constant 0 : i32
      %dma_start3A_215 = tpu.memref_slice %arg10[%dma_start3A_212, %dma_start3A_213, %dma_start3A_214] : memref<4x21x128xf32, #tpu.memory_space<vmem>> -> memref<1x21x128xf32, #tpu.memory_space<vmem>>
      %dma_start3A_216 = tpu.memref_squeeze %dma_start3A_215 : memref<1x21x128xf32, #tpu.memory_space<vmem>> -> memref<21x128xf32, #tpu.memory_space<vmem>>
      %dma_start3A_217 = arith.constant 0 : i32
      %dma_start3A_218 = tpu.memref_slice %arg6[%add3A_211, %dma_start3A_217] : memref<128x21xi32, #tpu.memory_space<vmem>> -> memref<1x21xi32, #tpu.memory_space<vmem>>
      %dma_start3A_219 = tpu.memref_squeeze %dma_start3A_218 : memref<1x21xi32, #tpu.memory_space<vmem>> -> memref<21xi32, #tpu.memory_space<vmem>>
      %dma_start3A_220 = arith.constant 0 : i32
      %dma_start3A_221 = arith.constant 0 : i32
      %dma_start3A_222 = tpu.memref_slice %arg8[%dma_start3A_220, %dma_start3A_221] : memref<30x128xf32, #tpu.memory_space<vmem_shared>> -> memref<30x128xf32, #tpu.memory_space<vmem_shared>>
      tpu.enqueue_indirect_dma source(%dma_start3A_222 : memref<30x128xf32, #tpu.memory_space<vmem_shared>>) target(%dma_start3A_216 : memref<21x128xf32, #tpu.memory_space<vmem>>) offsets(%dma_start3A_219 : memref<21xi32, #tpu.memory_space<vmem>>) semaphore(%arg18 : memref<!tpu.dma_semaphore, #tpu.memory_space<semaphore_mem>>)
      %add3A_223 = arith.constant 2 : i32
      %add3A_224 = arith.addi %mul3A_196, %add3A_223 : i32
      %dma_start3A_225 = arith.constant 2 : i32
      %dma_start3A_226 = arith.constant 0 : i32
      %dma_start3A_227 = arith.constant 0 : i32
      %dma_start3A_228 = tpu.memref_slice %arg10[%dma_start3A_225, %dma_start3A_226, %dma_start3A_227] : memref<4x21x128xf32, #tpu.memory_space<vmem>> -> memref<1x21x128xf32, #tpu.memory_space<vmem>>
      %dma_start3A_229 = tpu.memref_squeeze %dma_start3A_228 : memref<1x21x128xf32, #tpu.memory_space<vmem>> -> memref<21x128xf32, #tpu.memory_space<vmem>>
      %dma_start3A_230 = arith.constant 0 : i32
      %dma_start3A_231 = tpu.memref_slice %arg6[%add3A_224, %dma_start3A_230] : memref<128x21xi32, #tpu.memory_space<vmem>> -> memref<1x21xi32, #tpu.memory_space<vmem>>
      %dma_start3A_232 = tpu.memref_squeeze %dma_start3A_231 : memref<1x21xi32, #tpu.memory_space<vmem>> -> memref<21xi32, #tpu.memory_space<vmem>>
      %dma_start3A_233 = arith.constant 0 : i32
      %dma_start3A_234 = arith.constant 0 : i32
      %dma_start3A_235 = tpu.memref_slice %arg8[%dma_start3A_233, %dma_start3A_234] : memref<30x128xf32, #tpu.memory_space<vmem_shared>> -> memref<30x128xf32, #tpu.memory_space<vmem_shared>>
      tpu.enqueue_indirect_dma source(%dma_start3A_235 : memref<30x128xf32, #tpu.memory_space<vmem_shared>>) target(%dma_start3A_229 : memref<21x128xf32, #tpu.memory_space<vmem>>) offsets(%dma_start3A_232 : memref<21xi32, #tpu.memory_space<vmem>>) semaphore(%arg18 : memref<!tpu.dma_semaphore, #tpu.memory_space<semaphore_mem>>)
      %add3A_236 = arith.constant 3 : i32
      %add3A_237 = arith.addi %mul3A_196, %add3A_236 : i32
      %dma_start3A_238 = arith.constant 3 : i32
      %dma_start3A_239 = arith.constant 0 : i32
      %dma_start3A_240 = arith.constant 0 : i32
      %dma_start3A_241 = tpu.memref_slice %arg10[%dma_start3A_238, %dma_start3A_239, %dma_start3A_240] : memref<4x21x128xf32, #tpu.memory_space<vmem>> -> memref<1x21x128xf32, #tpu.memory_space<vmem>>
      %dma_start3A_242 = tpu.memref_squeeze %dma_start3A_241 : memref<1x21x128xf32, #tpu.memory_space<vmem>> -> memref<21x128xf32, #tpu.memory_space<vmem>>
      %dma_start3A_243 = arith.constant 0 : i32
      %dma_start3A_244 = tpu.memref_slice %arg6[%add3A_237, %dma_start3A_243] : memref<128x21xi32, #tpu.memory_space<vmem>> -> memref<1x21xi32, #tpu.memory_space<vmem>>
      %dma_start3A_245 = tpu.memref_squeeze %dma_start3A_244 : memref<1x21xi32, #tpu.memory_space<vmem>> -> memref<21xi32, #tpu.memory_space<vmem>>
      %dma_start3A_246 = arith.constant 0 : i32
      %dma_start3A_247 = arith.constant 0 : i32
      %dma_start3A_248 = tpu.memref_slice %arg8[%dma_start3A_246, %dma_start3A_247] : memref<30x128xf32, #tpu.memory_space<vmem_shared>> -> memref<30x128xf32, #tpu.memory_space<vmem_shared>>
      tpu.enqueue_indirect_dma source(%dma_start3A_248 : memref<30x128xf32, #tpu.memory_space<vmem_shared>>) target(%dma_start3A_242 : memref<21x128xf32, #tpu.memory_space<vmem>>) offsets(%dma_start3A_245 : memref<21xi32, #tpu.memory_space<vmem>>) semaphore(%arg18 : memref<!tpu.dma_semaphore, #tpu.memory_space<semaphore_mem>>)
      %dma_wait3A_249 = arith.constant 0 : i32
      %dma_wait3A_250 = arith.constant 0 : i32
      %dma_wait3A_251 = arith.constant 0 : i32
      %dma_wait3A_252 = tpu.memref_slice %arg10[%dma_wait3A_249, %dma_wait3A_250, %dma_wait3A_251] : memref<4x21x128xf32, #tpu.memory_space<vmem>> -> memref<1x21x128xf32, #tpu.memory_space<vmem>>
      %dma_wait3A_253 = tpu.memref_squeeze %dma_wait3A_252 : memref<1x21x128xf32, #tpu.memory_space<vmem>> -> memref<21x128xf32, #tpu.memory_space<vmem>>
      %dma_wait3A_254 = arith.constant 0 : i32
      %dma_wait3A_255 = tpu.memref_slice %arg6[%add3A_198, %dma_wait3A_254] : memref<128x21xi32, #tpu.memory_space<vmem>> -> memref<1x21xi32, #tpu.memory_space<vmem>>
      %dma_wait3A_256 = tpu.memref_squeeze %dma_wait3A_255 : memref<1x21xi32, #tpu.memory_space<vmem>> -> memref<21xi32, #tpu.memory_space<vmem>>
      %dma_wait3A_257 = arith.constant 0 : i32
      %dma_wait3A_258 = arith.constant 0 : i32
      %dma_wait3A_259 = tpu.memref_slice %arg8[%dma_wait3A_257, %dma_wait3A_258] : memref<30x128xf32, #tpu.memory_space<vmem_shared>> -> memref<30x128xf32, #tpu.memory_space<vmem_shared>>
      tpu.wait_indirect_dma semaphore(%arg18 : memref<!tpu.dma_semaphore, #tpu.memory_space<semaphore_mem>>) src(%dma_wait3A_259 : memref<30x128xf32, #tpu.memory_space<vmem_shared>>) dst(%dma_wait3A_253 : memref<21x128xf32, #tpu.memory_space<vmem>>)
      %dma_wait3A_260 = arith.constant 1 : i32
      %dma_wait3A_261 = arith.constant 0 : i32
      %dma_wait3A_262 = arith.constant 0 : i32
      %dma_wait3A_263 = tpu.memref_slice %arg10[%dma_wait3A_260, %dma_wait3A_261, %dma_wait3A_262] : memref<4x21x128xf32, #tpu.memory_space<vmem>> -> memref<1x21x128xf32, #tpu.memory_space<vmem>>
      %dma_wait3A_264 = tpu.memref_squeeze %dma_wait3A_263 : memref<1x21x128xf32, #tpu.memory_space<vmem>> -> memref<21x128xf32, #tpu.memory_space<vmem>>
      %dma_wait3A_265 = arith.constant 0 : i32
      %dma_wait3A_266 = tpu.memref_slice %arg6[%add3A_211, %dma_wait3A_265] : memref<128x21xi32, #tpu.memory_space<vmem>> -> memref<1x21xi32, #tpu.memory_space<vmem>>
      %dma_wait3A_267 = tpu.memref_squeeze %dma_wait3A_266 : memref<1x21xi32, #tpu.memory_space<vmem>> -> memref<21xi32, #tpu.memory_space<vmem>>
      %dma_wait3A_268 = arith.constant 0 : i32
      %dma_wait3A_269 = arith.constant 0 : i32
      %dma_wait3A_270 = tpu.memref_slice %arg8[%dma_wait3A_268, %dma_wait3A_269] : memref<30x128xf32, #tpu.memory_space<vmem_shared>> -> memref<30x128xf32, #tpu.memory_space<vmem_shared>>
      tpu.wait_indirect_dma semaphore(%arg18 : memref<!tpu.dma_semaphore, #tpu.memory_space<semaphore_mem>>) src(%dma_wait3A_270 : memref<30x128xf32, #tpu.memory_space<vmem_shared>>) dst(%dma_wait3A_264 : memref<21x128xf32, #tpu.memory_space<vmem>>)
      %dma_wait3A_271 = arith.constant 2 : i32
      %dma_wait3A_272 = arith.constant 0 : i32
      %dma_wait3A_273 = arith.constant 0 : i32
      %dma_wait3A_274 = tpu.memref_slice %arg10[%dma_wait3A_271, %dma_wait3A_272, %dma_wait3A_273] : memref<4x21x128xf32, #tpu.memory_space<vmem>> -> memref<1x21x128xf32, #tpu.memory_space<vmem>>
      %dma_wait3A_275 = tpu.memref_squeeze %dma_wait3A_274 : memref<1x21x128xf32, #tpu.memory_space<vmem>> -> memref<21x128xf32, #tpu.memory_space<vmem>>
      %dma_wait3A_276 = arith.constant 0 : i32
      %dma_wait3A_277 = tpu.memref_slice %arg6[%add3A_224, %dma_wait3A_276] : memref<128x21xi32, #tpu.memory_space<vmem>> -> memref<1x21xi32, #tpu.memory_space<vmem>>
      %dma_wait3A_278 = tpu.memref_squeeze %dma_wait3A_277 : memref<1x21xi32, #tpu.memory_space<vmem>> -> memref<21xi32, #tpu.memory_space<vmem>>
      %dma_wait3A_279 = arith.constant 0 : i32
      %dma_wait3A_280 = arith.constant 0 : i32
      %dma_wait3A_281 = tpu.memref_slice %arg8[%dma_wait3A_279, %dma_wait3A_280] : memref<30x128xf32, #tpu.memory_space<vmem_shared>> -> memref<30x128xf32, #tpu.memory_space<vmem_shared>>
      tpu.wait_indirect_dma semaphore(%arg18 : memref<!tpu.dma_semaphore, #tpu.memory_space<semaphore_mem>>) src(%dma_wait3A_281 : memref<30x128xf32, #tpu.memory_space<vmem_shared>>) dst(%dma_wait3A_275 : memref<21x128xf32, #tpu.memory_space<vmem>>)
      %dma_wait3A_282 = arith.constant 3 : i32
      %dma_wait3A_283 = arith.constant 0 : i32
      %dma_wait3A_284 = arith.constant 0 : i32
      %dma_wait3A_285 = tpu.memref_slice %arg10[%dma_wait3A_282, %dma_wait3A_283, %dma_wait3A_284] : memref<4x21x128xf32, #tpu.memory_space<vmem>> -> memref<1x21x128xf32, #tpu.memory_space<vmem>>
      %dma_wait3A_286 = tpu.memref_squeeze %dma_wait3A_285 : memref<1x21x128xf32, #tpu.memory_space<vmem>> -> memref<21x128xf32, #tpu.memory_space<vmem>>
      %dma_wait3A_287 = arith.constant 0 : i32
      %dma_wait3A_288 = tpu.memref_slice %arg6[%add3A_237, %dma_wait3A_287] : memref<128x21xi32, #tpu.memory_space<vmem>> -> memref<1x21xi32, #tpu.memory_space<vmem>>
      %dma_wait3A_289 = tpu.memref_squeeze %dma_wait3A_288 : memref<1x21xi32, #tpu.memory_space<vmem>> -> memref<21xi32, #tpu.memory_space<vmem>>
      %dma_wait3A_290 = arith.constant 0 : i32
      %dma_wait3A_291 = arith.constant 0 : i32
      %dma_wait3A_292 = tpu.memref_slice %arg8[%dma_wait3A_290, %dma_wait3A_291] : memref<30x128xf32, #tpu.memory_space<vmem_shared>> -> memref<30x128xf32, #tpu.memory_space<vmem_shared>>
      tpu.wait_indirect_dma semaphore(%arg18 : memref<!tpu.dma_semaphore, #tpu.memory_space<semaphore_mem>>) src(%dma_wait3A_292 : memref<30x128xf32, #tpu.memory_space<vmem_shared>>) dst(%dma_wait3A_286 : memref<21x128xf32, #tpu.memory_space<vmem>>)
      %add3A_293 = arith.addi %mul3A_2, %mul3A_196 : i32
      %dma_start3A_294 = arith.constant 0 : i32
      %dma_start3A_295 = arith.constant 0 : i32
      %dma_start3A_296 = tpu.memref_slice %arg4[%add3A_293, %dma_start3A_294, %dma_start3A_295] : memref<4096x21x128xf32, #tpu.memory_space<hbm>> -> memref<4x21x128xf32, #tpu.memory_space<hbm>>
      %dma_start3A_297 = arith.constant 0 : i32
      %dma_start3A_298 = arith.constant 0 : i32
      %dma_start3A_299 = tpu.memref_slice %arg4[%add3A_293, %dma_start3A_297, %dma_start3A_298] : memref<4096x21x128xf32, #tpu.memory_space<hbm>> -> memref<4x21x128xf32, #tpu.memory_space<hbm>>
      tpu.enqueue_dma source(%arg10 : memref<4x21x128xf32, #tpu.memory_space<vmem>>) target(%dma_start3A_299 : memref<4x21x128xf32, #tpu.memory_space<hbm>>) target_semaphore(%arg26 : memref<!tpu.dma_semaphore, #tpu.memory_space<semaphore_mem>>)
      %add3A_300 = arith.constant 2 : i32
      %add3A_301 = arith.addi %mul3A_82, %add3A_300 : i32
      %sub3A_302 = arith.constant 0 : i32
      %sub3A_303 = arith.subi %add3A_301, %sub3A_302 : i32
      %mul3A_304 = arith.constant 4 : i32
      %mul3A_305 = arith.muli %sub3A_303, %mul3A_304 : i32
      %add3A_306 = arith.constant 0 : i32
      %add3A_307 = arith.addi %mul3A_305, %add3A_306 : i32
      %dma_start3A_308 = arith.constant 0 : i32
      %dma_start3A_309 = arith.constant 0 : i32
      %dma_start3A_310 = arith.constant 0 : i32
      %dma_start3A_311 = tpu.memref_slice %arg11[%dma_start3A_308, %dma_start3A_309, %dma_start3A_310] : memref<4x21x128xf32, #tpu.memory_space<vmem>> -> memref<1x21x128xf32, #tpu.memory_space<vmem>>
      %dma_start3A_312 = tpu.memref_squeeze %dma_start3A_311 : memref<1x21x128xf32, #tpu.memory_space<vmem>> -> memref<21x128xf32, #tpu.memory_space<vmem>>
      %dma_start3A_313 = arith.constant 0 : i32
      %dma_start3A_314 = tpu.memref_slice %arg6[%add3A_307, %dma_start3A_313] : memref<128x21xi32, #tpu.memory_space<vmem>> -> memref<1x21xi32, #tpu.memory_space<vmem>>
      %dma_start3A_315 = tpu.memref_squeeze %dma_start3A_314 : memref<1x21xi32, #tpu.memory_space<vmem>> -> memref<21xi32, #tpu.memory_space<vmem>>
      %dma_start3A_316 = arith.constant 0 : i32
      %dma_start3A_317 = arith.constant 0 : i32
      %dma_start3A_318 = tpu.memref_slice %arg8[%dma_start3A_316, %dma_start3A_317] : memref<30x128xf32, #tpu.memory_space<vmem_shared>> -> memref<30x128xf32, #tpu.memory_space<vmem_shared>>
      tpu.enqueue_indirect_dma source(%dma_start3A_318 : memref<30x128xf32, #tpu.memory_space<vmem_shared>>) target(%dma_start3A_312 : memref<21x128xf32, #tpu.memory_space<vmem>>) offsets(%dma_start3A_315 : memref<21xi32, #tpu.memory_space<vmem>>) semaphore(%arg19 : memref<!tpu.dma_semaphore, #tpu.memory_space<semaphore_mem>>)
      %add3A_319 = arith.constant 1 : i32
      %add3A_320 = arith.addi %mul3A_305, %add3A_319 : i32
      %dma_start3A_321 = arith.constant 1 : i32
      %dma_start3A_322 = arith.constant 0 : i32
      %dma_start3A_323 = arith.constant 0 : i32
      %dma_start3A_324 = tpu.memref_slice %arg11[%dma_start3A_321, %dma_start3A_322, %dma_start3A_323] : memref<4x21x128xf32, #tpu.memory_space<vmem>> -> memref<1x21x128xf32, #tpu.memory_space<vmem>>
      %dma_start3A_325 = tpu.memref_squeeze %dma_start3A_324 : memref<1x21x128xf32, #tpu.memory_space<vmem>> -> memref<21x128xf32, #tpu.memory_space<vmem>>
      %dma_start3A_326 = arith.constant 0 : i32
      %dma_start3A_327 = tpu.memref_slice %arg6[%add3A_320, %dma_start3A_326] : memref<128x21xi32, #tpu.memory_space<vmem>> -> memref<1x21xi32, #tpu.memory_space<vmem>>
      %dma_start3A_328 = tpu.memref_squeeze %dma_start3A_327 : memref<1x21xi32, #tpu.memory_space<vmem>> -> memref<21xi32, #tpu.memory_space<vmem>>
      %dma_start3A_329 = arith.constant 0 : i32
      %dma_start3A_330 = arith.constant 0 : i32
      %dma_start3A_331 = tpu.memref_slice %arg8[%dma_start3A_329, %dma_start3A_330] : memref<30x128xf32, #tpu.memory_space<vmem_shared>> -> memref<30x128xf32, #tpu.memory_space<vmem_shared>>
      tpu.enqueue_indirect_dma source(%dma_start3A_331 : memref<30x128xf32, #tpu.memory_space<vmem_shared>>) target(%dma_start3A_325 : memref<21x128xf32, #tpu.memory_space<vmem>>) offsets(%dma_start3A_328 : memref<21xi32, #tpu.memory_space<vmem>>) semaphore(%arg19 : memref<!tpu.dma_semaphore, #tpu.memory_space<semaphore_mem>>)
      %add3A_332 = arith.constant 2 : i32
      %add3A_333 = arith.addi %mul3A_305, %add3A_332 : i32
      %dma_start3A_334 = arith.constant 2 : i32
      %dma_start3A_335 = arith.constant 0 : i32
      %dma_start3A_336 = arith.constant 0 : i32
      %dma_start3A_337 = tpu.memref_slice %arg11[%dma_start3A_334, %dma_start3A_335, %dma_start3A_336] : memref<4x21x128xf32, #tpu.memory_space<vmem>> -> memref<1x21x128xf32, #tpu.memory_space<vmem>>
      %dma_start3A_338 = tpu.memref_squeeze %dma_start3A_337 : memref<1x21x128xf32, #tpu.memory_space<vmem>> -> memref<21x128xf32, #tpu.memory_space<vmem>>
      %dma_start3A_339 = arith.constant 0 : i32
      %dma_start3A_340 = tpu.memref_slice %arg6[%add3A_333, %dma_start3A_339] : memref<128x21xi32, #tpu.memory_space<vmem>> -> memref<1x21xi32, #tpu.memory_space<vmem>>
      %dma_start3A_341 = tpu.memref_squeeze %dma_start3A_340 : memref<1x21xi32, #tpu.memory_space<vmem>> -> memref<21xi32, #tpu.memory_space<vmem>>
      %dma_start3A_342 = arith.constant 0 : i32
      %dma_start3A_343 = arith.constant 0 : i32
      %dma_start3A_344 = tpu.memref_slice %arg8[%dma_start3A_342, %dma_start3A_343] : memref<30x128xf32, #tpu.memory_space<vmem_shared>> -> memref<30x128xf32, #tpu.memory_space<vmem_shared>>
      tpu.enqueue_indirect_dma source(%dma_start3A_344 : memref<30x128xf32, #tpu.memory_space<vmem_shared>>) target(%dma_start3A_338 : memref<21x128xf32, #tpu.memory_space<vmem>>) offsets(%dma_start3A_341 : memref<21xi32, #tpu.memory_space<vmem>>) semaphore(%arg19 : memref<!tpu.dma_semaphore, #tpu.memory_space<semaphore_mem>>)
      %add3A_345 = arith.constant 3 : i32
      %add3A_346 = arith.addi %mul3A_305, %add3A_345 : i32
      %dma_start3A_347 = arith.constant 3 : i32
      %dma_start3A_348 = arith.constant 0 : i32
      %dma_start3A_349 = arith.constant 0 : i32
      %dma_start3A_350 = tpu.memref_slice %arg11[%dma_start3A_347, %dma_start3A_348, %dma_start3A_349] : memref<4x21x128xf32, #tpu.memory_space<vmem>> -> memref<1x21x128xf32, #tpu.memory_space<vmem>>
      %dma_start3A_351 = tpu.memref_squeeze %dma_start3A_350 : memref<1x21x128xf32, #tpu.memory_space<vmem>> -> memref<21x128xf32, #tpu.memory_space<vmem>>
      %dma_start3A_352 = arith.constant 0 : i32
      %dma_start3A_353 = tpu.memref_slice %arg6[%add3A_346, %dma_start3A_352] : memref<128x21xi32, #tpu.memory_space<vmem>> -> memref<1x21xi32, #tpu.memory_space<vmem>>
      %dma_start3A_354 = tpu.memref_squeeze %dma_start3A_353 : memref<1x21xi32, #tpu.memory_space<vmem>> -> memref<21xi32, #tpu.memory_space<vmem>>
      %dma_start3A_355 = arith.constant 0 : i32
      %dma_start3A_356 = arith.constant 0 : i32
      %dma_start3A_357 = tpu.memref_slice %arg8[%dma_start3A_355, %dma_start3A_356] : memref<30x128xf32, #tpu.memory_space<vmem_shared>> -> memref<30x128xf32, #tpu.memory_space<vmem_shared>>
      tpu.enqueue_indirect_dma source(%dma_start3A_357 : memref<30x128xf32, #tpu.memory_space<vmem_shared>>) target(%dma_start3A_351 : memref<21x128xf32, #tpu.memory_space<vmem>>) offsets(%dma_start3A_354 : memref<21xi32, #tpu.memory_space<vmem>>) semaphore(%arg19 : memref<!tpu.dma_semaphore, #tpu.memory_space<semaphore_mem>>)
      %dma_wait3A_358 = arith.constant 0 : i32
      %dma_wait3A_359 = arith.constant 0 : i32
      %dma_wait3A_360 = arith.constant 0 : i32
      %dma_wait3A_361 = tpu.memref_slice %arg11[%dma_wait3A_358, %dma_wait3A_359, %dma_wait3A_360] : memref<4x21x128xf32, #tpu.memory_space<vmem>> -> memref<1x21x128xf32, #tpu.memory_space<vmem>>
      %dma_wait3A_362 = tpu.memref_squeeze %dma_wait3A_361 : memref<1x21x128xf32, #tpu.memory_space<vmem>> -> memref<21x128xf32, #tpu.memory_space<vmem>>
      %dma_wait3A_363 = arith.constant 0 : i32
      %dma_wait3A_364 = tpu.memref_slice %arg6[%add3A_307, %dma_wait3A_363] : memref<128x21xi32, #tpu.memory_space<vmem>> -> memref<1x21xi32, #tpu.memory_space<vmem>>
      %dma_wait3A_365 = tpu.memref_squeeze %dma_wait3A_364 : memref<1x21xi32, #tpu.memory_space<vmem>> -> memref<21xi32, #tpu.memory_space<vmem>>
      %dma_wait3A_366 = arith.constant 0 : i32
      %dma_wait3A_367 = arith.constant 0 : i32
      %dma_wait3A_368 = tpu.memref_slice %arg8[%dma_wait3A_366, %dma_wait3A_367] : memref<30x128xf32, #tpu.memory_space<vmem_shared>> -> memref<30x128xf32, #tpu.memory_space<vmem_shared>>
      tpu.wait_indirect_dma semaphore(%arg19 : memref<!tpu.dma_semaphore, #tpu.memory_space<semaphore_mem>>) src(%dma_wait3A_368 : memref<30x128xf32, #tpu.memory_space<vmem_shared>>) dst(%dma_wait3A_362 : memref<21x128xf32, #tpu.memory_space<vmem>>)
      %dma_wait3A_369 = arith.constant 1 : i32
      %dma_wait3A_370 = arith.constant 0 : i32
      %dma_wait3A_371 = arith.constant 0 : i32
      %dma_wait3A_372 = tpu.memref_slice %arg11[%dma_wait3A_369, %dma_wait3A_370, %dma_wait3A_371] : memref<4x21x128xf32, #tpu.memory_space<vmem>> -> memref<1x21x128xf32, #tpu.memory_space<vmem>>
      %dma_wait3A_373 = tpu.memref_squeeze %dma_wait3A_372 : memref<1x21x128xf32, #tpu.memory_space<vmem>> -> memref<21x128xf32, #tpu.memory_space<vmem>>
      %dma_wait3A_374 = arith.constant 0 : i32
      %dma_wait3A_375 = tpu.memref_slice %arg6[%add3A_320, %dma_wait3A_374] : memref<128x21xi32, #tpu.memory_space<vmem>> -> memref<1x21xi32, #tpu.memory_space<vmem>>
      %dma_wait3A_376 = tpu.memref_squeeze %dma_wait3A_375 : memref<1x21xi32, #tpu.memory_space<vmem>> -> memref<21xi32, #tpu.memory_space<vmem>>
      %dma_wait3A_377 = arith.constant 0 : i32
      %dma_wait3A_378 = arith.constant 0 : i32
      %dma_wait3A_379 = tpu.memref_slice %arg8[%dma_wait3A_377, %dma_wait3A_378] : memref<30x128xf32, #tpu.memory_space<vmem_shared>> -> memref<30x128xf32, #tpu.memory_space<vmem_shared>>
      tpu.wait_indirect_dma semaphore(%arg19 : memref<!tpu.dma_semaphore, #tpu.memory_space<semaphore_mem>>) src(%dma_wait3A_379 : memref<30x128xf32, #tpu.memory_space<vmem_shared>>) dst(%dma_wait3A_373 : memref<21x128xf32, #tpu.memory_space<vmem>>)
      %dma_wait3A_380 = arith.constant 2 : i32
      %dma_wait3A_381 = arith.constant 0 : i32
      %dma_wait3A_382 = arith.constant 0 : i32
      %dma_wait3A_383 = tpu.memref_slice %arg11[%dma_wait3A_380, %dma_wait3A_381, %dma_wait3A_382] : memref<4x21x128xf32, #tpu.memory_space<vmem>> -> memref<1x21x128xf32, #tpu.memory_space<vmem>>
      %dma_wait3A_384 = tpu.memref_squeeze %dma_wait3A_383 : memref<1x21x128xf32, #tpu.memory_space<vmem>> -> memref<21x128xf32, #tpu.memory_space<vmem>>
      %dma_wait3A_385 = arith.constant 0 : i32
      %dma_wait3A_386 = tpu.memref_slice %arg6[%add3A_333, %dma_wait3A_385] : memref<128x21xi32, #tpu.memory_space<vmem>> -> memref<1x21xi32, #tpu.memory_space<vmem>>
      %dma_wait3A_387 = tpu.memref_squeeze %dma_wait3A_386 : memref<1x21xi32, #tpu.memory_space<vmem>> -> memref<21xi32, #tpu.memory_space<vmem>>
      %dma_wait3A_388 = arith.constant 0 : i32
      %dma_wait3A_389 = arith.constant 0 : i32
      %dma_wait3A_390 = tpu.memref_slice %arg8[%dma_wait3A_388, %dma_wait3A_389] : memref<30x128xf32, #tpu.memory_space<vmem_shared>> -> memref<30x128xf32, #tpu.memory_space<vmem_shared>>
      tpu.wait_indirect_dma semaphore(%arg19 : memref<!tpu.dma_semaphore, #tpu.memory_space<semaphore_mem>>) src(%dma_wait3A_390 : memref<30x128xf32, #tpu.memory_space<vmem_shared>>) dst(%dma_wait3A_384 : memref<21x128xf32, #tpu.memory_space<vmem>>)
      %dma_wait3A_391 = arith.constant 3 : i32
      %dma_wait3A_392 = arith.constant 0 : i32
      %dma_wait3A_393 = arith.constant 0 : i32
      %dma_wait3A_394 = tpu.memref_slice %arg11[%dma_wait3A_391, %dma_wait3A_392, %dma_wait3A_393] : memref<4x21x128xf32, #tpu.memory_space<vmem>> -> memref<1x21x128xf32, #tpu.memory_space<vmem>>
      %dma_wait3A_395 = tpu.memref_squeeze %dma_wait3A_394 : memref<1x21x128xf32, #tpu.memory_space<vmem>> -> memref<21x128xf32, #tpu.memory_space<vmem>>
      %dma_wait3A_396 = arith.constant 0 : i32
      %dma_wait3A_397 = tpu.memref_slice %arg6[%add3A_346, %dma_wait3A_396] : memref<128x21xi32, #tpu.memory_space<vmem>> -> memref<1x21xi32, #tpu.memory_space<vmem>>
      %dma_wait3A_398 = tpu.memref_squeeze %dma_wait3A_397 : memref<1x21xi32, #tpu.memory_space<vmem>> -> memref<21xi32, #tpu.memory_space<vmem>>
      %dma_wait3A_399 = arith.constant 0 : i32
      %dma_wait3A_400 = arith.constant 0 : i32
      %dma_wait3A_401 = tpu.memref_slice %arg8[%dma_wait3A_399, %dma_wait3A_400] : memref<30x128xf32, #tpu.memory_space<vmem_shared>> -> memref<30x128xf32, #tpu.memory_space<vmem_shared>>
      tpu.wait_indirect_dma semaphore(%arg19 : memref<!tpu.dma_semaphore, #tpu.memory_space<semaphore_mem>>) src(%dma_wait3A_401 : memref<30x128xf32, #tpu.memory_space<vmem_shared>>) dst(%dma_wait3A_395 : memref<21x128xf32, #tpu.memory_space<vmem>>)
      %add3A_402 = arith.addi %mul3A_2, %mul3A_305 : i32
      %dma_start3A_403 = arith.constant 0 : i32
      %dma_start3A_404 = arith.constant 0 : i32
      %dma_start3A_405 = tpu.memref_slice %arg4[%add3A_402, %dma_start3A_403, %dma_start3A_404] : memref<4096x21x128xf32, #tpu.memory_space<hbm>> -> memref<4x21x128xf32, #tpu.memory_space<hbm>>
      %dma_start3A_406 = arith.constant 0 : i32
      %dma_start3A_407 = arith.constant 0 : i32
      %dma_start3A_408 = tpu.memref_slice %arg4[%add3A_402, %dma_start3A_406, %dma_start3A_407] : memref<4096x21x128xf32, #tpu.memory_space<hbm>> -> memref<4x21x128xf32, #tpu.memory_space<hbm>>
      tpu.enqueue_dma source(%arg11 : memref<4x21x128xf32, #tpu.memory_space<vmem>>) target(%dma_start3A_408 : memref<4x21x128xf32, #tpu.memory_space<hbm>>) target_semaphore(%arg27 : memref<!tpu.dma_semaphore, #tpu.memory_space<semaphore_mem>>)
      %add3A_409 = arith.constant 3 : i32
      %add3A_410 = arith.addi %mul3A_82, %add3A_409 : i32
      %sub3A_411 = arith.constant 0 : i32
      %sub3A_412 = arith.subi %add3A_410, %sub3A_411 : i32
      %mul3A_413 = arith.constant 4 : i32
      %mul3A_414 = arith.muli %sub3A_412, %mul3A_413 : i32
      %add3A_415 = arith.constant 0 : i32
      %add3A_416 = arith.addi %mul3A_414, %add3A_415 : i32
      %dma_start3A_417 = arith.constant 0 : i32
      %dma_start3A_418 = arith.constant 0 : i32
      %dma_start3A_419 = arith.constant 0 : i32
      %dma_start3A_420 = tpu.memref_slice %arg12[%dma_start3A_417, %dma_start3A_418, %dma_start3A_419] : memref<4x21x128xf32, #tpu.memory_space<vmem>> -> memref<1x21x128xf32, #tpu.memory_space<vmem>>
      %dma_start3A_421 = tpu.memref_squeeze %dma_start3A_420 : memref<1x21x128xf32, #tpu.memory_space<vmem>> -> memref<21x128xf32, #tpu.memory_space<vmem>>
      %dma_start3A_422 = arith.constant 0 : i32
      %dma_start3A_423 = tpu.memref_slice %arg6[%add3A_416, %dma_start3A_422] : memref<128x21xi32, #tpu.memory_space<vmem>> -> memref<1x21xi32, #tpu.memory_space<vmem>>
      %dma_start3A_424 = tpu.memref_squeeze %dma_start3A_423 : memref<1x21xi32, #tpu.memory_space<vmem>> -> memref<21xi32, #tpu.memory_space<vmem>>
      %dma_start3A_425 = arith.constant 0 : i32
      %dma_start3A_426 = arith.constant 0 : i32
      %dma_start3A_427 = tpu.memref_slice %arg8[%dma_start3A_425, %dma_start3A_426] : memref<30x128xf32, #tpu.memory_space<vmem_shared>> -> memref<30x128xf32, #tpu.memory_space<vmem_shared>>
      tpu.enqueue_indirect_dma source(%dma_start3A_427 : memref<30x128xf32, #tpu.memory_space<vmem_shared>>) target(%dma_start3A_421 : memref<21x128xf32, #tpu.memory_space<vmem>>) offsets(%dma_start3A_424 : memref<21xi32, #tpu.memory_space<vmem>>) semaphore(%arg20 : memref<!tpu.dma_semaphore, #tpu.memory_space<semaphore_mem>>)
      %add3A_428 = arith.constant 1 : i32
      %add3A_429 = arith.addi %mul3A_414, %add3A_428 : i32
      %dma_start3A_430 = arith.constant 1 : i32
      %dma_start3A_431 = arith.constant 0 : i32
      %dma_start3A_432 = arith.constant 0 : i32
      %dma_start3A_433 = tpu.memref_slice %arg12[%dma_start3A_430, %dma_start3A_431, %dma_start3A_432] : memref<4x21x128xf32, #tpu.memory_space<vmem>> -> memref<1x21x128xf32, #tpu.memory_space<vmem>>
      %dma_start3A_434 = tpu.memref_squeeze %dma_start3A_433 : memref<1x21x128xf32, #tpu.memory_space<vmem>> -> memref<21x128xf32, #tpu.memory_space<vmem>>
      %dma_start3A_435 = arith.constant 0 : i32
      %dma_start3A_436 = tpu.memref_slice %arg6[%add3A_429, %dma_start3A_435] : memref<128x21xi32, #tpu.memory_space<vmem>> -> memref<1x21xi32, #tpu.memory_space<vmem>>
      %dma_start3A_437 = tpu.memref_squeeze %dma_start3A_436 : memref<1x21xi32, #tpu.memory_space<vmem>> -> memref<21xi32, #tpu.memory_space<vmem>>
      %dma_start3A_438 = arith.constant 0 : i32
      %dma_start3A_439 = arith.constant 0 : i32
      %dma_start3A_440 = tpu.memref_slice %arg8[%dma_start3A_438, %dma_start3A_439] : memref<30x128xf32, #tpu.memory_space<vmem_shared>> -> memref<30x128xf32, #tpu.memory_space<vmem_shared>>
      tpu.enqueue_indirect_dma source(%dma_start3A_440 : memref<30x128xf32, #tpu.memory_space<vmem_shared>>) target(%dma_start3A_434 : memref<21x128xf32, #tpu.memory_space<vmem>>) offsets(%dma_start3A_437 : memref<21xi32, #tpu.memory_space<vmem>>) semaphore(%arg20 : memref<!tpu.dma_semaphore, #tpu.memory_space<semaphore_mem>>)
      %add3A_441 = arith.constant 2 : i32
      %add3A_442 = arith.addi %mul3A_414, %add3A_441 : i32
      %dma_start3A_443 = arith.constant 2 : i32
      %dma_start3A_444 = arith.constant 0 : i32
      %dma_start3A_445 = arith.constant 0 : i32
      %dma_start3A_446 = tpu.memref_slice %arg12[%dma_start3A_443, %dma_start3A_444, %dma_start3A_445] : memref<4x21x128xf32, #tpu.memory_space<vmem>> -> memref<1x21x128xf32, #tpu.memory_space<vmem>>
      %dma_start3A_447 = tpu.memref_squeeze %dma_start3A_446 : memref<1x21x128xf32, #tpu.memory_space<vmem>> -> memref<21x128xf32, #tpu.memory_space<vmem>>
      %dma_start3A_448 = arith.constant 0 : i32
      %dma_start3A_449 = tpu.memref_slice %arg6[%add3A_442, %dma_start3A_448] : memref<128x21xi32, #tpu.memory_space<vmem>> -> memref<1x21xi32, #tpu.memory_space<vmem>>
      %dma_start3A_450 = tpu.memref_squeeze %dma_start3A_449 : memref<1x21xi32, #tpu.memory_space<vmem>> -> memref<21xi32, #tpu.memory_space<vmem>>
      %dma_start3A_451 = arith.constant 0 : i32
      %dma_start3A_452 = arith.constant 0 : i32
      %dma_start3A_453 = tpu.memref_slice %arg8[%dma_start3A_451, %dma_start3A_452] : memref<30x128xf32, #tpu.memory_space<vmem_shared>> -> memref<30x128xf32, #tpu.memory_space<vmem_shared>>
      tpu.enqueue_indirect_dma source(%dma_start3A_453 : memref<30x128xf32, #tpu.memory_space<vmem_shared>>) target(%dma_start3A_447 : memref<21x128xf32, #tpu.memory_space<vmem>>) offsets(%dma_start3A_450 : memref<21xi32, #tpu.memory_space<vmem>>) semaphore(%arg20 : memref<!tpu.dma_semaphore, #tpu.memory_space<semaphore_mem>>)
      %add3A_454 = arith.constant 3 : i32
      %add3A_455 = arith.addi %mul3A_414, %add3A_454 : i32
      %dma_start3A_456 = arith.constant 3 : i32
      %dma_start3A_457 = arith.constant 0 : i32
      %dma_start3A_458 = arith.constant 0 : i32
      %dma_start3A_459 = tpu.memref_slice %arg12[%dma_start3A_456, %dma_start3A_457, %dma_start3A_458] : memref<4x21x128xf32, #tpu.memory_space<vmem>> -> memref<1x21x128xf32, #tpu.memory_space<vmem>>
      %dma_start3A_460 = tpu.memref_squeeze %dma_start3A_459 : memref<1x21x128xf32, #tpu.memory_space<vmem>> -> memref<21x128xf32, #tpu.memory_space<vmem>>
      %dma_start3A_461 = arith.constant 0 : i32
      %dma_start3A_462 = tpu.memref_slice %arg6[%add3A_455, %dma_start3A_461] : memref<128x21xi32, #tpu.memory_space<vmem>> -> memref<1x21xi32, #tpu.memory_space<vmem>>
      %dma_start3A_463 = tpu.memref_squeeze %dma_start3A_462 : memref<1x21xi32, #tpu.memory_space<vmem>> -> memref<21xi32, #tpu.memory_space<vmem>>
      %dma_start3A_464 = arith.constant 0 : i32
      %dma_start3A_465 = arith.constant 0 : i32
      %dma_start3A_466 = tpu.memref_slice %arg8[%dma_start3A_464, %dma_start3A_465] : memref<30x128xf32, #tpu.memory_space<vmem_shared>> -> memref<30x128xf32, #tpu.memory_space<vmem_shared>>
      tpu.enqueue_indirect_dma source(%dma_start3A_466 : memref<30x128xf32, #tpu.memory_space<vmem_shared>>) target(%dma_start3A_460 : memref<21x128xf32, #tpu.memory_space<vmem>>) offsets(%dma_start3A_463 : memref<21xi32, #tpu.memory_space<vmem>>) semaphore(%arg20 : memref<!tpu.dma_semaphore, #tpu.memory_space<semaphore_mem>>)
      %dma_wait3A_467 = arith.constant 0 : i32
      %dma_wait3A_468 = arith.constant 0 : i32
      %dma_wait3A_469 = arith.constant 0 : i32
      %dma_wait3A_470 = tpu.memref_slice %arg12[%dma_wait3A_467, %dma_wait3A_468, %dma_wait3A_469] : memref<4x21x128xf32, #tpu.memory_space<vmem>> -> memref<1x21x128xf32, #tpu.memory_space<vmem>>
      %dma_wait3A_471 = tpu.memref_squeeze %dma_wait3A_470 : memref<1x21x128xf32, #tpu.memory_space<vmem>> -> memref<21x128xf32, #tpu.memory_space<vmem>>
      %dma_wait3A_472 = arith.constant 0 : i32
      %dma_wait3A_473 = tpu.memref_slice %arg6[%add3A_416, %dma_wait3A_472] : memref<128x21xi32, #tpu.memory_space<vmem>> -> memref<1x21xi32, #tpu.memory_space<vmem>>
      %dma_wait3A_474 = tpu.memref_squeeze %dma_wait3A_473 : memref<1x21xi32, #tpu.memory_space<vmem>> -> memref<21xi32, #tpu.memory_space<vmem>>
      %dma_wait3A_475 = arith.constant 0 : i32
      %dma_wait3A_476 = arith.constant 0 : i32
      %dma_wait3A_477 = tpu.memref_slice %arg8[%dma_wait3A_475, %dma_wait3A_476] : memref<30x128xf32, #tpu.memory_space<vmem_shared>> -> memref<30x128xf32, #tpu.memory_space<vmem_shared>>
      tpu.wait_indirect_dma semaphore(%arg20 : memref<!tpu.dma_semaphore, #tpu.memory_space<semaphore_mem>>) src(%dma_wait3A_477 : memref<30x128xf32, #tpu.memory_space<vmem_shared>>) dst(%dma_wait3A_471 : memref<21x128xf32, #tpu.memory_space<vmem>>)
      %dma_wait3A_478 = arith.constant 1 : i32
      %dma_wait3A_479 = arith.constant 0 : i32
      %dma_wait3A_480 = arith.constant 0 : i32
      %dma_wait3A_481 = tpu.memref_slice %arg12[%dma_wait3A_478, %dma_wait3A_479, %dma_wait3A_480] : memref<4x21x128xf32, #tpu.memory_space<vmem>> -> memref<1x21x128xf32, #tpu.memory_space<vmem>>
      %dma_wait3A_482 = tpu.memref_squeeze %dma_wait3A_481 : memref<1x21x128xf32, #tpu.memory_space<vmem>> -> memref<21x128xf32, #tpu.memory_space<vmem>>
      %dma_wait3A_483 = arith.constant 0 : i32
      %dma_wait3A_484 = tpu.memref_slice %arg6[%add3A_429, %dma_wait3A_483] : memref<128x21xi32, #tpu.memory_space<vmem>> -> memref<1x21xi32, #tpu.memory_space<vmem>>
      %dma_wait3A_485 = tpu.memref_squeeze %dma_wait3A_484 : memref<1x21xi32, #tpu.memory_space<vmem>> -> memref<21xi32, #tpu.memory_space<vmem>>
      %dma_wait3A_486 = arith.constant 0 : i32
      %dma_wait3A_487 = arith.constant 0 : i32
      %dma_wait3A_488 = tpu.memref_slice %arg8[%dma_wait3A_486, %dma_wait3A_487] : memref<30x128xf32, #tpu.memory_space<vmem_shared>> -> memref<30x128xf32, #tpu.memory_space<vmem_shared>>
      tpu.wait_indirect_dma semaphore(%arg20 : memref<!tpu.dma_semaphore, #tpu.memory_space<semaphore_mem>>) src(%dma_wait3A_488 : memref<30x128xf32, #tpu.memory_space<vmem_shared>>) dst(%dma_wait3A_482 : memref<21x128xf32, #tpu.memory_space<vmem>>)
      %dma_wait3A_489 = arith.constant 2 : i32
      %dma_wait3A_490 = arith.constant 0 : i32
      %dma_wait3A_491 = arith.constant 0 : i32
      %dma_wait3A_492 = tpu.memref_slice %arg12[%dma_wait3A_489, %dma_wait3A_490, %dma_wait3A_491] : memref<4x21x128xf32, #tpu.memory_space<vmem>> -> memref<1x21x128xf32, #tpu.memory_space<vmem>>
      %dma_wait3A_493 = tpu.memref_squeeze %dma_wait3A_492 : memref<1x21x128xf32, #tpu.memory_space<vmem>> -> memref<21x128xf32, #tpu.memory_space<vmem>>
      %dma_wait3A_494 = arith.constant 0 : i32
      %dma_wait3A_495 = tpu.memref_slice %arg6[%add3A_442, %dma_wait3A_494] : memref<128x21xi32, #tpu.memory_space<vmem>> -> memref<1x21xi32, #tpu.memory_space<vmem>>
      %dma_wait3A_496 = tpu.memref_squeeze %dma_wait3A_495 : memref<1x21xi32, #tpu.memory_space<vmem>> -> memref<21xi32, #tpu.memory_space<vmem>>
      %dma_wait3A_497 = arith.constant 0 : i32
      %dma_wait3A_498 = arith.constant 0 : i32
      %dma_wait3A_499 = tpu.memref_slice %arg8[%dma_wait3A_497, %dma_wait3A_498] : memref<30x128xf32, #tpu.memory_space<vmem_shared>> -> memref<30x128xf32, #tpu.memory_space<vmem_shared>>
      tpu.wait_indirect_dma semaphore(%arg20 : memref<!tpu.dma_semaphore, #tpu.memory_space<semaphore_mem>>) src(%dma_wait3A_499 : memref<30x128xf32, #tpu.memory_space<vmem_shared>>) dst(%dma_wait3A_493 : memref<21x128xf32, #tpu.memory_space<vmem>>)
      %dma_wait3A_500 = arith.constant 3 : i32
      %dma_wait3A_501 = arith.constant 0 : i32
      %dma_wait3A_502 = arith.constant 0 : i32
      %dma_wait3A_503 = tpu.memref_slice %arg12[%dma_wait3A_500, %dma_wait3A_501, %dma_wait3A_502] : memref<4x21x128xf32, #tpu.memory_space<vmem>> -> memref<1x21x128xf32, #tpu.memory_space<vmem>>
      %dma_wait3A_504 = tpu.memref_squeeze %dma_wait3A_503 : memref<1x21x128xf32, #tpu.memory_space<vmem>> -> memref<21x128xf32, #tpu.memory_space<vmem>>
      %dma_wait3A_505 = arith.constant 0 : i32
      %dma_wait3A_506 = tpu.memref_slice %arg6[%add3A_455, %dma_wait3A_505] : memref<128x21xi32, #tpu.memory_space<vmem>> -> memref<1x21xi32, #tpu.memory_space<vmem>>
      %dma_wait3A_507 = tpu.memref_squeeze %dma_wait3A_506 : memref<1x21xi32, #tpu.memory_space<vmem>> -> memref<21xi32, #tpu.memory_space<vmem>>
      %dma_wait3A_508 = arith.constant 0 : i32
      %dma_wait3A_509 = arith.constant 0 : i32
      %dma_wait3A_510 = tpu.memref_slice %arg8[%dma_wait3A_508, %dma_wait3A_509] : memref<30x128xf32, #tpu.memory_space<vmem_shared>> -> memref<30x128xf32, #tpu.memory_space<vmem_shared>>
      tpu.wait_indirect_dma semaphore(%arg20 : memref<!tpu.dma_semaphore, #tpu.memory_space<semaphore_mem>>) src(%dma_wait3A_510 : memref<30x128xf32, #tpu.memory_space<vmem_shared>>) dst(%dma_wait3A_504 : memref<21x128xf32, #tpu.memory_space<vmem>>)
      %add3A_511 = arith.addi %mul3A_2, %mul3A_414 : i32
      %dma_start3A_512 = arith.constant 0 : i32
      %dma_start3A_513 = arith.constant 0 : i32
      %dma_start3A_514 = tpu.memref_slice %arg4[%add3A_511, %dma_start3A_512, %dma_start3A_513] : memref<4096x21x128xf32, #tpu.memory_space<hbm>> -> memref<4x21x128xf32, #tpu.memory_space<hbm>>
      %dma_start3A_515 = arith.constant 0 : i32
      %dma_start3A_516 = arith.constant 0 : i32
      %dma_start3A_517 = tpu.memref_slice %arg4[%add3A_511, %dma_start3A_515, %dma_start3A_516] : memref<4096x21x128xf32, #tpu.memory_space<hbm>> -> memref<4x21x128xf32, #tpu.memory_space<hbm>>
      tpu.enqueue_dma source(%arg12 : memref<4x21x128xf32, #tpu.memory_space<vmem>>) target(%dma_start3A_517 : memref<4x21x128xf32, #tpu.memory_space<hbm>>) target_semaphore(%arg28 : memref<!tpu.dma_semaphore, #tpu.memory_space<semaphore_mem>>)
      %gt3A_518 = arith.constant 0 : i32
      %gt3A_519 = arith.cmpi sgt, %scan3A_76, %gt3A_518 : i32
      %convert_element_type3A_520 = arith.extui %gt3A_519 : i1 to i32
      %cond3A_521 = arith.constant 0 : i32
      %cond3A_522 = arith.cmpi ne, %convert_element_type3A_520, %cond3A_521 : i32
      scf.if %cond3A_522 {
        %dma_wait3A_963 = arith.constant 0 : i32
        %dma_wait3A_964 = arith.constant 0 : i32
        %dma_wait3A_965 = tpu.memref_slice %arg4[%mul3A_2, %dma_wait3A_963, %dma_wait3A_964] : memref<4096x21x128xf32, #tpu.memory_space<hbm>> -> memref<4x21x128xf32, #tpu.memory_space<hbm>>
        %dma_wait3A_966 = arith.constant 0 : i32
        %dma_wait3A_967 = arith.constant 0 : i32
        %dma_wait3A_968 = tpu.memref_slice %arg4[%mul3A_2, %dma_wait3A_966, %dma_wait3A_967] : memref<4096x21x128xf32, #tpu.memory_space<hbm>> -> memref<4x21x128xf32, #tpu.memory_space<hbm>>
        tpu.wait_dma2 semaphore(%arg29 : memref<!tpu.dma_semaphore, #tpu.memory_space<semaphore_mem>>) src(%arg13 : memref<4x21x128xf32, #tpu.memory_space<vmem>>) dst(%dma_wait3A_968 : memref<4x21x128xf32, #tpu.memory_space<hbm>>)
        %dma_wait3A_969 = arith.constant 0 : i32
        %dma_wait3A_970 = arith.constant 0 : i32
        %dma_wait3A_971 = tpu.memref_slice %arg4[%mul3A_2, %dma_wait3A_969, %dma_wait3A_970] : memref<4096x21x128xf32, #tpu.memory_space<hbm>> -> memref<4x21x128xf32, #tpu.memory_space<hbm>>
        %dma_wait3A_972 = arith.constant 0 : i32
        %dma_wait3A_973 = arith.constant 0 : i32
        %dma_wait3A_974 = tpu.memref_slice %arg4[%mul3A_2, %dma_wait3A_972, %dma_wait3A_973] : memref<4096x21x128xf32, #tpu.memory_space<hbm>> -> memref<4x21x128xf32, #tpu.memory_space<hbm>>
        tpu.wait_dma2 semaphore(%arg30 : memref<!tpu.dma_semaphore, #tpu.memory_space<semaphore_mem>>) src(%arg14 : memref<4x21x128xf32, #tpu.memory_space<vmem>>) dst(%dma_wait3A_974 : memref<4x21x128xf32, #tpu.memory_space<hbm>>)
        %dma_wait3A_975 = arith.constant 0 : i32
        %dma_wait3A_976 = arith.constant 0 : i32
        %dma_wait3A_977 = tpu.memref_slice %arg4[%mul3A_2, %dma_wait3A_975, %dma_wait3A_976] : memref<4096x21x128xf32, #tpu.memory_space<hbm>> -> memref<4x21x128xf32, #tpu.memory_space<hbm>>
        %dma_wait3A_978 = arith.constant 0 : i32
        %dma_wait3A_979 = arith.constant 0 : i32
        %dma_wait3A_980 = tpu.memref_slice %arg4[%mul3A_2, %dma_wait3A_978, %dma_wait3A_979] : memref<4096x21x128xf32, #tpu.memory_space<hbm>> -> memref<4x21x128xf32, #tpu.memory_space<hbm>>
        tpu.wait_dma2 semaphore(%arg31 : memref<!tpu.dma_semaphore, #tpu.memory_space<semaphore_mem>>) src(%arg15 : memref<4x21x128xf32, #tpu.memory_space<vmem>>) dst(%dma_wait3A_980 : memref<4x21x128xf32, #tpu.memory_space<hbm>>)
        %dma_wait3A_981 = arith.constant 0 : i32
        %dma_wait3A_982 = arith.constant 0 : i32
        %dma_wait3A_983 = tpu.memref_slice %arg4[%mul3A_2, %dma_wait3A_981, %dma_wait3A_982] : memref<4096x21x128xf32, #tpu.memory_space<hbm>> -> memref<4x21x128xf32, #tpu.memory_space<hbm>>
        %dma_wait3A_984 = arith.constant 0 : i32
        %dma_wait3A_985 = arith.constant 0 : i32
        %dma_wait3A_986 = tpu.memref_slice %arg4[%mul3A_2, %dma_wait3A_984, %dma_wait3A_985] : memref<4096x21x128xf32, #tpu.memory_space<hbm>> -> memref<4x21x128xf32, #tpu.memory_space<hbm>>
        tpu.wait_dma2 semaphore(%arg32 : memref<!tpu.dma_semaphore, #tpu.memory_space<semaphore_mem>>) src(%arg16 : memref<4x21x128xf32, #tpu.memory_space<vmem>>) dst(%dma_wait3A_986 : memref<4x21x128xf32, #tpu.memory_space<hbm>>)
      } else {
      }
      %mul3A_523 = arith.constant 8 : i32
      %mul3A_524 = arith.muli %scan3A_76, %mul3A_523 : i32
      %add3A_525 = arith.constant 4 : i32
      %add3A_526 = arith.addi %mul3A_524, %add3A_525 : i32
      %add3A_527 = arith.constant 4 : i32
      %add3A_528 = arith.addi %add3A_526, %add3A_527 : i32
      %sub3A_529 = arith.constant 4 : i32
      %sub3A_530 = arith.subi %add3A_528, %sub3A_529 : i32
      %mul3A_531 = arith.constant 4 : i32
      %mul3A_532 = arith.muli %sub3A_530, %mul3A_531 : i32
      %add3A_533 = arith.constant 0 : i32
      %add3A_534 = arith.addi %mul3A_532, %add3A_533 : i32
      %dma_start3A_535 = arith.constant 0 : i32
      %dma_start3A_536 = arith.constant 0 : i32
      %dma_start3A_537 = arith.constant 0 : i32
      %dma_start3A_538 = tpu.memref_slice %arg13[%dma_start3A_535, %dma_start3A_536, %dma_start3A_537] : memref<4x21x128xf32, #tpu.memory_space<vmem>> -> memref<1x21x128xf32, #tpu.memory_space<vmem>>
      %dma_start3A_539 = tpu.memref_squeeze %dma_start3A_538 : memref<1x21x128xf32, #tpu.memory_space<vmem>> -> memref<21x128xf32, #tpu.memory_space<vmem>>
      %dma_start3A_540 = arith.constant 0 : i32
      %dma_start3A_541 = tpu.memref_slice %arg6[%add3A_534, %dma_start3A_540] : memref<128x21xi32, #tpu.memory_space<vmem>> -> memref<1x21xi32, #tpu.memory_space<vmem>>
      %dma_start3A_542 = tpu.memref_squeeze %dma_start3A_541 : memref<1x21xi32, #tpu.memory_space<vmem>> -> memref<21xi32, #tpu.memory_space<vmem>>
      %dma_start3A_543 = arith.constant 0 : i32
      %dma_start3A_544 = arith.constant 0 : i32
      %dma_start3A_545 = tpu.memref_slice %arg8[%dma_start3A_543, %dma_start3A_544] : memref<30x128xf32, #tpu.memory_space<vmem_shared>> -> memref<30x128xf32, #tpu.memory_space<vmem_shared>>
      tpu.enqueue_indirect_dma source(%dma_start3A_545 : memref<30x128xf32, #tpu.memory_space<vmem_shared>>) target(%dma_start3A_539 : memref<21x128xf32, #tpu.memory_space<vmem>>) offsets(%dma_start3A_542 : memref<21xi32, #tpu.memory_space<vmem>>) semaphore(%arg21 : memref<!tpu.dma_semaphore, #tpu.memory_space<semaphore_mem>>)
      %add3A_546 = arith.constant 1 : i32
      %add3A_547 = arith.addi %mul3A_532, %add3A_546 : i32
      %dma_start3A_548 = arith.constant 1 : i32
      %dma_start3A_549 = arith.constant 0 : i32
      %dma_start3A_550 = arith.constant 0 : i32
      %dma_start3A_551 = tpu.memref_slice %arg13[%dma_start3A_548, %dma_start3A_549, %dma_start3A_550] : memref<4x21x128xf32, #tpu.memory_space<vmem>> -> memref<1x21x128xf32, #tpu.memory_space<vmem>>
      %dma_start3A_552 = tpu.memref_squeeze %dma_start3A_551 : memref<1x21x128xf32, #tpu.memory_space<vmem>> -> memref<21x128xf32, #tpu.memory_space<vmem>>
      %dma_start3A_553 = arith.constant 0 : i32
      %dma_start3A_554 = tpu.memref_slice %arg6[%add3A_547, %dma_start3A_553] : memref<128x21xi32, #tpu.memory_space<vmem>> -> memref<1x21xi32, #tpu.memory_space<vmem>>
      %dma_start3A_555 = tpu.memref_squeeze %dma_start3A_554 : memref<1x21xi32, #tpu.memory_space<vmem>> -> memref<21xi32, #tpu.memory_space<vmem>>
      %dma_start3A_556 = arith.constant 0 : i32
      %dma_start3A_557 = arith.constant 0 : i32
      %dma_start3A_558 = tpu.memref_slice %arg8[%dma_start3A_556, %dma_start3A_557] : memref<30x128xf32, #tpu.memory_space<vmem_shared>> -> memref<30x128xf32, #tpu.memory_space<vmem_shared>>
      tpu.enqueue_indirect_dma source(%dma_start3A_558 : memref<30x128xf32, #tpu.memory_space<vmem_shared>>) target(%dma_start3A_552 : memref<21x128xf32, #tpu.memory_space<vmem>>) offsets(%dma_start3A_555 : memref<21xi32, #tpu.memory_space<vmem>>) semaphore(%arg21 : memref<!tpu.dma_semaphore, #tpu.memory_space<semaphore_mem>>)
      %add3A_559 = arith.constant 2 : i32
      %add3A_560 = arith.addi %mul3A_532, %add3A_559 : i32
      %dma_start3A_561 = arith.constant 2 : i32
      %dma_start3A_562 = arith.constant 0 : i32
      %dma_start3A_563 = arith.constant 0 : i32
      %dma_start3A_564 = tpu.memref_slice %arg13[%dma_start3A_561, %dma_start3A_562, %dma_start3A_563] : memref<4x21x128xf32, #tpu.memory_space<vmem>> -> memref<1x21x128xf32, #tpu.memory_space<vmem>>
      %dma_start3A_565 = tpu.memref_squeeze %dma_start3A_564 : memref<1x21x128xf32, #tpu.memory_space<vmem>> -> memref<21x128xf32, #tpu.memory_space<vmem>>
      %dma_start3A_566 = arith.constant 0 : i32
      %dma_start3A_567 = tpu.memref_slice %arg6[%add3A_560, %dma_start3A_566] : memref<128x21xi32, #tpu.memory_space<vmem>> -> memref<1x21xi32, #tpu.memory_space<vmem>>
      %dma_start3A_568 = tpu.memref_squeeze %dma_start3A_567 : memref<1x21xi32, #tpu.memory_space<vmem>> -> memref<21xi32, #tpu.memory_space<vmem>>
      %dma_start3A_569 = arith.constant 0 : i32
      %dma_start3A_570 = arith.constant 0 : i32
      %dma_start3A_571 = tpu.memref_slice %arg8[%dma_start3A_569, %dma_start3A_570] : memref<30x128xf32, #tpu.memory_space<vmem_shared>> -> memref<30x128xf32, #tpu.memory_space<vmem_shared>>
      tpu.enqueue_indirect_dma source(%dma_start3A_571 : memref<30x128xf32, #tpu.memory_space<vmem_shared>>) target(%dma_start3A_565 : memref<21x128xf32, #tpu.memory_space<vmem>>) offsets(%dma_start3A_568 : memref<21xi32, #tpu.memory_space<vmem>>) semaphore(%arg21 : memref<!tpu.dma_semaphore, #tpu.memory_space<semaphore_mem>>)
      %add3A_572 = arith.constant 3 : i32
      %add3A_573 = arith.addi %mul3A_532, %add3A_572 : i32
      %dma_start3A_574 = arith.constant 3 : i32
      %dma_start3A_575 = arith.constant 0 : i32
      %dma_start3A_576 = arith.constant 0 : i32
      %dma_start3A_577 = tpu.memref_slice %arg13[%dma_start3A_574, %dma_start3A_575, %dma_start3A_576] : memref<4x21x128xf32, #tpu.memory_space<vmem>> -> memref<1x21x128xf32, #tpu.memory_space<vmem>>
      %dma_start3A_578 = tpu.memref_squeeze %dma_start3A_577 : memref<1x21x128xf32, #tpu.memory_space<vmem>> -> memref<21x128xf32, #tpu.memory_space<vmem>>
      %dma_start3A_579 = arith.constant 0 : i32
      %dma_start3A_580 = tpu.memref_slice %arg6[%add3A_573, %dma_start3A_579] : memref<128x21xi32, #tpu.memory_space<vmem>> -> memref<1x21xi32, #tpu.memory_space<vmem>>
      %dma_start3A_581 = tpu.memref_squeeze %dma_start3A_580 : memref<1x21xi32, #tpu.memory_space<vmem>> -> memref<21xi32, #tpu.memory_space<vmem>>
      %dma_start3A_582 = arith.constant 0 : i32
      %dma_start3A_583 = arith.constant 0 : i32
      %dma_start3A_584 = tpu.memref_slice %arg8[%dma_start3A_582, %dma_start3A_583] : memref<30x128xf32, #tpu.memory_space<vmem_shared>> -> memref<30x128xf32, #tpu.memory_space<vmem_shared>>
      tpu.enqueue_indirect_dma source(%dma_start3A_584 : memref<30x128xf32, #tpu.memory_space<vmem_shared>>) target(%dma_start3A_578 : memref<21x128xf32, #tpu.memory_space<vmem>>) offsets(%dma_start3A_581 : memref<21xi32, #tpu.memory_space<vmem>>) semaphore(%arg21 : memref<!tpu.dma_semaphore, #tpu.memory_space<semaphore_mem>>)
      %dma_wait3A_585 = arith.constant 0 : i32
      %dma_wait3A_586 = arith.constant 0 : i32
      %dma_wait3A_587 = arith.constant 0 : i32
      %dma_wait3A_588 = tpu.memref_slice %arg13[%dma_wait3A_585, %dma_wait3A_586, %dma_wait3A_587] : memref<4x21x128xf32, #tpu.memory_space<vmem>> -> memref<1x21x128xf32, #tpu.memory_space<vmem>>
      %dma_wait3A_589 = tpu.memref_squeeze %dma_wait3A_588 : memref<1x21x128xf32, #tpu.memory_space<vmem>> -> memref<21x128xf32, #tpu.memory_space<vmem>>
      %dma_wait3A_590 = arith.constant 0 : i32
      %dma_wait3A_591 = tpu.memref_slice %arg6[%add3A_534, %dma_wait3A_590] : memref<128x21xi32, #tpu.memory_space<vmem>> -> memref<1x21xi32, #tpu.memory_space<vmem>>
      %dma_wait3A_592 = tpu.memref_squeeze %dma_wait3A_591 : memref<1x21xi32, #tpu.memory_space<vmem>> -> memref<21xi32, #tpu.memory_space<vmem>>
      %dma_wait3A_593 = arith.constant 0 : i32
      %dma_wait3A_594 = arith.constant 0 : i32
      %dma_wait3A_595 = tpu.memref_slice %arg8[%dma_wait3A_593, %dma_wait3A_594] : memref<30x128xf32, #tpu.memory_space<vmem_shared>> -> memref<30x128xf32, #tpu.memory_space<vmem_shared>>
      tpu.wait_indirect_dma semaphore(%arg21 : memref<!tpu.dma_semaphore, #tpu.memory_space<semaphore_mem>>) src(%dma_wait3A_595 : memref<30x128xf32, #tpu.memory_space<vmem_shared>>) dst(%dma_wait3A_589 : memref<21x128xf32, #tpu.memory_space<vmem>>)
      %dma_wait3A_596 = arith.constant 1 : i32
      %dma_wait3A_597 = arith.constant 0 : i32
      %dma_wait3A_598 = arith.constant 0 : i32
      %dma_wait3A_599 = tpu.memref_slice %arg13[%dma_wait3A_596, %dma_wait3A_597, %dma_wait3A_598] : memref<4x21x128xf32, #tpu.memory_space<vmem>> -> memref<1x21x128xf32, #tpu.memory_space<vmem>>
      %dma_wait3A_600 = tpu.memref_squeeze %dma_wait3A_599 : memref<1x21x128xf32, #tpu.memory_space<vmem>> -> memref<21x128xf32, #tpu.memory_space<vmem>>
      %dma_wait3A_601 = arith.constant 0 : i32
      %dma_wait3A_602 = tpu.memref_slice %arg6[%add3A_547, %dma_wait3A_601] : memref<128x21xi32, #tpu.memory_space<vmem>> -> memref<1x21xi32, #tpu.memory_space<vmem>>
      %dma_wait3A_603 = tpu.memref_squeeze %dma_wait3A_602 : memref<1x21xi32, #tpu.memory_space<vmem>> -> memref<21xi32, #tpu.memory_space<vmem>>
      %dma_wait3A_604 = arith.constant 0 : i32
      %dma_wait3A_605 = arith.constant 0 : i32
      %dma_wait3A_606 = tpu.memref_slice %arg8[%dma_wait3A_604, %dma_wait3A_605] : memref<30x128xf32, #tpu.memory_space<vmem_shared>> -> memref<30x128xf32, #tpu.memory_space<vmem_shared>>
      tpu.wait_indirect_dma semaphore(%arg21 : memref<!tpu.dma_semaphore, #tpu.memory_space<semaphore_mem>>) src(%dma_wait3A_606 : memref<30x128xf32, #tpu.memory_space<vmem_shared>>) dst(%dma_wait3A_600 : memref<21x128xf32, #tpu.memory_space<vmem>>)
      %dma_wait3A_607 = arith.constant 2 : i32
      %dma_wait3A_608 = arith.constant 0 : i32
      %dma_wait3A_609 = arith.constant 0 : i32
      %dma_wait3A_610 = tpu.memref_slice %arg13[%dma_wait3A_607, %dma_wait3A_608, %dma_wait3A_609] : memref<4x21x128xf32, #tpu.memory_space<vmem>> -> memref<1x21x128xf32, #tpu.memory_space<vmem>>
      %dma_wait3A_611 = tpu.memref_squeeze %dma_wait3A_610 : memref<1x21x128xf32, #tpu.memory_space<vmem>> -> memref<21x128xf32, #tpu.memory_space<vmem>>
      %dma_wait3A_612 = arith.constant 0 : i32
      %dma_wait3A_613 = tpu.memref_slice %arg6[%add3A_560, %dma_wait3A_612] : memref<128x21xi32, #tpu.memory_space<vmem>> -> memref<1x21xi32, #tpu.memory_space<vmem>>
      %dma_wait3A_614 = tpu.memref_squeeze %dma_wait3A_613 : memref<1x21xi32, #tpu.memory_space<vmem>> -> memref<21xi32, #tpu.memory_space<vmem>>
      %dma_wait3A_615 = arith.constant 0 : i32
      %dma_wait3A_616 = arith.constant 0 : i32
      %dma_wait3A_617 = tpu.memref_slice %arg8[%dma_wait3A_615, %dma_wait3A_616] : memref<30x128xf32, #tpu.memory_space<vmem_shared>> -> memref<30x128xf32, #tpu.memory_space<vmem_shared>>
      tpu.wait_indirect_dma semaphore(%arg21 : memref<!tpu.dma_semaphore, #tpu.memory_space<semaphore_mem>>) src(%dma_wait3A_617 : memref<30x128xf32, #tpu.memory_space<vmem_shared>>) dst(%dma_wait3A_611 : memref<21x128xf32, #tpu.memory_space<vmem>>)
      %dma_wait3A_618 = arith.constant 3 : i32
      %dma_wait3A_619 = arith.constant 0 : i32
      %dma_wait3A_620 = arith.constant 0 : i32
      %dma_wait3A_621 = tpu.memref_slice %arg13[%dma_wait3A_618, %dma_wait3A_619, %dma_wait3A_620] : memref<4x21x128xf32, #tpu.memory_space<vmem>> -> memref<1x21x128xf32, #tpu.memory_space<vmem>>
      %dma_wait3A_622 = tpu.memref_squeeze %dma_wait3A_621 : memref<1x21x128xf32, #tpu.memory_space<vmem>> -> memref<21x128xf32, #tpu.memory_space<vmem>>
      %dma_wait3A_623 = arith.constant 0 : i32
      %dma_wait3A_624 = tpu.memref_slice %arg6[%add3A_573, %dma_wait3A_623] : memref<128x21xi32, #tpu.memory_space<vmem>> -> memref<1x21xi32, #tpu.memory_space<vmem>>
      %dma_wait3A_625 = tpu.memref_squeeze %dma_wait3A_624 : memref<1x21xi32, #tpu.memory_space<vmem>> -> memref<21xi32, #tpu.memory_space<vmem>>
      %dma_wait3A_626 = arith.constant 0 : i32
      %dma_wait3A_627 = arith.constant 0 : i32
      %dma_wait3A_628 = tpu.memref_slice %arg8[%dma_wait3A_626, %dma_wait3A_627] : memref<30x128xf32, #tpu.memory_space<vmem_shared>> -> memref<30x128xf32, #tpu.memory_space<vmem_shared>>
      tpu.wait_indirect_dma semaphore(%arg21 : memref<!tpu.dma_semaphore, #tpu.memory_space<semaphore_mem>>) src(%dma_wait3A_628 : memref<30x128xf32, #tpu.memory_space<vmem_shared>>) dst(%dma_wait3A_622 : memref<21x128xf32, #tpu.memory_space<vmem>>)
      %add3A_629 = arith.addi %mul3A_2, %mul3A_532 : i32
      %dma_start3A_630 = arith.constant 0 : i32
      %dma_start3A_631 = arith.constant 0 : i32
      %dma_start3A_632 = tpu.memref_slice %arg4[%add3A_629, %dma_start3A_630, %dma_start3A_631] : memref<4096x21x128xf32, #tpu.memory_space<hbm>> -> memref<4x21x128xf32, #tpu.memory_space<hbm>>
      %dma_start3A_633 = arith.constant 0 : i32
      %dma_start3A_634 = arith.constant 0 : i32
      %dma_start3A_635 = tpu.memref_slice %arg4[%add3A_629, %dma_start3A_633, %dma_start3A_634] : memref<4096x21x128xf32, #tpu.memory_space<hbm>> -> memref<4x21x128xf32, #tpu.memory_space<hbm>>
      tpu.enqueue_dma source(%arg13 : memref<4x21x128xf32, #tpu.memory_space<vmem>>) target(%dma_start3A_635 : memref<4x21x128xf32, #tpu.memory_space<hbm>>) target_semaphore(%arg29 : memref<!tpu.dma_semaphore, #tpu.memory_space<semaphore_mem>>)
      %add3A_636 = arith.constant 5 : i32
      %add3A_637 = arith.addi %add3A_526, %add3A_636 : i32
      %sub3A_638 = arith.constant 4 : i32
      %sub3A_639 = arith.subi %add3A_637, %sub3A_638 : i32
      %mul3A_640 = arith.constant 4 : i32
      %mul3A_641 = arith.muli %sub3A_639, %mul3A_640 : i32
      %add3A_642 = arith.constant 0 : i32
      %add3A_643 = arith.addi %mul3A_641, %add3A_642 : i32
      %dma_start3A_644 = arith.constant 0 : i32
      %dma_start3A_645 = arith.constant 0 : i32
      %dma_start3A_646 = arith.constant 0 : i32
      %dma_start3A_647 = tpu.memref_slice %arg14[%dma_start3A_644, %dma_start3A_645, %dma_start3A_646] : memref<4x21x128xf32, #tpu.memory_space<vmem>> -> memref<1x21x128xf32, #tpu.memory_space<vmem>>
      %dma_start3A_648 = tpu.memref_squeeze %dma_start3A_647 : memref<1x21x128xf32, #tpu.memory_space<vmem>> -> memref<21x128xf32, #tpu.memory_space<vmem>>
      %dma_start3A_649 = arith.constant 0 : i32
      %dma_start3A_650 = tpu.memref_slice %arg6[%add3A_643, %dma_start3A_649] : memref<128x21xi32, #tpu.memory_space<vmem>> -> memref<1x21xi32, #tpu.memory_space<vmem>>
      %dma_start3A_651 = tpu.memref_squeeze %dma_start3A_650 : memref<1x21xi32, #tpu.memory_space<vmem>> -> memref<21xi32, #tpu.memory_space<vmem>>
      %dma_start3A_652 = arith.constant 0 : i32
      %dma_start3A_653 = arith.constant 0 : i32
      %dma_start3A_654 = tpu.memref_slice %arg8[%dma_start3A_652, %dma_start3A_653] : memref<30x128xf32, #tpu.memory_space<vmem_shared>> -> memref<30x128xf32, #tpu.memory_space<vmem_shared>>
      tpu.enqueue_indirect_dma source(%dma_start3A_654 : memref<30x128xf32, #tpu.memory_space<vmem_shared>>) target(%dma_start3A_648 : memref<21x128xf32, #tpu.memory_space<vmem>>) offsets(%dma_start3A_651 : memref<21xi32, #tpu.memory_space<vmem>>) semaphore(%arg22 : memref<!tpu.dma_semaphore, #tpu.memory_space<semaphore_mem>>)
      %add3A_655 = arith.constant 1 : i32
      %add3A_656 = arith.addi %mul3A_641, %add3A_655 : i32
      %dma_start3A_657 = arith.constant 1 : i32
      %dma_start3A_658 = arith.constant 0 : i32
      %dma_start3A_659 = arith.constant 0 : i32
      %dma_start3A_660 = tpu.memref_slice %arg14[%dma_start3A_657, %dma_start3A_658, %dma_start3A_659] : memref<4x21x128xf32, #tpu.memory_space<vmem>> -> memref<1x21x128xf32, #tpu.memory_space<vmem>>
      %dma_start3A_661 = tpu.memref_squeeze %dma_start3A_660 : memref<1x21x128xf32, #tpu.memory_space<vmem>> -> memref<21x128xf32, #tpu.memory_space<vmem>>
      %dma_start3A_662 = arith.constant 0 : i32
      %dma_start3A_663 = tpu.memref_slice %arg6[%add3A_656, %dma_start3A_662] : memref<128x21xi32, #tpu.memory_space<vmem>> -> memref<1x21xi32, #tpu.memory_space<vmem>>
      %dma_start3A_664 = tpu.memref_squeeze %dma_start3A_663 : memref<1x21xi32, #tpu.memory_space<vmem>> -> memref<21xi32, #tpu.memory_space<vmem>>
      %dma_start3A_665 = arith.constant 0 : i32
      %dma_start3A_666 = arith.constant 0 : i32
      %dma_start3A_667 = tpu.memref_slice %arg8[%dma_start3A_665, %dma_start3A_666] : memref<30x128xf32, #tpu.memory_space<vmem_shared>> -> memref<30x128xf32, #tpu.memory_space<vmem_shared>>
      tpu.enqueue_indirect_dma source(%dma_start3A_667 : memref<30x128xf32, #tpu.memory_space<vmem_shared>>) target(%dma_start3A_661 : memref<21x128xf32, #tpu.memory_space<vmem>>) offsets(%dma_start3A_664 : memref<21xi32, #tpu.memory_space<vmem>>) semaphore(%arg22 : memref<!tpu.dma_semaphore, #tpu.memory_space<semaphore_mem>>)
      %add3A_668 = arith.constant 2 : i32
      %add3A_669 = arith.addi %mul3A_641, %add3A_668 : i32
      %dma_start3A_670 = arith.constant 2 : i32
      %dma_start3A_671 = arith.constant 0 : i32
      %dma_start3A_672 = arith.constant 0 : i32
      %dma_start3A_673 = tpu.memref_slice %arg14[%dma_start3A_670, %dma_start3A_671, %dma_start3A_672] : memref<4x21x128xf32, #tpu.memory_space<vmem>> -> memref<1x21x128xf32, #tpu.memory_space<vmem>>
      %dma_start3A_674 = tpu.memref_squeeze %dma_start3A_673 : memref<1x21x128xf32, #tpu.memory_space<vmem>> -> memref<21x128xf32, #tpu.memory_space<vmem>>
      %dma_start3A_675 = arith.constant 0 : i32
      %dma_start3A_676 = tpu.memref_slice %arg6[%add3A_669, %dma_start3A_675] : memref<128x21xi32, #tpu.memory_space<vmem>> -> memref<1x21xi32, #tpu.memory_space<vmem>>
      %dma_start3A_677 = tpu.memref_squeeze %dma_start3A_676 : memref<1x21xi32, #tpu.memory_space<vmem>> -> memref<21xi32, #tpu.memory_space<vmem>>
      %dma_start3A_678 = arith.constant 0 : i32
      %dma_start3A_679 = arith.constant 0 : i32
      %dma_start3A_680 = tpu.memref_slice %arg8[%dma_start3A_678, %dma_start3A_679] : memref<30x128xf32, #tpu.memory_space<vmem_shared>> -> memref<30x128xf32, #tpu.memory_space<vmem_shared>>
      tpu.enqueue_indirect_dma source(%dma_start3A_680 : memref<30x128xf32, #tpu.memory_space<vmem_shared>>) target(%dma_start3A_674 : memref<21x128xf32, #tpu.memory_space<vmem>>) offsets(%dma_start3A_677 : memref<21xi32, #tpu.memory_space<vmem>>) semaphore(%arg22 : memref<!tpu.dma_semaphore, #tpu.memory_space<semaphore_mem>>)
      %add3A_681 = arith.constant 3 : i32
      %add3A_682 = arith.addi %mul3A_641, %add3A_681 : i32
      %dma_start3A_683 = arith.constant 3 : i32
      %dma_start3A_684 = arith.constant 0 : i32
      %dma_start3A_685 = arith.constant 0 : i32
      %dma_start3A_686 = tpu.memref_slice %arg14[%dma_start3A_683, %dma_start3A_684, %dma_start3A_685] : memref<4x21x128xf32, #tpu.memory_space<vmem>> -> memref<1x21x128xf32, #tpu.memory_space<vmem>>
      %dma_start3A_687 = tpu.memref_squeeze %dma_start3A_686 : memref<1x21x128xf32, #tpu.memory_space<vmem>> -> memref<21x128xf32, #tpu.memory_space<vmem>>
      %dma_start3A_688 = arith.constant 0 : i32
      %dma_start3A_689 = tpu.memref_slice %arg6[%add3A_682, %dma_start3A_688] : memref<128x21xi32, #tpu.memory_space<vmem>> -> memref<1x21xi32, #tpu.memory_space<vmem>>
      %dma_start3A_690 = tpu.memref_squeeze %dma_start3A_689 : memref<1x21xi32, #tpu.memory_space<vmem>> -> memref<21xi32, #tpu.memory_space<vmem>>
      %dma_start3A_691 = arith.constant 0 : i32
      %dma_start3A_692 = arith.constant 0 : i32
      %dma_start3A_693 = tpu.memref_slice %arg8[%dma_start3A_691, %dma_start3A_692] : memref<30x128xf32, #tpu.memory_space<vmem_shared>> -> memref<30x128xf32, #tpu.memory_space<vmem_shared>>
      tpu.enqueue_indirect_dma source(%dma_start3A_693 : memref<30x128xf32, #tpu.memory_space<vmem_shared>>) target(%dma_start3A_687 : memref<21x128xf32, #tpu.memory_space<vmem>>) offsets(%dma_start3A_690 : memref<21xi32, #tpu.memory_space<vmem>>) semaphore(%arg22 : memref<!tpu.dma_semaphore, #tpu.memory_space<semaphore_mem>>)
      %dma_wait3A_694 = arith.constant 0 : i32
      %dma_wait3A_695 = arith.constant 0 : i32
      %dma_wait3A_696 = arith.constant 0 : i32
      %dma_wait3A_697 = tpu.memref_slice %arg14[%dma_wait3A_694, %dma_wait3A_695, %dma_wait3A_696] : memref<4x21x128xf32, #tpu.memory_space<vmem>> -> memref<1x21x128xf32, #tpu.memory_space<vmem>>
      %dma_wait3A_698 = tpu.memref_squeeze %dma_wait3A_697 : memref<1x21x128xf32, #tpu.memory_space<vmem>> -> memref<21x128xf32, #tpu.memory_space<vmem>>
      %dma_wait3A_699 = arith.constant 0 : i32
      %dma_wait3A_700 = tpu.memref_slice %arg6[%add3A_643, %dma_wait3A_699] : memref<128x21xi32, #tpu.memory_space<vmem>> -> memref<1x21xi32, #tpu.memory_space<vmem>>
      %dma_wait3A_701 = tpu.memref_squeeze %dma_wait3A_700 : memref<1x21xi32, #tpu.memory_space<vmem>> -> memref<21xi32, #tpu.memory_space<vmem>>
      %dma_wait3A_702 = arith.constant 0 : i32
      %dma_wait3A_703 = arith.constant 0 : i32
      %dma_wait3A_704 = tpu.memref_slice %arg8[%dma_wait3A_702, %dma_wait3A_703] : memref<30x128xf32, #tpu.memory_space<vmem_shared>> -> memref<30x128xf32, #tpu.memory_space<vmem_shared>>
      tpu.wait_indirect_dma semaphore(%arg22 : memref<!tpu.dma_semaphore, #tpu.memory_space<semaphore_mem>>) src(%dma_wait3A_704 : memref<30x128xf32, #tpu.memory_space<vmem_shared>>) dst(%dma_wait3A_698 : memref<21x128xf32, #tpu.memory_space<vmem>>)
      %dma_wait3A_705 = arith.constant 1 : i32
      %dma_wait3A_706 = arith.constant 0 : i32
      %dma_wait3A_707 = arith.constant 0 : i32
      %dma_wait3A_708 = tpu.memref_slice %arg14[%dma_wait3A_705, %dma_wait3A_706, %dma_wait3A_707] : memref<4x21x128xf32, #tpu.memory_space<vmem>> -> memref<1x21x128xf32, #tpu.memory_space<vmem>>
      %dma_wait3A_709 = tpu.memref_squeeze %dma_wait3A_708 : memref<1x21x128xf32, #tpu.memory_space<vmem>> -> memref<21x128xf32, #tpu.memory_space<vmem>>
      %dma_wait3A_710 = arith.constant 0 : i32
      %dma_wait3A_711 = tpu.memref_slice %arg6[%add3A_656, %dma_wait3A_710] : memref<128x21xi32, #tpu.memory_space<vmem>> -> memref<1x21xi32, #tpu.memory_space<vmem>>
      %dma_wait3A_712 = tpu.memref_squeeze %dma_wait3A_711 : memref<1x21xi32, #tpu.memory_space<vmem>> -> memref<21xi32, #tpu.memory_space<vmem>>
      %dma_wait3A_713 = arith.constant 0 : i32
      %dma_wait3A_714 = arith.constant 0 : i32
      %dma_wait3A_715 = tpu.memref_slice %arg8[%dma_wait3A_713, %dma_wait3A_714] : memref<30x128xf32, #tpu.memory_space<vmem_shared>> -> memref<30x128xf32, #tpu.memory_space<vmem_shared>>
      tpu.wait_indirect_dma semaphore(%arg22 : memref<!tpu.dma_semaphore, #tpu.memory_space<semaphore_mem>>) src(%dma_wait3A_715 : memref<30x128xf32, #tpu.memory_space<vmem_shared>>) dst(%dma_wait3A_709 : memref<21x128xf32, #tpu.memory_space<vmem>>)
      %dma_wait3A_716 = arith.constant 2 : i32
      %dma_wait3A_717 = arith.constant 0 : i32
      %dma_wait3A_718 = arith.constant 0 : i32
      %dma_wait3A_719 = tpu.memref_slice %arg14[%dma_wait3A_716, %dma_wait3A_717, %dma_wait3A_718] : memref<4x21x128xf32, #tpu.memory_space<vmem>> -> memref<1x21x128xf32, #tpu.memory_space<vmem>>
      %dma_wait3A_720 = tpu.memref_squeeze %dma_wait3A_719 : memref<1x21x128xf32, #tpu.memory_space<vmem>> -> memref<21x128xf32, #tpu.memory_space<vmem>>
      %dma_wait3A_721 = arith.constant 0 : i32
      %dma_wait3A_722 = tpu.memref_slice %arg6[%add3A_669, %dma_wait3A_721] : memref<128x21xi32, #tpu.memory_space<vmem>> -> memref<1x21xi32, #tpu.memory_space<vmem>>
      %dma_wait3A_723 = tpu.memref_squeeze %dma_wait3A_722 : memref<1x21xi32, #tpu.memory_space<vmem>> -> memref<21xi32, #tpu.memory_space<vmem>>
      %dma_wait3A_724 = arith.constant 0 : i32
      %dma_wait3A_725 = arith.constant 0 : i32
      %dma_wait3A_726 = tpu.memref_slice %arg8[%dma_wait3A_724, %dma_wait3A_725] : memref<30x128xf32, #tpu.memory_space<vmem_shared>> -> memref<30x128xf32, #tpu.memory_space<vmem_shared>>
      tpu.wait_indirect_dma semaphore(%arg22 : memref<!tpu.dma_semaphore, #tpu.memory_space<semaphore_mem>>) src(%dma_wait3A_726 : memref<30x128xf32, #tpu.memory_space<vmem_shared>>) dst(%dma_wait3A_720 : memref<21x128xf32, #tpu.memory_space<vmem>>)
      %dma_wait3A_727 = arith.constant 3 : i32
      %dma_wait3A_728 = arith.constant 0 : i32
      %dma_wait3A_729 = arith.constant 0 : i32
      %dma_wait3A_730 = tpu.memref_slice %arg14[%dma_wait3A_727, %dma_wait3A_728, %dma_wait3A_729] : memref<4x21x128xf32, #tpu.memory_space<vmem>> -> memref<1x21x128xf32, #tpu.memory_space<vmem>>
      %dma_wait3A_731 = tpu.memref_squeeze %dma_wait3A_730 : memref<1x21x128xf32, #tpu.memory_space<vmem>> -> memref<21x128xf32, #tpu.memory_space<vmem>>
      %dma_wait3A_732 = arith.constant 0 : i32
      %dma_wait3A_733 = tpu.memref_slice %arg6[%add3A_682, %dma_wait3A_732] : memref<128x21xi32, #tpu.memory_space<vmem>> -> memref<1x21xi32, #tpu.memory_space<vmem>>
      %dma_wait3A_734 = tpu.memref_squeeze %dma_wait3A_733 : memref<1x21xi32, #tpu.memory_space<vmem>> -> memref<21xi32, #tpu.memory_space<vmem>>
      %dma_wait3A_735 = arith.constant 0 : i32
      %dma_wait3A_736 = arith.constant 0 : i32
      %dma_wait3A_737 = tpu.memref_slice %arg8[%dma_wait3A_735, %dma_wait3A_736] : memref<30x128xf32, #tpu.memory_space<vmem_shared>> -> memref<30x128xf32, #tpu.memory_space<vmem_shared>>
      tpu.wait_indirect_dma semaphore(%arg22 : memref<!tpu.dma_semaphore, #tpu.memory_space<semaphore_mem>>) src(%dma_wait3A_737 : memref<30x128xf32, #tpu.memory_space<vmem_shared>>) dst(%dma_wait3A_731 : memref<21x128xf32, #tpu.memory_space<vmem>>)
      %add3A_738 = arith.addi %mul3A_2, %mul3A_641 : i32
      %dma_start3A_739 = arith.constant 0 : i32
      %dma_start3A_740 = arith.constant 0 : i32
      %dma_start3A_741 = tpu.memref_slice %arg4[%add3A_738, %dma_start3A_739, %dma_start3A_740] : memref<4096x21x128xf32, #tpu.memory_space<hbm>> -> memref<4x21x128xf32, #tpu.memory_space<hbm>>
      %dma_start3A_742 = arith.constant 0 : i32
      %dma_start3A_743 = arith.constant 0 : i32
      %dma_start3A_744 = tpu.memref_slice %arg4[%add3A_738, %dma_start3A_742, %dma_start3A_743] : memref<4096x21x128xf32, #tpu.memory_space<hbm>> -> memref<4x21x128xf32, #tpu.memory_space<hbm>>
      tpu.enqueue_dma source(%arg14 : memref<4x21x128xf32, #tpu.memory_space<vmem>>) target(%dma_start3A_744 : memref<4x21x128xf32, #tpu.memory_space<hbm>>) target_semaphore(%arg30 : memref<!tpu.dma_semaphore, #tpu.memory_space<semaphore_mem>>)
      %add3A_745 = arith.constant 6 : i32
      %add3A_746 = arith.addi %add3A_526, %add3A_745 : i32
      %sub3A_747 = arith.constant 4 : i32
      %sub3A_748 = arith.subi %add3A_746, %sub3A_747 : i32
      %mul3A_749 = arith.constant 4 : i32
      %mul3A_750 = arith.muli %sub3A_748, %mul3A_749 : i32
      %add3A_751 = arith.constant 0 : i32
      %add3A_752 = arith.addi %mul3A_750, %add3A_751 : i32
      %dma_start3A_753 = arith.constant 0 : i32
      %dma_start3A_754 = arith.constant 0 : i32
      %dma_start3A_755 = arith.constant 0 : i32
      %dma_start3A_756 = tpu.memref_slice %arg15[%dma_start3A_753, %dma_start3A_754, %dma_start3A_755] : memref<4x21x128xf32, #tpu.memory_space<vmem>> -> memref<1x21x128xf32, #tpu.memory_space<vmem>>
      %dma_start3A_757 = tpu.memref_squeeze %dma_start3A_756 : memref<1x21x128xf32, #tpu.memory_space<vmem>> -> memref<21x128xf32, #tpu.memory_space<vmem>>
      %dma_start3A_758 = arith.constant 0 : i32
      %dma_start3A_759 = tpu.memref_slice %arg6[%add3A_752, %dma_start3A_758] : memref<128x21xi32, #tpu.memory_space<vmem>> -> memref<1x21xi32, #tpu.memory_space<vmem>>
      %dma_start3A_760 = tpu.memref_squeeze %dma_start3A_759 : memref<1x21xi32, #tpu.memory_space<vmem>> -> memref<21xi32, #tpu.memory_space<vmem>>
      %dma_start3A_761 = arith.constant 0 : i32
      %dma_start3A_762 = arith.constant 0 : i32
      %dma_start3A_763 = tpu.memref_slice %arg8[%dma_start3A_761, %dma_start3A_762] : memref<30x128xf32, #tpu.memory_space<vmem_shared>> -> memref<30x128xf32, #tpu.memory_space<vmem_shared>>
      tpu.enqueue_indirect_dma source(%dma_start3A_763 : memref<30x128xf32, #tpu.memory_space<vmem_shared>>) target(%dma_start3A_757 : memref<21x128xf32, #tpu.memory_space<vmem>>) offsets(%dma_start3A_760 : memref<21xi32, #tpu.memory_space<vmem>>) semaphore(%arg23 : memref<!tpu.dma_semaphore, #tpu.memory_space<semaphore_mem>>)
      %add3A_764 = arith.constant 1 : i32
      %add3A_765 = arith.addi %mul3A_750, %add3A_764 : i32
      %dma_start3A_766 = arith.constant 1 : i32
      %dma_start3A_767 = arith.constant 0 : i32
      %dma_start3A_768 = arith.constant 0 : i32
      %dma_start3A_769 = tpu.memref_slice %arg15[%dma_start3A_766, %dma_start3A_767, %dma_start3A_768] : memref<4x21x128xf32, #tpu.memory_space<vmem>> -> memref<1x21x128xf32, #tpu.memory_space<vmem>>
      %dma_start3A_770 = tpu.memref_squeeze %dma_start3A_769 : memref<1x21x128xf32, #tpu.memory_space<vmem>> -> memref<21x128xf32, #tpu.memory_space<vmem>>
      %dma_start3A_771 = arith.constant 0 : i32
      %dma_start3A_772 = tpu.memref_slice %arg6[%add3A_765, %dma_start3A_771] : memref<128x21xi32, #tpu.memory_space<vmem>> -> memref<1x21xi32, #tpu.memory_space<vmem>>
      %dma_start3A_773 = tpu.memref_squeeze %dma_start3A_772 : memref<1x21xi32, #tpu.memory_space<vmem>> -> memref<21xi32, #tpu.memory_space<vmem>>
      %dma_start3A_774 = arith.constant 0 : i32
      %dma_start3A_775 = arith.constant 0 : i32
      %dma_start3A_776 = tpu.memref_slice %arg8[%dma_start3A_774, %dma_start3A_775] : memref<30x128xf32, #tpu.memory_space<vmem_shared>> -> memref<30x128xf32, #tpu.memory_space<vmem_shared>>
      tpu.enqueue_indirect_dma source(%dma_start3A_776 : memref<30x128xf32, #tpu.memory_space<vmem_shared>>) target(%dma_start3A_770 : memref<21x128xf32, #tpu.memory_space<vmem>>) offsets(%dma_start3A_773 : memref<21xi32, #tpu.memory_space<vmem>>) semaphore(%arg23 : memref<!tpu.dma_semaphore, #tpu.memory_space<semaphore_mem>>)
      %add3A_777 = arith.constant 2 : i32
      %add3A_778 = arith.addi %mul3A_750, %add3A_777 : i32
      %dma_start3A_779 = arith.constant 2 : i32
      %dma_start3A_780 = arith.constant 0 : i32
      %dma_start3A_781 = arith.constant 0 : i32
      %dma_start3A_782 = tpu.memref_slice %arg15[%dma_start3A_779, %dma_start3A_780, %dma_start3A_781] : memref<4x21x128xf32, #tpu.memory_space<vmem>> -> memref<1x21x128xf32, #tpu.memory_space<vmem>>
      %dma_start3A_783 = tpu.memref_squeeze %dma_start3A_782 : memref<1x21x128xf32, #tpu.memory_space<vmem>> -> memref<21x128xf32, #tpu.memory_space<vmem>>
      %dma_start3A_784 = arith.constant 0 : i32
      %dma_start3A_785 = tpu.memref_slice %arg6[%add3A_778, %dma_start3A_784] : memref<128x21xi32, #tpu.memory_space<vmem>> -> memref<1x21xi32, #tpu.memory_space<vmem>>
      %dma_start3A_786 = tpu.memref_squeeze %dma_start3A_785 : memref<1x21xi32, #tpu.memory_space<vmem>> -> memref<21xi32, #tpu.memory_space<vmem>>
      %dma_start3A_787 = arith.constant 0 : i32
      %dma_start3A_788 = arith.constant 0 : i32
      %dma_start3A_789 = tpu.memref_slice %arg8[%dma_start3A_787, %dma_start3A_788] : memref<30x128xf32, #tpu.memory_space<vmem_shared>> -> memref<30x128xf32, #tpu.memory_space<vmem_shared>>
      tpu.enqueue_indirect_dma source(%dma_start3A_789 : memref<30x128xf32, #tpu.memory_space<vmem_shared>>) target(%dma_start3A_783 : memref<21x128xf32, #tpu.memory_space<vmem>>) offsets(%dma_start3A_786 : memref<21xi32, #tpu.memory_space<vmem>>) semaphore(%arg23 : memref<!tpu.dma_semaphore, #tpu.memory_space<semaphore_mem>>)
      %add3A_790 = arith.constant 3 : i32
      %add3A_791 = arith.addi %mul3A_750, %add3A_790 : i32
      %dma_start3A_792 = arith.constant 3 : i32
      %dma_start3A_793 = arith.constant 0 : i32
      %dma_start3A_794 = arith.constant 0 : i32
      %dma_start3A_795 = tpu.memref_slice %arg15[%dma_start3A_792, %dma_start3A_793, %dma_start3A_794] : memref<4x21x128xf32, #tpu.memory_space<vmem>> -> memref<1x21x128xf32, #tpu.memory_space<vmem>>
      %dma_start3A_796 = tpu.memref_squeeze %dma_start3A_795 : memref<1x21x128xf32, #tpu.memory_space<vmem>> -> memref<21x128xf32, #tpu.memory_space<vmem>>
      %dma_start3A_797 = arith.constant 0 : i32
      %dma_start3A_798 = tpu.memref_slice %arg6[%add3A_791, %dma_start3A_797] : memref<128x21xi32, #tpu.memory_space<vmem>> -> memref<1x21xi32, #tpu.memory_space<vmem>>
      %dma_start3A_799 = tpu.memref_squeeze %dma_start3A_798 : memref<1x21xi32, #tpu.memory_space<vmem>> -> memref<21xi32, #tpu.memory_space<vmem>>
      %dma_start3A_800 = arith.constant 0 : i32
      %dma_start3A_801 = arith.constant 0 : i32
      %dma_start3A_802 = tpu.memref_slice %arg8[%dma_start3A_800, %dma_start3A_801] : memref<30x128xf32, #tpu.memory_space<vmem_shared>> -> memref<30x128xf32, #tpu.memory_space<vmem_shared>>
      tpu.enqueue_indirect_dma source(%dma_start3A_802 : memref<30x128xf32, #tpu.memory_space<vmem_shared>>) target(%dma_start3A_796 : memref<21x128xf32, #tpu.memory_space<vmem>>) offsets(%dma_start3A_799 : memref<21xi32, #tpu.memory_space<vmem>>) semaphore(%arg23 : memref<!tpu.dma_semaphore, #tpu.memory_space<semaphore_mem>>)
      %dma_wait3A_803 = arith.constant 0 : i32
      %dma_wait3A_804 = arith.constant 0 : i32
      %dma_wait3A_805 = arith.constant 0 : i32
      %dma_wait3A_806 = tpu.memref_slice %arg15[%dma_wait3A_803, %dma_wait3A_804, %dma_wait3A_805] : memref<4x21x128xf32, #tpu.memory_space<vmem>> -> memref<1x21x128xf32, #tpu.memory_space<vmem>>
      %dma_wait3A_807 = tpu.memref_squeeze %dma_wait3A_806 : memref<1x21x128xf32, #tpu.memory_space<vmem>> -> memref<21x128xf32, #tpu.memory_space<vmem>>
      %dma_wait3A_808 = arith.constant 0 : i32
      %dma_wait3A_809 = tpu.memref_slice %arg6[%add3A_752, %dma_wait3A_808] : memref<128x21xi32, #tpu.memory_space<vmem>> -> memref<1x21xi32, #tpu.memory_space<vmem>>
      %dma_wait3A_810 = tpu.memref_squeeze %dma_wait3A_809 : memref<1x21xi32, #tpu.memory_space<vmem>> -> memref<21xi32, #tpu.memory_space<vmem>>
      %dma_wait3A_811 = arith.constant 0 : i32
      %dma_wait3A_812 = arith.constant 0 : i32
      %dma_wait3A_813 = tpu.memref_slice %arg8[%dma_wait3A_811, %dma_wait3A_812] : memref<30x128xf32, #tpu.memory_space<vmem_shared>> -> memref<30x128xf32, #tpu.memory_space<vmem_shared>>
      tpu.wait_indirect_dma semaphore(%arg23 : memref<!tpu.dma_semaphore, #tpu.memory_space<semaphore_mem>>) src(%dma_wait3A_813 : memref<30x128xf32, #tpu.memory_space<vmem_shared>>) dst(%dma_wait3A_807 : memref<21x128xf32, #tpu.memory_space<vmem>>)
      %dma_wait3A_814 = arith.constant 1 : i32
      %dma_wait3A_815 = arith.constant 0 : i32
      %dma_wait3A_816 = arith.constant 0 : i32
      %dma_wait3A_817 = tpu.memref_slice %arg15[%dma_wait3A_814, %dma_wait3A_815, %dma_wait3A_816] : memref<4x21x128xf32, #tpu.memory_space<vmem>> -> memref<1x21x128xf32, #tpu.memory_space<vmem>>
      %dma_wait3A_818 = tpu.memref_squeeze %dma_wait3A_817 : memref<1x21x128xf32, #tpu.memory_space<vmem>> -> memref<21x128xf32, #tpu.memory_space<vmem>>
      %dma_wait3A_819 = arith.constant 0 : i32
      %dma_wait3A_820 = tpu.memref_slice %arg6[%add3A_765, %dma_wait3A_819] : memref<128x21xi32, #tpu.memory_space<vmem>> -> memref<1x21xi32, #tpu.memory_space<vmem>>
      %dma_wait3A_821 = tpu.memref_squeeze %dma_wait3A_820 : memref<1x21xi32, #tpu.memory_space<vmem>> -> memref<21xi32, #tpu.memory_space<vmem>>
      %dma_wait3A_822 = arith.constant 0 : i32
      %dma_wait3A_823 = arith.constant 0 : i32
      %dma_wait3A_824 = tpu.memref_slice %arg8[%dma_wait3A_822, %dma_wait3A_823] : memref<30x128xf32, #tpu.memory_space<vmem_shared>> -> memref<30x128xf32, #tpu.memory_space<vmem_shared>>
      tpu.wait_indirect_dma semaphore(%arg23 : memref<!tpu.dma_semaphore, #tpu.memory_space<semaphore_mem>>) src(%dma_wait3A_824 : memref<30x128xf32, #tpu.memory_space<vmem_shared>>) dst(%dma_wait3A_818 : memref<21x128xf32, #tpu.memory_space<vmem>>)
      %dma_wait3A_825 = arith.constant 2 : i32
      %dma_wait3A_826 = arith.constant 0 : i32
      %dma_wait3A_827 = arith.constant 0 : i32
      %dma_wait3A_828 = tpu.memref_slice %arg15[%dma_wait3A_825, %dma_wait3A_826, %dma_wait3A_827] : memref<4x21x128xf32, #tpu.memory_space<vmem>> -> memref<1x21x128xf32, #tpu.memory_space<vmem>>
      %dma_wait3A_829 = tpu.memref_squeeze %dma_wait3A_828 : memref<1x21x128xf32, #tpu.memory_space<vmem>> -> memref<21x128xf32, #tpu.memory_space<vmem>>
      %dma_wait3A_830 = arith.constant 0 : i32
      %dma_wait3A_831 = tpu.memref_slice %arg6[%add3A_778, %dma_wait3A_830] : memref<128x21xi32, #tpu.memory_space<vmem>> -> memref<1x21xi32, #tpu.memory_space<vmem>>
      %dma_wait3A_832 = tpu.memref_squeeze %dma_wait3A_831 : memref<1x21xi32, #tpu.memory_space<vmem>> -> memref<21xi32, #tpu.memory_space<vmem>>
      %dma_wait3A_833 = arith.constant 0 : i32
      %dma_wait3A_834 = arith.constant 0 : i32
      %dma_wait3A_835 = tpu.memref_slice %arg8[%dma_wait3A_833, %dma_wait3A_834] : memref<30x128xf32, #tpu.memory_space<vmem_shared>> -> memref<30x128xf32, #tpu.memory_space<vmem_shared>>
      tpu.wait_indirect_dma semaphore(%arg23 : memref<!tpu.dma_semaphore, #tpu.memory_space<semaphore_mem>>) src(%dma_wait3A_835 : memref<30x128xf32, #tpu.memory_space<vmem_shared>>) dst(%dma_wait3A_829 : memref<21x128xf32, #tpu.memory_space<vmem>>)
      %dma_wait3A_836 = arith.constant 3 : i32
      %dma_wait3A_837 = arith.constant 0 : i32
      %dma_wait3A_838 = arith.constant 0 : i32
      %dma_wait3A_839 = tpu.memref_slice %arg15[%dma_wait3A_836, %dma_wait3A_837, %dma_wait3A_838] : memref<4x21x128xf32, #tpu.memory_space<vmem>> -> memref<1x21x128xf32, #tpu.memory_space<vmem>>
      %dma_wait3A_840 = tpu.memref_squeeze %dma_wait3A_839 : memref<1x21x128xf32, #tpu.memory_space<vmem>> -> memref<21x128xf32, #tpu.memory_space<vmem>>
      %dma_wait3A_841 = arith.constant 0 : i32
      %dma_wait3A_842 = tpu.memref_slice %arg6[%add3A_791, %dma_wait3A_841] : memref<128x21xi32, #tpu.memory_space<vmem>> -> memref<1x21xi32, #tpu.memory_space<vmem>>
      %dma_wait3A_843 = tpu.memref_squeeze %dma_wait3A_842 : memref<1x21xi32, #tpu.memory_space<vmem>> -> memref<21xi32, #tpu.memory_space<vmem>>
      %dma_wait3A_844 = arith.constant 0 : i32
      %dma_wait3A_845 = arith.constant 0 : i32
      %dma_wait3A_846 = tpu.memref_slice %arg8[%dma_wait3A_844, %dma_wait3A_845] : memref<30x128xf32, #tpu.memory_space<vmem_shared>> -> memref<30x128xf32, #tpu.memory_space<vmem_shared>>
      tpu.wait_indirect_dma semaphore(%arg23 : memref<!tpu.dma_semaphore, #tpu.memory_space<semaphore_mem>>) src(%dma_wait3A_846 : memref<30x128xf32, #tpu.memory_space<vmem_shared>>) dst(%dma_wait3A_840 : memref<21x128xf32, #tpu.memory_space<vmem>>)
      %add3A_847 = arith.addi %mul3A_2, %mul3A_750 : i32
      %dma_start3A_848 = arith.constant 0 : i32
      %dma_start3A_849 = arith.constant 0 : i32
      %dma_start3A_850 = tpu.memref_slice %arg4[%add3A_847, %dma_start3A_848, %dma_start3A_849] : memref<4096x21x128xf32, #tpu.memory_space<hbm>> -> memref<4x21x128xf32, #tpu.memory_space<hbm>>
      %dma_start3A_851 = arith.constant 0 : i32
      %dma_start3A_852 = arith.constant 0 : i32
      %dma_start3A_853 = tpu.memref_slice %arg4[%add3A_847, %dma_start3A_851, %dma_start3A_852] : memref<4096x21x128xf32, #tpu.memory_space<hbm>> -> memref<4x21x128xf32, #tpu.memory_space<hbm>>
      tpu.enqueue_dma source(%arg15 : memref<4x21x128xf32, #tpu.memory_space<vmem>>) target(%dma_start3A_853 : memref<4x21x128xf32, #tpu.memory_space<hbm>>) target_semaphore(%arg31 : memref<!tpu.dma_semaphore, #tpu.memory_space<semaphore_mem>>)
      %add3A_854 = arith.constant 7 : i32
      %add3A_855 = arith.addi %add3A_526, %add3A_854 : i32
      %sub3A_856 = arith.constant 4 : i32
      %sub3A_857 = arith.subi %add3A_855, %sub3A_856 : i32
      %mul3A_858 = arith.constant 4 : i32
      %mul3A_859 = arith.muli %sub3A_857, %mul3A_858 : i32
      %add3A_860 = arith.constant 0 : i32
      %add3A_861 = arith.addi %mul3A_859, %add3A_860 : i32
      %dma_start3A_862 = arith.constant 0 : i32
      %dma_start3A_863 = arith.constant 0 : i32
      %dma_start3A_864 = arith.constant 0 : i32
      %dma_start3A_865 = tpu.memref_slice %arg16[%dma_start3A_862, %dma_start3A_863, %dma_start3A_864] : memref<4x21x128xf32, #tpu.memory_space<vmem>> -> memref<1x21x128xf32, #tpu.memory_space<vmem>>
      %dma_start3A_866 = tpu.memref_squeeze %dma_start3A_865 : memref<1x21x128xf32, #tpu.memory_space<vmem>> -> memref<21x128xf32, #tpu.memory_space<vmem>>
      %dma_start3A_867 = arith.constant 0 : i32
      %dma_start3A_868 = tpu.memref_slice %arg6[%add3A_861, %dma_start3A_867] : memref<128x21xi32, #tpu.memory_space<vmem>> -> memref<1x21xi32, #tpu.memory_space<vmem>>
      %dma_start3A_869 = tpu.memref_squeeze %dma_start3A_868 : memref<1x21xi32, #tpu.memory_space<vmem>> -> memref<21xi32, #tpu.memory_space<vmem>>
      %dma_start3A_870 = arith.constant 0 : i32
      %dma_start3A_871 = arith.constant 0 : i32
      %dma_start3A_872 = tpu.memref_slice %arg8[%dma_start3A_870, %dma_start3A_871] : memref<30x128xf32, #tpu.memory_space<vmem_shared>> -> memref<30x128xf32, #tpu.memory_space<vmem_shared>>
      tpu.enqueue_indirect_dma source(%dma_start3A_872 : memref<30x128xf32, #tpu.memory_space<vmem_shared>>) target(%dma_start3A_866 : memref<21x128xf32, #tpu.memory_space<vmem>>) offsets(%dma_start3A_869 : memref<21xi32, #tpu.memory_space<vmem>>) semaphore(%arg24 : memref<!tpu.dma_semaphore, #tpu.memory_space<semaphore_mem>>)
      %add3A_873 = arith.constant 1 : i32
      %add3A_874 = arith.addi %mul3A_859, %add3A_873 : i32
      %dma_start3A_875 = arith.constant 1 : i32
      %dma_start3A_876 = arith.constant 0 : i32
      %dma_start3A_877 = arith.constant 0 : i32
      %dma_start3A_878 = tpu.memref_slice %arg16[%dma_start3A_875, %dma_start3A_876, %dma_start3A_877] : memref<4x21x128xf32, #tpu.memory_space<vmem>> -> memref<1x21x128xf32, #tpu.memory_space<vmem>>
      %dma_start3A_879 = tpu.memref_squeeze %dma_start3A_878 : memref<1x21x128xf32, #tpu.memory_space<vmem>> -> memref<21x128xf32, #tpu.memory_space<vmem>>
      %dma_start3A_880 = arith.constant 0 : i32
      %dma_start3A_881 = tpu.memref_slice %arg6[%add3A_874, %dma_start3A_880] : memref<128x21xi32, #tpu.memory_space<vmem>> -> memref<1x21xi32, #tpu.memory_space<vmem>>
      %dma_start3A_882 = tpu.memref_squeeze %dma_start3A_881 : memref<1x21xi32, #tpu.memory_space<vmem>> -> memref<21xi32, #tpu.memory_space<vmem>>
      %dma_start3A_883 = arith.constant 0 : i32
      %dma_start3A_884 = arith.constant 0 : i32
      %dma_start3A_885 = tpu.memref_slice %arg8[%dma_start3A_883, %dma_start3A_884] : memref<30x128xf32, #tpu.memory_space<vmem_shared>> -> memref<30x128xf32, #tpu.memory_space<vmem_shared>>
      tpu.enqueue_indirect_dma source(%dma_start3A_885 : memref<30x128xf32, #tpu.memory_space<vmem_shared>>) target(%dma_start3A_879 : memref<21x128xf32, #tpu.memory_space<vmem>>) offsets(%dma_start3A_882 : memref<21xi32, #tpu.memory_space<vmem>>) semaphore(%arg24 : memref<!tpu.dma_semaphore, #tpu.memory_space<semaphore_mem>>)
      %add3A_886 = arith.constant 2 : i32
      %add3A_887 = arith.addi %mul3A_859, %add3A_886 : i32
      %dma_start3A_888 = arith.constant 2 : i32
      %dma_start3A_889 = arith.constant 0 : i32
      %dma_start3A_890 = arith.constant 0 : i32
      %dma_start3A_891 = tpu.memref_slice %arg16[%dma_start3A_888, %dma_start3A_889, %dma_start3A_890] : memref<4x21x128xf32, #tpu.memory_space<vmem>> -> memref<1x21x128xf32, #tpu.memory_space<vmem>>
      %dma_start3A_892 = tpu.memref_squeeze %dma_start3A_891 : memref<1x21x128xf32, #tpu.memory_space<vmem>> -> memref<21x128xf32, #tpu.memory_space<vmem>>
      %dma_start3A_893 = arith.constant 0 : i32
      %dma_start3A_894 = tpu.memref_slice %arg6[%add3A_887, %dma_start3A_893] : memref<128x21xi32, #tpu.memory_space<vmem>> -> memref<1x21xi32, #tpu.memory_space<vmem>>
      %dma_start3A_895 = tpu.memref_squeeze %dma_start3A_894 : memref<1x21xi32, #tpu.memory_space<vmem>> -> memref<21xi32, #tpu.memory_space<vmem>>
      %dma_start3A_896 = arith.constant 0 : i32
      %dma_start3A_897 = arith.constant 0 : i32
      %dma_start3A_898 = tpu.memref_slice %arg8[%dma_start3A_896, %dma_start3A_897] : memref<30x128xf32, #tpu.memory_space<vmem_shared>> -> memref<30x128xf32, #tpu.memory_space<vmem_shared>>
      tpu.enqueue_indirect_dma source(%dma_start3A_898 : memref<30x128xf32, #tpu.memory_space<vmem_shared>>) target(%dma_start3A_892 : memref<21x128xf32, #tpu.memory_space<vmem>>) offsets(%dma_start3A_895 : memref<21xi32, #tpu.memory_space<vmem>>) semaphore(%arg24 : memref<!tpu.dma_semaphore, #tpu.memory_space<semaphore_mem>>)
      %add3A_899 = arith.constant 3 : i32
      %add3A_900 = arith.addi %mul3A_859, %add3A_899 : i32
      %dma_start3A_901 = arith.constant 3 : i32
      %dma_start3A_902 = arith.constant 0 : i32
      %dma_start3A_903 = arith.constant 0 : i32
      %dma_start3A_904 = tpu.memref_slice %arg16[%dma_start3A_901, %dma_start3A_902, %dma_start3A_903] : memref<4x21x128xf32, #tpu.memory_space<vmem>> -> memref<1x21x128xf32, #tpu.memory_space<vmem>>
      %dma_start3A_905 = tpu.memref_squeeze %dma_start3A_904 : memref<1x21x128xf32, #tpu.memory_space<vmem>> -> memref<21x128xf32, #tpu.memory_space<vmem>>
      %dma_start3A_906 = arith.constant 0 : i32
      %dma_start3A_907 = tpu.memref_slice %arg6[%add3A_900, %dma_start3A_906] : memref<128x21xi32, #tpu.memory_space<vmem>> -> memref<1x21xi32, #tpu.memory_space<vmem>>
      %dma_start3A_908 = tpu.memref_squeeze %dma_start3A_907 : memref<1x21xi32, #tpu.memory_space<vmem>> -> memref<21xi32, #tpu.memory_space<vmem>>
      %dma_start3A_909 = arith.constant 0 : i32
      %dma_start3A_910 = arith.constant 0 : i32
      %dma_start3A_911 = tpu.memref_slice %arg8[%dma_start3A_909, %dma_start3A_910] : memref<30x128xf32, #tpu.memory_space<vmem_shared>> -> memref<30x128xf32, #tpu.memory_space<vmem_shared>>
      tpu.enqueue_indirect_dma source(%dma_start3A_911 : memref<30x128xf32, #tpu.memory_space<vmem_shared>>) target(%dma_start3A_905 : memref<21x128xf32, #tpu.memory_space<vmem>>) offsets(%dma_start3A_908 : memref<21xi32, #tpu.memory_space<vmem>>) semaphore(%arg24 : memref<!tpu.dma_semaphore, #tpu.memory_space<semaphore_mem>>)
      %dma_wait3A_912 = arith.constant 0 : i32
      %dma_wait3A_913 = arith.constant 0 : i32
      %dma_wait3A_914 = arith.constant 0 : i32
      %dma_wait3A_915 = tpu.memref_slice %arg16[%dma_wait3A_912, %dma_wait3A_913, %dma_wait3A_914] : memref<4x21x128xf32, #tpu.memory_space<vmem>> -> memref<1x21x128xf32, #tpu.memory_space<vmem>>
      %dma_wait3A_916 = tpu.memref_squeeze %dma_wait3A_915 : memref<1x21x128xf32, #tpu.memory_space<vmem>> -> memref<21x128xf32, #tpu.memory_space<vmem>>
      %dma_wait3A_917 = arith.constant 0 : i32
      %dma_wait3A_918 = tpu.memref_slice %arg6[%add3A_861, %dma_wait3A_917] : memref<128x21xi32, #tpu.memory_space<vmem>> -> memref<1x21xi32, #tpu.memory_space<vmem>>
      %dma_wait3A_919 = tpu.memref_squeeze %dma_wait3A_918 : memref<1x21xi32, #tpu.memory_space<vmem>> -> memref<21xi32, #tpu.memory_space<vmem>>
      %dma_wait3A_920 = arith.constant 0 : i32
      %dma_wait3A_921 = arith.constant 0 : i32
      %dma_wait3A_922 = tpu.memref_slice %arg8[%dma_wait3A_920, %dma_wait3A_921] : memref<30x128xf32, #tpu.memory_space<vmem_shared>> -> memref<30x128xf32, #tpu.memory_space<vmem_shared>>
      tpu.wait_indirect_dma semaphore(%arg24 : memref<!tpu.dma_semaphore, #tpu.memory_space<semaphore_mem>>) src(%dma_wait3A_922 : memref<30x128xf32, #tpu.memory_space<vmem_shared>>) dst(%dma_wait3A_916 : memref<21x128xf32, #tpu.memory_space<vmem>>)
      %dma_wait3A_923 = arith.constant 1 : i32
      %dma_wait3A_924 = arith.constant 0 : i32
      %dma_wait3A_925 = arith.constant 0 : i32
      %dma_wait3A_926 = tpu.memref_slice %arg16[%dma_wait3A_923, %dma_wait3A_924, %dma_wait3A_925] : memref<4x21x128xf32, #tpu.memory_space<vmem>> -> memref<1x21x128xf32, #tpu.memory_space<vmem>>
      %dma_wait3A_927 = tpu.memref_squeeze %dma_wait3A_926 : memref<1x21x128xf32, #tpu.memory_space<vmem>> -> memref<21x128xf32, #tpu.memory_space<vmem>>
      %dma_wait3A_928 = arith.constant 0 : i32
      %dma_wait3A_929 = tpu.memref_slice %arg6[%add3A_874, %dma_wait3A_928] : memref<128x21xi32, #tpu.memory_space<vmem>> -> memref<1x21xi32, #tpu.memory_space<vmem>>
      %dma_wait3A_930 = tpu.memref_squeeze %dma_wait3A_929 : memref<1x21xi32, #tpu.memory_space<vmem>> -> memref<21xi32, #tpu.memory_space<vmem>>
      %dma_wait3A_931 = arith.constant 0 : i32
      %dma_wait3A_932 = arith.constant 0 : i32
      %dma_wait3A_933 = tpu.memref_slice %arg8[%dma_wait3A_931, %dma_wait3A_932] : memref<30x128xf32, #tpu.memory_space<vmem_shared>> -> memref<30x128xf32, #tpu.memory_space<vmem_shared>>
      tpu.wait_indirect_dma semaphore(%arg24 : memref<!tpu.dma_semaphore, #tpu.memory_space<semaphore_mem>>) src(%dma_wait3A_933 : memref<30x128xf32, #tpu.memory_space<vmem_shared>>) dst(%dma_wait3A_927 : memref<21x128xf32, #tpu.memory_space<vmem>>)
      %dma_wait3A_934 = arith.constant 2 : i32
      %dma_wait3A_935 = arith.constant 0 : i32
      %dma_wait3A_936 = arith.constant 0 : i32
      %dma_wait3A_937 = tpu.memref_slice %arg16[%dma_wait3A_934, %dma_wait3A_935, %dma_wait3A_936] : memref<4x21x128xf32, #tpu.memory_space<vmem>> -> memref<1x21x128xf32, #tpu.memory_space<vmem>>
      %dma_wait3A_938 = tpu.memref_squeeze %dma_wait3A_937 : memref<1x21x128xf32, #tpu.memory_space<vmem>> -> memref<21x128xf32, #tpu.memory_space<vmem>>
      %dma_wait3A_939 = arith.constant 0 : i32
      %dma_wait3A_940 = tpu.memref_slice %arg6[%add3A_887, %dma_wait3A_939] : memref<128x21xi32, #tpu.memory_space<vmem>> -> memref<1x21xi32, #tpu.memory_space<vmem>>
      %dma_wait3A_941 = tpu.memref_squeeze %dma_wait3A_940 : memref<1x21xi32, #tpu.memory_space<vmem>> -> memref<21xi32, #tpu.memory_space<vmem>>
      %dma_wait3A_942 = arith.constant 0 : i32
      %dma_wait3A_943 = arith.constant 0 : i32
      %dma_wait3A_944 = tpu.memref_slice %arg8[%dma_wait3A_942, %dma_wait3A_943] : memref<30x128xf32, #tpu.memory_space<vmem_shared>> -> memref<30x128xf32, #tpu.memory_space<vmem_shared>>
      tpu.wait_indirect_dma semaphore(%arg24 : memref<!tpu.dma_semaphore, #tpu.memory_space<semaphore_mem>>) src(%dma_wait3A_944 : memref<30x128xf32, #tpu.memory_space<vmem_shared>>) dst(%dma_wait3A_938 : memref<21x128xf32, #tpu.memory_space<vmem>>)
      %dma_wait3A_945 = arith.constant 3 : i32
      %dma_wait3A_946 = arith.constant 0 : i32
      %dma_wait3A_947 = arith.constant 0 : i32
      %dma_wait3A_948 = tpu.memref_slice %arg16[%dma_wait3A_945, %dma_wait3A_946, %dma_wait3A_947] : memref<4x21x128xf32, #tpu.memory_space<vmem>> -> memref<1x21x128xf32, #tpu.memory_space<vmem>>
      %dma_wait3A_949 = tpu.memref_squeeze %dma_wait3A_948 : memref<1x21x128xf32, #tpu.memory_space<vmem>> -> memref<21x128xf32, #tpu.memory_space<vmem>>
      %dma_wait3A_950 = arith.constant 0 : i32
      %dma_wait3A_951 = tpu.memref_slice %arg6[%add3A_900, %dma_wait3A_950] : memref<128x21xi32, #tpu.memory_space<vmem>> -> memref<1x21xi32, #tpu.memory_space<vmem>>
      %dma_wait3A_952 = tpu.memref_squeeze %dma_wait3A_951 : memref<1x21xi32, #tpu.memory_space<vmem>> -> memref<21xi32, #tpu.memory_space<vmem>>
      %dma_wait3A_953 = arith.constant 0 : i32
      %dma_wait3A_954 = arith.constant 0 : i32
      %dma_wait3A_955 = tpu.memref_slice %arg8[%dma_wait3A_953, %dma_wait3A_954] : memref<30x128xf32, #tpu.memory_space<vmem_shared>> -> memref<30x128xf32, #tpu.memory_space<vmem_shared>>
      tpu.wait_indirect_dma semaphore(%arg24 : memref<!tpu.dma_semaphore, #tpu.memory_space<semaphore_mem>>) src(%dma_wait3A_955 : memref<30x128xf32, #tpu.memory_space<vmem_shared>>) dst(%dma_wait3A_949 : memref<21x128xf32, #tpu.memory_space<vmem>>)
      %add3A_956 = arith.addi %mul3A_2, %mul3A_859 : i32
      %dma_start3A_957 = arith.constant 0 : i32
      %dma_start3A_958 = arith.constant 0 : i32
      %dma_start3A_959 = tpu.memref_slice %arg4[%add3A_956, %dma_start3A_957, %dma_start3A_958] : memref<4096x21x128xf32, #tpu.memory_space<hbm>> -> memref<4x21x128xf32, #tpu.memory_space<hbm>>
      %dma_start3A_960 = arith.constant 0 : i32
      %dma_start3A_961 = arith.constant 0 : i32
      %dma_start3A_962 = tpu.memref_slice %arg4[%add3A_956, %dma_start3A_960, %dma_start3A_961] : memref<4096x21x128xf32, #tpu.memory_space<hbm>> -> memref<4x21x128xf32, #tpu.memory_space<hbm>>
      tpu.enqueue_dma source(%arg16 : memref<4x21x128xf32, #tpu.memory_space<vmem>>) target(%dma_start3A_962 : memref<4x21x128xf32, #tpu.memory_space<hbm>>) target_semaphore(%arg32 : memref<!tpu.dma_semaphore, #tpu.memory_space<semaphore_mem>>)
    }
    %scan3A_22 = arith.constant 4 : i32
    %dma_wait3A = arith.constant 0 : i32
    %dma_wait3A_23 = arith.constant 0 : i32
    %dma_wait3A_24 = tpu.memref_slice %arg4[%mul3A_2, %dma_wait3A, %dma_wait3A_23] : memref<4096x21x128xf32, #tpu.memory_space<hbm>> -> memref<4x21x128xf32, #tpu.memory_space<hbm>>
    %dma_wait3A_25 = arith.constant 0 : i32
    %dma_wait3A_26 = arith.constant 0 : i32
    %dma_wait3A_27 = tpu.memref_slice %arg4[%mul3A_2, %dma_wait3A_25, %dma_wait3A_26] : memref<4096x21x128xf32, #tpu.memory_space<hbm>> -> memref<4x21x128xf32, #tpu.memory_space<hbm>>
    tpu.wait_dma2 semaphore(%arg25 : memref<!tpu.dma_semaphore, #tpu.memory_space<semaphore_mem>>) src(%arg9 : memref<4x21x128xf32, #tpu.memory_space<vmem>>) dst(%dma_wait3A_27 : memref<4x21x128xf32, #tpu.memory_space<hbm>>)
    %dma_wait3A_28 = arith.constant 0 : i32
    %dma_wait3A_29 = arith.constant 0 : i32
    %dma_wait3A_30 = tpu.memref_slice %arg4[%mul3A_2, %dma_wait3A_28, %dma_wait3A_29] : memref<4096x21x128xf32, #tpu.memory_space<hbm>> -> memref<4x21x128xf32, #tpu.memory_space<hbm>>
    %dma_wait3A_31 = arith.constant 0 : i32
    %dma_wait3A_32 = arith.constant 0 : i32
    %dma_wait3A_33 = tpu.memref_slice %arg4[%mul3A_2, %dma_wait3A_31, %dma_wait3A_32] : memref<4096x21x128xf32, #tpu.memory_space<hbm>> -> memref<4x21x128xf32, #tpu.memory_space<hbm>>
    tpu.wait_dma2 semaphore(%arg26 : memref<!tpu.dma_semaphore, #tpu.memory_space<semaphore_mem>>) src(%arg10 : memref<4x21x128xf32, #tpu.memory_space<vmem>>) dst(%dma_wait3A_33 : memref<4x21x128xf32, #tpu.memory_space<hbm>>)
    %dma_wait3A_34 = arith.constant 0 : i32
    %dma_wait3A_35 = arith.constant 0 : i32
    %dma_wait3A_36 = tpu.memref_slice %arg4[%mul3A_2, %dma_wait3A_34, %dma_wait3A_35] : memref<4096x21x128xf32, #tpu.memory_space<hbm>> -> memref<4x21x128xf32, #tpu.memory_space<hbm>>
    %dma_wait3A_37 = arith.constant 0 : i32
    %dma_wait3A_38 = arith.constant 0 : i32
    %dma_wait3A_39 = tpu.memref_slice %arg4[%mul3A_2, %dma_wait3A_37, %dma_wait3A_38] : memref<4096x21x128xf32, #tpu.memory_space<hbm>> -> memref<4x21x128xf32, #tpu.memory_space<hbm>>
    tpu.wait_dma2 semaphore(%arg27 : memref<!tpu.dma_semaphore, #tpu.memory_space<semaphore_mem>>) src(%arg11 : memref<4x21x128xf32, #tpu.memory_space<vmem>>) dst(%dma_wait3A_39 : memref<4x21x128xf32, #tpu.memory_space<hbm>>)
    %dma_wait3A_40 = arith.constant 0 : i32
    %dma_wait3A_41 = arith.constant 0 : i32
    %dma_wait3A_42 = tpu.memref_slice %arg4[%mul3A_2, %dma_wait3A_40, %dma_wait3A_41] : memref<4096x21x128xf32, #tpu.memory_space<hbm>> -> memref<4x21x128xf32, #tpu.memory_space<hbm>>
    %dma_wait3A_43 = arith.constant 0 : i32
    %dma_wait3A_44 = arith.constant 0 : i32
    %dma_wait3A_45 = tpu.memref_slice %arg4[%mul3A_2, %dma_wait3A_43, %dma_wait3A_44] : memref<4096x21x128xf32, #tpu.memory_space<hbm>> -> memref<4x21x128xf32, #tpu.memory_space<hbm>>
    tpu.wait_dma2 semaphore(%arg28 : memref<!tpu.dma_semaphore, #tpu.memory_space<semaphore_mem>>) src(%arg12 : memref<4x21x128xf32, #tpu.memory_space<vmem>>) dst(%dma_wait3A_45 : memref<4x21x128xf32, #tpu.memory_space<hbm>>)
    %dma_wait3A_46 = arith.constant 0 : i32
    %dma_wait3A_47 = arith.constant 0 : i32
    %dma_wait3A_48 = tpu.memref_slice %arg4[%mul3A_2, %dma_wait3A_46, %dma_wait3A_47] : memref<4096x21x128xf32, #tpu.memory_space<hbm>> -> memref<4x21x128xf32, #tpu.memory_space<hbm>>
    %dma_wait3A_49 = arith.constant 0 : i32
    %dma_wait3A_50 = arith.constant 0 : i32
    %dma_wait3A_51 = tpu.memref_slice %arg4[%mul3A_2, %dma_wait3A_49, %dma_wait3A_50] : memref<4096x21x128xf32, #tpu.memory_space<hbm>> -> memref<4x21x128xf32, #tpu.memory_space<hbm>>
    tpu.wait_dma2 semaphore(%arg29 : memref<!tpu.dma_semaphore, #tpu.memory_space<semaphore_mem>>) src(%arg13 : memref<4x21x128xf32, #tpu.memory_space<vmem>>) dst(%dma_wait3A_51 : memref<4x21x128xf32, #tpu.memory_space<hbm>>)
    %dma_wait3A_52 = arith.constant 0 : i32
    %dma_wait3A_53 = arith.constant 0 : i32
    %dma_wait3A_54 = tpu.memref_slice %arg4[%mul3A_2, %dma_wait3A_52, %dma_wait3A_53] : memref<4096x21x128xf32, #tpu.memory_space<hbm>> -> memref<4x21x128xf32, #tpu.memory_space<hbm>>
    %dma_wait3A_55 = arith.constant 0 : i32
    %dma_wait3A_56 = arith.constant 0 : i32
    %dma_wait3A_57 = tpu.memref_slice %arg4[%mul3A_2, %dma_wait3A_55, %dma_wait3A_56] : memref<4096x21x128xf32, #tpu.memory_space<hbm>> -> memref<4x21x128xf32, #tpu.memory_space<hbm>>
    tpu.wait_dma2 semaphore(%arg30 : memref<!tpu.dma_semaphore, #tpu.memory_space<semaphore_mem>>) src(%arg14 : memref<4x21x128xf32, #tpu.memory_space<vmem>>) dst(%dma_wait3A_57 : memref<4x21x128xf32, #tpu.memory_space<hbm>>)
    %dma_wait3A_58 = arith.constant 0 : i32
    %dma_wait3A_59 = arith.constant 0 : i32
    %dma_wait3A_60 = tpu.memref_slice %arg4[%mul3A_2, %dma_wait3A_58, %dma_wait3A_59] : memref<4096x21x128xf32, #tpu.memory_space<hbm>> -> memref<4x21x128xf32, #tpu.memory_space<hbm>>
    %dma_wait3A_61 = arith.constant 0 : i32
    %dma_wait3A_62 = arith.constant 0 : i32
    %dma_wait3A_63 = tpu.memref_slice %arg4[%mul3A_2, %dma_wait3A_61, %dma_wait3A_62] : memref<4096x21x128xf32, #tpu.memory_space<hbm>> -> memref<4x21x128xf32, #tpu.memory_space<hbm>>
    tpu.wait_dma2 semaphore(%arg31 : memref<!tpu.dma_semaphore, #tpu.memory_space<semaphore_mem>>) src(%arg15 : memref<4x21x128xf32, #tpu.memory_space<vmem>>) dst(%dma_wait3A_63 : memref<4x21x128xf32, #tpu.memory_space<hbm>>)
    %dma_wait3A_64 = arith.constant 0 : i32
    %dma_wait3A_65 = arith.constant 0 : i32
    %dma_wait3A_66 = tpu.memref_slice %arg4[%mul3A_2, %dma_wait3A_64, %dma_wait3A_65] : memref<4096x21x128xf32, #tpu.memory_space<hbm>> -> memref<4x21x128xf32, #tpu.memory_space<hbm>>
    %dma_wait3A_67 = arith.constant 0 : i32
    %dma_wait3A_68 = arith.constant 0 : i32
    %dma_wait3A_69 = tpu.memref_slice %arg4[%mul3A_2, %dma_wait3A_67, %dma_wait3A_68] : memref<4096x21x128xf32, #tpu.memory_space<hbm>> -> memref<4x21x128xf32, #tpu.memory_space<hbm>>
    tpu.wait_dma2 semaphore(%arg32 : memref<!tpu.dma_semaphore, #tpu.memory_space<semaphore_mem>>) src(%arg16 : memref<4x21x128xf32, #tpu.memory_space<vmem>>) dst(%dma_wait3A_69 : memref<4x21x128xf32, #tpu.memory_space<hbm>>)
    %dma_wait3A_70 = arith.constant 0 : i32
    %dma_wait3A_71 = tpu.memref_slice %arg7[%dma_wait3A_70] : memref<1936xi32, #tpu.memory_space<vmem>> -> memref<1920xi32, #tpu.memory_space<vmem>>
    %dma_wait3A_72 = tpu.memref_slice %arg5[%mul3A_11] : memref<61440xi32, #tpu.memory_space<hbm>> -> memref<1920xi32, #tpu.memory_space<hbm>>
    %dma_wait3A_73 = tpu.memref_slice %arg5[%mul3A_11] : memref<61440xi32, #tpu.memory_space<hbm>> -> memref<1920xi32, #tpu.memory_space<hbm>>
    %dma_wait3A_74 = arith.constant 0 : i32
    %dma_wait3A_75 = tpu.memref_slice %arg7[%dma_wait3A_74] : memref<1936xi32, #tpu.memory_space<vmem>> -> memref<1920xi32, #tpu.memory_space<vmem>>
    tpu.wait_dma2 semaphore(%arg33 : memref<!tpu.dma_semaphore, #tpu.memory_space<semaphore_mem>>) src(%dma_wait3A_75 : memref<1920xi32, #tpu.memory_space<vmem>>) dst(%dma_wait3A_73 : memref<1920xi32, #tpu.memory_space<hbm>>)
    return
  }
}

</mosaic_0001>

<sc_bundles>
// kernel: kernel.4.cloned.1.call-start
scs
__scs_entry_jumppad:
0x0: {  	(pc) =	sbr.rel $0x88, $3  }
0x1: {  	(tag) =	ssettag $0x0;
	lr =	simm.s32 $0x1  }
0x2: {  	[smem:$0x3F9D] =	sst lr;
	_ =	strace $0xD0000000  }
0x3: {  	_ = 	snop  }
0x4: {  	_ = 	snop  }
0x5: {  	_ = 	snop  }
0x6: {  	_ = 	snop  }
0x7: {  	_ = 	snop  }
__scs_overlays_trampoline_lowered:
0x8: {  	[smem:$0x3FAC] =	sst s0  }
0x9: {  	[smem:$0x3FAD] =	sst s1  }
0xa: {  	[smem:$0x3FAE] =	sst s2  }
0xb: {  	[smem:$0x3FAF] =	sst s3  }
0xc: {  	[smem:$0x3FB0] =	sst s4  }
0xd: {  	[smem:$0x3FB1] =	sst s5  }
0xe: {  	[smem:$0x3FB2] =	sst s6  }
0xf: {  	[smem:$0x3FB3] =	sst s7  }
0x10: {  	[smem:$0x3FB4] =	sst s8  }
0x11: {  	[smem:$0x3FB5] =	sst s9;
	s0 =	simm.s32 @!p0 $0x0  }
0x12: {  	s1 =	sld [smem:$0x3F9B];
	s0 =	simm.s32 @p0 $0x1  }
0x13: {  	[smem:$0x3FB6] =	sst s0;
	s0 =	simm.s32 @!p1 $0x0  }
0x14: {  	s2 =	sld [smem:$0x3F9A];
	s0 =	simm.s32 @p1 $0x1  }
0x15: {  	[smem:$0x3FB7] =	sst s0;
	s0 =	simm.s32 @!p2 $0x0  }
0x16: {  	s3 =	sld [smem:$0x3FDB];
	s0 =	simm.s32 @p2 $0x1  }
0x17: {  	s4 =	simm.s32 $0x1BF5;
	[smem:$0x3FB9] =	sst s0  }
0x18: {  	s0 =	sld [smem:$0x3F9C];
	_ =	swait.ge [sflag:s4], $0x0  }
0x19: {  	s7 =	sld [smem:$0x3F9D]  }
0x1a: {  	s8 =	sadd.s32 $0xFFFFE003, lr  }
0x1b: {  	s9 =	sadd.s32 $0xFFFFFEF7, lr;
	s5 =	simm.s32 $0xFFFFFFFF;
	p2 =	slt.u32 s8, $0xFFFFF086  }
0x1c: {  	p1 =	slt.u32 s9, $0xF7A;
	s5 =	simm.s32 @!p2 $0x0  }
0x1d: {  	s5 =	simm.s32 @p1 $0x1;
	p0 =	seq.s32 s7, s2  }
0x1e: {  	s7 =	smul.u32 @!p0 $0xF7A, s2;
	p2 =	seq.s32 @!p0 s5, $0x0  }
0x1f: {  	s9 =	smul.u32 $0xF7A, s1;
	s8 =	simm.s32 @!p0 $0x1BF5;
	p2 =	por !p2, p0  }
0x20: {  	[sflag:s8] =	ssyncset.s32 @!p0 $0xFFFFF086;
	s6 =	sadd.s32 @!p0 s3, s7;
	s7 =	simm.s32 @!p0 $0x108  }
0x21: {  	s3 =	sadd.s32 s3, s9;
	s6 =	sadd.s32 @!p0 $0x88, s6;
	s7 =	simm.s32 @p2 $0x1082  }
0x22: {  	[simem:s7], [sflag:s8] =	dma.local @!p0 [hbm:s6], $0xF7A  }
0x23: {  	s9 =	sor.u32 $0xD0000000, s2;
	s6 =	simm.s32 $0x108;
	_ =	swait.ge @!p0 [sflag:s8], $0x0  }
0x24: {  	s3 =	sadd.s32 $0x88, s3;
	s6 =	simm.s32 @!p1 $0x1082;
	[sflag:s4] =	ssyncset.s32 $0xFFFFF086  }
0x25: {  	[simem:s6], [sflag:s4] =	dma.local [hbm:s3], $0xF7A  }
0x26: {  	[smem:$0x3F9D] =	sst s1;
	(tag) =	ssettag s2;
	_ =	strace s9  }
0x27: {  	s1 =	sld [smem:$0x3FAD]  }
0x28: {  	s2 =	sld [smem:$0x3FAE]  }
0x29: {  	s4 =	sld [smem:$0x3FB0]  }
0x2a: {  	p0 =	seq.s32 s5, $0x0;
	s5 =	sld [smem:$0x3FB1]  }
0x2b: {  	s6 =	sld [smem:$0x3FB2]  }
0x2c: {  	s7 =	sld [smem:$0x3FB3]  }
0x2d: {  	s3 =	simm.s32 $0x108;
	s8 =	sld [smem:$0x3FB4]  }
0x2e: {  	s3 =	simm.s32 @!p0 $0x1082;
	s9 =	sld [smem:$0x3FB5]  }
0x2f: {  	lr =	sadd.s32 s0, s3;
	s0 =	sld [smem:$0x3FAC]  }
0x30: {  	s3 =	sld [smem:$0x3FAF]  }
0x31: {  	[smem:$0x3FB8] =	sst s10  }
0x32: {  	s10 =	sld [smem:$0x3FB6];
	_ =	sdelay $0x3  }
0x33: {  	p0 =	seq.s32 s10, $0x1;
	s10 =	sld [smem:$0x3FB8];
	_ =	sdelay $0x3  }
0x34: {  	[smem:$0x3FB8] =	sst s10  }
0x35: {  	s10 =	sld [smem:$0x3FB7];
	_ =	sdelay $0x3  }
0x36: {  	p1 =	seq.s32 s10, $0x1;
	s10 =	sld [smem:$0x3FB8];
	_ =	sdelay $0x3  }
0x37: {  	[smem:$0x3FB8] =	sst s10  }
0x38: {  	s10 =	sld [smem:$0x3FB9]  }
0x39: {  	_ = 	snop;
	(pc) =	sbr.ind lr, $3  }
0x3a: {  	_ = 	snop  }
0x3b: {  	_ = 	snop  }
0x3c: {  	p2 =	seq.s32 s10, $0x1;
	s10 =	sld [smem:$0x3FB8]  }
0x3d: {  	_ =	shalt  }
0x3e: {  	_ =	shalt  }
0x3f: {  	_ =	shalt  }
0x40: {  	_ =	shalt  }
0x41: {  	_ =	shalt  }
0x42: {  	_ =	shalt  }
0x43: {  	_ =	shalt  }
0x44: {  	_ =	shalt  }
0x45: {  	_ =	shalt  }
0x46: {  	_ =	shalt  }
0x47: {  	_ =	shalt  }
0x48: {  	_ =	shalt  }
0x49: {  	_ =	shalt  }
0x4a: {  	_ =	shalt  }
0x4b: {  	_ =	shalt  }
0x4c: {  	_ =	shalt  }
0x4d: {  	_ =	shalt  }
0x4e: {  	_ =	shalt  }
0x4f: {  	_ =	shalt  }
0x50: {  	_ =	shalt  }
0x51: {  	_ =	shalt  }
0x52: {  	_ =	shalt  }
0x53: {  	_ =	shalt  }
0x54: {  	_ =	shalt  }
0x55: {  	_ =	shalt  }
0x56: {  	_ =	shalt  }
0x57: {  	_ =	shalt  }
0x58: {  	_ =	shalt  }
0x59: {  	_ =	shalt  }
0x5a: {  	_ =	shalt  }
0x5b: {  	_ =	shalt  }
0x5c: {  	_ =	shalt  }
0x5d: {  	_ =	shalt  }
0x5e: {  	_ =	shalt  }
0x5f: {  	_ =	shalt  }
0x60: {  	_ =	shalt  }
0x61: {  	_ =	shalt  }
0x62: {  	_ =	shalt  }
0x63: {  	_ =	shalt  }
0x64: {  	_ =	shalt  }
0x65: {  	_ =	shalt  }
0x66: {  	_ =	shalt  }
0x67: {  	_ =	shalt  }
0x68: {  	_ =	shalt  }
0x69: {  	_ =	shalt  }
0x6a: {  	_ =	shalt  }
0x6b: {  	_ =	shalt  }
0x6c: {  	_ =	shalt  }
0x6d: {  	_ =	shalt  }
0x6e: {  	_ =	shalt  }
0x6f: {  	_ =	shalt  }
0x70: {  	_ =	shalt  }
0x71: {  	_ =	shalt  }
0x72: {  	_ =	shalt  }
0x73: {  	_ =	shalt  }
0x74: {  	_ =	shalt  }
0x75: {  	_ =	shalt  }
0x76: {  	_ =	shalt  }
0x77: {  	_ =	shalt  }
0x78: {  	_ =	shalt  }
0x79: {  	_ =	shalt  }
0x7a: {  	_ =	shalt  }
0x7b: {  	_ =	shalt  }
0x7c: {  	_ =	shalt  }
0x7d: {  	_ =	shalt  }
0x7e: {  	_ =	shalt  }
0x7f: {  	_ =	shalt  }
0x80: {  	_ =	shalt  }
0x81: {  	_ =	shalt  }
0x82: {  	_ =	shalt  }
0x83: {  	_ =	shalt  }
0x84: {  	_ =	shalt  }
0x85: {  	_ =	shalt  }
0x86: {  	_ =	shalt  }
0x87: {  	_ =	shalt  }
.Lfunc_end0:
.L_simem_size_0:
called_computation_lowered:
.L_overlay_start_0:
0x88: {  	s2 =	sld [smem:$0x3FD9]  }
0x89: {  	s3 =	sld [smem:$0x3FFE];
	_ =	sdelay $0x1  }
0x8a: {  	s1 =	srdreg.scid  }
0x8b: {  	s0 =	sand.u32 $0x1, s1  }
0x8c: {  	s14 =	sshll.u32 s0, $0xA;
	s2 =	sadd.s32 s3, s2  }
0x8d: {  	s2 =	sadd.s32 s2, s14  }
0x8e: {  	[smem:$0x3FC4] =	sst s2  }
0x8f: {  	_ = 	snop  }
0x90: {  	s2 =	sld [smem:$0x3FD0];
	_ =	sdelay $0x2  }
0x91: {  	s4 =	simm.s32 $0xB;
	s5 =	simm.s32 $0x10;
	s15 =	sld [smem:$0x3FC7]  }
0x92: {  	[smem:s5], [sflag:s4] =	dma.local [hbm:s2], $0x1  }
0x93: {  	_ =	swait.eq [sflag:s4], $0x1  }
0x94: {  	[sflag:s4] =	ssyncset.done $0x0  }
0x95: {  	s16 =	sld [smem:$0x10];
	[sflag:s4] =	ssyncadd.s32 $0xFFFFFFFF  }
0x96: {  	s17 =	sld [smem:$0x12];
	(tm) =	ssettm $0x1  }
0x97: {  	s18 =	sld [smem:$0x3FFB];
	_ =	sdelay $0x3  }
0x98: {  	_ =	strace s18  }
0x99: {  	s5 =	sld [smem:$0x3FFC];
	_ =	sdelay $0x3  }
0x9a: {  	_ =	strace s5  }
0x9b: {  	s5 =	sld [smem:$0x3FFD];
	_ =	sdelay $0x3  }
0x9c: {  	_ =	strace s5  }
0x9d: {  	_ =	strace $0x8FFFFFFF  }
0x9e: {  	s19 =	sld [smem:$0x3FDB];
	_ =	sdelay $0x1  }
0x9f: {  	s6 =	simm.s32 $_scs_section_size  }
0xa0: {  	s7 =	simm.s32 $_size__tile_overlayer_lowered;
	s8 =	simm.s32 $_tile_overlayer_lowered  }
0xa1: {  	s22 =	simm.s32 $0x1BFF;
	s21 =	sshll.u32 s8, $0x1;
	s5 =	sadd.s32 s6, s19  }
0xa2: {  	s9 =	simm.s32 $0x0;
	s20 =	sshll.u32 s7, $0x1;
	s7 =	sadd.s32 s21, s5  }
0xa3: {  	[timem:s9], [sflag:s22] =	dma.local [hbm:s7], s20  }
0xa4: {  	_ =	swait.ge [sflag:s22], s20  }
0xa5: {  	s6 =	ssub.s32 $0x0, s20;
	[sflag:s22] =	ssyncset.done $0x0  }
0xa6: {  	[sflag:s22] =	ssyncadd.s32 s6;
	_ =	sdelay $0x1  }
0xa7: {  	s23 =	simm.s32 $0x1B8B  }
0xa8: {  	_ =	swait.ge [sflag:s23], $0x1  }
0xa9: {  	[sflag:s23] =	ssyncset.done $0x0  }
0xaa: {  	s25 =	simm.s32 $0x1B8E;
	s24 =	sld [smem:$0x3FFE];
	[sflag:s23] =	ssyncadd.s32 $0xFFFFFFFF  }
0xab: {  	s26 =	simm.s32 $execute0_lowered;
	[smem:$0x3FD2] =	sst s25  }
0xac: {  	s7 =	sshll.u32 s26, $0x1;
	_ =	strace $0x80000046;
	[dreg:$0x1] =	wrdreg $0xFFFFFFFF  }
0xad: {  	s28 =	simm.s32 $_size_execute0_lowered;
	s5 =	sadd.s32 s5, s7;
	[dreg:$0x0] =	wrdreg $0x0  }
0xae: {  	s7 =	sshll.u32 s28, $0x1;
	[dreg:$0x2] =	wrdreg s5  }
0xaf: {  	[dreg:$0x3] =	wrdreg s7  }
0xb0: {  	[dreg:$0x4] =	wrdreg $0xC0  }
0xb1: {  	_ =	task [dreg:s9], $0x5FFFF  }
0xb2: {  	[dreg:$0x1] =	wrdreg $0xFFFFFFFF  }
0xb3: {  	[dreg:$0x0] =	wrdreg $0x60  }
0xb4: {  	[dreg:$0x2] =	wrdreg s16  }
0xb5: {  	[dreg:$0x3] =	wrdreg s15  }
0xb6: {  	[dreg:$0x4] =	wrdreg s17  }
0xb7: {  	[dreg:$0x5] =	wrdreg s24  }
0xb8: {  	[dreg:$0x6] =	wrdreg $0x48000  }
0xb9: {  	[dreg:$0x7] =	wrdreg $0x9  }
0xba: {  	_ =	task.clear_ibuf [dreg:s9], $0x8FFFF;
	_ =	strace $0x90000046  }
0xbb: {  	s29 =	simm.s32 $0x9;
	_ =	strace $0x80000048  }
0xbc: {  	_ =	swait.ge [sflag:s29], $0x1  }
0xbd: {  	[sflag:s29] =	ssyncadd.s32 $0xFFFFFFFF  }
0xbe: {  	_ =	strace $0x90000048  }
0xbf: {  	_ =	sfence  }
0xc0: {  	s30 =	sld [smem:$0x0];
	_ =	sdelay $0x2  }
0xc1: {  	s31 =	sshll.u32 s1, $0xD;
	s1 =	sshrl.u32 s1, $0x2  }
0xc2: {  	s3 =	sand.u32 $0x4000, s31;
	s1 =	sadd.s32 s1, s30  }
0xc3: {  	s0 =	sor.u32 s3, s0;
	s1 =	sshll.u32 s1, $0x11  }
0xc4: {  	s0 =	sor.u32 s1, s0  }
0xc5: {  	s0 =	sadd.s32 $0x8F2B, s0  }
0xc6: {  	[sflag:s0] =	ssyncadd.remote.s32 $0x1  }
0xc7: {  	_ =	sfence.sel $0xFFFF  }
0xc8: {  	[dreg:$0x0] =	wrdreg $0xFFFFFFFF;
	(pc) =	sbr.abs _section_cstart, $3  }
0xc9: {  	[dreg:$0x1] =	wrdreg $0xFFFFFFFF  }
0xca: {  	_ =	task.clear_ibuf [dreg:s9], $0x2FFFF;
	_ =	strace $0x9FFFFFFF  }
0xcb: {  	(tm) =	ssettm $0x7FFFFFFF  }
tec
execute0_lowered:
.L_overlay_start_1:
0x0: {  	(tag) =	ssettag $0x1  }
0x1: {  	s0 =	rddreg [dreg:$0x0]  }
0x2: {  	s1 =	rddreg [dreg:$0x2]  }
0x3: {  	s4 =	rddreg [dreg:$0x3]  }
0x4: {  	s3 =	srdreg.scid;
	s5 =	stileid.u32  }
0x5: {  	s2 =	rddreg [dreg:$0x4];
	s11 =	simm.s32 $0x15;
	s16 =	simm.s32 $0x1  }
0x6: {  	s21 =	simm.s32 $0x2;
	s26 =	simm.s32 $0x3;
	s13 =	simm.s32 $0x6  }
0x7: {  	s19 =	simm.s32 $0x7;
	s25 =	simm.s32 $0x8;
	s17 =	simm.s32 $0xB4F0  }
0x8: {  	s18 =	simm.s32 $0xC0F0;
	s20 =	simm.s32 $0xCCF0;
	s22 =	simm.s32 $0xD8F0  }
0x9: {  	s23 =	simm.s32 $0xE4F0;
	s24 =	simm.s32 $0xF0F0;
	s15 =	simm.s32 $0x1BCF0  }
0xa: {  	s6 =	sand.u32 $0x1, s3;
	s7 =	sshll.u32 s5, $0x1;
	s3 =	simm.s32 $0x0  }
0xb: {  	s10 =	smul.u32 $0x18000, s5;
	p0 =	sne.s32 s5, $0x0;
	s7 =	sor.u32 s6, s7  }
0xc: {  	[smem:$0x7FF] =	sst s3;
	s9 =	ssub.s32 $0x2, s6;
	s6 =	smul.u32 $0xC000, s6  }
0xd: {  	s8 =	smul.u32 $0xF0, s7;
	_ =	strace $0x80000047;
	s7 =	sshll.u32 s7, $0xB  }
0xe: {  	s28 =	sshrl.u32 s9, $0x1;
	s30 =	sadd.s32 s10, s1;
	s0 =	sadd.s32 s0, s7  }
0xf: {  	s4 =	sadd.s32 s8, s4;
	[dreg:$0x6] =	wrdreg s0;
	s0 =	sadd.s32 s6, s30  }
0x10: {  	s8 =	ssub.s32 s9, s28;
	s29 =	sadd.s32 $0xE00, s4;
	[dreg:$0x9] =	wrdreg s0  }
0x11: {  	s5 =	simm.s32 $0x0;
	s31 =	smax.u32 s8, $0x1;
	[dreg:$0x7] =	wrdreg s29  }
0x12: {  	s1 =	simm.s32 $0x4;
	s0 =	sshrl.u32 @!p0 s2, $0x3;
	[dreg:$0x8] =	wrdreg s31  }
0x13: {  	v0 =	vimm.s32 $0x0;
	s6 =	simm.s32 $0x5;
	s9 =	simm.s32 $0x6CF0;
	[dreg:$0xa] =	wrdreg s0  }
.LBB2_1:
0x14: {  	[dreg:$0xb] =	wrdreg s5  }
0x15: {  	s0 =	rddreg [dreg:$0x6];
	s31 =	simm.s32 $0x12  }
0x16: {  	[tilespmem:s3], [sflag:$0x12] =	stream.linear.gather [hbm4b:s0+s3], $0x4000, $0x38;
	[tilespmem:$0x1C8F0] =	vst v63  }
0x17: {  	_ =	swait.ge [sflag:s31], $0x4000  }
0x18: {  	[sflag:s31] =	ssyncset.done $0x0  }
0x19: {  	s10 =	rddreg [dreg:$0xa];
	[sflag:s31] =	ssyncadd.s32 $0xFFFFC000  }
0x1a: {  	s28 =	simm.s32 @!p0 $0x1C12;
	s0 =	rddreg [dreg:$0x1]  }
0x1b: {  	[spmem:s10], [sflag:s28] =	dma.local @!p0 [hbm:s0], $0x1E0  }
0x1c: {  	s28 =	simm.s32 @!p0 $0x12  }
0x1d: {  	_ =	swait.ge @!p0 [sflag:s28], $0x1E0  }
0x1e: {  	[sflag:s28] =	ssyncset.done @!p0 $0x0  }
0x1f: {  	[sflag:s28] =	ssyncadd.s32 @!p0 $0xFFFFFE20  }
0x20: {  	[bflag:$0x0] =	sbarrier.arrive $0xFFFF  }
0x21: {  	s29 =	simm.s32 $0x3C;
	s30 =	simm.s32 $0x3;
	s28 =	simm.s32 $0x0;
	v1 =	vld [tilespmem:s26+$0x0]  }
.LBB2_2:
0x22: {  	p1 =	sne.s32 s29, $0x1DC4;
	_ =	sdelay $0x2  }
.Ltmp0:
0x23: {  	(pc) =	sbr.rel @p1 .LBB2_2-.Ltmp0, $4  }
0x24: {  	vm0 =	vne.s32 v1, $0x0  }
0x25: {  	s31 =	sshra.s32 s28, $0x2;
	s28 =	smov.u32 s29;
	v1 =	vsel vm0, $0x1, v0  }
0x26: {  	s30 =	sadd.s32 $0x80, s30;
	[tilespmem:s31+$0x4000] =	vst v1  }
0x27: {  	s29 =	sadd.s32 $0x3C, s29;
	v1 =	vld [tilespmem:s30+$0x0]  }
0x28: {  	_ =	sdelay $0x3  }
0x29: {  	vm0 =	vne.s32 v1, $0x0  }
0x2a: {  	s28 =	sshra.s32 s28, $0x2;
	s0 =	rddreg [dreg:$0x7];
	p1 =	por $0x1, $0x1;
	v1 =	vsel vm0, $0x1, v0  }
0x2b: {  	s10 =	simm.s32 $0x4000;
	p1 =	por p1, p1;
	[tilespmem:s28+$0x4000] =	vst v1;
	s28 =	simm.s32 $0x0  }
0x2c: {  	[hbm4b:s0+s28] =	stream.linear.scatter [tilespmem:s10], [sflag:$0x11], $0x780, $0x38;
	[tilespmem:$0x1C8F0] =	vst v63  }
0x2d: {  	s28 =	simm.s32 @!p1 $0x9  }
0x2e: {  	_ =	swait.ge @!p1 [sflag:s28], $0x2A00  }
0x2f: {  	[sflag:s28] =	ssyncset.done @!p1 $0x0  }
0x30: {  	[sflag:s28] =	ssyncadd.s32 @!p1 $0xFFFFD600;
	s28 =	simm.s32 @!p1 $0xA  }
0x31: {  	_ =	swait.ge @!p1 [sflag:s28], $0x2A00  }
0x32: {  	[sflag:s28] =	ssyncset.done @!p1 $0x0  }
0x33: {  	[sflag:s28] =	ssyncadd.s32 @!p1 $0xFFFFD600;
	s28 =	simm.s32 @!p1 $0xB  }
0x34: {  	_ =	swait.ge @!p1 [sflag:s28], $0x2A00  }
0x35: {  	[sflag:s28] =	ssyncset.done @!p1 $0x0  }
0x36: {  	[sflag:s28] =	ssyncadd.s32 @!p1 $0xFFFFD600;
	s28 =	simm.s32 @!p1 $0xC  }
0x37: {  	_ =	swait.ge @!p1 [sflag:s28], $0x2A00  }
0x38: {  	[sflag:s28] =	ssyncset.done @!p1 $0x0  }
0x39: {  	s10 =	simm.s32 $0x48F0;
	[sflag:s28] =	ssyncadd.s32 @!p1 $0xFFFFD600;
	s28 =	simm.s32 $0x0  }
0x3a: {  	[tilespmem:s10], [sflag:$0x1] =	stream.indirect.gather [spmem:s2], $0x80, s28, s11, $0xb8;
	[tilespmem:$0x1C8F0] =	vst v63  }
0x3b: {  	s4 =	simm.s32 $0x54F0;
	s28 =	simm.s32 $0x80  }
0x3c: {  	[tilespmem:s4], [sflag:$0x1] =	stream.indirect.gather [spmem:s2], $0x80, s28, s11, $0xb8;
	[tilespmem:$0x1C8F0] =	vst v63  }
0x3d: {  	s5 =	simm.s32 $0x60F0;
	s28 =	simm.s32 $0x100  }
0x3e: {  	[tilespmem:s5], [sflag:$0x1] =	stream.indirect.gather [spmem:s2], $0x80, s28, s11, $0xb8;
	[tilespmem:$0x1C8F0] =	vst v63  }
0x3f: {  	s28 =	simm.s32 $0x180  }
0x40: {  	[tilespmem:s9], [sflag:$0x1] =	stream.indirect.gather [spmem:s2], $0x80, s28, s11, $0xb8;
	[tilespmem:$0x1C8F0] =	vst v63  }
0x41: {  	_ =	swait.ge [sflag:s16], $0xA80  }
0x42: {  	[sflag:s16] =	ssyncset.done $0x0  }
0x43: {  	[sflag:s16] =	ssyncadd.s32 $0xFFFFF580  }
0x44: {  	_ =	swait.ge [sflag:s16], $0xA80  }
0x45: {  	[sflag:s16] =	ssyncset.done $0x0  }
0x46: {  	[sflag:s16] =	ssyncadd.s32 $0xFFFFF580  }
0x47: {  	_ =	swait.ge [sflag:s16], $0xA80  }
0x48: {  	[sflag:s16] =	ssyncset.done $0x0  }
0x49: {  	[sflag:s16] =	ssyncadd.s32 $0xFFFFF580  }
0x4a: {  	_ =	swait.ge [sflag:s16], $0xA80  }
0x4b: {  	[sflag:s16] =	ssyncset.done $0x0  }
0x4c: {  	s0 =	rddreg [dreg:$0x9];
	[sflag:s16] =	ssyncadd.s32 $0xFFFFF580  }
0x4d: {  	[hbm4b:s0+s3] =	stream.linear.scatter [tilespmem:s10], [sflag:$0x9], $0xA80, $0x38;
	[tilespmem:$0x1C8F0] =	vst v63  }
0x4e: {  	s28 =	sadd.s32 $0x180, s0  }
0x4f: {  	[hbm4b:s28+s3] =	stream.linear.scatter [tilespmem:s4], [sflag:$0x9], $0xA80, $0x38;
	[tilespmem:$0x1C8F0] =	vst v63  }
0x50: {  	s28 =	sadd.s32 $0x300, s0  }
0x51: {  	[hbm4b:s28+s3] =	stream.linear.scatter [tilespmem:s5], [sflag:$0x9], $0xA80, $0x38;
	[tilespmem:$0x1C8F0] =	vst v63  }
0x52: {  	s28 =	sadd.s32 $0x480, s0  }
0x53: {  	[hbm4b:s28+s3] =	stream.linear.scatter [tilespmem:s9], [sflag:$0x9], $0xA80, $0x38;
	[tilespmem:$0x1C8F0] =	vst v63  }
0x54: {  	s8 =	simm.s32 $0x78F0;
	s28 =	simm.s32 $0x200  }
0x55: {  	[tilespmem:s8], [sflag:$0x2] =	stream.indirect.gather [spmem:s2], $0x80, s28, s11, $0xb8;
	[tilespmem:$0x1C8F0] =	vst v63  }
0x56: {  	s7 =	simm.s32 $0x84F0;
	s28 =	simm.s32 $0x280  }
0x57: {  	[tilespmem:s7], [sflag:$0x2] =	stream.indirect.gather [spmem:s2], $0x80, s28, s11, $0xb8;
	[tilespmem:$0x1C8F0] =	vst v63  }
0x58: {  	s12 =	simm.s32 $0x90F0;
	s28 =	simm.s32 $0x300  }
0x59: {  	[tilespmem:s12], [sflag:$0x2] =	stream.indirect.gather [spmem:s2], $0x80, s28, s11, $0xb8;
	[tilespmem:$0x1C8F0] =	vst v63  }
0x5a: {  	s14 =	simm.s32 $0x9CF0;
	s28 =	simm.s32 $0x380  }
0x5b: {  	[tilespmem:s14], [sflag:$0x2] =	stream.indirect.gather [spmem:s2], $0x80, s28, s11, $0xb8;
	[tilespmem:$0x1C8F0] =	vst v63  }
0x5c: {  	_ =	swait.ge [sflag:s21], $0xA80  }
0x5d: {  	[sflag:s21] =	ssyncset.done $0x0  }
0x5e: {  	[sflag:s21] =	ssyncadd.s32 $0xFFFFF580  }
0x5f: {  	_ =	swait.ge [sflag:s21], $0xA80  }
0x60: {  	[sflag:s21] =	ssyncset.done $0x0  }
0x61: {  	[sflag:s21] =	ssyncadd.s32 $0xFFFFF580  }
0x62: {  	_ =	swait.ge [sflag:s21], $0xA80  }
0x63: {  	[sflag:s21] =	ssyncset.done $0x0  }
0x64: {  	[sflag:s21] =	ssyncadd.s32 $0xFFFFF580  }
0x65: {  	_ =	swait.ge [sflag:s21], $0xA80  }
0x66: {  	[sflag:s21] =	ssyncset.done $0x0  }
0x67: {  	s28 =	sadd.s32 $0x600, s0;
	[sflag:s21] =	ssyncadd.s32 $0xFFFFF580  }
0x68: {  	[hbm4b:s28+s3] =	stream.linear.scatter [tilespmem:s8], [sflag:$0xA], $0xA80, $0x38;
	[tilespmem:$0x1C8F0] =	vst v63  }
0x69: {  	s28 =	sadd.s32 $0x780, s0  }
0x6a: {  	[hbm4b:s28+s3] =	stream.linear.scatter [tilespmem:s7], [sflag:$0xA], $0xA80, $0x38;
	[tilespmem:$0x1C8F0] =	vst v63  }
0x6b: {  	s28 =	sadd.s32 $0x900, s0  }
0x6c: {  	[hbm4b:s28+s3] =	stream.linear.scatter [tilespmem:s12], [sflag:$0xA], $0xA80, $0x38;
	[tilespmem:$0x1C8F0] =	vst v63  }
0x6d: {  	s28 =	sadd.s32 $0xA80, s0  }
0x6e: {  	[hbm4b:s28+s3] =	stream.linear.scatter [tilespmem:s14], [sflag:$0xA], $0xA80, $0x38;
	[tilespmem:$0x1C8F0] =	vst v63  }
0x6f: {  	s28 =	simm.s32 $0x400;
	s14 =	simm.s32 $0xA8F0  }
0x70: {  	[tilespmem:s14], [sflag:$0x3] =	stream.indirect.gather [spmem:s2], $0x80, s28, s11, $0xb8;
	[tilespmem:$0x1C8F0] =	vst v63  }
0x71: {  	s28 =	simm.s32 $0x480  }
0x72: {  	[tilespmem:s17], [sflag:$0x3] =	stream.indirect.gather [spmem:s2], $0x80, s28, s11, $0xb8;
	[tilespmem:$0x1C8F0] =	vst v63  }
0x73: {  	s28 =	simm.s32 $0x500  }
0x74: {  	[tilespmem:s18], [sflag:$0x3] =	stream.indirect.gather [spmem:s2], $0x80, s28, s11, $0xb8;
	[tilespmem:$0x1C8F0] =	vst v63  }
0x75: {  	s28 =	simm.s32 $0x580  }
0x76: {  	[tilespmem:s20], [sflag:$0x3] =	stream.indirect.gather [spmem:s2], $0x80, s28, s11, $0xb8;
	[tilespmem:$0x1C8F0] =	vst v63  }
0x77: {  	_ =	swait.ge [sflag:s26], $0xA80  }
0x78: {  	[sflag:s26] =	ssyncset.done $0x0  }
0x79: {  	[sflag:s26] =	ssyncadd.s32 $0xFFFFF580  }
0x7a: {  	_ =	swait.ge [sflag:s26], $0xA80  }
0x7b: {  	[sflag:s26] =	ssyncset.done $0x0  }
0x7c: {  	[sflag:s26] =	ssyncadd.s32 $0xFFFFF580  }
0x7d: {  	_ =	swait.ge [sflag:s26], $0xA80  }
0x7e: {  	[sflag:s26] =	ssyncset.done $0x0  }
0x7f: {  	[sflag:s26] =	ssyncadd.s32 $0xFFFFF580  }
0x80: {  	_ =	swait.ge [sflag:s26], $0xA80  }
0x81: {  	[sflag:s26] =	ssyncset.done $0x0  }
0x82: {  	s28 =	sadd.s32 $0xC00, s0;
	[sflag:s26] =	ssyncadd.s32 $0xFFFFF580  }
0x83: {  	[hbm4b:s28+s3] =	stream.linear.scatter [tilespmem:s14], [sflag:$0xB], $0xA80, $0x38;
	[tilespmem:$0x1C8F0] =	vst v63  }
0x84: {  	s28 =	sadd.s32 $0xD80, s0  }
0x85: {  	[hbm4b:s28+s3] =	stream.linear.scatter [tilespmem:s17], [sflag:$0xB], $0xA80, $0x38;
	[tilespmem:$0x1C8F0] =	vst v63  }
0x86: {  	s28 =	sadd.s32 $0xF00, s0  }
0x87: {  	[hbm4b:s28+s3] =	stream.linear.scatter [tilespmem:s18], [sflag:$0xB], $0xA80, $0x38;
	[tilespmem:$0x1C8F0] =	vst v63  }
0x88: {  	s28 =	sadd.s32 $0x1080, s0  }
0x89: {  	[hbm4b:s28+s3] =	stream.linear.scatter [tilespmem:s20], [sflag:$0xB], $0xA80, $0x38;
	[tilespmem:$0x1C8F0] =	vst v63  }
0x8a: {  	s28 =	simm.s32 $0x600  }
0x8b: {  	[tilespmem:s22], [sflag:$0x4] =	stream.indirect.gather [spmem:s2], $0x80, s28, s11, $0xb8;
	[tilespmem:$0x1C8F0] =	vst v63  }
0x8c: {  	s28 =	simm.s32 $0x680  }
0x8d: {  	[tilespmem:s23], [sflag:$0x4] =	stream.indirect.gather [spmem:s2], $0x80, s28, s11, $0xb8;
	[tilespmem:$0x1C8F0] =	vst v63  }
0x8e: {  	s28 =	simm.s32 $0x700  }
0x8f: {  	[tilespmem:s24], [sflag:$0x4] =	stream.indirect.gather [spmem:s2], $0x80, s28, s11, $0xb8;
	[tilespmem:$0x1C8F0] =	vst v63  }
0x90: {  	s30 =	simm.s32 $0xFCF0;
	s28 =	simm.s32 $0x780  }
0x91: {  	[tilespmem:s30], [sflag:$0x4] =	stream.indirect.gather [spmem:s2], $0x80, s28, s11, $0xb8;
	[tilespmem:$0x1C8F0] =	vst v63  }
0x92: {  	_ =	swait.ge [sflag:s1], $0xA80  }
0x93: {  	[sflag:s1] =	ssyncset.done $0x0  }
0x94: {  	[sflag:s1] =	ssyncadd.s32 $0xFFFFF580  }
0x95: {  	_ =	swait.ge [sflag:s1], $0xA80  }
0x96: {  	[sflag:s1] =	ssyncset.done $0x0  }
0x97: {  	[sflag:s1] =	ssyncadd.s32 $0xFFFFF580  }
0x98: {  	_ =	swait.ge [sflag:s1], $0xA80  }
0x99: {  	[sflag:s1] =	ssyncset.done $0x0  }
0x9a: {  	[sflag:s1] =	ssyncadd.s32 $0xFFFFF580  }
0x9b: {  	_ =	swait.ge [sflag:s1], $0xA80  }
0x9c: {  	[sflag:s1] =	ssyncset.done $0x0  }
0x9d: {  	s28 =	sadd.s32 $0x1200, s0;
	[sflag:s1] =	ssyncadd.s32 $0xFFFFF580  }
0x9e: {  	[hbm4b:s28+s3] =	stream.linear.scatter [tilespmem:s22], [sflag:$0xC], $0xA80, $0x38;
	[tilespmem:$0x1C8F0] =	vst v63  }
0x9f: {  	s28 =	sadd.s32 $0x1380, s0  }
0xa0: {  	[hbm4b:s28+s3] =	stream.linear.scatter [tilespmem:s23], [sflag:$0xC], $0xA80, $0x38;
	[tilespmem:$0x1C8F0] =	vst v63  }
0xa1: {  	s28 =	sadd.s32 $0x1500, s0  }
0xa2: {  	[hbm4b:s28+s3] =	stream.linear.scatter [tilespmem:s24], [sflag:$0xC], $0xA80, $0x38;
	[tilespmem:$0x1C8F0] =	vst v63  }
0xa3: {  	s29 =	simm.s32 @!p1 $0xD;
	s28 =	sadd.s32 $0x1680, s0  }
0xa4: {  	[hbm4b:s28+s3] =	stream.linear.scatter [tilespmem:s30], [sflag:$0xC], $0xA80, $0x38;
	[tilespmem:$0x1C8F0] =	vst v63  }
0xa5: {  	_ =	swait.ge @!p1 [sflag:s29], $0x2A00  }
0xa6: {  	[sflag:s29] =	ssyncset.done @!p1 $0x0  }
0xa7: {  	s28 =	simm.s32 @!p1 $0xE;
	[sflag:s29] =	ssyncadd.s32 @!p1 $0xFFFFD600  }
0xa8: {  	_ =	swait.ge @!p1 [sflag:s28], $0x2A00  }
0xa9: {  	[sflag:s28] =	ssyncset.done @!p1 $0x0  }
0xaa: {  	[sflag:s28] =	ssyncadd.s32 @!p1 $0xFFFFD600;
	s28 =	simm.s32 @!p1 $0xF  }
0xab: {  	_ =	swait.ge @!p1 [sflag:s28], $0x2A00  }
0xac: {  	[sflag:s28] =	ssyncset.done @!p1 $0x0  }
0xad: {  	[sflag:s28] =	ssyncadd.s32 @!p1 $0xFFFFD600;
	s28 =	simm.s32 @!p1 $0x10  }
0xae: {  	_ =	swait.ge @!p1 [sflag:s28], $0x2A00  }
0xaf: {  	[sflag:s28] =	ssyncset.done @!p1 $0x0  }
0xb0: {  	s8 =	simm.s32 $0x108F0;
	[sflag:s28] =	ssyncadd.s32 @!p1 $0xFFFFD600;
	s28 =	simm.s32 $0x800  }
0xb1: {  	[tilespmem:s8], [sflag:$0x5] =	stream.indirect.gather [spmem:s2], $0x80, s28, s11, $0xb8;
	[tilespmem:$0x1C8F0] =	vst v63  }
0xb2: {  	s29 =	simm.s32 $0x114F0;
	s28 =	simm.s32 $0x880  }
0xb3: {  	[tilespmem:s29], [sflag:$0x5] =	stream.indirect.gather [spmem:s2], $0x80, s28, s11, $0xb8;
	[tilespmem:$0x1C8F0] =	vst v63  }
0xb4: {  	s12 =	simm.s32 $0x120F0;
	s28 =	simm.s32 $0x900  }
0xb5: {  	[tilespmem:s12], [sflag:$0x5] =	stream.indirect.gather [spmem:s2], $0x80, s28, s11, $0xb8;
	[tilespmem:$0x1C8F0] =	vst v63  }
0xb6: {  	s14 =	simm.s32 $0x12CF0;
	s28 =	simm.s32 $0x980  }
0xb7: {  	[tilespmem:s14], [sflag:$0x5] =	stream.indirect.gather [spmem:s2], $0x80, s28, s11, $0xb8;
	[tilespmem:$0x1C8F0] =	vst v63  }
0xb8: {  	_ =	swait.ge [sflag:s6], $0xA80  }
0xb9: {  	[sflag:s6] =	ssyncset.done $0x0  }
0xba: {  	[sflag:s6] =	ssyncadd.s32 $0xFFFFF580  }
0xbb: {  	_ =	swait.ge [sflag:s6], $0xA80  }
0xbc: {  	[sflag:s6] =	ssyncset.done $0x0  }
0xbd: {  	[sflag:s6] =	ssyncadd.s32 $0xFFFFF580  }
0xbe: {  	_ =	swait.ge [sflag:s6], $0xA80  }
0xbf: {  	[sflag:s6] =	ssyncset.done $0x0  }
0xc0: {  	[sflag:s6] =	ssyncadd.s32 $0xFFFFF580  }
0xc1: {  	_ =	swait.ge [sflag:s6], $0xA80  }
0xc2: {  	[sflag:s6] =	ssyncset.done $0x0  }
0xc3: {  	s28 =	sadd.s32 $0x1800, s0;
	[sflag:s6] =	ssyncadd.s32 $0xFFFFF580  }
0xc4: {  	[hbm4b:s28+s3] =	stream.linear.scatter [tilespmem:s8], [sflag:$0xD], $0xA80, $0x38;
	[tilespmem:$0x1C8F0] =	vst v63  }
0xc5: {  	s28 =	sadd.s32 $0x1980, s0  }
0xc6: {  	[hbm4b:s28+s3] =	stream.linear.scatter [tilespmem:s29], [sflag:$0xD], $0xA80, $0x38;
	[tilespmem:$0x1C8F0] =	vst v63  }
0xc7: {  	s28 =	sadd.s32 $0x1B00, s0  }
0xc8: {  	[hbm4b:s28+s3] =	stream.linear.scatter [tilespmem:s12], [sflag:$0xD], $0xA80, $0x38;
	[tilespmem:$0x1C8F0] =	vst v63  }
0xc9: {  	s28 =	sadd.s32 $0x1C80, s0  }
0xca: {  	[hbm4b:s28+s3] =	stream.linear.scatter [tilespmem:s14], [sflag:$0xD], $0xA80, $0x38;
	[tilespmem:$0x1C8F0] =	vst v63  }
0xcb: {  	s7 =	simm.s32 $0x138F0;
	s28 =	simm.s32 $0xA00  }
0xcc: {  	[tilespmem:s7], [sflag:$0x6] =	stream.indirect.gather [spmem:s2], $0x80, s28, s11, $0xb8;
	[tilespmem:$0x1C8F0] =	vst v63  }
0xcd: {  	s8 =	simm.s32 $0x144F0;
	s28 =	simm.s32 $0xA80  }
0xce: {  	[tilespmem:s8], [sflag:$0x6] =	stream.indirect.gather [spmem:s2], $0x80, s28, s11, $0xb8;
	[tilespmem:$0x1C8F0] =	vst v63  }
0xcf: {  	s12 =	simm.s32 $0x150F0;
	s28 =	simm.s32 $0xB00  }
0xd0: {  	[tilespmem:s12], [sflag:$0x6] =	stream.indirect.gather [spmem:s2], $0x80, s28, s11, $0xb8;
	[tilespmem:$0x1C8F0] =	vst v63  }
0xd1: {  	s14 =	simm.s32 $0x15CF0;
	s28 =	simm.s32 $0xB80  }
0xd2: {  	[tilespmem:s14], [sflag:$0x6] =	stream.indirect.gather [spmem:s2], $0x80, s28, s11, $0xb8;
	[tilespmem:$0x1C8F0] =	vst v63  }
0xd3: {  	_ =	swait.ge [sflag:s13], $0xA80  }
0xd4: {  	[sflag:s13] =	ssyncset.done $0x0  }
0xd5: {  	[sflag:s13] =	ssyncadd.s32 $0xFFFFF580  }
0xd6: {  	_ =	swait.ge [sflag:s13], $0xA80  }
0xd7: {  	[sflag:s13] =	ssyncset.done $0x0  }
0xd8: {  	[sflag:s13] =	ssyncadd.s32 $0xFFFFF580  }
0xd9: {  	_ =	swait.ge [sflag:s13], $0xA80  }
0xda: {  	[sflag:s13] =	ssyncset.done $0x0  }
0xdb: {  	[sflag:s13] =	ssyncadd.s32 $0xFFFFF580  }
0xdc: {  	_ =	swait.ge [sflag:s13], $0xA80  }
0xdd: {  	[sflag:s13] =	ssyncset.done $0x0  }
0xde: {  	s28 =	sadd.s32 $0x1E00, s0;
	[sflag:s13] =	ssyncadd.s32 $0xFFFFF580  }
0xdf: {  	[hbm4b:s28+s3] =	stream.linear.scatter [tilespmem:s7], [sflag:$0xE], $0xA80, $0x38;
	[tilespmem:$0x1C8F0] =	vst v63  }
0xe0: {  	s28 =	sadd.s32 $0x1F80, s0  }
0xe1: {  	[hbm4b:s28+s3] =	stream.linear.scatter [tilespmem:s8], [sflag:$0xE], $0xA80, $0x38;
	[tilespmem:$0x1C8F0] =	vst v63  }
0xe2: {  	s28 =	sadd.s32 $0x2100, s0  }
0xe3: {  	[hbm4b:s28+s3] =	stream.linear.scatter [tilespmem:s12], [sflag:$0xE], $0xA80, $0x38;
	[tilespmem:$0x1C8F0] =	vst v63  }
0xe4: {  	s28 =	sadd.s32 $0x2280, s0  }
0xe5: {  	[hbm4b:s28+s3] =	stream.linear.scatter [tilespmem:s14], [sflag:$0xE], $0xA80, $0x38;
	[tilespmem:$0x1C8F0] =	vst v63  }
0xe6: {  	s7 =	simm.s32 $0x168F0;
	s28 =	simm.s32 $0xC00  }
0xe7: {  	[tilespmem:s7], [sflag:$0x7] =	stream.indirect.gather [spmem:s2], $0x80, s28, s11, $0xb8;
	[tilespmem:$0x1C8F0] =	vst v63  }
0xe8: {  	s8 =	simm.s32 $0x174F0;
	s28 =	simm.s32 $0xC80  }
0xe9: {  	[tilespmem:s8], [sflag:$0x7] =	stream.indirect.gather [spmem:s2], $0x80, s28, s11, $0xb8;
	[tilespmem:$0x1C8F0] =	vst v63  }
0xea: {  	s12 =	simm.s32 $0x180F0;
	s28 =	simm.s32 $0xD00  }
0xeb: {  	[tilespmem:s12], [sflag:$0x7] =	stream.indirect.gather [spmem:s2], $0x80, s28, s11, $0xb8;
	[tilespmem:$0x1C8F0] =	vst v63  }
0xec: {  	s14 =	simm.s32 $0x18CF0;
	s28 =	simm.s32 $0xD80  }
0xed: {  	[tilespmem:s14], [sflag:$0x7] =	stream.indirect.gather [spmem:s2], $0x80, s28, s11, $0xb8;
	[tilespmem:$0x1C8F0] =	vst v63  }
0xee: {  	_ =	swait.ge [sflag:s19], $0xA80  }
0xef: {  	[sflag:s19] =	ssyncset.done $0x0  }
0xf0: {  	[sflag:s19] =	ssyncadd.s32 $0xFFFFF580  }
0xf1: {  	_ =	swait.ge [sflag:s19], $0xA80  }
0xf2: {  	[sflag:s19] =	ssyncset.done $0x0  }
0xf3: {  	[sflag:s19] =	ssyncadd.s32 $0xFFFFF580  }
0xf4: {  	_ =	swait.ge [sflag:s19], $0xA80  }
0xf5: {  	[sflag:s19] =	ssyncset.done $0x0  }
0xf6: {  	[sflag:s19] =	ssyncadd.s32 $0xFFFFF580  }
0xf7: {  	_ =	swait.ge [sflag:s19], $0xA80  }
0xf8: {  	[sflag:s19] =	ssyncset.done $0x0  }
0xf9: {  	s28 =	sadd.s32 $0x2400, s0;
	[sflag:s19] =	ssyncadd.s32 $0xFFFFF580  }
0xfa: {  	[hbm4b:s28+s3] =	stream.linear.scatter [tilespmem:s7], [sflag:$0xF], $0xA80, $0x38;
	[tilespmem:$0x1C8F0] =	vst v63  }
0xfb: {  	s28 =	sadd.s32 $0x2580, s0  }
0xfc: {  	[hbm4b:s28+s3] =	stream.linear.scatter [tilespmem:s8], [sflag:$0xF], $0xA80, $0x38;
	[tilespmem:$0x1C8F0] =	vst v63  }
0xfd: {  	s28 =	sadd.s32 $0x2700, s0  }
0xfe: {  	[hbm4b:s28+s3] =	stream.linear.scatter [tilespmem:s12], [sflag:$0xF], $0xA80, $0x38;
	[tilespmem:$0x1C8F0] =	vst v63  }
0xff: {  	s28 =	sadd.s32 $0x2880, s0  }
0x100: {  	[hbm4b:s28+s3] =	stream.linear.scatter [tilespmem:s14], [sflag:$0xF], $0xA80, $0x38;
	[tilespmem:$0x1C8F0] =	vst v63  }
0x101: {  	s7 =	simm.s32 $0x198F0;
	s28 =	simm.s32 $0xE00  }
0x102: {  	[tilespmem:s7], [sflag:$0x8] =	stream.indirect.gather [spmem:s2], $0x80, s28, s11, $0xb8;
	[tilespmem:$0x1C8F0] =	vst v63  }
0x103: {  	s8 =	simm.s32 $0x1A4F0;
	s28 =	simm.s32 $0xE80  }
0x104: {  	[tilespmem:s8], [sflag:$0x8] =	stream.indirect.gather [spmem:s2], $0x80, s28, s11, $0xb8;
	[tilespmem:$0x1C8F0] =	vst v63  }
0x105: {  	s12 =	simm.s32 $0x1B0F0;
	s28 =	simm.s32 $0xF00  }
0x106: {  	[tilespmem:s12], [sflag:$0x8] =	stream.indirect.gather [spmem:s2], $0x80, s28, s11, $0xb8;
	[tilespmem:$0x1C8F0] =	vst v63  }
0x107: {  	s14 =	simm.s32 $0x1BCF0;
	s28 =	simm.s32 $0xF80  }
0x108: {  	[tilespmem:s14], [sflag:$0x8] =	stream.indirect.gather [spmem:s2], $0x80, s28, s11, $0xb8;
	[tilespmem:$0x1C8F0] =	vst v63  }
0x109: {  	_ =	swait.ge [sflag:s25], $0xA80  }
0x10a: {  	[sflag:s25] =	ssyncset.done $0x0  }
0x10b: {  	[sflag:s25] =	ssyncadd.s32 $0xFFFFF580  }
0x10c: {  	_ =	swait.ge [sflag:s25], $0xA80  }
0x10d: {  	[sflag:s25] =	ssyncset.done $0x0  }
0x10e: {  	[sflag:s25] =	ssyncadd.s32 $0xFFFFF580  }
0x10f: {  	_ =	swait.ge [sflag:s25], $0xA80  }
0x110: {  	[sflag:s25] =	ssyncset.done $0x0  }
0x111: {  	[sflag:s25] =	ssyncadd.s32 $0xFFFFF580  }
0x112: {  	_ =	swait.ge [sflag:s25], $0xA80  }
0x113: {  	[sflag:s25] =	ssyncset.done $0x0  }
0x114: {  	s28 =	sadd.s32 $0x2A00, s0;
	[sflag:s25] =	ssyncadd.s32 $0xFFFFF580  }
0x115: {  	[hbm4b:s28+s3] =	stream.linear.scatter [tilespmem:s7], [sflag:$0x10], $0xA80, $0x38;
	[tilespmem:$0x1C8F0] =	vst v63  }
0x116: {  	p6 =	por $0x0, $0x0;
	s28 =	sadd.s32 $0x2B80, s0  }
0x117: {  	[hbm4b:s28+s3] =	stream.linear.scatter [tilespmem:s8], [sflag:$0x10], $0xA80, $0x38;
	[tilespmem:$0x1C8F0] =	vst v63  }
0x118: {  	s31 =	sadd.s32 $0x2E80, s0;
	s30 =	simm.s32 $0x8000;
	s28 =	sadd.s32 $0x2D00, s0  }
0x119: {  	[hbm4b:s28+s3] =	stream.linear.scatter [tilespmem:s12], [sflag:$0x10], $0xA80, $0x38;
	[tilespmem:$0x1C8F0] =	vst v63  }
0x11a: {  	p1 =	por p6, p6;
	s29 =	simm.s32 $0x4000;
	s28 =	sadd.s32 $0x3000, s0  }
.LBB2_4:
0x11b: {  	[hbm4b:s31+s3] =	stream.linear.scatter [tilespmem:s15], [sflag:$0x10], $0xA80, $0x38;
	[tilespmem:$0x1C8F0] =	vst v63  }
0x11c: {  	s0 =	smov.u32 s30  }
0x11d: {  	s30 =	sadd.s32 $0x4000, s30;
	s31 =	simm.s32 @!p1 $0x9;
	p3 =	seq.s32 s0, $0x0  }
0x11e: {  	p2 =	sne.s32 s30, $0x10000;
	_ =	swait.ge @!p1 [sflag:s31], $0x2A00  }
0x11f: {  	[sflag:s31] =	ssyncset.done @!p1 $0x0  }
0x120: {  	[sflag:s31] =	ssyncadd.s32 @!p1 $0xFFFFD600;
	s31 =	simm.s32 @!p1 $0xA  }
0x121: {  	_ =	swait.ge @!p1 [sflag:s31], $0x2A00  }
0x122: {  	[sflag:s31] =	ssyncset.done @!p1 $0x0  }
0x123: {  	[sflag:s31] =	ssyncadd.s32 @!p1 $0xFFFFD600;
	s31 =	simm.s32 @!p1 $0xB  }
0x124: {  	_ =	swait.ge @!p1 [sflag:s31], $0x2A00  }
0x125: {  	[sflag:s31] =	ssyncset.done @!p1 $0x0  }
0x126: {  	[sflag:s31] =	ssyncadd.s32 @!p1 $0xFFFFD600;
	s31 =	simm.s32 @!p1 $0xC  }
0x127: {  	_ =	swait.ge @!p1 [sflag:s31], $0x2A00  }
0x128: {  	[sflag:s31] =	ssyncset.done @!p1 $0x0  }
0x129: {  	[sflag:s31] =	ssyncadd.s32 @!p1 $0xFFFFD600;
	s31 =	sshra.s32 s29, $0x2;
	s29 =	smov.u32 s0  }
0x12a: {  	[tilespmem:s10], [sflag:$0x1] =	stream.indirect.gather [spmem:s2], $0x80, s31, s11, $0xb8;
	[tilespmem:$0x1C8F0] =	vst v63  }
0x12b: {  	s0 =	sadd.s32 $0x80, s31  }
0x12c: {  	[tilespmem:s4], [sflag:$0x1] =	stream.indirect.gather [spmem:s2], $0x80, s0, s11, $0xb8;
	[tilespmem:$0x1C8F0] =	vst v63  }
0x12d: {  	s0 =	sadd.s32 $0x100, s31  }
0x12e: {  	[tilespmem:s5], [sflag:$0x1] =	stream.indirect.gather [spmem:s2], $0x80, s0, s11, $0xb8;
	[tilespmem:$0x1C8F0] =	vst v63  }
0x12f: {  	s0 =	sadd.s32 $0x180, s31  }
0x130: {  	[tilespmem:s9], [sflag:$0x1] =	stream.indirect.gather [spmem:s2], $0x80, s0, s11, $0xb8;
	[tilespmem:$0x1C8F0] =	vst v63  }
0x131: {  	_ =	swait.ge [sflag:s16], $0xA80  }
0x132: {  	[sflag:s16] =	ssyncset.done $0x0  }
0x133: {  	[sflag:s16] =	ssyncadd.s32 $0xFFFFF580  }
0x134: {  	_ =	swait.ge [sflag:s16], $0xA80  }
0x135: {  	[sflag:s16] =	ssyncset.done $0x0  }
0x136: {  	[sflag:s16] =	ssyncadd.s32 $0xFFFFF580  }
0x137: {  	_ =	swait.ge [sflag:s16], $0xA80  }
0x138: {  	[sflag:s16] =	ssyncset.done $0x0  }
0x139: {  	[sflag:s16] =	ssyncadd.s32 $0xFFFFF580  }
0x13a: {  	_ =	swait.ge [sflag:s16], $0xA80  }
0x13b: {  	[sflag:s16] =	ssyncset.done $0x0  }
0x13c: {  	[sflag:s16] =	ssyncadd.s32 $0xFFFFF580  }
0x13d: {  	[hbm4b:s28+s3] =	stream.linear.scatter [tilespmem:s10], [sflag:$0x9], $0xA80, $0x38;
	[tilespmem:$0x1C8F0] =	vst v63  }
0x13e: {  	s0 =	sadd.s32 $0x180, s28  }
0x13f: {  	[hbm4b:s0+s3] =	stream.linear.scatter [tilespmem:s4], [sflag:$0x9], $0xA80, $0x38;
	[tilespmem:$0x1C8F0] =	vst v63  }
0x140: {  	s0 =	sadd.s32 $0x300, s28  }
0x141: {  	[hbm4b:s0+s3] =	stream.linear.scatter [tilespmem:s5], [sflag:$0x9], $0xA80, $0x38;
	[tilespmem:$0x1C8F0] =	vst v63  }
0x142: {  	s0 =	sadd.s32 $0x480, s28  }
0x143: {  	[hbm4b:s0+s3] =	stream.linear.scatter [tilespmem:s9], [sflag:$0x9], $0xA80, $0x38;
	[tilespmem:$0x1C8F0] =	vst v63  }
0x144: {  	s8 =	simm.s32 $0x78F0;
	s0 =	sadd.s32 $0x200, s31  }
0x145: {  	[tilespmem:s8], [sflag:$0x2] =	stream.indirect.gather [spmem:s2], $0x80, s0, s11, $0xb8;
	[tilespmem:$0x1C8F0] =	vst v63  }
0x146: {  	s7 =	simm.s32 $0x84F0;
	s0 =	sadd.s32 $0x280, s31  }
0x147: {  	[tilespmem:s7], [sflag:$0x2] =	stream.indirect.gather [spmem:s2], $0x80, s0, s11, $0xb8;
	[tilespmem:$0x1C8F0] =	vst v63  }
0x148: {  	s10 =	simm.s32 $0x90F0;
	s0 =	sadd.s32 $0x300, s31  }
0x149: {  	[tilespmem:s10], [sflag:$0x2] =	stream.indirect.gather [spmem:s2], $0x80, s0, s11, $0xb8;
	[tilespmem:$0x1C8F0] =	vst v63  }
0x14a: {  	s12 =	simm.s32 $0x9CF0;
	s0 =	sadd.s32 $0x380, s31  }
0x14b: {  	[tilespmem:s12], [sflag:$0x2] =	stream.indirect.gather [spmem:s2], $0x80, s0, s11, $0xb8;
	[tilespmem:$0x1C8F0] =	vst v63  }
0x14c: {  	_ =	swait.ge [sflag:s21], $0xA80  }
0x14d: {  	[sflag:s21] =	ssyncset.done $0x0  }
0x14e: {  	[sflag:s21] =	ssyncadd.s32 $0xFFFFF580  }
0x14f: {  	_ =	swait.ge [sflag:s21], $0xA80  }
0x150: {  	[sflag:s21] =	ssyncset.done $0x0  }
0x151: {  	[sflag:s21] =	ssyncadd.s32 $0xFFFFF580  }
0x152: {  	_ =	swait.ge [sflag:s21], $0xA80  }
0x153: {  	[sflag:s21] =	ssyncset.done $0x0  }
0x154: {  	[sflag:s21] =	ssyncadd.s32 $0xFFFFF580  }
0x155: {  	_ =	swait.ge [sflag:s21], $0xA80  }
0x156: {  	[sflag:s21] =	ssyncset.done $0x0  }
0x157: {  	s0 =	sadd.s32 $0x600, s28;
	[sflag:s21] =	ssyncadd.s32 $0xFFFFF580  }
0x158: {  	[hbm4b:s0+s3] =	stream.linear.scatter [tilespmem:s8], [sflag:$0xA], $0xA80, $0x38;
	[tilespmem:$0x1C8F0] =	vst v63  }
0x159: {  	s0 =	sadd.s32 $0x780, s28  }
0x15a: {  	[hbm4b:s0+s3] =	stream.linear.scatter [tilespmem:s7], [sflag:$0xA], $0xA80, $0x38;
	[tilespmem:$0x1C8F0] =	vst v63  }
0x15b: {  	s0 =	sadd.s32 $0x900, s28  }
0x15c: {  	[hbm4b:s0+s3] =	stream.linear.scatter [tilespmem:s10], [sflag:$0xA], $0xA80, $0x38;
	[tilespmem:$0x1C8F0] =	vst v63  }
0x15d: {  	s0 =	sadd.s32 $0xA80, s28  }
0x15e: {  	[hbm4b:s0+s3] =	stream.linear.scatter [tilespmem:s12], [sflag:$0xA], $0xA80, $0x38;
	[tilespmem:$0x1C8F0] =	vst v63  }
0x15f: {  	s7 =	simm.s32 $0xA8F0;
	s0 =	sadd.s32 $0x400, s31  }
0x160: {  	[tilespmem:s7], [sflag:$0x3] =	stream.indirect.gather [spmem:s2], $0x80, s0, s11, $0xb8;
	[tilespmem:$0x1C8F0] =	vst v63  }
0x161: {  	s0 =	sadd.s32 $0x480, s31  }
0x162: {  	[tilespmem:s17], [sflag:$0x3] =	stream.indirect.gather [spmem:s2], $0x80, s0, s11, $0xb8;
	[tilespmem:$0x1C8F0] =	vst v63  }
0x163: {  	s0 =	sadd.s32 $0x500, s31  }
0x164: {  	[tilespmem:s18], [sflag:$0x3] =	stream.indirect.gather [spmem:s2], $0x80, s0, s11, $0xb8;
	[tilespmem:$0x1C8F0] =	vst v63  }
0x165: {  	s0 =	sadd.s32 $0x580, s31  }
0x166: {  	[tilespmem:s20], [sflag:$0x3] =	stream.indirect.gather [spmem:s2], $0x80, s0, s11, $0xb8;
	[tilespmem:$0x1C8F0] =	vst v63  }
0x167: {  	_ =	swait.ge [sflag:s26], $0xA80  }
0x168: {  	[sflag:s26] =	ssyncset.done $0x0  }
0x169: {  	[sflag:s26] =	ssyncadd.s32 $0xFFFFF580  }
0x16a: {  	_ =	swait.ge [sflag:s26], $0xA80  }
0x16b: {  	[sflag:s26] =	ssyncset.done $0x0  }
0x16c: {  	[sflag:s26] =	ssyncadd.s32 $0xFFFFF580  }
0x16d: {  	_ =	swait.ge [sflag:s26], $0xA80  }
0x16e: {  	[sflag:s26] =	ssyncset.done $0x0  }
0x16f: {  	[sflag:s26] =	ssyncadd.s32 $0xFFFFF580  }
0x170: {  	_ =	swait.ge [sflag:s26], $0xA80  }
0x171: {  	[sflag:s26] =	ssyncset.done $0x0  }
0x172: {  	s0 =	sadd.s32 $0xC00, s28;
	[sflag:s26] =	ssyncadd.s32 $0xFFFFF580  }
0x173: {  	[hbm4b:s0+s3] =	stream.linear.scatter [tilespmem:s7], [sflag:$0xB], $0xA80, $0x38;
	[tilespmem:$0x1C8F0] =	vst v63  }
0x174: {  	s0 =	sadd.s32 $0xD80, s28  }
0x175: {  	[hbm4b:s0+s3] =	stream.linear.scatter [tilespmem:s17], [sflag:$0xB], $0xA80, $0x38;
	[tilespmem:$0x1C8F0] =	vst v63  }
0x176: {  	s0 =	sadd.s32 $0xF00, s28  }
0x177: {  	[hbm4b:s0+s3] =	stream.linear.scatter [tilespmem:s18], [sflag:$0xB], $0xA80, $0x38;
	[tilespmem:$0x1C8F0] =	vst v63  }
0x178: {  	s0 =	sadd.s32 $0x1080, s28  }
0x179: {  	[hbm4b:s0+s3] =	stream.linear.scatter [tilespmem:s20], [sflag:$0xB], $0xA80, $0x38;
	[tilespmem:$0x1C8F0] =	vst v63  }
0x17a: {  	s0 =	sadd.s32 $0x600, s31  }
0x17b: {  	[tilespmem:s22], [sflag:$0x4] =	stream.indirect.gather [spmem:s2], $0x80, s0, s11, $0xb8;
	[tilespmem:$0x1C8F0] =	vst v63  }
0x17c: {  	s0 =	sadd.s32 $0x680, s31  }
0x17d: {  	[tilespmem:s23], [sflag:$0x4] =	stream.indirect.gather [spmem:s2], $0x80, s0, s11, $0xb8;
	[tilespmem:$0x1C8F0] =	vst v63  }
0x17e: {  	s0 =	sadd.s32 $0x700, s31  }
0x17f: {  	[tilespmem:s24], [sflag:$0x4] =	stream.indirect.gather [spmem:s2], $0x80, s0, s11, $0xb8;
	[tilespmem:$0x1C8F0] =	vst v63  }
0x180: {  	s7 =	simm.s32 $0xFCF0;
	s0 =	sadd.s32 $0x780, s31  }
0x181: {  	[tilespmem:s7], [sflag:$0x4] =	stream.indirect.gather [spmem:s2], $0x80, s0, s11, $0xb8;
	[tilespmem:$0x1C8F0] =	vst v63  }
0x182: {  	_ =	swait.ge [sflag:s1], $0xA80  }
0x183: {  	[sflag:s1] =	ssyncset.done $0x0  }
0x184: {  	[sflag:s1] =	ssyncadd.s32 $0xFFFFF580  }
0x185: {  	_ =	swait.ge [sflag:s1], $0xA80  }
0x186: {  	[sflag:s1] =	ssyncset.done $0x0  }
0x187: {  	[sflag:s1] =	ssyncadd.s32 $0xFFFFF580  }
0x188: {  	_ =	swait.ge [sflag:s1], $0xA80  }
0x189: {  	[sflag:s1] =	ssyncset.done $0x0  }
0x18a: {  	[sflag:s1] =	ssyncadd.s32 $0xFFFFF580  }
0x18b: {  	_ =	swait.ge [sflag:s1], $0xA80  }
0x18c: {  	[sflag:s1] =	ssyncset.done $0x0  }
0x18d: {  	s0 =	sadd.s32 $0x1200, s28;
	[sflag:s1] =	ssyncadd.s32 $0xFFFFF580  }
0x18e: {  	[hbm4b:s0+s3] =	stream.linear.scatter [tilespmem:s22], [sflag:$0xC], $0xA80, $0x38;
	[tilespmem:$0x1C8F0] =	vst v63  }
0x18f: {  	s0 =	sadd.s32 $0x1380, s28  }
0x190: {  	[hbm4b:s0+s3] =	stream.linear.scatter [tilespmem:s23], [sflag:$0xC], $0xA80, $0x38;
	[tilespmem:$0x1C8F0] =	vst v63  }
0x191: {  	s0 =	sadd.s32 $0x1500, s28  }
0x192: {  	[hbm4b:s0+s3] =	stream.linear.scatter [tilespmem:s24], [sflag:$0xC], $0xA80, $0x38;
	[tilespmem:$0x1C8F0] =	vst v63  }
0x193: {  	s10 =	simm.s32 @!p1 $0xD;
	s0 =	sadd.s32 $0x1680, s28  }
0x194: {  	[hbm4b:s0+s3] =	stream.linear.scatter [tilespmem:s7], [sflag:$0xC], $0xA80, $0x38;
	[tilespmem:$0x1C8F0] =	vst v63  }
0x195: {  	_ =	swait.ge @!p1 [sflag:s10], $0x2A00  }
0x196: {  	[sflag:s10] =	ssyncset.done @!p1 $0x0  }
0x197: {  	s0 =	simm.s32 @!p1 $0xE;
	[sflag:s10] =	ssyncadd.s32 @!p1 $0xFFFFD600;
	s10 =	simm.s32 $0x48F0  }
0x198: {  	_ =	swait.ge @!p1 [sflag:s0], $0x2A00  }
0x199: {  	[sflag:s0] =	ssyncset.done @!p1 $0x0  }
0x19a: {  	[sflag:s0] =	ssyncadd.s32 @!p1 $0xFFFFD600;
	s0 =	simm.s32 @!p1 $0xF  }
0x19b: {  	_ =	swait.ge @!p1 [sflag:s0], $0x2A00  }
0x19c: {  	[sflag:s0] =	ssyncset.done @!p1 $0x0  }
0x19d: {  	[sflag:s0] =	ssyncadd.s32 @!p1 $0xFFFFD600;
	s0 =	simm.s32 @!p1 $0x10  }
0x19e: {  	_ =	swait.ge @!p1 [sflag:s0], $0x2A00  }
0x19f: {  	s7 =	simm.s32 $0x108F0;
	[sflag:s0] =	ssyncset.done @!p1 $0x0  }
0x1a0: {  	[sflag:s0] =	ssyncadd.s32 @!p1 $0xFFFFD600;
	s0 =	sadd.s32 $0x800, s31;
	p1 =	por p3, p3  }
0x1a1: {  	[tilespmem:s7], [sflag:$0x5] =	stream.indirect.gather [spmem:s2], $0x80, s0, s11, $0xb8;
	[tilespmem:$0x1C8F0] =	vst v63  }
0x1a2: {  	s8 =	simm.s32 $0x114F0;
	s0 =	sadd.s32 $0x880, s31  }
0x1a3: {  	[tilespmem:s8], [sflag:$0x5] =	stream.indirect.gather [spmem:s2], $0x80, s0, s11, $0xb8;
	[tilespmem:$0x1C8F0] =	vst v63  }
0x1a4: {  	s12 =	simm.s32 $0x120F0;
	s0 =	sadd.s32 $0x900, s31  }
0x1a5: {  	[tilespmem:s12], [sflag:$0x5] =	stream.indirect.gather [spmem:s2], $0x80, s0, s11, $0xb8;
	[tilespmem:$0x1C8F0] =	vst v63  }
0x1a6: {  	s14 =	simm.s32 $0x12CF0;
	s0 =	sadd.s32 $0x980, s31  }
0x1a7: {  	[tilespmem:s14], [sflag:$0x5] =	stream.indirect.gather [spmem:s2], $0x80, s0, s11, $0xb8;
	[tilespmem:$0x1C8F0] =	vst v63  }
0x1a8: {  	_ =	swait.ge [sflag:s6], $0xA80  }
0x1a9: {  	[sflag:s6] =	ssyncset.done $0x0  }
0x1aa: {  	[sflag:s6] =	ssyncadd.s32 $0xFFFFF580  }
0x1ab: {  	_ =	swait.ge [sflag:s6], $0xA80  }
0x1ac: {  	[sflag:s6] =	ssyncset.done $0x0  }
0x1ad: {  	[sflag:s6] =	ssyncadd.s32 $0xFFFFF580  }
0x1ae: {  	_ =	swait.ge [sflag:s6], $0xA80  }
0x1af: {  	[sflag:s6] =	ssyncset.done $0x0  }
0x1b0: {  	[sflag:s6] =	ssyncadd.s32 $0xFFFFF580  }
0x1b1: {  	_ =	swait.ge [sflag:s6], $0xA80  }
0x1b2: {  	[sflag:s6] =	ssyncset.done $0x0  }
0x1b3: {  	s0 =	sadd.s32 $0x1800, s28;
	[sflag:s6] =	ssyncadd.s32 $0xFFFFF580  }
0x1b4: {  	[hbm4b:s0+s3] =	stream.linear.scatter [tilespmem:s7], [sflag:$0xD], $0xA80, $0x38;
	[tilespmem:$0x1C8F0] =	vst v63  }
0x1b5: {  	s0 =	sadd.s32 $0x1980, s28  }
0x1b6: {  	[hbm4b:s0+s3] =	stream.linear.scatter [tilespmem:s8], [sflag:$0xD], $0xA80, $0x38;
	[tilespmem:$0x1C8F0] =	vst v63  }
0x1b7: {  	s0 =	sadd.s32 $0x1B00, s28  }
0x1b8: {  	[hbm4b:s0+s3] =	stream.linear.scatter [tilespmem:s12], [sflag:$0xD], $0xA80, $0x38;
	[tilespmem:$0x1C8F0] =	vst v63  }
0x1b9: {  	s0 =	sadd.s32 $0x1C80, s28  }
0x1ba: {  	[hbm4b:s0+s3] =	stream.linear.scatter [tilespmem:s14], [sflag:$0xD], $0xA80, $0x38;
	[tilespmem:$0x1C8F0] =	vst v63  }
0x1bb: {  	s7 =	simm.s32 $0x138F0;
	s0 =	sadd.s32 $0xA00, s31  }
0x1bc: {  	[tilespmem:s7], [sflag:$0x6] =	stream.indirect.gather [spmem:s2], $0x80, s0, s11, $0xb8;
	[tilespmem:$0x1C8F0] =	vst v63  }
0x1bd: {  	s8 =	simm.s32 $0x144F0;
	s0 =	sadd.s32 $0xA80, s31  }
0x1be: {  	[tilespmem:s8], [sflag:$0x6] =	stream.indirect.gather [spmem:s2], $0x80, s0, s11, $0xb8;
	[tilespmem:$0x1C8F0] =	vst v63  }
0x1bf: {  	s12 =	simm.s32 $0x150F0;
	s0 =	sadd.s32 $0xB00, s31  }
0x1c0: {  	[tilespmem:s12], [sflag:$0x6] =	stream.indirect.gather [spmem:s2], $0x80, s0, s11, $0xb8;
	[tilespmem:$0x1C8F0] =	vst v63  }
0x1c1: {  	s14 =	simm.s32 $0x15CF0;
	s0 =	sadd.s32 $0xB80, s31  }
0x1c2: {  	[tilespmem:s14], [sflag:$0x6] =	stream.indirect.gather [spmem:s2], $0x80, s0, s11, $0xb8;
	[tilespmem:$0x1C8F0] =	vst v63  }
0x1c3: {  	_ =	swait.ge [sflag:s13], $0xA80  }
0x1c4: {  	[sflag:s13] =	ssyncset.done $0x0  }
0x1c5: {  	[sflag:s13] =	ssyncadd.s32 $0xFFFFF580  }
0x1c6: {  	_ =	swait.ge [sflag:s13], $0xA80  }
0x1c7: {  	[sflag:s13] =	ssyncset.done $0x0  }
0x1c8: {  	[sflag:s13] =	ssyncadd.s32 $0xFFFFF580  }
0x1c9: {  	_ =	swait.ge [sflag:s13], $0xA80  }
0x1ca: {  	[sflag:s13] =	ssyncset.done $0x0  }
0x1cb: {  	[sflag:s13] =	ssyncadd.s32 $0xFFFFF580  }
0x1cc: {  	_ =	swait.ge [sflag:s13], $0xA80  }
0x1cd: {  	[sflag:s13] =	ssyncset.done $0x0  }
0x1ce: {  	s0 =	sadd.s32 $0x1E00, s28;
	[sflag:s13] =	ssyncadd.s32 $0xFFFFF580  }
0x1cf: {  	[hbm4b:s0+s3] =	stream.linear.scatter [tilespmem:s7], [sflag:$0xE], $0xA80, $0x38;
	[tilespmem:$0x1C8F0] =	vst v63  }
0x1d0: {  	s0 =	sadd.s32 $0x1F80, s28  }
0x1d1: {  	[hbm4b:s0+s3] =	stream.linear.scatter [tilespmem:s8], [sflag:$0xE], $0xA80, $0x38;
	[tilespmem:$0x1C8F0] =	vst v63  }
0x1d2: {  	s0 =	sadd.s32 $0x2100, s28  }
0x1d3: {  	[hbm4b:s0+s3] =	stream.linear.scatter [tilespmem:s12], [sflag:$0xE], $0xA80, $0x38;
	[tilespmem:$0x1C8F0] =	vst v63  }
0x1d4: {  	s0 =	sadd.s32 $0x2280, s28  }
0x1d5: {  	[hbm4b:s0+s3] =	stream.linear.scatter [tilespmem:s14], [sflag:$0xE], $0xA80, $0x38;
	[tilespmem:$0x1C8F0] =	vst v63  }
0x1d6: {  	s7 =	simm.s32 $0x168F0;
	s0 =	sadd.s32 $0xC00, s31  }
0x1d7: {  	[tilespmem:s7], [sflag:$0x7] =	stream.indirect.gather [spmem:s2], $0x80, s0, s11, $0xb8;
	[tilespmem:$0x1C8F0] =	vst v63  }
0x1d8: {  	s8 =	simm.s32 $0x174F0;
	s0 =	sadd.s32 $0xC80, s31  }
0x1d9: {  	[tilespmem:s8], [sflag:$0x7] =	stream.indirect.gather [spmem:s2], $0x80, s0, s11, $0xb8;
	[tilespmem:$0x1C8F0] =	vst v63  }
0x1da: {  	s12 =	simm.s32 $0x180F0;
	s0 =	sadd.s32 $0xD00, s31  }
0x1db: {  	[tilespmem:s12], [sflag:$0x7] =	stream.indirect.gather [spmem:s2], $0x80, s0, s11, $0xb8;
	[tilespmem:$0x1C8F0] =	vst v63  }
0x1dc: {  	s14 =	simm.s32 $0x18CF0;
	s0 =	sadd.s32 $0xD80, s31  }
0x1dd: {  	[tilespmem:s14], [sflag:$0x7] =	stream.indirect.gather [spmem:s2], $0x80, s0, s11, $0xb8;
	[tilespmem:$0x1C8F0] =	vst v63  }
0x1de: {  	_ =	swait.ge [sflag:s19], $0xA80  }
0x1df: {  	[sflag:s19] =	ssyncset.done $0x0  }
0x1e0: {  	[sflag:s19] =	ssyncadd.s32 $0xFFFFF580  }
0x1e1: {  	_ =	swait.ge [sflag:s19], $0xA80  }
0x1e2: {  	[sflag:s19] =	ssyncset.done $0x0  }
0x1e3: {  	[sflag:s19] =	ssyncadd.s32 $0xFFFFF580  }
0x1e4: {  	_ =	swait.ge [sflag:s19], $0xA80  }
0x1e5: {  	[sflag:s19] =	ssyncset.done $0x0  }
0x1e6: {  	[sflag:s19] =	ssyncadd.s32 $0xFFFFF580  }
0x1e7: {  	_ =	swait.ge [sflag:s19], $0xA80  }
0x1e8: {  	[sflag:s19] =	ssyncset.done $0x0  }
0x1e9: {  	s0 =	sadd.s32 $0x2400, s28;
	[sflag:s19] =	ssyncadd.s32 $0xFFFFF580  }
0x1ea: {  	[hbm4b:s0+s3] =	stream.linear.scatter [tilespmem:s7], [sflag:$0xF], $0xA80, $0x38;
	[tilespmem:$0x1C8F0] =	vst v63  }
0x1eb: {  	s0 =	sadd.s32 $0x2580, s28  }
0x1ec: {  	[hbm4b:s0+s3] =	stream.linear.scatter [tilespmem:s8], [sflag:$0xF], $0xA80, $0x38;
	[tilespmem:$0x1C8F0] =	vst v63  }
0x1ed: {  	s0 =	sadd.s32 $0x2700, s28  }
0x1ee: {  	[hbm4b:s0+s3] =	stream.linear.scatter [tilespmem:s12], [sflag:$0xF], $0xA80, $0x38;
	[tilespmem:$0x1C8F0] =	vst v63  }
0x1ef: {  	s0 =	sadd.s32 $0x2880, s28  }
0x1f0: {  	[hbm4b:s0+s3] =	stream.linear.scatter [tilespmem:s14], [sflag:$0xF], $0xA80, $0x38;
	[tilespmem:$0x1C8F0] =	vst v63  }
0x1f1: {  	s7 =	simm.s32 $0x198F0;
	s0 =	sadd.s32 $0xE00, s31  }
0x1f2: {  	[tilespmem:s7], [sflag:$0x8] =	stream.indirect.gather [spmem:s2], $0x80, s0, s11, $0xb8;
	[tilespmem:$0x1C8F0] =	vst v63  }
0x1f3: {  	s8 =	simm.s32 $0x1A4F0;
	s0 =	sadd.s32 $0xE80, s31  }
0x1f4: {  	[tilespmem:s8], [sflag:$0x8] =	stream.indirect.gather [spmem:s2], $0x80, s0, s11, $0xb8;
	[tilespmem:$0x1C8F0] =	vst v63  }
0x1f5: {  	s12 =	simm.s32 $0x1B0F0;
	s0 =	sadd.s32 $0xF00, s31  }
0x1f6: {  	[tilespmem:s12], [sflag:$0x8] =	stream.indirect.gather [spmem:s2], $0x80, s0, s11, $0xb8;
	[tilespmem:$0x1C8F0] =	vst v63  }
0x1f7: {  	s0 =	sadd.s32 $0xF80, s31  }
0x1f8: {  	[tilespmem:s15], [sflag:$0x8] =	stream.indirect.gather [spmem:s2], $0x80, s0, s11, $0xb8;
	[tilespmem:$0x1C8F0] =	vst v63  }
0x1f9: {  	_ =	swait.ge [sflag:s25], $0xA80  }
0x1fa: {  	[sflag:s25] =	ssyncset.done $0x0  }
0x1fb: {  	[sflag:s25] =	ssyncadd.s32 $0xFFFFF580  }
0x1fc: {  	_ =	swait.ge [sflag:s25], $0xA80  }
0x1fd: {  	[sflag:s25] =	ssyncset.done $0x0  }
0x1fe: {  	[sflag:s25] =	ssyncadd.s32 $0xFFFFF580  }
0x1ff: {  	_ =	swait.ge [sflag:s25], $0xA80  }
0x200: {  	[sflag:s25] =	ssyncset.done $0x0  }
0x201: {  	[sflag:s25] =	ssyncadd.s32 $0xFFFFF580  }
0x202: {  	_ =	swait.ge [sflag:s25], $0xA80  }
0x203: {  	[sflag:s25] =	ssyncset.done $0x0  }
0x204: {  	s0 =	sadd.s32 $0x2A00, s28;
	[sflag:s25] =	ssyncadd.s32 $0xFFFFF580  }
0x205: {  	[hbm4b:s0+s3] =	stream.linear.scatter [tilespmem:s7], [sflag:$0x10], $0xA80, $0x38;
	[tilespmem:$0x1C8F0] =	vst v63  }
.Ltmp1:
0x206: {  	s0 =	sadd.s32 $0x2B80, s28;
	(pc) =	sbr.rel @p2 .LBB2_4-.Ltmp1, $4  }
0x207: {  	[hbm4b:s0+s3] =	stream.linear.scatter [tilespmem:s8], [sflag:$0x10], $0xA80, $0x38;
	[tilespmem:$0x1C8F0] =	vst v63  }
0x208: {  	s0 =	sadd.s32 $0x2D00, s28  }
0x209: {  	[hbm4b:s0+s3] =	stream.linear.scatter [tilespmem:s12], [sflag:$0x10], $0xA80, $0x38;
	[tilespmem:$0x1C8F0] =	vst v63  }
0x20a: {  	s31 =	sadd.s32 $0x2E80, s28;
	s28 =	sadd.s32 $0x3000, s28  }
0x20b: {  	s12 =	simm.s32 $0x1BCF0;
	s0 =	simm.s32 @!p1 $0x9  }
0x20c: {  	[hbm4b:s31+s3] =	stream.linear.scatter [tilespmem:s12], [sflag:$0x10], $0xA80, $0x38;
	[tilespmem:$0x1C8F0] =	vst v63  }
0x20d: {  	_ =	swait.ge @!p1 [sflag:s0], $0x2A00  }
0x20e: {  	[sflag:s0] =	ssyncset.done @!p1 $0x0  }
0x20f: {  	[sflag:s0] =	ssyncadd.s32 @!p1 $0xFFFFD600;
	s0 =	simm.s32 @!p1 $0xA  }
0x210: {  	_ =	swait.ge @!p1 [sflag:s0], $0x2A00  }
0x211: {  	[sflag:s0] =	ssyncset.done @!p1 $0x0  }
0x212: {  	[sflag:s0] =	ssyncadd.s32 @!p1 $0xFFFFD600;
	s0 =	simm.s32 @!p1 $0xB  }
0x213: {  	_ =	swait.ge @!p1 [sflag:s0], $0x2A00  }
0x214: {  	[sflag:s0] =	ssyncset.done @!p1 $0x0  }
0x215: {  	[sflag:s0] =	ssyncadd.s32 @!p1 $0xFFFFD600;
	s0 =	simm.s32 @!p1 $0xC  }
0x216: {  	_ =	swait.ge @!p1 [sflag:s0], $0x2A00  }
0x217: {  	[sflag:s0] =	ssyncset.done @!p1 $0x0  }
0x218: {  	s29 =	sshra.s32 s29, $0x2;
	[sflag:s0] =	ssyncadd.s32 @!p1 $0xFFFFD600  }
0x219: {  	[tilespmem:s10], [sflag:$0x1] =	stream.indirect.gather [spmem:s2], $0x80, s29, s11, $0xb8;
	[tilespmem:$0x1C8F0] =	vst v63  }
0x21a: {  	s8 =	sadd.s32 $0x80, s29  }
0x21b: {  	[tilespmem:s4], [sflag:$0x1] =	stream.indirect.gather [spmem:s2], $0x80, s8, s11, $0xb8;
	[tilespmem:$0x1C8F0] =	vst v63  }
0x21c: {  	s14 =	sadd.s32 $0x100, s29  }
0x21d: {  	[tilespmem:s5], [sflag:$0x1] =	stream.indirect.gather [spmem:s2], $0x80, s14, s11, $0xb8;
	[tilespmem:$0x1C8F0] =	vst v63  }
0x21e: {  	s30 =	sadd.s32 $0x180, s29  }
0x21f: {  	[tilespmem:s9], [sflag:$0x1] =	stream.indirect.gather [spmem:s2], $0x80, s30, s11, $0xb8;
	[tilespmem:$0x1C8F0] =	vst v63  }
0x220: {  	_ =	swait.ge [sflag:s16], $0xA80  }
0x221: {  	[sflag:s16] =	ssyncset.done $0x0  }
0x222: {  	[sflag:s16] =	ssyncadd.s32 $0xFFFFF580  }
0x223: {  	_ =	swait.ge [sflag:s16], $0xA80  }
0x224: {  	[sflag:s16] =	ssyncset.done $0x0  }
0x225: {  	[sflag:s16] =	ssyncadd.s32 $0xFFFFF580  }
0x226: {  	_ =	swait.ge [sflag:s16], $0xA80  }
0x227: {  	[sflag:s16] =	ssyncset.done $0x0  }
0x228: {  	[sflag:s16] =	ssyncadd.s32 $0xFFFFF580  }
0x229: {  	_ =	swait.ge [sflag:s16], $0xA80  }
0x22a: {  	[sflag:s16] =	ssyncset.done $0x0  }
0x22b: {  	[sflag:s16] =	ssyncadd.s32 $0xFFFFF580  }
0x22c: {  	[hbm4b:s28+s3] =	stream.linear.scatter [tilespmem:s10], [sflag:$0x9], $0xA80, $0x38;
	[tilespmem:$0x1C8F0] =	vst v63  }
0x22d: {  	s31 =	sadd.s32 $0x180, s28  }
0x22e: {  	[hbm4b:s31+s3] =	stream.linear.scatter [tilespmem:s4], [sflag:$0x9], $0xA80, $0x38;
	[tilespmem:$0x1C8F0] =	vst v63  }
0x22f: {  	s7 =	sadd.s32 $0x300, s28  }
0x230: {  	[hbm4b:s7+s3] =	stream.linear.scatter [tilespmem:s5], [sflag:$0x9], $0xA80, $0x38;
	[tilespmem:$0x1C8F0] =	vst v63  }
0x231: {  	s8 =	sadd.s32 $0x480, s28  }
0x232: {  	[hbm4b:s8+s3] =	stream.linear.scatter [tilespmem:s9], [sflag:$0x9], $0xA80, $0x38;
	[tilespmem:$0x1C8F0] =	vst v63  }
0x233: {  	s10 =	sadd.s32 $0x200, s29;
	s5 =	simm.s32 $0x78F0  }
0x234: {  	[tilespmem:s5], [sflag:$0x2] =	stream.indirect.gather [spmem:s2], $0x80, s10, s11, $0xb8;
	[tilespmem:$0x1C8F0] =	vst v63  }
0x235: {  	s14 =	sadd.s32 $0x280, s29;
	s4 =	simm.s32 $0x84F0  }
0x236: {  	[tilespmem:s4], [sflag:$0x2] =	stream.indirect.gather [spmem:s2], $0x80, s14, s11, $0xb8;
	[tilespmem:$0x1C8F0] =	vst v63  }
0x237: {  	s30 =	sadd.s32 $0x300, s29;
	s7 =	simm.s32 $0x90F0  }
0x238: {  	[tilespmem:s7], [sflag:$0x2] =	stream.indirect.gather [spmem:s2], $0x80, s30, s11, $0xb8;
	[tilespmem:$0x1C8F0] =	vst v63  }
0x239: {  	s31 =	sadd.s32 $0x380, s29;
	s8 =	simm.s32 $0x9CF0  }
0x23a: {  	[tilespmem:s8], [sflag:$0x2] =	stream.indirect.gather [spmem:s2], $0x80, s31, s11, $0xb8;
	[tilespmem:$0x1C8F0] =	vst v63  }
0x23b: {  	_ =	swait.ge [sflag:s21], $0xA80  }
0x23c: {  	[sflag:s21] =	ssyncset.done $0x0  }
0x23d: {  	[sflag:s21] =	ssyncadd.s32 $0xFFFFF580  }
0x23e: {  	_ =	swait.ge [sflag:s21], $0xA80  }
0x23f: {  	[sflag:s21] =	ssyncset.done $0x0  }
0x240: {  	[sflag:s21] =	ssyncadd.s32 $0xFFFFF580  }
0x241: {  	_ =	swait.ge [sflag:s21], $0xA80  }
0x242: {  	[sflag:s21] =	ssyncset.done $0x0  }
0x243: {  	[sflag:s21] =	ssyncadd.s32 $0xFFFFF580  }
0x244: {  	_ =	swait.ge [sflag:s21], $0xA80  }
0x245: {  	[sflag:s21] =	ssyncset.done $0x0  }
0x246: {  	s10 =	sadd.s32 $0x600, s28;
	[sflag:s21] =	ssyncadd.s32 $0xFFFFF580  }
0x247: {  	[hbm4b:s10+s3] =	stream.linear.scatter [tilespmem:s5], [sflag:$0xA], $0xA80, $0x38;
	[tilespmem:$0x1C8F0] =	vst v63  }
0x248: {  	s14 =	sadd.s32 $0x780, s28  }
0x249: {  	[hbm4b:s14+s3] =	stream.linear.scatter [tilespmem:s4], [sflag:$0xA], $0xA80, $0x38;
	[tilespmem:$0x1C8F0] =	vst v63  }
0x24a: {  	s30 =	sadd.s32 $0x900, s28  }
0x24b: {  	[hbm4b:s30+s3] =	stream.linear.scatter [tilespmem:s7], [sflag:$0xA], $0xA80, $0x38;
	[tilespmem:$0x1C8F0] =	vst v63  }
0x24c: {  	s31 =	sadd.s32 $0xA80, s28  }
0x24d: {  	[hbm4b:s31+s3] =	stream.linear.scatter [tilespmem:s8], [sflag:$0xA], $0xA80, $0x38;
	[tilespmem:$0x1C8F0] =	vst v63  }
0x24e: {  	s5 =	simm.s32 $0xA8F0;
	s4 =	sadd.s32 $0x400, s29  }
0x24f: {  	[tilespmem:s5], [sflag:$0x3] =	stream.indirect.gather [spmem:s2], $0x80, s4, s11, $0xb8;
	[tilespmem:$0x1C8F0] =	vst v63  }
0x250: {  	s7 =	sadd.s32 $0x480, s29  }
0x251: {  	[tilespmem:s17], [sflag:$0x3] =	stream.indirect.gather [spmem:s2], $0x80, s7, s11, $0xb8;
	[tilespmem:$0x1C8F0] =	vst v63  }
0x252: {  	s8 =	sadd.s32 $0x500, s29  }
0x253: {  	[tilespmem:s18], [sflag:$0x3] =	stream.indirect.gather [spmem:s2], $0x80, s8, s11, $0xb8;
	[tilespmem:$0x1C8F0] =	vst v63  }
0x254: {  	s10 =	sadd.s32 $0x580, s29  }
0x255: {  	[tilespmem:s20], [sflag:$0x3] =	stream.indirect.gather [spmem:s2], $0x80, s10, s11, $0xb8;
	[tilespmem:$0x1C8F0] =	vst v63  }
0x256: {  	_ =	swait.ge [sflag:s26], $0xA80  }
0x257: {  	[sflag:s26] =	ssyncset.done $0x0  }
0x258: {  	[sflag:s26] =	ssyncadd.s32 $0xFFFFF580  }
0x259: {  	_ =	swait.ge [sflag:s26], $0xA80  }
0x25a: {  	[sflag:s26] =	ssyncset.done $0x0  }
0x25b: {  	[sflag:s26] =	ssyncadd.s32 $0xFFFFF580  }
0x25c: {  	_ =	swait.ge [sflag:s26], $0xA80  }
0x25d: {  	[sflag:s26] =	ssyncset.done $0x0  }
0x25e: {  	[sflag:s26] =	ssyncadd.s32 $0xFFFFF580  }
0x25f: {  	_ =	swait.ge [sflag:s26], $0xA80  }
0x260: {  	[sflag:s26] =	ssyncset.done $0x0  }
0x261: {  	s14 =	sadd.s32 $0xC00, s28;
	[sflag:s26] =	ssyncadd.s32 $0xFFFFF580  }
0x262: {  	[hbm4b:s14+s3] =	stream.linear.scatter [tilespmem:s5], [sflag:$0xB], $0xA80, $0x38;
	[tilespmem:$0x1C8F0] =	vst v63  }
0x263: {  	s30 =	sadd.s32 $0xD80, s28  }
0x264: {  	[hbm4b:s30+s3] =	stream.linear.scatter [tilespmem:s17], [sflag:$0xB], $0xA80, $0x38;
	[tilespmem:$0x1C8F0] =	vst v63  }
0x265: {  	s31 =	sadd.s32 $0xF00, s28  }
0x266: {  	[hbm4b:s31+s3] =	stream.linear.scatter [tilespmem:s18], [sflag:$0xB], $0xA80, $0x38;
	[tilespmem:$0x1C8F0] =	vst v63  }
0x267: {  	s4 =	sadd.s32 $0x1080, s28  }
0x268: {  	[hbm4b:s4+s3] =	stream.linear.scatter [tilespmem:s20], [sflag:$0xB], $0xA80, $0x38;
	[tilespmem:$0x1C8F0] =	vst v63  }
0x269: {  	s5 =	sadd.s32 $0x600, s29  }
0x26a: {  	[tilespmem:s22], [sflag:$0x4] =	stream.indirect.gather [spmem:s2], $0x80, s5, s11, $0xb8;
	[tilespmem:$0x1C8F0] =	vst v63  }
0x26b: {  	s7 =	sadd.s32 $0x680, s29  }
0x26c: {  	[tilespmem:s23], [sflag:$0x4] =	stream.indirect.gather [spmem:s2], $0x80, s7, s11, $0xb8;
	[tilespmem:$0x1C8F0] =	vst v63  }
0x26d: {  	s8 =	sadd.s32 $0x700, s29  }
0x26e: {  	[tilespmem:s24], [sflag:$0x4] =	stream.indirect.gather [spmem:s2], $0x80, s8, s11, $0xb8;
	[tilespmem:$0x1C8F0] =	vst v63  }
0x26f: {  	s10 =	sadd.s32 $0x780, s29;
	s14 =	simm.s32 $0xFCF0  }
0x270: {  	[tilespmem:s14], [sflag:$0x4] =	stream.indirect.gather [spmem:s2], $0x80, s10, s11, $0xb8;
	[tilespmem:$0x1C8F0] =	vst v63  }
0x271: {  	_ =	swait.ge [sflag:s1], $0xA80  }
0x272: {  	[sflag:s1] =	ssyncset.done $0x0  }
0x273: {  	[sflag:s1] =	ssyncadd.s32 $0xFFFFF580  }
0x274: {  	_ =	swait.ge [sflag:s1], $0xA80  }
0x275: {  	[sflag:s1] =	ssyncset.done $0x0  }
0x276: {  	[sflag:s1] =	ssyncadd.s32 $0xFFFFF580  }
0x277: {  	_ =	swait.ge [sflag:s1], $0xA80  }
0x278: {  	[sflag:s1] =	ssyncset.done $0x0  }
0x279: {  	[sflag:s1] =	ssyncadd.s32 $0xFFFFF580  }
0x27a: {  	_ =	swait.ge [sflag:s1], $0xA80  }
0x27b: {  	[sflag:s1] =	ssyncset.done $0x0  }
0x27c: {  	s30 =	sadd.s32 $0x1200, s28;
	[sflag:s1] =	ssyncadd.s32 $0xFFFFF580  }
0x27d: {  	[hbm4b:s30+s3] =	stream.linear.scatter [tilespmem:s22], [sflag:$0xC], $0xA80, $0x38;
	[tilespmem:$0x1C8F0] =	vst v63  }
0x27e: {  	s31 =	sadd.s32 $0x1380, s28  }
0x27f: {  	[hbm4b:s31+s3] =	stream.linear.scatter [tilespmem:s23], [sflag:$0xC], $0xA80, $0x38;
	[tilespmem:$0x1C8F0] =	vst v63  }
0x280: {  	s5 =	sadd.s32 $0x1500, s28  }
0x281: {  	[hbm4b:s5+s3] =	stream.linear.scatter [tilespmem:s24], [sflag:$0xC], $0xA80, $0x38;
	[tilespmem:$0x1C8F0] =	vst v63  }
0x282: {  	s0 =	simm.s32 @!p1 $0xD;
	s7 =	sadd.s32 $0x1680, s28  }
0x283: {  	[hbm4b:s7+s3] =	stream.linear.scatter [tilespmem:s14], [sflag:$0xC], $0xA80, $0x38;
	[tilespmem:$0x1C8F0] =	vst v63  }
0x284: {  	_ =	swait.ge @!p1 [sflag:s0], $0x2A00  }
0x285: {  	[sflag:s0] =	ssyncset.done @!p1 $0x0  }
0x286: {  	[sflag:s0] =	ssyncadd.s32 @!p1 $0xFFFFD600;
	s0 =	simm.s32 @!p1 $0xE  }
0x287: {  	_ =	swait.ge @!p1 [sflag:s0], $0x2A00  }
0x288: {  	[sflag:s0] =	ssyncset.done @!p1 $0x0  }
0x289: {  	[sflag:s0] =	ssyncadd.s32 @!p1 $0xFFFFD600;
	s0 =	simm.s32 @!p1 $0xF  }
0x28a: {  	_ =	swait.ge @!p1 [sflag:s0], $0x2A00  }
0x28b: {  	[sflag:s0] =	ssyncset.done @!p1 $0x0  }
0x28c: {  	[sflag:s0] =	ssyncadd.s32 @!p1 $0xFFFFD600;
	s0 =	simm.s32 @!p1 $0x10  }
0x28d: {  	_ =	swait.ge @!p1 [sflag:s0], $0x2A00  }
0x28e: {  	[sflag:s0] =	ssyncset.done @!p1 $0x0  }
0x28f: {  	s4 =	simm.s32 $0x108F0;
	s8 =	sadd.s32 $0x800, s29;
	[sflag:s0] =	ssyncadd.s32 @!p1 $0xFFFFD600  }
0x290: {  	[tilespmem:s4], [sflag:$0x5] =	stream.indirect.gather [spmem:s2], $0x80, s8, s11, $0xb8;
	[tilespmem:$0x1C8F0] =	vst v63  }
0x291: {  	s10 =	sadd.s32 $0x880, s29;
	s5 =	simm.s32 $0x114F0  }
0x292: {  	[tilespmem:s5], [sflag:$0x5] =	stream.indirect.gather [spmem:s2], $0x80, s10, s11, $0xb8;
	[tilespmem:$0x1C8F0] =	vst v63  }
0x293: {  	s14 =	sadd.s32 $0x900, s29;
	s7 =	simm.s32 $0x120F0  }
0x294: {  	[tilespmem:s7], [sflag:$0x5] =	stream.indirect.gather [spmem:s2], $0x80, s14, s11, $0xb8;
	[tilespmem:$0x1C8F0] =	vst v63  }
0x295: {  	s30 =	sadd.s32 $0x980, s29;
	s8 =	simm.s32 $0x12CF0  }
0x296: {  	[tilespmem:s8], [sflag:$0x5] =	stream.indirect.gather [spmem:s2], $0x80, s30, s11, $0xb8;
	[tilespmem:$0x1C8F0] =	vst v63  }
0x297: {  	_ =	swait.ge [sflag:s6], $0xA80  }
0x298: {  	[sflag:s6] =	ssyncset.done $0x0  }
0x299: {  	[sflag:s6] =	ssyncadd.s32 $0xFFFFF580  }
0x29a: {  	_ =	swait.ge [sflag:s6], $0xA80  }
0x29b: {  	[sflag:s6] =	ssyncset.done $0x0  }
0x29c: {  	[sflag:s6] =	ssyncadd.s32 $0xFFFFF580  }
0x29d: {  	_ =	swait.ge [sflag:s6], $0xA80  }
0x29e: {  	[sflag:s6] =	ssyncset.done $0x0  }
0x29f: {  	[sflag:s6] =	ssyncadd.s32 $0xFFFFF580  }
0x2a0: {  	_ =	swait.ge [sflag:s6], $0xA80  }
0x2a1: {  	[sflag:s6] =	ssyncset.done $0x0  }
0x2a2: {  	s31 =	sadd.s32 $0x1800, s28;
	[sflag:s6] =	ssyncadd.s32 $0xFFFFF580  }
0x2a3: {  	[hbm4b:s31+s3] =	stream.linear.scatter [tilespmem:s4], [sflag:$0xD], $0xA80, $0x38;
	[tilespmem:$0x1C8F0] =	vst v63  }
0x2a4: {  	s10 =	sadd.s32 $0x1980, s28  }
0x2a5: {  	[hbm4b:s10+s3] =	stream.linear.scatter [tilespmem:s5], [sflag:$0xD], $0xA80, $0x38;
	[tilespmem:$0x1C8F0] =	vst v63  }
0x2a6: {  	s14 =	sadd.s32 $0x1B00, s28  }
0x2a7: {  	[hbm4b:s14+s3] =	stream.linear.scatter [tilespmem:s7], [sflag:$0xD], $0xA80, $0x38;
	[tilespmem:$0x1C8F0] =	vst v63  }
0x2a8: {  	s30 =	sadd.s32 $0x1C80, s28  }
0x2a9: {  	[hbm4b:s30+s3] =	stream.linear.scatter [tilespmem:s8], [sflag:$0xD], $0xA80, $0x38;
	[tilespmem:$0x1C8F0] =	vst v63  }
0x2aa: {  	s31 =	sadd.s32 $0xA00, s29;
	s4 =	simm.s32 $0x138F0  }
0x2ab: {  	[tilespmem:s4], [sflag:$0x6] =	stream.indirect.gather [spmem:s2], $0x80, s31, s11, $0xb8;
	[tilespmem:$0x1C8F0] =	vst v63  }
0x2ac: {  	s5 =	sadd.s32 $0xA80, s29;
	s7 =	simm.s32 $0x144F0  }
0x2ad: {  	[tilespmem:s7], [sflag:$0x6] =	stream.indirect.gather [spmem:s2], $0x80, s5, s11, $0xb8;
	[tilespmem:$0x1C8F0] =	vst v63  }
0x2ae: {  	s10 =	simm.s32 $0x150F0;
	s8 =	sadd.s32 $0xB00, s29  }
0x2af: {  	[tilespmem:s10], [sflag:$0x6] =	stream.indirect.gather [spmem:s2], $0x80, s8, s11, $0xb8;
	[tilespmem:$0x1C8F0] =	vst v63  }
0x2b0: {  	s14 =	sadd.s32 $0xB80, s29;
	s30 =	simm.s32 $0x15CF0  }
0x2b1: {  	[tilespmem:s30], [sflag:$0x6] =	stream.indirect.gather [spmem:s2], $0x80, s14, s11, $0xb8;
	[tilespmem:$0x1C8F0] =	vst v63  }
0x2b2: {  	_ =	swait.ge [sflag:s13], $0xA80  }
0x2b3: {  	[sflag:s13] =	ssyncset.done $0x0  }
0x2b4: {  	[sflag:s13] =	ssyncadd.s32 $0xFFFFF580  }
0x2b5: {  	_ =	swait.ge [sflag:s13], $0xA80  }
0x2b6: {  	[sflag:s13] =	ssyncset.done $0x0  }
0x2b7: {  	[sflag:s13] =	ssyncadd.s32 $0xFFFFF580  }
0x2b8: {  	_ =	swait.ge [sflag:s13], $0xA80  }
0x2b9: {  	[sflag:s13] =	ssyncset.done $0x0  }
0x2ba: {  	[sflag:s13] =	ssyncadd.s32 $0xFFFFF580  }
0x2bb: {  	_ =	swait.ge [sflag:s13], $0xA80  }
0x2bc: {  	[sflag:s13] =	ssyncset.done $0x0  }
0x2bd: {  	s31 =	sadd.s32 $0x1E00, s28;
	[sflag:s13] =	ssyncadd.s32 $0xFFFFF580  }
0x2be: {  	[hbm4b:s31+s3] =	stream.linear.scatter [tilespmem:s4], [sflag:$0xE], $0xA80, $0x38;
	[tilespmem:$0x1C8F0] =	vst v63  }
0x2bf: {  	s4 =	sadd.s32 $0x1F80, s28  }
0x2c0: {  	[hbm4b:s4+s3] =	stream.linear.scatter [tilespmem:s7], [sflag:$0xE], $0xA80, $0x38;
	[tilespmem:$0x1C8F0] =	vst v63  }
0x2c1: {  	s5 =	sadd.s32 $0x2100, s28  }
0x2c2: {  	[hbm4b:s5+s3] =	stream.linear.scatter [tilespmem:s10], [sflag:$0xE], $0xA80, $0x38;
	[tilespmem:$0x1C8F0] =	vst v63  }
0x2c3: {  	s7 =	sadd.s32 $0x2280, s28  }
0x2c4: {  	[hbm4b:s7+s3] =	stream.linear.scatter [tilespmem:s30], [sflag:$0xE], $0xA80, $0x38;
	[tilespmem:$0x1C8F0] =	vst v63  }
0x2c5: {  	s4 =	simm.s32 $0x168F0;
	s10 =	sadd.s32 $0xC00, s29  }
0x2c6: {  	[tilespmem:s4], [sflag:$0x7] =	stream.indirect.gather [spmem:s2], $0x80, s10, s11, $0xb8;
	[tilespmem:$0x1C8F0] =	vst v63  }
0x2c7: {  	s14 =	sadd.s32 $0xC80, s29;
	s5 =	simm.s32 $0x174F0  }
0x2c8: {  	[tilespmem:s5], [sflag:$0x7] =	stream.indirect.gather [spmem:s2], $0x80, s14, s11, $0xb8;
	[tilespmem:$0x1C8F0] =	vst v63  }
0x2c9: {  	s30 =	sadd.s32 $0xD00, s29;
	s7 =	simm.s32 $0x180F0  }
0x2ca: {  	[tilespmem:s7], [sflag:$0x7] =	stream.indirect.gather [spmem:s2], $0x80, s30, s11, $0xb8;
	[tilespmem:$0x1C8F0] =	vst v63  }
0x2cb: {  	s8 =	simm.s32 $0x18CF0;
	s31 =	sadd.s32 $0xD80, s29  }
0x2cc: {  	[tilespmem:s8], [sflag:$0x7] =	stream.indirect.gather [spmem:s2], $0x80, s31, s11, $0xb8;
	[tilespmem:$0x1C8F0] =	vst v63  }
0x2cd: {  	_ =	swait.ge [sflag:s19], $0xA80  }
0x2ce: {  	[sflag:s19] =	ssyncset.done $0x0  }
0x2cf: {  	[sflag:s19] =	ssyncadd.s32 $0xFFFFF580  }
0x2d0: {  	_ =	swait.ge [sflag:s19], $0xA80  }
0x2d1: {  	[sflag:s19] =	ssyncset.done $0x0  }
0x2d2: {  	[sflag:s19] =	ssyncadd.s32 $0xFFFFF580  }
0x2d3: {  	_ =	swait.ge [sflag:s19], $0xA80  }
0x2d4: {  	[sflag:s19] =	ssyncset.done $0x0  }
0x2d5: {  	[sflag:s19] =	ssyncadd.s32 $0xFFFFF580  }
0x2d6: {  	_ =	swait.ge [sflag:s19], $0xA80  }
0x2d7: {  	[sflag:s19] =	ssyncset.done $0x0  }
0x2d8: {  	s10 =	sadd.s32 $0x2400, s28;
	[sflag:s19] =	ssyncadd.s32 $0xFFFFF580  }
0x2d9: {  	[hbm4b:s10+s3] =	stream.linear.scatter [tilespmem:s4], [sflag:$0xF], $0xA80, $0x38;
	[tilespmem:$0x1C8F0] =	vst v63  }
0x2da: {  	s14 =	sadd.s32 $0x2580, s28  }
0x2db: {  	[hbm4b:s14+s3] =	stream.linear.scatter [tilespmem:s5], [sflag:$0xF], $0xA80, $0x38;
	[tilespmem:$0x1C8F0] =	vst v63  }
0x2dc: {  	s30 =	sadd.s32 $0x2700, s28  }
0x2dd: {  	[hbm4b:s30+s3] =	stream.linear.scatter [tilespmem:s7], [sflag:$0xF], $0xA80, $0x38;
	[tilespmem:$0x1C8F0] =	vst v63  }
0x2de: {  	s31 =	sadd.s32 $0x2880, s28  }
0x2df: {  	[hbm4b:s31+s3] =	stream.linear.scatter [tilespmem:s8], [sflag:$0xF], $0xA80, $0x38;
	[tilespmem:$0x1C8F0] =	vst v63  }
0x2e0: {  	s4 =	sadd.s32 $0xE00, s29;
	s5 =	simm.s32 $0x198F0  }
0x2e1: {  	[tilespmem:s5], [sflag:$0x8] =	stream.indirect.gather [spmem:s2], $0x80, s4, s11, $0xb8;
	[tilespmem:$0x1C8F0] =	vst v63  }
0x2e2: {  	s30 =	sadd.s32 $0xE80, s29;
	s31 =	simm.s32 $0x1A4F0  }
0x2e3: {  	[tilespmem:s31], [sflag:$0x8] =	stream.indirect.gather [spmem:s2], $0x80, s30, s11, $0xb8;
	[tilespmem:$0x1C8F0] =	vst v63  }
0x2e4: {  	s7 =	sadd.s32 $0xF00, s29;
	s8 =	simm.s32 $0x1B0F0  }
0x2e5: {  	[tilespmem:s8], [sflag:$0x8] =	stream.indirect.gather [spmem:s2], $0x80, s7, s11, $0xb8;
	[tilespmem:$0x1C8F0] =	vst v63  }
0x2e6: {  	s10 =	sadd.s32 $0xF80, s29  }
0x2e7: {  	[tilespmem:s12], [sflag:$0x8] =	stream.indirect.gather [spmem:s2], $0x80, s10, s11, $0xb8;
	[tilespmem:$0x1C8F0] =	vst v63  }
0x2e8: {  	_ =	swait.ge [sflag:s25], $0xA80  }
0x2e9: {  	[sflag:s25] =	ssyncset.done $0x0  }
0x2ea: {  	[sflag:s25] =	ssyncadd.s32 $0xFFFFF580  }
0x2eb: {  	_ =	swait.ge [sflag:s25], $0xA80  }
0x2ec: {  	[sflag:s25] =	ssyncset.done $0x0  }
0x2ed: {  	[sflag:s25] =	ssyncadd.s32 $0xFFFFF580  }
0x2ee: {  	_ =	swait.ge [sflag:s25], $0xA80  }
0x2ef: {  	[sflag:s25] =	ssyncset.done $0x0  }
0x2f0: {  	[sflag:s25] =	ssyncadd.s32 $0xFFFFF580  }
0x2f1: {  	_ =	swait.ge [sflag:s25], $0xA80  }
0x2f2: {  	[sflag:s25] =	ssyncset.done $0x0  }
0x2f3: {  	s14 =	sadd.s32 $0x2A00, s28;
	[sflag:s25] =	ssyncadd.s32 $0xFFFFF580  }
0x2f4: {  	[hbm4b:s14+s3] =	stream.linear.scatter [tilespmem:s5], [sflag:$0x10], $0xA80, $0x38;
	[tilespmem:$0x1C8F0] =	vst v63  }
0x2f5: {  	s29 =	sadd.s32 $0x2B80, s28  }
0x2f6: {  	[hbm4b:s29+s3] =	stream.linear.scatter [tilespmem:s31], [sflag:$0x10], $0xA80, $0x38;
	[tilespmem:$0x1C8F0] =	vst v63  }
0x2f7: {  	s30 =	sadd.s32 $0x2D00, s28  }
0x2f8: {  	[hbm4b:s30+s3] =	stream.linear.scatter [tilespmem:s8], [sflag:$0x10], $0xA80, $0x38;
	[tilespmem:$0x1C8F0] =	vst v63  }
0x2f9: {  	s4 =	simm.s32 $0x9;
	s31 =	sadd.s32 $0x2E80, s28  }
0x2fa: {  	[hbm4b:s31+s3] =	stream.linear.scatter [tilespmem:s12], [sflag:$0x10], $0xA80, $0x38;
	[tilespmem:$0x1C8F0] =	vst v63  }
0x2fb: {  	_ =	swait.ge [sflag:s4], $0x2A00  }
0x2fc: {  	[sflag:s4] =	ssyncset.done $0x0  }
0x2fd: {  	s5 =	simm.s32 $0xA;
	[sflag:s4] =	ssyncadd.s32 $0xFFFFD600  }
0x2fe: {  	_ =	swait.ge [sflag:s5], $0x2A00  }
0x2ff: {  	[sflag:s5] =	ssyncset.done $0x0  }
0x300: {  	s7 =	simm.s32 $0xB;
	[sflag:s5] =	ssyncadd.s32 $0xFFFFD600  }
0x301: {  	_ =	swait.ge [sflag:s7], $0x2A00  }
0x302: {  	[sflag:s7] =	ssyncset.done $0x0  }
0x303: {  	s8 =	simm.s32 $0xC;
	[sflag:s7] =	ssyncadd.s32 $0xFFFFD600  }
0x304: {  	_ =	swait.ge [sflag:s8], $0x2A00  }
0x305: {  	[sflag:s8] =	ssyncset.done $0x0  }
0x306: {  	s10 =	simm.s32 $0xD;
	[sflag:s8] =	ssyncadd.s32 $0xFFFFD600  }
0x307: {  	_ =	swait.ge [sflag:s10], $0x2A00  }
0x308: {  	[sflag:s10] =	ssyncset.done $0x0  }
0x309: {  	s12 =	simm.s32 $0xE;
	[sflag:s10] =	ssyncadd.s32 $0xFFFFD600  }
0x30a: {  	_ =	swait.ge [sflag:s12], $0x2A00  }
0x30b: {  	[sflag:s12] =	ssyncset.done $0x0  }
0x30c: {  	s14 =	simm.s32 $0xF;
	[sflag:s12] =	ssyncadd.s32 $0xFFFFD600  }
0x30d: {  	_ =	swait.ge [sflag:s14], $0x2A00  }
0x30e: {  	[sflag:s14] =	ssyncset.done $0x0  }
0x30f: {  	s28 =	simm.s32 $0x10;
	[sflag:s14] =	ssyncadd.s32 $0xFFFFD600  }
0x310: {  	_ =	swait.ge [sflag:s28], $0x2A00  }
0x311: {  	[sflag:s28] =	ssyncset.done $0x0  }
0x312: {  	s29 =	simm.s32 $0x11;
	[sflag:s28] =	ssyncadd.s32 $0xFFFFD600  }
0x313: {  	_ =	swait.ge [sflag:s29], $0x780  }
0x314: {  	s30 =	rddreg [dreg:$0xb]  }
0x315: {  	s31 =	rddreg [dreg:$0x8];
	s5 =	sadd.s32 $0x1, s30  }
0x316: {  	p1 =	sne.s32 s5, s31  }
.Ltmp2:
0x317: {  	_ = 	snop;
	(pc) =	sbr.rel @p1 .LBB2_1-.Ltmp2, $3  }
0x318: {  	_ =	sdelay $0x1  }
0x319: {  	[sflag:s29] =	ssyncset.done $0x0  }
0x31a: {  	[sflag:s29] =	ssyncadd.s32 $0xFFFFF880  }
0x31b: {  	_ =	sfence.sel $0x180000  }
0x31c: {  	[bflag:$0x0] =	sbarrier.arrive $0xFFFF  }
0x31d: {  	_ =	strace $0x90000047  }
0x31e: {  	[bflag:$0x2] =	sbarrier.arrive $0xFFFF  }
0x31f: {  	s0 =	rddreg [dreg:$0x5]  }
0x320: {  	s0 =	sadd.s32 @!p0 $0x100000, s0  }
0x321: {  	[sflag:s0] =	ssyncadd.tile.s32 @!p0 $0x1;
	_ =	shalt  }
.Lfunc_end2:
_tile_overlayer_lowered:
.L_overlay_start_2:
0x322: {  	(tag) =	ssettag $0x2  }
0x323: {  	s0 =	rddreg [dreg:$0x0];
	s2 =	stileid.u32  }
0x324: {  	s1 =	rddreg [dreg:$0x1];
	p0 =	sne.s32 s2, $0x0  }
0x325: {  	s3 =	rddreg [dreg:$0x2];
	[bflag:$0x3] =	sbarrier.arrive $0xFFFF;
	s2 =	simm.s32 @!p0 $0x1C12  }
0x326: {  	[timem:s3], [sflag:s2] =	dma.local @!p0 [hbm:s0], s1  }
0x327: {  	s0 =	simm.s32 @!p0 $0x12  }
0x328: {  	_ =	swait.ge @!p0 [sflag:s0], s1  }
0x329: {  	s1 =	ssub.s32 @!p0 $0x0, s1;
	[sflag:s0] =	ssyncset.done @!p0 $0x0  }
0x32a: {  	[sflag:s0] =	ssyncadd.s32 @!p0 s1  }
0x32b: {  	[bflag:$0x3] =	sbarrier.arrive $0xFFFF  }
0x32c: {  	_ =	shalt  }

// kernel: kernel.7.cloned.1.call-start
scs
__scs_entry_jumppad:
0x0: {  	(pc) =	sbr.rel $0x88, $3  }
0x1: {  	(tag) =	ssettag $0x0;
	lr =	simm.s32 $0x1  }
0x2: {  	[smem:$0x3F9D] =	sst lr;
	_ =	strace $0xD0000000  }
0x3: {  	_ = 	snop  }
0x4: {  	_ = 	snop  }
0x5: {  	_ = 	snop  }
0x6: {  	_ = 	snop  }
0x7: {  	_ = 	snop  }
__scs_overlays_trampoline_lowered:
0x8: {  	[smem:$0x3FAC] =	sst s0  }
0x9: {  	[smem:$0x3FAD] =	sst s1  }
0xa: {  	[smem:$0x3FAE] =	sst s2  }
0xb: {  	[smem:$0x3FAF] =	sst s3  }
0xc: {  	[smem:$0x3FB0] =	sst s4  }
0xd: {  	[smem:$0x3FB1] =	sst s5  }
0xe: {  	[smem:$0x3FB2] =	sst s6  }
0xf: {  	[smem:$0x3FB3] =	sst s7  }
0x10: {  	[smem:$0x3FB4] =	sst s8  }
0x11: {  	[smem:$0x3FB5] =	sst s9;
	s0 =	simm.s32 @!p0 $0x0  }
0x12: {  	s1 =	sld [smem:$0x3F9B];
	s0 =	simm.s32 @p0 $0x1  }
0x13: {  	[smem:$0x3FB6] =	sst s0;
	s0 =	simm.s32 @!p1 $0x0  }
0x14: {  	s2 =	sld [smem:$0x3F9A];
	s0 =	simm.s32 @p1 $0x1  }
0x15: {  	[smem:$0x3FB7] =	sst s0;
	s0 =	simm.s32 @!p2 $0x0  }
0x16: {  	s3 =	sld [smem:$0x3FDB];
	s0 =	simm.s32 @p2 $0x1  }
0x17: {  	s4 =	simm.s32 $0x1BF5;
	[smem:$0x3FB9] =	sst s0  }
0x18: {  	s0 =	sld [smem:$0x3F9C];
	_ =	swait.ge [sflag:s4], $0x0  }
0x19: {  	s7 =	sld [smem:$0x3F9D]  }
0x1a: {  	s8 =	sadd.s32 $0xFFFFE003, lr  }
0x1b: {  	s9 =	sadd.s32 $0xFFFFFEF7, lr;
	s5 =	simm.s32 $0xFFFFFFFF;
	p2 =	slt.u32 s8, $0xFFFFF086  }
0x1c: {  	p1 =	slt.u32 s9, $0xF7A;
	s5 =	simm.s32 @!p2 $0x0  }
0x1d: {  	s5 =	simm.s32 @p1 $0x1;
	p0 =	seq.s32 s7, s2  }
0x1e: {  	s7 =	smul.u32 @!p0 $0xF7A, s2;
	p2 =	seq.s32 @!p0 s5, $0x0  }
0x1f: {  	s9 =	smul.u32 $0xF7A, s1;
	s8 =	simm.s32 @!p0 $0x1BF5;
	p2 =	por !p2, p0  }
0x20: {  	[sflag:s8] =	ssyncset.s32 @!p0 $0xFFFFF086;
	s6 =	sadd.s32 @!p0 s3, s7;
	s7 =	simm.s32 @!p0 $0x108  }
0x21: {  	s3 =	sadd.s32 s3, s9;
	s6 =	sadd.s32 @!p0 $0x88, s6;
	s7 =	simm.s32 @p2 $0x1082  }
0x22: {  	[simem:s7], [sflag:s8] =	dma.local @!p0 [hbm:s6], $0xF7A  }
0x23: {  	s9 =	sor.u32 $0xD0000000, s2;
	s6 =	simm.s32 $0x108;
	_ =	swait.ge @!p0 [sflag:s8], $0x0  }
0x24: {  	s3 =	sadd.s32 $0x88, s3;
	s6 =	simm.s32 @!p1 $0x1082;
	[sflag:s4] =	ssyncset.s32 $0xFFFFF086  }
0x25: {  	[simem:s6], [sflag:s4] =	dma.local [hbm:s3], $0xF7A  }
0x26: {  	[smem:$0x3F9D] =	sst s1;
	(tag) =	ssettag s2;
	_ =	strace s9  }
0x27: {  	s1 =	sld [smem:$0x3FAD]  }
0x28: {  	s2 =	sld [smem:$0x3FAE]  }
0x29: {  	s4 =	sld [smem:$0x3FB0]  }
0x2a: {  	p0 =	seq.s32 s5, $0x0;
	s5 =	sld [smem:$0x3FB1]  }
0x2b: {  	s6 =	sld [smem:$0x3FB2]  }
0x2c: {  	s7 =	sld [smem:$0x3FB3]  }
0x2d: {  	s3 =	simm.s32 $0x108;
	s8 =	sld [smem:$0x3FB4]  }
0x2e: {  	s3 =	simm.s32 @!p0 $0x1082;
	s9 =	sld [smem:$0x3FB5]  }
0x2f: {  	lr =	sadd.s32 s0, s3;
	s0 =	sld [smem:$0x3FAC]  }
0x30: {  	s3 =	sld [smem:$0x3FAF]  }
0x31: {  	[smem:$0x3FB8] =	sst s10  }
0x32: {  	s10 =	sld [smem:$0x3FB6];
	_ =	sdelay $0x3  }
0x33: {  	p0 =	seq.s32 s10, $0x1;
	s10 =	sld [smem:$0x3FB8];
	_ =	sdelay $0x3  }
0x34: {  	[smem:$0x3FB8] =	sst s10  }
0x35: {  	s10 =	sld [smem:$0x3FB7];
	_ =	sdelay $0x3  }
0x36: {  	p1 =	seq.s32 s10, $0x1;
	s10 =	sld [smem:$0x3FB8];
	_ =	sdelay $0x3  }
0x37: {  	[smem:$0x3FB8] =	sst s10  }
0x38: {  	s10 =	sld [smem:$0x3FB9]  }
0x39: {  	_ = 	snop;
	(pc) =	sbr.ind lr, $3  }
0x3a: {  	_ = 	snop  }
0x3b: {  	_ = 	snop  }
0x3c: {  	p2 =	seq.s32 s10, $0x1;
	s10 =	sld [smem:$0x3FB8]  }
0x3d: {  	_ =	shalt  }
0x3e: {  	_ =	shalt  }
0x3f: {  	_ =	shalt  }
0x40: {  	_ =	shalt  }
0x41: {  	_ =	shalt  }
0x42: {  	_ =	shalt  }
0x43: {  	_ =	shalt  }
0x44: {  	_ =	shalt  }
0x45: {  	_ =	shalt  }
0x46: {  	_ =	shalt  }
0x47: {  	_ =	shalt  }
0x48: {  	_ =	shalt  }
0x49: {  	_ =	shalt  }
0x4a: {  	_ =	shalt  }
0x4b: {  	_ =	shalt  }
0x4c: {  	_ =	shalt  }
0x4d: {  	_ =	shalt  }
0x4e: {  	_ =	shalt  }
0x4f: {  	_ =	shalt  }
0x50: {  	_ =	shalt  }
0x51: {  	_ =	shalt  }
0x52: {  	_ =	shalt  }
0x53: {  	_ =	shalt  }
0x54: {  	_ =	shalt  }
0x55: {  	_ =	shalt  }
0x56: {  	_ =	shalt  }
0x57: {  	_ =	shalt  }
0x58: {  	_ =	shalt  }
0x59: {  	_ =	shalt  }
0x5a: {  	_ =	shalt  }
0x5b: {  	_ =	shalt  }
0x5c: {  	_ =	shalt  }
0x5d: {  	_ =	shalt  }
0x5e: {  	_ =	shalt  }
0x5f: {  	_ =	shalt  }
0x60: {  	_ =	shalt  }
0x61: {  	_ =	shalt  }
0x62: {  	_ =	shalt  }
0x63: {  	_ =	shalt  }
0x64: {  	_ =	shalt  }
0x65: {  	_ =	shalt  }
0x66: {  	_ =	shalt  }
0x67: {  	_ =	shalt  }
0x68: {  	_ =	shalt  }
0x69: {  	_ =	shalt  }
0x6a: {  	_ =	shalt  }
0x6b: {  	_ =	shalt  }
0x6c: {  	_ =	shalt  }
0x6d: {  	_ =	shalt  }
0x6e: {  	_ =	shalt  }
0x6f: {  	_ =	shalt  }
0x70: {  	_ =	shalt  }
0x71: {  	_ =	shalt  }
0x72: {  	_ =	shalt  }
0x73: {  	_ =	shalt  }
0x74: {  	_ =	shalt  }
0x75: {  	_ =	shalt  }
0x76: {  	_ =	shalt  }
0x77: {  	_ =	shalt  }
0x78: {  	_ =	shalt  }
0x79: {  	_ =	shalt  }
0x7a: {  	_ =	shalt  }
0x7b: {  	_ =	shalt  }
0x7c: {  	_ =	shalt  }
0x7d: {  	_ =	shalt  }
0x7e: {  	_ =	shalt  }
0x7f: {  	_ =	shalt  }
0x80: {  	_ =	shalt  }
0x81: {  	_ =	shalt  }
0x82: {  	_ =	shalt  }
0x83: {  	_ =	shalt  }
0x84: {  	_ =	shalt  }
0x85: {  	_ =	shalt  }
0x86: {  	_ =	shalt  }
0x87: {  	_ =	shalt  }
.Lfunc_end0:
.L_simem_size_0:
called_computation.1_lowered:
.L_overlay_start_0:
0x88: {  	s2 =	sld [smem:$0x3FD9]  }
0x89: {  	s3 =	sld [smem:$0x3FFE];
	_ =	sdelay $0x1  }
0x8a: {  	s1 =	srdreg.scid  }
0x8b: {  	s0 =	sand.u32 $0x1, s1  }
0x8c: {  	s17 =	sshll.u32 s0, $0xA;
	s2 =	sadd.s32 s3, s2  }
0x8d: {  	s2 =	sadd.s32 s2, s17  }
0x8e: {  	[smem:$0x3FC4] =	sst s2  }
0x8f: {  	_ = 	snop  }
0x90: {  	s18 =	sld [smem:$0x3FC6];
	(tm) =	ssettm $0x1  }
0x91: {  	s19 =	sld [smem:$0x3FFB];
	_ =	sdelay $0x3  }
0x92: {  	_ =	strace s19  }
0x93: {  	s2 =	sld [smem:$0x3FFC];
	_ =	sdelay $0x3  }
0x94: {  	_ =	strace s2  }
0x95: {  	s2 =	sld [smem:$0x3FFD];
	_ =	sdelay $0x3  }
0x96: {  	_ =	strace s2  }
0x97: {  	_ =	strace $0x8FFFFFFF  }
0x98: {  	s20 =	sld [smem:$0x3FDB];
	_ =	sdelay $0x1  }
0x99: {  	s4 =	simm.s32 $_scs_section_size  }
0x9a: {  	s5 =	simm.s32 $_size__tile_overlayer_lowered;
	s6 =	simm.s32 $_tile_overlayer_lowered  }
0x9b: {  	s7 =	simm.s32 $0x1BFF;
	s21 =	sshll.u32 s6, $0x1;
	s4 =	sadd.s32 s4, s20  }
0x9c: {  	s22 =	simm.s32 $0x0;
	s5 =	sshll.u32 s5, $0x1;
	s6 =	sadd.s32 s21, s4  }
0x9d: {  	[timem:s22], [sflag:s7] =	dma.local [hbm:s6], s5  }
0x9e: {  	_ =	swait.ge [sflag:s7], s5  }
0x9f: {  	s5 =	ssub.s32 $0x0, s5;
	[sflag:s7] =	ssyncset.done $0x0  }
0xa0: {  	[sflag:s7] =	ssyncadd.s32 s5;
	_ =	sdelay $0x1  }
0xa1: {  	s23 =	simm.s32 $0x1B8B  }
0xa2: {  	_ =	swait.ge [sflag:s23], $0x1  }
0xa3: {  	[sflag:s23] =	ssyncset.done $0x0  }
0xa4: {  	[sflag:s23] =	ssyncadd.s32 $0xFFFFFFFF  }
0xa5: {  	s5 =	sld [smem:$0x0]  }
0xa6: {  	s6 =	sand.u32 $0xFFFFFFFE, s1  }
0xa7: {  	p0 =	sne.s32 s1, s6  }
0xa8: {  	s6 =	sshll.u32 @p0 s6, $0xE  }
0xa9: {  	s6 =	sadd.s32 @p0 $0x11B8D, s6;
	s7 =	sshll.u32 @p0 s5, $0x11  }
0xaa: {  	s6 =	sor.u32 @p0 s7, s6  }
0xab: {  	[sflag:s6] =	ssyncadd.remote.s32 @p0 $0x1;
	_ =	sdelay $0x1  }
0xac: {  	s6 =	simm.s32 @p0 $0x1B8D  }
0xad: {  	_ =	swait.eq @p0 [sflag:s6], $0x1  }
0xae: {  	[sflag:s6] =	ssyncadd.s32 @p0 $0xFFFFFFFF  }
0xaf: {  	s7 =	sshll.u32 @!p0 s1, $0xE  }
0xb0: {  	s7 =	sor.u32 @!p0 $0x4000, s7;
	s6 =	simm.s32 @!p0 $0x1B8D  }
0xb1: {  	s5 =	sshll.u32 @!p0 s5, $0x11;
	s7 =	sadd.s32 @!p0 $0x11B8D, s7;
	_ =	swait.eq @!p0 [sflag:s6], $0x1  }
0xb2: {  	s5 =	sor.u32 @!p0 s5, s7;
	[sflag:s6] =	ssyncadd.s32 @!p0 $0xFFFFFFFF  }
0xb3: {  	s25 =	simm.s32 $0x1B8E;
	s24 =	sld [smem:$0x3FFE];
	[sflag:s5] =	ssyncadd.remote.s32 @!p0 $0x1  }
0xb4: {  	s26 =	simm.s32 $execute0_lowered;
	[smem:$0x3FD2] =	sst s25  }
0xb5: {  	s6 =	sshll.u32 s26, $0x1;
	_ =	strace $0x80000049;
	[dreg:$0x1] =	wrdreg $0xFFFFFFFF  }
0xb6: {  	s28 =	simm.s32 $_size_execute0_lowered;
	s4 =	sadd.s32 s4, s6;
	[dreg:$0x0] =	wrdreg $0x0  }
0xb7: {  	s6 =	sshll.u32 s28, $0x1;
	[dreg:$0x2] =	wrdreg s4  }
0xb8: {  	[dreg:$0x3] =	wrdreg s6  }
0xb9: {  	[dreg:$0x4] =	wrdreg $0xC0  }
0xba: {  	_ =	task [dreg:s22], $0x5FFFF  }
0xbb: {  	[dreg:$0x1] =	wrdreg $0xFFFFFFFF  }
0xbc: {  	[dreg:$0x0] =	wrdreg $0x60  }
0xbd: {  	[dreg:$0x2] =	wrdreg s24  }
0xbe: {  	[dreg:$0x3] =	wrdreg s18  }
0xbf: {  	[dreg:$0x4] =	wrdreg $0x40000  }
0xc0: {  	[dreg:$0x5] =	wrdreg $0xA  }
0xc1: {  	_ =	task.clear_ibuf [dreg:s22], $0x6FFFF;
	_ =	strace $0x90000049  }
0xc2: {  	s29 =	simm.s32 $0xA;
	_ =	strace $0x8000004B  }
0xc3: {  	_ =	swait.ge [sflag:s29], $0x1  }
0xc4: {  	[sflag:s29] =	ssyncadd.s32 $0xFFFFFFFF  }
0xc5: {  	_ =	strace $0x9000004B  }
0xc6: {  	_ =	sfence  }
0xc7: {  	s30 =	sld [smem:$0x0];
	_ =	sdelay $0x2  }
0xc8: {  	s31 =	sshll.u32 s1, $0xD;
	s1 =	sshrl.u32 s1, $0x2  }
0xc9: {  	s4 =	sand.u32 $0x4000, s31;
	s1 =	sadd.s32 s1, s30  }
0xca: {  	s0 =	sor.u32 s4, s0;
	s1 =	sshll.u32 s1, $0x11  }
0xcb: {  	s0 =	sor.u32 s1, s0  }
0xcc: {  	s0 =	sadd.s32 $0x8F2B, s0  }
0xcd: {  	[sflag:s0] =	ssyncadd.remote.s32 $0x1  }
0xce: {  	_ =	sfence.sel $0xFFFF  }
0xcf: {  	[dreg:$0x0] =	wrdreg $0xFFFFFFFF;
	(pc) =	sbr.abs _section_cstart, $3  }
0xd0: {  	[dreg:$0x1] =	wrdreg $0xFFFFFFFF  }
0xd1: {  	_ =	task.clear_ibuf [dreg:s22], $0x2FFFF;
	_ =	strace $0x9FFFFFFF  }
0xd2: {  	(tm) =	ssettm $0x7FFFFFFF  }
0xd3: {  	_ =	shalt  }
tec
execute0_lowered:
.L_overlay_start_1:
0x0: {  	(tag) =	ssettag $0x1  }
0x1: {  	s0 =	rddreg [dreg:$0x0]  }
0x2: {  	s2 =	rddreg [dreg:$0x2];
	s3 =	simm.s32 $0x0;
	s1 =	srdreg.scid  }
0x3: {  	s4 =	stileid.u32;
	s9 =	simm.s32 $0x22;
	s12 =	simm.s32 $0x1  }
0x4: {  	s14 =	simm.s32 $0x7CF0;
	s15 =	simm.s32 $0x2;
	s16 =	simm.s32 $0x90F0  }
0x5: {  	s17 =	simm.s32 $0xA4F0;
	s18 =	simm.s32 $0x3;
	s19 =	simm.s32 $0xB8F0  }
0x6: {  	s20 =	simm.s32 $0xCCF0;
	s21 =	simm.s32 $0x4;
	s22 =	simm.s32 $0xE0F0  }
0x7: {  	s23 =	simm.s32 $0xF4F0;
	s28 =	simm.s32 $0x6;
	s29 =	simm.s32 $0x130F0  }
0x8: {  	s30 =	simm.s32 $0x144F0;
	s31 =	simm.s32 $0x7;
	s13 =	simm.s32 $0x54F0  }
0x9: {  	[smem:$0x7FF] =	sst s3;
	s1 =	sand.u32 $0x1, s1;
	s5 =	sshll.u32 s4, $0xC  }
0xa: {  	s7 =	smul.u32 $0x28000, s4;
	p0 =	sne.s32 s4, $0x0;
	s4 =	simm.s32 $0x8  }
0xb: {  	_ =	strace $0x8000004A;
	s6 =	sshll.u32 s1, $0xB;
	s24 =	ssub.s32 $0x2, s1  }
0xc: {  	s1 =	smul.u32 $0x14000, s1;
	s5 =	sor.u32 s6, s5;
	s25 =	sshrl.u32 s24, $0x1  }
0xd: {  	s5 =	sadd.s32 s5, s0;
	s0 =	sadd.s32 s7, s0;
	s6 =	ssub.s32 s24, s25  }
0xe: {  	s24 =	simm.s32 $0x5;
	s25 =	simm.s32 $0x108F0;
	s5 =	sadd.s32 $0x2C00, s5  }
0xf: {  	s0 =	sadd.s32 s1, s0;
	s26 =	smax.u32 s6, $0x1;
	[dreg:$0x4] =	wrdreg s5  }
0x10: {  	s7 =	simm.s32 $0x0;
	[dreg:$0x5] =	wrdreg s26;
	s0 =	sadd.s32 $0x12C00, s0  }
0x11: {  	s1 =	simm.s32 $0x16CF0;
	[dreg:$0x6] =	wrdreg s0;
	s0 =	sshrl.u32 @!p0 s2, $0x3  }
0x12: {  	s26 =	simm.s32 $0x11CF0;
	[dreg:$0x7] =	wrdreg s0;
	s0 =	simm.s32 $0x158F0  }
.LBB2_1:
0x13: {  	[dreg:$0x8] =	wrdreg s7  }
0x14: {  	s5 =	rddreg [dreg:$0x4];
	s6 =	simm.s32 $0x11  }
0x15: {  	[tilespmem:s3], [sflag:$0x11] =	stream.linear.gather [hbm4b:s5+s3], $0x4000, $0x38;
	[tilespmem:$0x180F0] =	vst v63  }
0x16: {  	_ =	swait.ge [sflag:s6], $0x4000  }
0x17: {  	[sflag:s6] =	ssyncset.done $0x0  }
0x18: {  	s7 =	rddreg [dreg:$0x7];
	[sflag:s6] =	ssyncadd.s32 $0xFFFFC000  }
0x19: {  	s5 =	simm.s32 @!p0 $0x1C11;
	s6 =	rddreg [dreg:$0x1]  }
0x1a: {  	[spmem:s7], [sflag:s5] =	dma.local @!p0 [hbm:s6], $0x1E0  }
0x1b: {  	s5 =	simm.s32 @!p0 $0x11  }
0x1c: {  	_ =	swait.ge @!p0 [sflag:s5], $0x1E0  }
0x1d: {  	[sflag:s5] =	ssyncset.done @!p0 $0x0  }
0x1e: {  	p1 =	por $0x1, $0x1;
	[sflag:s5] =	ssyncadd.s32 @!p0 $0xFFFFFE20  }
0x1f: {  	s5 =	simm.s32 @!p1 $0x9;
	[bflag:$0x0] =	sbarrier.arrive $0xFFFF  }
0x20: {  	_ =	swait.ge @!p1 [sflag:s5], $0x2200  }
0x21: {  	[sflag:s5] =	ssyncset.done @!p1 $0x0  }
0x22: {  	[sflag:s5] =	ssyncadd.s32 @!p1 $0xFFFFDE00;
	s5 =	simm.s32 @!p1 $0xA  }
0x23: {  	_ =	swait.ge @!p1 [sflag:s5], $0x2200  }
0x24: {  	[sflag:s5] =	ssyncset.done @!p1 $0x0  }
0x25: {  	[sflag:s5] =	ssyncadd.s32 @!p1 $0xFFFFDE00;
	s5 =	simm.s32 @!p1 $0xB  }
0x26: {  	_ =	swait.ge @!p1 [sflag:s5], $0x2200  }
0x27: {  	[sflag:s5] =	ssyncset.done @!p1 $0x0  }
0x28: {  	[sflag:s5] =	ssyncadd.s32 @!p1 $0xFFFFDE00;
	s5 =	simm.s32 @!p1 $0xC  }
0x29: {  	_ =	swait.ge @!p1 [sflag:s5], $0x2200  }
0x2a: {  	[sflag:s5] =	ssyncset.done @!p1 $0x0  }
0x2b: {  	s8 =	simm.s32 $0x40F0;
	s7 =	simm.s32 $0x0;
	[sflag:s5] =	ssyncadd.s32 @!p1 $0xFFFFDE00  }
0x2c: {  	[tilespmem:s8], [sflag:$0x1] =	stream.indirect.gather [spmem:s2], $0x80, s7, s9, $0xb8;
	[tilespmem:$0x180F0] =	vst v63  }
0x2d: {  	s10 =	simm.s32 $0x80;
	s11 =	simm.s32 $0x54F0  }
0x2e: {  	[tilespmem:s11], [sflag:$0x1] =	stream.indirect.gather [spmem:s2], $0x80, s10, s9, $0xb8;
	[tilespmem:$0x180F0] =	vst v63  }
0x2f: {  	_ =	swait.ge [sflag:s12], $0x1100  }
0x30: {  	[sflag:s12] =	ssyncset.done $0x0  }
0x31: {  	[sflag:s12] =	ssyncadd.s32 $0xFFFFEF00  }
0x32: {  	_ =	swait.ge [sflag:s12], $0x1100  }
0x33: {  	[sflag:s12] =	ssyncset.done $0x0  }
0x34: {  	s10 =	rddreg [dreg:$0x6];
	[sflag:s12] =	ssyncadd.s32 $0xFFFFEF00  }
0x35: {  	[hbm4b:s10+s3] =	stream.linear.scatter [tilespmem:s8], [sflag:$0x9], $0x1100, $0x38;
	[tilespmem:$0x180F0] =	vst v63  }
0x36: {  	s6 =	sadd.s32 $0x280, s10  }
0x37: {  	[hbm4b:s6+s3] =	stream.linear.scatter [tilespmem:s11], [sflag:$0x9], $0x1100, $0x38;
	[tilespmem:$0x180F0] =	vst v63  }
0x38: {  	s8 =	simm.s32 $0x100;
	s11 =	simm.s32 $0x68F0  }
0x39: {  	[tilespmem:s11], [sflag:$0x2] =	stream.indirect.gather [spmem:s2], $0x80, s8, s9, $0xb8;
	[tilespmem:$0x180F0] =	vst v63  }
0x3a: {  	s7 =	simm.s32 $0x180  }
0x3b: {  	[tilespmem:s14], [sflag:$0x2] =	stream.indirect.gather [spmem:s2], $0x80, s7, s9, $0xb8;
	[tilespmem:$0x180F0] =	vst v63  }
0x3c: {  	_ =	swait.ge [sflag:s15], $0x1100  }
0x3d: {  	[sflag:s15] =	ssyncset.done $0x0  }
0x3e: {  	[sflag:s15] =	ssyncadd.s32 $0xFFFFEF00  }
0x3f: {  	_ =	swait.ge [sflag:s15], $0x1100  }
0x40: {  	[sflag:s15] =	ssyncset.done $0x0  }
0x41: {  	s8 =	sadd.s32 $0x500, s10;
	[sflag:s15] =	ssyncadd.s32 $0xFFFFEF00  }
0x42: {  	[hbm4b:s8+s3] =	stream.linear.scatter [tilespmem:s11], [sflag:$0xA], $0x1100, $0x38;
	[tilespmem:$0x180F0] =	vst v63  }
0x43: {  	s11 =	sadd.s32 $0x780, s10  }
0x44: {  	[hbm4b:s11+s3] =	stream.linear.scatter [tilespmem:s14], [sflag:$0xA], $0x1100, $0x38;
	[tilespmem:$0x180F0] =	vst v63  }
0x45: {  	s6 =	simm.s32 $0x200  }
0x46: {  	[tilespmem:s16], [sflag:$0x3] =	stream.indirect.gather [spmem:s2], $0x80, s6, s9, $0xb8;
	[tilespmem:$0x180F0] =	vst v63  }
0x47: {  	s7 =	simm.s32 $0x280  }
0x48: {  	[tilespmem:s17], [sflag:$0x3] =	stream.indirect.gather [spmem:s2], $0x80, s7, s9, $0xb8;
	[tilespmem:$0x180F0] =	vst v63  }
0x49: {  	_ =	swait.ge [sflag:s18], $0x1100  }
0x4a: {  	[sflag:s18] =	ssyncset.done $0x0  }
0x4b: {  	[sflag:s18] =	ssyncadd.s32 $0xFFFFEF00  }
0x4c: {  	_ =	swait.ge [sflag:s18], $0x1100  }
0x4d: {  	[sflag:s18] =	ssyncset.done $0x0  }
0x4e: {  	s8 =	sadd.s32 $0xA00, s10;
	[sflag:s18] =	ssyncadd.s32 $0xFFFFEF00  }
0x4f: {  	[hbm4b:s8+s3] =	stream.linear.scatter [tilespmem:s16], [sflag:$0xB], $0x1100, $0x38;
	[tilespmem:$0x180F0] =	vst v63  }
0x50: {  	s11 =	sadd.s32 $0xC80, s10  }
0x51: {  	[hbm4b:s11+s3] =	stream.linear.scatter [tilespmem:s17], [sflag:$0xB], $0x1100, $0x38;
	[tilespmem:$0x180F0] =	vst v63  }
0x52: {  	s6 =	simm.s32 $0x300  }
0x53: {  	[tilespmem:s19], [sflag:$0x4] =	stream.indirect.gather [spmem:s2], $0x80, s6, s9, $0xb8;
	[tilespmem:$0x180F0] =	vst v63  }
0x54: {  	s7 =	simm.s32 $0x380  }
0x55: {  	[tilespmem:s20], [sflag:$0x4] =	stream.indirect.gather [spmem:s2], $0x80, s7, s9, $0xb8;
	[tilespmem:$0x180F0] =	vst v63  }
0x56: {  	_ =	swait.ge [sflag:s21], $0x1100  }
0x57: {  	[sflag:s21] =	ssyncset.done $0x0  }
0x58: {  	[sflag:s21] =	ssyncadd.s32 $0xFFFFEF00  }
0x59: {  	_ =	swait.ge [sflag:s21], $0x1100  }
0x5a: {  	[sflag:s21] =	ssyncset.done $0x0  }
0x5b: {  	s8 =	sadd.s32 $0xF00, s10;
	[sflag:s21] =	ssyncadd.s32 $0xFFFFEF00  }
0x5c: {  	[hbm4b:s8+s3] =	stream.linear.scatter [tilespmem:s19], [sflag:$0xC], $0x1100, $0x38;
	[tilespmem:$0x180F0] =	vst v63  }
0x5d: {  	s11 =	sadd.s32 $0x1180, s10;
	s6 =	simm.s32 @!p1 $0xD  }
0x5e: {  	[hbm4b:s11+s3] =	stream.linear.scatter [tilespmem:s20], [sflag:$0xC], $0x1100, $0x38;
	[tilespmem:$0x180F0] =	vst v63  }
0x5f: {  	_ =	swait.ge @!p1 [sflag:s6], $0x2200  }
0x60: {  	[sflag:s6] =	ssyncset.done @!p1 $0x0  }
0x61: {  	s5 =	simm.s32 @!p1 $0xE;
	[sflag:s6] =	ssyncadd.s32 @!p1 $0xFFFFDE00  }
0x62: {  	_ =	swait.ge @!p1 [sflag:s5], $0x2200  }
0x63: {  	[sflag:s5] =	ssyncset.done @!p1 $0x0  }
0x64: {  	[sflag:s5] =	ssyncadd.s32 @!p1 $0xFFFFDE00;
	s5 =	simm.s32 @!p1 $0xF  }
0x65: {  	_ =	swait.ge @!p1 [sflag:s5], $0x2200  }
0x66: {  	[sflag:s5] =	ssyncset.done @!p1 $0x0  }
0x67: {  	[sflag:s5] =	ssyncadd.s32 @!p1 $0xFFFFDE00;
	s5 =	simm.s32 @!p1 $0x10  }
0x68: {  	_ =	swait.ge @!p1 [sflag:s5], $0x2200  }
0x69: {  	[sflag:s5] =	ssyncset.done @!p1 $0x0  }
0x6a: {  	s7 =	simm.s32 $0x400;
	[sflag:s5] =	ssyncadd.s32 @!p1 $0xFFFFDE00  }
0x6b: {  	[tilespmem:s22], [sflag:$0x5] =	stream.indirect.gather [spmem:s2], $0x80, s7, s9, $0xb8;
	[tilespmem:$0x180F0] =	vst v63  }
0x6c: {  	s8 =	simm.s32 $0x480  }
0x6d: {  	[tilespmem:s23], [sflag:$0x5] =	stream.indirect.gather [spmem:s2], $0x80, s8, s9, $0xb8;
	[tilespmem:$0x180F0] =	vst v63  }
0x6e: {  	_ =	swait.ge [sflag:s24], $0x1100  }
0x6f: {  	[sflag:s24] =	ssyncset.done $0x0  }
0x70: {  	[sflag:s24] =	ssyncadd.s32 $0xFFFFEF00  }
0x71: {  	_ =	swait.ge [sflag:s24], $0x1100  }
0x72: {  	[sflag:s24] =	ssyncset.done $0x0  }
0x73: {  	s11 =	sadd.s32 $0x1400, s10;
	[sflag:s24] =	ssyncadd.s32 $0xFFFFEF00  }
0x74: {  	[hbm4b:s11+s3] =	stream.linear.scatter [tilespmem:s22], [sflag:$0xD], $0x1100, $0x38;
	[tilespmem:$0x180F0] =	vst v63  }
0x75: {  	s6 =	sadd.s32 $0x1680, s10  }
0x76: {  	[hbm4b:s6+s3] =	stream.linear.scatter [tilespmem:s23], [sflag:$0xD], $0x1100, $0x38;
	[tilespmem:$0x180F0] =	vst v63  }
0x77: {  	s7 =	simm.s32 $0x500  }
0x78: {  	[tilespmem:s25], [sflag:$0x6] =	stream.indirect.gather [spmem:s2], $0x80, s7, s9, $0xb8;
	[tilespmem:$0x180F0] =	vst v63  }
0x79: {  	s8 =	simm.s32 $0x580  }
0x7a: {  	[tilespmem:s26], [sflag:$0x6] =	stream.indirect.gather [spmem:s2], $0x80, s8, s9, $0xb8;
	[tilespmem:$0x180F0] =	vst v63  }
0x7b: {  	_ =	swait.ge [sflag:s28], $0x1100  }
0x7c: {  	[sflag:s28] =	ssyncset.done $0x0  }
0x7d: {  	[sflag:s28] =	ssyncadd.s32 $0xFFFFEF00  }
0x7e: {  	_ =	swait.ge [sflag:s28], $0x1100  }
0x7f: {  	[sflag:s28] =	ssyncset.done $0x0  }
0x80: {  	s11 =	sadd.s32 $0x1900, s10;
	[sflag:s28] =	ssyncadd.s32 $0xFFFFEF00  }
0x81: {  	[hbm4b:s11+s3] =	stream.linear.scatter [tilespmem:s25], [sflag:$0xE], $0x1100, $0x38;
	[tilespmem:$0x180F0] =	vst v63  }
0x82: {  	s6 =	sadd.s32 $0x1B80, s10  }
0x83: {  	[hbm4b:s6+s3] =	stream.linear.scatter [tilespmem:s26], [sflag:$0xE], $0x1100, $0x38;
	[tilespmem:$0x180F0] =	vst v63  }
0x84: {  	s7 =	simm.s32 $0x600  }
0x85: {  	[tilespmem:s29], [sflag:$0x7] =	stream.indirect.gather [spmem:s2], $0x80, s7, s9, $0xb8;
	[tilespmem:$0x180F0] =	vst v63  }
0x86: {  	s8 =	simm.s32 $0x680  }
0x87: {  	[tilespmem:s30], [sflag:$0x7] =	stream.indirect.gather [spmem:s2], $0x80, s8, s9, $0xb8;
	[tilespmem:$0x180F0] =	vst v63  }
0x88: {  	_ =	swait.ge [sflag:s31], $0x1100  }
0x89: {  	[sflag:s31] =	ssyncset.done $0x0  }
0x8a: {  	[sflag:s31] =	ssyncadd.s32 $0xFFFFEF00  }
0x8b: {  	_ =	swait.ge [sflag:s31], $0x1100  }
0x8c: {  	[sflag:s31] =	ssyncset.done $0x0  }
0x8d: {  	s11 =	sadd.s32 $0x1E00, s10;
	[sflag:s31] =	ssyncadd.s32 $0xFFFFEF00  }
0x8e: {  	[hbm4b:s11+s3] =	stream.linear.scatter [tilespmem:s29], [sflag:$0xF], $0x1100, $0x38;
	[tilespmem:$0x180F0] =	vst v63  }
0x8f: {  	s6 =	sadd.s32 $0x2080, s10  }
0x90: {  	[hbm4b:s6+s3] =	stream.linear.scatter [tilespmem:s30], [sflag:$0xF], $0x1100, $0x38;
	[tilespmem:$0x180F0] =	vst v63  }
0x91: {  	s7 =	simm.s32 $0x700  }
0x92: {  	[tilespmem:s0], [sflag:$0x8] =	stream.indirect.gather [spmem:s2], $0x80, s7, s9, $0xb8;
	[tilespmem:$0x180F0] =	vst v63  }
0x93: {  	s8 =	simm.s32 $0x780  }
0x94: {  	[tilespmem:s1], [sflag:$0x8] =	stream.indirect.gather [spmem:s2], $0x80, s8, s9, $0xb8;
	[tilespmem:$0x180F0] =	vst v63  }
0x95: {  	_ =	swait.ge [sflag:s4], $0x1100  }
0x96: {  	[sflag:s4] =	ssyncset.done $0x0  }
0x97: {  	[sflag:s4] =	ssyncadd.s32 $0xFFFFEF00  }
0x98: {  	s5 =	sadd.s32 $0x2580, s10;
	p1 =	por $0x0, $0x0;
	_ =	swait.ge [sflag:s4], $0x1100  }
0x99: {  	s11 =	sadd.s32 $0x2300, s10;
	s6 =	smov.u32 s10;
	[sflag:s4] =	ssyncset.done $0x0  }
0x9a: {  	s7 =	simm.s32 $0x4000;
	s8 =	simm.s32 $0x2000;
	[sflag:s4] =	ssyncadd.s32 $0xFFFFEF00  }
0x9b: {  	[hbm4b:s11+s3] =	stream.linear.scatter [tilespmem:s0], [sflag:$0x10], $0x1100, $0x38;
	[tilespmem:$0x180F0] =	vst v63  }
.LBB2_2:
0x9c: {  	s10 =	simm.s32 @!p1 $0x9  }
0x9d: {  	s6 =	sadd.s32 $0x2800, s6;
	s11 =	smov.u32 s7;
	s7 =	sadd.s32 $0x2000, s7  }
0x9e: {  	[hbm4b:s5+s3] =	stream.linear.scatter [tilespmem:s1], [sflag:$0x10], $0x1100, $0x38;
	[tilespmem:$0x180F0] =	vst v63  }
0x9f: {  	p2 =	sne.s32 s7, $0x10000;
	_ =	swait.ge @!p1 [sflag:s10], $0x2200  }
0xa0: {  	[sflag:s10] =	ssyncset.done @!p1 $0x0  }
0xa1: {  	s5 =	simm.s32 @!p1 $0xA;
	[sflag:s10] =	ssyncadd.s32 @!p1 $0xFFFFDE00  }
0xa2: {  	_ =	swait.ge @!p1 [sflag:s5], $0x2200  }
0xa3: {  	[sflag:s5] =	ssyncset.done @!p1 $0x0  }
0xa4: {  	[sflag:s5] =	ssyncadd.s32 @!p1 $0xFFFFDE00;
	s5 =	simm.s32 @!p1 $0xB  }
0xa5: {  	_ =	swait.ge @!p1 [sflag:s5], $0x2200  }
0xa6: {  	[sflag:s5] =	ssyncset.done @!p1 $0x0  }
0xa7: {  	[sflag:s5] =	ssyncadd.s32 @!p1 $0xFFFFDE00;
	s5 =	simm.s32 @!p1 $0xC  }
0xa8: {  	_ =	swait.ge @!p1 [sflag:s5], $0x2200  }
0xa9: {  	[sflag:s5] =	ssyncset.done @!p1 $0x0  }
0xaa: {  	[sflag:s5] =	ssyncadd.s32 @!p1 $0xFFFFDE00  }
0xab: {  	s5 =	sshra.s32 s8, $0x2;
	s8 =	smov.u32 s11;
	s11 =	simm.s32 $0x40F0  }
0xac: {  	[tilespmem:s11], [sflag:$0x1] =	stream.indirect.gather [spmem:s2], $0x80, s5, s9, $0xb8;
	[tilespmem:$0x180F0] =	vst v63  }
0xad: {  	s10 =	sadd.s32 $0x80, s5  }
0xae: {  	[tilespmem:s13], [sflag:$0x1] =	stream.indirect.gather [spmem:s2], $0x80, s10, s9, $0xb8;
	[tilespmem:$0x180F0] =	vst v63  }
0xaf: {  	_ =	swait.ge [sflag:s12], $0x1100  }
0xb0: {  	[sflag:s12] =	ssyncset.done $0x0  }
0xb1: {  	[sflag:s12] =	ssyncadd.s32 $0xFFFFEF00  }
0xb2: {  	_ =	swait.ge [sflag:s12], $0x1100  }
0xb3: {  	[sflag:s12] =	ssyncset.done $0x0  }
0xb4: {  	[sflag:s12] =	ssyncadd.s32 $0xFFFFEF00  }
0xb5: {  	[hbm4b:s6+s3] =	stream.linear.scatter [tilespmem:s11], [sflag:$0x9], $0x1100, $0x38;
	[tilespmem:$0x180F0] =	vst v63  }
0xb6: {  	s10 =	sadd.s32 $0x280, s6  }
0xb7: {  	[hbm4b:s10+s3] =	stream.linear.scatter [tilespmem:s13], [sflag:$0x9], $0x1100, $0x38;
	[tilespmem:$0x180F0] =	vst v63  }
0xb8: {  	s11 =	simm.s32 $0x68F0;
	s10 =	sadd.s32 $0x100, s5  }
0xb9: {  	[tilespmem:s11], [sflag:$0x2] =	stream.indirect.gather [spmem:s2], $0x80, s10, s9, $0xb8;
	[tilespmem:$0x180F0] =	vst v63  }
0xba: {  	s10 =	sadd.s32 $0x180, s5  }
0xbb: {  	[tilespmem:s14], [sflag:$0x2] =	stream.indirect.gather [spmem:s2], $0x80, s10, s9, $0xb8;
	[tilespmem:$0x180F0] =	vst v63  }
0xbc: {  	_ =	swait.ge [sflag:s15], $0x1100  }
0xbd: {  	[sflag:s15] =	ssyncset.done $0x0  }
0xbe: {  	[sflag:s15] =	ssyncadd.s32 $0xFFFFEF00  }
0xbf: {  	_ =	swait.ge [sflag:s15], $0x1100  }
0xc0: {  	[sflag:s15] =	ssyncset.done $0x0  }
0xc1: {  	s10 =	sadd.s32 $0x500, s6;
	[sflag:s15] =	ssyncadd.s32 $0xFFFFEF00  }
0xc2: {  	[hbm4b:s10+s3] =	stream.linear.scatter [tilespmem:s11], [sflag:$0xA], $0x1100, $0x38;
	[tilespmem:$0x180F0] =	vst v63  }
0xc3: {  	s10 =	sadd.s32 $0x780, s6  }
0xc4: {  	[hbm4b:s10+s3] =	stream.linear.scatter [tilespmem:s14], [sflag:$0xA], $0x1100, $0x38;
	[tilespmem:$0x180F0] =	vst v63  }
0xc5: {  	s10 =	sadd.s32 $0x200, s5  }
0xc6: {  	[tilespmem:s16], [sflag:$0x3] =	stream.indirect.gather [spmem:s2], $0x80, s10, s9, $0xb8;
	[tilespmem:$0x180F0] =	vst v63  }
0xc7: {  	s10 =	sadd.s32 $0x280, s5  }
0xc8: {  	[tilespmem:s17], [sflag:$0x3] =	stream.indirect.gather [spmem:s2], $0x80, s10, s9, $0xb8;
	[tilespmem:$0x180F0] =	vst v63  }
0xc9: {  	_ =	swait.ge [sflag:s18], $0x1100  }
0xca: {  	[sflag:s18] =	ssyncset.done $0x0  }
0xcb: {  	[sflag:s18] =	ssyncadd.s32 $0xFFFFEF00  }
0xcc: {  	_ =	swait.ge [sflag:s18], $0x1100  }
0xcd: {  	[sflag:s18] =	ssyncset.done $0x0  }
0xce: {  	s10 =	sadd.s32 $0xA00, s6;
	[sflag:s18] =	ssyncadd.s32 $0xFFFFEF00  }
0xcf: {  	[hbm4b:s10+s3] =	stream.linear.scatter [tilespmem:s16], [sflag:$0xB], $0x1100, $0x38;
	[tilespmem:$0x180F0] =	vst v63  }
0xd0: {  	s10 =	sadd.s32 $0xC80, s6  }
0xd1: {  	[hbm4b:s10+s3] =	stream.linear.scatter [tilespmem:s17], [sflag:$0xB], $0x1100, $0x38;
	[tilespmem:$0x180F0] =	vst v63  }
0xd2: {  	s10 =	sadd.s32 $0x300, s5  }
0xd3: {  	[tilespmem:s19], [sflag:$0x4] =	stream.indirect.gather [spmem:s2], $0x80, s10, s9, $0xb8;
	[tilespmem:$0x180F0] =	vst v63  }
0xd4: {  	s10 =	sadd.s32 $0x380, s5  }
0xd5: {  	[tilespmem:s20], [sflag:$0x4] =	stream.indirect.gather [spmem:s2], $0x80, s10, s9, $0xb8;
	[tilespmem:$0x180F0] =	vst v63  }
0xd6: {  	_ =	swait.ge [sflag:s21], $0x1100  }
0xd7: {  	[sflag:s21] =	ssyncset.done $0x0  }
0xd8: {  	[sflag:s21] =	ssyncadd.s32 $0xFFFFEF00  }
0xd9: {  	_ =	swait.ge [sflag:s21], $0x1100  }
0xda: {  	[sflag:s21] =	ssyncset.done $0x0  }
0xdb: {  	s10 =	sadd.s32 $0xF00, s6;
	[sflag:s21] =	ssyncadd.s32 $0xFFFFEF00  }
0xdc: {  	[hbm4b:s10+s3] =	stream.linear.scatter [tilespmem:s19], [sflag:$0xC], $0x1100, $0x38;
	[tilespmem:$0x180F0] =	vst v63  }
0xdd: {  	s11 =	simm.s32 @!p1 $0xD;
	s10 =	sadd.s32 $0x1180, s6  }
0xde: {  	[hbm4b:s10+s3] =	stream.linear.scatter [tilespmem:s20], [sflag:$0xC], $0x1100, $0x38;
	[tilespmem:$0x180F0] =	vst v63  }
0xdf: {  	_ =	swait.ge @!p1 [sflag:s11], $0x2200  }
0xe0: {  	[sflag:s11] =	ssyncset.done @!p1 $0x0  }
0xe1: {  	s10 =	simm.s32 @!p1 $0xE;
	[sflag:s11] =	ssyncadd.s32 @!p1 $0xFFFFDE00  }
0xe2: {  	_ =	swait.ge @!p1 [sflag:s10], $0x2200  }
0xe3: {  	[sflag:s10] =	ssyncset.done @!p1 $0x0  }
0xe4: {  	[sflag:s10] =	ssyncadd.s32 @!p1 $0xFFFFDE00;
	s10 =	simm.s32 @!p1 $0xF  }
0xe5: {  	_ =	swait.ge @!p1 [sflag:s10], $0x2200  }
0xe6: {  	[sflag:s10] =	ssyncset.done @!p1 $0x0  }
0xe7: {  	[sflag:s10] =	ssyncadd.s32 @!p1 $0xFFFFDE00;
	s10 =	simm.s32 @!p1 $0x10  }
0xe8: {  	_ =	swait.ge @!p1 [sflag:s10], $0x2200  }
0xe9: {  	[sflag:s10] =	ssyncset.done @!p1 $0x0  }
0xea: {  	[sflag:s10] =	ssyncadd.s32 @!p1 $0xFFFFDE00;
	s10 =	sadd.s32 $0x400, s5  }
0xeb: {  	[tilespmem:s22], [sflag:$0x5] =	stream.indirect.gather [spmem:s2], $0x80, s10, s9, $0xb8;
	[tilespmem:$0x180F0] =	vst v63  }
0xec: {  	s10 =	sadd.s32 $0x480, s5  }
0xed: {  	[tilespmem:s23], [sflag:$0x5] =	stream.indirect.gather [spmem:s2], $0x80, s10, s9, $0xb8;
	[tilespmem:$0x180F0] =	vst v63  }
0xee: {  	_ =	swait.ge [sflag:s24], $0x1100  }
0xef: {  	[sflag:s24] =	ssyncset.done $0x0  }
0xf0: {  	[sflag:s24] =	ssyncadd.s32 $0xFFFFEF00  }
0xf1: {  	_ =	swait.ge [sflag:s24], $0x1100  }
0xf2: {  	[sflag:s24] =	ssyncset.done $0x0  }
0xf3: {  	s10 =	sadd.s32 $0x1400, s6;
	[sflag:s24] =	ssyncadd.s32 $0xFFFFEF00  }
0xf4: {  	[hbm4b:s10+s3] =	stream.linear.scatter [tilespmem:s22], [sflag:$0xD], $0x1100, $0x38;
	[tilespmem:$0x180F0] =	vst v63  }
0xf5: {  	s10 =	sadd.s32 $0x1680, s6  }
0xf6: {  	[hbm4b:s10+s3] =	stream.linear.scatter [tilespmem:s23], [sflag:$0xD], $0x1100, $0x38;
	[tilespmem:$0x180F0] =	vst v63  }
0xf7: {  	s10 =	sadd.s32 $0x500, s5  }
0xf8: {  	[tilespmem:s25], [sflag:$0x6] =	stream.indirect.gather [spmem:s2], $0x80, s10, s9, $0xb8;
	[tilespmem:$0x180F0] =	vst v63  }
0xf9: {  	s10 =	sadd.s32 $0x580, s5  }
0xfa: {  	[tilespmem:s26], [sflag:$0x6] =	stream.indirect.gather [spmem:s2], $0x80, s10, s9, $0xb8;
	[tilespmem:$0x180F0] =	vst v63  }
0xfb: {  	_ =	swait.ge [sflag:s28], $0x1100  }
0xfc: {  	[sflag:s28] =	ssyncset.done $0x0  }
0xfd: {  	[sflag:s28] =	ssyncadd.s32 $0xFFFFEF00  }
0xfe: {  	_ =	swait.ge [sflag:s28], $0x1100  }
0xff: {  	[sflag:s28] =	ssyncset.done $0x0  }
0x100: {  	s10 =	sadd.s32 $0x1900, s6;
	[sflag:s28] =	ssyncadd.s32 $0xFFFFEF00  }
0x101: {  	[hbm4b:s10+s3] =	stream.linear.scatter [tilespmem:s25], [sflag:$0xE], $0x1100, $0x38;
	[tilespmem:$0x180F0] =	vst v63  }
0x102: {  	s10 =	sadd.s32 $0x1B80, s6  }
0x103: {  	[hbm4b:s10+s3] =	stream.linear.scatter [tilespmem:s26], [sflag:$0xE], $0x1100, $0x38;
	[tilespmem:$0x180F0] =	vst v63  }
0x104: {  	s10 =	sadd.s32 $0x600, s5  }
0x105: {  	[tilespmem:s29], [sflag:$0x7] =	stream.indirect.gather [spmem:s2], $0x80, s10, s9, $0xb8;
	[tilespmem:$0x180F0] =	vst v63  }
0x106: {  	s10 =	sadd.s32 $0x680, s5  }
0x107: {  	[tilespmem:s30], [sflag:$0x7] =	stream.indirect.gather [spmem:s2], $0x80, s10, s9, $0xb8;
	[tilespmem:$0x180F0] =	vst v63  }
0x108: {  	_ =	swait.ge [sflag:s31], $0x1100  }
0x109: {  	[sflag:s31] =	ssyncset.done $0x0  }
0x10a: {  	[sflag:s31] =	ssyncadd.s32 $0xFFFFEF00  }
0x10b: {  	_ =	swait.ge [sflag:s31], $0x1100  }
0x10c: {  	[sflag:s31] =	ssyncset.done $0x0  }
0x10d: {  	s10 =	sadd.s32 $0x1E00, s6;
	[sflag:s31] =	ssyncadd.s32 $0xFFFFEF00  }
0x10e: {  	[hbm4b:s10+s3] =	stream.linear.scatter [tilespmem:s29], [sflag:$0xF], $0x1100, $0x38;
	[tilespmem:$0x180F0] =	vst v63  }
0x10f: {  	s10 =	sadd.s32 $0x2080, s6  }
0x110: {  	[hbm4b:s10+s3] =	stream.linear.scatter [tilespmem:s30], [sflag:$0xF], $0x1100, $0x38;
	[tilespmem:$0x180F0] =	vst v63  }
0x111: {  	s10 =	sadd.s32 $0x700, s5  }
0x112: {  	[tilespmem:s0], [sflag:$0x8] =	stream.indirect.gather [spmem:s2], $0x80, s10, s9, $0xb8;
	[tilespmem:$0x180F0] =	vst v63  }
0x113: {  	s5 =	sadd.s32 $0x780, s5  }
0x114: {  	[tilespmem:s1], [sflag:$0x8] =	stream.indirect.gather [spmem:s2], $0x80, s5, s9, $0xb8;
	[tilespmem:$0x180F0] =	vst v63  }
0x115: {  	_ =	swait.ge [sflag:s4], $0x1100  }
0x116: {  	[sflag:s4] =	ssyncset.done $0x0  }
.Ltmp0:
0x117: {  	[sflag:s4] =	ssyncadd.s32 $0xFFFFEF00;
	(pc) =	sbr.rel @p2 .LBB2_2-.Ltmp0, $4  }
0x118: {  	_ =	swait.ge [sflag:s4], $0x1100  }
0x119: {  	s5 =	sadd.s32 $0x2580, s6;
	[sflag:s4] =	ssyncset.done $0x0  }
0x11a: {  	p1 =	seq.s32 s8, $0x0;
	s10 =	sadd.s32 $0x2300, s6;
	[sflag:s4] =	ssyncadd.s32 $0xFFFFEF00  }
0x11b: {  	[hbm4b:s10+s3] =	stream.linear.scatter [tilespmem:s0], [sflag:$0x10], $0x1100, $0x38;
	[tilespmem:$0x180F0] =	vst v63  }
0x11c: {  	[hbm4b:s5+s3] =	stream.linear.scatter [tilespmem:s1], [sflag:$0x10], $0x1100, $0x38;
	[tilespmem:$0x180F0] =	vst v63  }
0x11d: {  	s5 =	simm.s32 @!p1 $0x9  }
0x11e: {  	_ =	swait.ge @!p1 [sflag:s5], $0x2200  }
0x11f: {  	[sflag:s5] =	ssyncset.done @!p1 $0x0  }
0x120: {  	[sflag:s5] =	ssyncadd.s32 @!p1 $0xFFFFDE00;
	s5 =	simm.s32 @!p1 $0xA  }
0x121: {  	_ =	swait.ge @!p1 [sflag:s5], $0x2200  }
0x122: {  	[sflag:s5] =	ssyncset.done @!p1 $0x0  }
0x123: {  	[sflag:s5] =	ssyncadd.s32 @!p1 $0xFFFFDE00;
	s5 =	simm.s32 @!p1 $0xB  }
0x124: {  	_ =	swait.ge @!p1 [sflag:s5], $0x2200  }
0x125: {  	[sflag:s5] =	ssyncset.done @!p1 $0x0  }
0x126: {  	[sflag:s5] =	ssyncadd.s32 @!p1 $0xFFFFDE00;
	s5 =	simm.s32 @!p1 $0xC  }
0x127: {  	_ =	swait.ge @!p1 [sflag:s5], $0x2200  }
0x128: {  	[sflag:s5] =	ssyncset.done @!p1 $0x0  }
0x129: {  	s7 =	sshra.s32 s8, $0x2;
	s8 =	simm.s32 $0x40F0;
	[sflag:s5] =	ssyncadd.s32 @!p1 $0xFFFFDE00  }
0x12a: {  	[tilespmem:s8], [sflag:$0x1] =	stream.indirect.gather [spmem:s2], $0x80, s7, s9, $0xb8;
	[tilespmem:$0x180F0] =	vst v63  }
0x12b: {  	s10 =	simm.s32 $0x54F0;
	s11 =	sadd.s32 $0x80, s7  }
0x12c: {  	[tilespmem:s10], [sflag:$0x1] =	stream.indirect.gather [spmem:s2], $0x80, s11, s9, $0xb8;
	[tilespmem:$0x180F0] =	vst v63  }
0x12d: {  	_ =	swait.ge [sflag:s12], $0x1100  }
0x12e: {  	[sflag:s12] =	ssyncset.done $0x0  }
0x12f: {  	[sflag:s12] =	ssyncadd.s32 $0xFFFFEF00  }
0x130: {  	_ =	swait.ge [sflag:s12], $0x1100  }
0x131: {  	[sflag:s12] =	ssyncset.done $0x0  }
0x132: {  	s5 =	sadd.s32 $0x2800, s6;
	[sflag:s12] =	ssyncadd.s32 $0xFFFFEF00  }
0x133: {  	[hbm4b:s5+s3] =	stream.linear.scatter [tilespmem:s8], [sflag:$0x9], $0x1100, $0x38;
	[tilespmem:$0x180F0] =	vst v63  }
0x134: {  	s6 =	sadd.s32 $0x280, s5  }
0x135: {  	[hbm4b:s6+s3] =	stream.linear.scatter [tilespmem:s10], [sflag:$0x9], $0x1100, $0x38;
	[tilespmem:$0x180F0] =	vst v63  }
0x136: {  	s11 =	sadd.s32 $0x100, s7;
	s8 =	simm.s32 $0x68F0  }
0x137: {  	[tilespmem:s8], [sflag:$0x2] =	stream.indirect.gather [spmem:s2], $0x80, s11, s9, $0xb8;
	[tilespmem:$0x180F0] =	vst v63  }
0x138: {  	s10 =	sadd.s32 $0x180, s7  }
0x139: {  	[tilespmem:s14], [sflag:$0x2] =	stream.indirect.gather [spmem:s2], $0x80, s10, s9, $0xb8;
	[tilespmem:$0x180F0] =	vst v63  }
0x13a: {  	_ =	swait.ge [sflag:s15], $0x1100  }
0x13b: {  	[sflag:s15] =	ssyncset.done $0x0  }
0x13c: {  	[sflag:s15] =	ssyncadd.s32 $0xFFFFEF00  }
0x13d: {  	_ =	swait.ge [sflag:s15], $0x1100  }
0x13e: {  	[sflag:s15] =	ssyncset.done $0x0  }
0x13f: {  	s11 =	sadd.s32 $0x500, s5;
	[sflag:s15] =	ssyncadd.s32 $0xFFFFEF00  }
0x140: {  	[hbm4b:s11+s3] =	stream.linear.scatter [tilespmem:s8], [sflag:$0xA], $0x1100, $0x38;
	[tilespmem:$0x180F0] =	vst v63  }
0x141: {  	s8 =	sadd.s32 $0x780, s5  }
0x142: {  	[hbm4b:s8+s3] =	stream.linear.scatter [tilespmem:s14], [sflag:$0xA], $0x1100, $0x38;
	[tilespmem:$0x180F0] =	vst v63  }
0x143: {  	s10 =	sadd.s32 $0x200, s7  }
0x144: {  	[tilespmem:s16], [sflag:$0x3] =	stream.indirect.gather [spmem:s2], $0x80, s10, s9, $0xb8;
	[tilespmem:$0x180F0] =	vst v63  }
0x145: {  	s11 =	sadd.s32 $0x280, s7  }
0x146: {  	[tilespmem:s17], [sflag:$0x3] =	stream.indirect.gather [spmem:s2], $0x80, s11, s9, $0xb8;
	[tilespmem:$0x180F0] =	vst v63  }
0x147: {  	_ =	swait.ge [sflag:s18], $0x1100  }
0x148: {  	[sflag:s18] =	ssyncset.done $0x0  }
0x149: {  	[sflag:s18] =	ssyncadd.s32 $0xFFFFEF00  }
0x14a: {  	_ =	swait.ge [sflag:s18], $0x1100  }
0x14b: {  	[sflag:s18] =	ssyncset.done $0x0  }
0x14c: {  	s8 =	sadd.s32 $0xA00, s5;
	[sflag:s18] =	ssyncadd.s32 $0xFFFFEF00  }
0x14d: {  	[hbm4b:s8+s3] =	stream.linear.scatter [tilespmem:s16], [sflag:$0xB], $0x1100, $0x38;
	[tilespmem:$0x180F0] =	vst v63  }
0x14e: {  	s10 =	sadd.s32 $0xC80, s5  }
0x14f: {  	[hbm4b:s10+s3] =	stream.linear.scatter [tilespmem:s17], [sflag:$0xB], $0x1100, $0x38;
	[tilespmem:$0x180F0] =	vst v63  }
0x150: {  	s11 =	sadd.s32 $0x300, s7  }
0x151: {  	[tilespmem:s19], [sflag:$0x4] =	stream.indirect.gather [spmem:s2], $0x80, s11, s9, $0xb8;
	[tilespmem:$0x180F0] =	vst v63  }
0x152: {  	s8 =	sadd.s32 $0x380, s7  }
0x153: {  	[tilespmem:s20], [sflag:$0x4] =	stream.indirect.gather [spmem:s2], $0x80, s8, s9, $0xb8;
	[tilespmem:$0x180F0] =	vst v63  }
0x154: {  	_ =	swait.ge [sflag:s21], $0x1100  }
0x155: {  	[sflag:s21] =	ssyncset.done $0x0  }
0x156: {  	[sflag:s21] =	ssyncadd.s32 $0xFFFFEF00  }
0x157: {  	_ =	swait.ge [sflag:s21], $0x1100  }
0x158: {  	[sflag:s21] =	ssyncset.done $0x0  }
0x159: {  	s10 =	sadd.s32 $0xF00, s5;
	[sflag:s21] =	ssyncadd.s32 $0xFFFFEF00  }
0x15a: {  	[hbm4b:s10+s3] =	stream.linear.scatter [tilespmem:s19], [sflag:$0xC], $0x1100, $0x38;
	[tilespmem:$0x180F0] =	vst v63  }
0x15b: {  	s6 =	simm.s32 @!p1 $0xD;
	s11 =	sadd.s32 $0x1180, s5  }
0x15c: {  	[hbm4b:s11+s3] =	stream.linear.scatter [tilespmem:s20], [sflag:$0xC], $0x1100, $0x38;
	[tilespmem:$0x180F0] =	vst v63  }
0x15d: {  	_ =	swait.ge @!p1 [sflag:s6], $0x2200  }
0x15e: {  	[sflag:s6] =	ssyncset.done @!p1 $0x0  }
0x15f: {  	[sflag:s6] =	ssyncadd.s32 @!p1 $0xFFFFDE00;
	s6 =	simm.s32 @!p1 $0xE  }
0x160: {  	_ =	swait.ge @!p1 [sflag:s6], $0x2200  }
0x161: {  	[sflag:s6] =	ssyncset.done @!p1 $0x0  }
0x162: {  	[sflag:s6] =	ssyncadd.s32 @!p1 $0xFFFFDE00;
	s6 =	simm.s32 @!p1 $0xF  }
0x163: {  	_ =	swait.ge @!p1 [sflag:s6], $0x2200  }
0x164: {  	[sflag:s6] =	ssyncset.done @!p1 $0x0  }
0x165: {  	[sflag:s6] =	ssyncadd.s32 @!p1 $0xFFFFDE00;
	s6 =	simm.s32 @!p1 $0x10  }
0x166: {  	_ =	swait.ge @!p1 [sflag:s6], $0x2200  }
0x167: {  	[sflag:s6] =	ssyncset.done @!p1 $0x0  }
0x168: {  	s8 =	sadd.s32 $0x400, s7;
	[sflag:s6] =	ssyncadd.s32 @!p1 $0xFFFFDE00  }
0x169: {  	[tilespmem:s22], [sflag:$0x5] =	stream.indirect.gather [spmem:s2], $0x80, s8, s9, $0xb8;
	[tilespmem:$0x180F0] =	vst v63  }
0x16a: {  	s10 =	sadd.s32 $0x480, s7  }
0x16b: {  	[tilespmem:s23], [sflag:$0x5] =	stream.indirect.gather [spmem:s2], $0x80, s10, s9, $0xb8;
	[tilespmem:$0x180F0] =	vst v63  }
0x16c: {  	_ =	swait.ge [sflag:s24], $0x1100  }
0x16d: {  	[sflag:s24] =	ssyncset.done $0x0  }
0x16e: {  	[sflag:s24] =	ssyncadd.s32 $0xFFFFEF00  }
0x16f: {  	_ =	swait.ge [sflag:s24], $0x1100  }
0x170: {  	[sflag:s24] =	ssyncset.done $0x0  }
0x171: {  	s11 =	sadd.s32 $0x1400, s5;
	[sflag:s24] =	ssyncadd.s32 $0xFFFFEF00  }
0x172: {  	[hbm4b:s11+s3] =	stream.linear.scatter [tilespmem:s22], [sflag:$0xD], $0x1100, $0x38;
	[tilespmem:$0x180F0] =	vst v63  }
0x173: {  	s8 =	sadd.s32 $0x1680, s5  }
0x174: {  	[hbm4b:s8+s3] =	stream.linear.scatter [tilespmem:s23], [sflag:$0xD], $0x1100, $0x38;
	[tilespmem:$0x180F0] =	vst v63  }
0x175: {  	s10 =	sadd.s32 $0x500, s7  }
0x176: {  	[tilespmem:s25], [sflag:$0x6] =	stream.indirect.gather [spmem:s2], $0x80, s10, s9, $0xb8;
	[tilespmem:$0x180F0] =	vst v63  }
0x177: {  	s11 =	sadd.s32 $0x580, s7  }
0x178: {  	[tilespmem:s26], [sflag:$0x6] =	stream.indirect.gather [spmem:s2], $0x80, s11, s9, $0xb8;
	[tilespmem:$0x180F0] =	vst v63  }
0x179: {  	_ =	swait.ge [sflag:s28], $0x1100  }
0x17a: {  	[sflag:s28] =	ssyncset.done $0x0  }
0x17b: {  	[sflag:s28] =	ssyncadd.s32 $0xFFFFEF00  }
0x17c: {  	_ =	swait.ge [sflag:s28], $0x1100  }
0x17d: {  	[sflag:s28] =	ssyncset.done $0x0  }
0x17e: {  	s8 =	sadd.s32 $0x1900, s5;
	[sflag:s28] =	ssyncadd.s32 $0xFFFFEF00  }
0x17f: {  	[hbm4b:s8+s3] =	stream.linear.scatter [tilespmem:s25], [sflag:$0xE], $0x1100, $0x38;
	[tilespmem:$0x180F0] =	vst v63  }
0x180: {  	s10 =	sadd.s32 $0x1B80, s5  }
0x181: {  	[hbm4b:s10+s3] =	stream.linear.scatter [tilespmem:s26], [sflag:$0xE], $0x1100, $0x38;
	[tilespmem:$0x180F0] =	vst v63  }
0x182: {  	s11 =	sadd.s32 $0x600, s7  }
0x183: {  	[tilespmem:s29], [sflag:$0x7] =	stream.indirect.gather [spmem:s2], $0x80, s11, s9, $0xb8;
	[tilespmem:$0x180F0] =	vst v63  }
0x184: {  	s8 =	sadd.s32 $0x680, s7  }
0x185: {  	[tilespmem:s30], [sflag:$0x7] =	stream.indirect.gather [spmem:s2], $0x80, s8, s9, $0xb8;
	[tilespmem:$0x180F0] =	vst v63  }
0x186: {  	_ =	swait.ge [sflag:s31], $0x1100  }
0x187: {  	[sflag:s31] =	ssyncset.done $0x0  }
0x188: {  	[sflag:s31] =	ssyncadd.s32 $0xFFFFEF00  }
0x189: {  	_ =	swait.ge [sflag:s31], $0x1100  }
0x18a: {  	[sflag:s31] =	ssyncset.done $0x0  }
0x18b: {  	s10 =	sadd.s32 $0x1E00, s5;
	[sflag:s31] =	ssyncadd.s32 $0xFFFFEF00  }
0x18c: {  	[hbm4b:s10+s3] =	stream.linear.scatter [tilespmem:s29], [sflag:$0xF], $0x1100, $0x38;
	[tilespmem:$0x180F0] =	vst v63  }
0x18d: {  	s11 =	sadd.s32 $0x2080, s5  }
0x18e: {  	[hbm4b:s11+s3] =	stream.linear.scatter [tilespmem:s30], [sflag:$0xF], $0x1100, $0x38;
	[tilespmem:$0x180F0] =	vst v63  }
0x18f: {  	s8 =	sadd.s32 $0x700, s7  }
0x190: {  	[tilespmem:s0], [sflag:$0x8] =	stream.indirect.gather [spmem:s2], $0x80, s8, s9, $0xb8;
	[tilespmem:$0x180F0] =	vst v63  }
0x191: {  	s10 =	sadd.s32 $0x780, s7  }
0x192: {  	[tilespmem:s1], [sflag:$0x8] =	stream.indirect.gather [spmem:s2], $0x80, s10, s9, $0xb8;
	[tilespmem:$0x180F0] =	vst v63  }
0x193: {  	_ =	swait.ge [sflag:s4], $0x1100  }
0x194: {  	[sflag:s4] =	ssyncset.done $0x0  }
0x195: {  	[sflag:s4] =	ssyncadd.s32 $0xFFFFEF00  }
0x196: {  	_ =	swait.ge [sflag:s4], $0x1100  }
0x197: {  	[sflag:s4] =	ssyncset.done $0x0  }
0x198: {  	s11 =	sadd.s32 $0x2300, s5;
	[sflag:s4] =	ssyncadd.s32 $0xFFFFEF00  }
0x199: {  	[hbm4b:s11+s3] =	stream.linear.scatter [tilespmem:s0], [sflag:$0x10], $0x1100, $0x38;
	[tilespmem:$0x180F0] =	vst v63  }
0x19a: {  	s6 =	simm.s32 $0x9;
	s5 =	sadd.s32 $0x2580, s5  }
0x19b: {  	[hbm4b:s5+s3] =	stream.linear.scatter [tilespmem:s1], [sflag:$0x10], $0x1100, $0x38;
	[tilespmem:$0x180F0] =	vst v63  }
0x19c: {  	_ =	swait.ge [sflag:s6], $0x2200  }
0x19d: {  	[sflag:s6] =	ssyncset.done $0x0  }
0x19e: {  	s7 =	simm.s32 $0xA;
	[sflag:s6] =	ssyncadd.s32 $0xFFFFDE00  }
0x19f: {  	_ =	swait.ge [sflag:s7], $0x2200  }
0x1a0: {  	[sflag:s7] =	ssyncset.done $0x0  }
0x1a1: {  	s8 =	simm.s32 $0xB;
	[sflag:s7] =	ssyncadd.s32 $0xFFFFDE00  }
0x1a2: {  	_ =	swait.ge [sflag:s8], $0x2200  }
0x1a3: {  	[sflag:s8] =	ssyncset.done $0x0  }
0x1a4: {  	s10 =	simm.s32 $0xC;
	[sflag:s8] =	ssyncadd.s32 $0xFFFFDE00  }
0x1a5: {  	_ =	swait.ge [sflag:s10], $0x2200  }
0x1a6: {  	[sflag:s10] =	ssyncset.done $0x0  }
0x1a7: {  	s11 =	simm.s32 $0xD;
	[sflag:s10] =	ssyncadd.s32 $0xFFFFDE00  }
0x1a8: {  	_ =	swait.ge [sflag:s11], $0x2200  }
0x1a9: {  	[sflag:s11] =	ssyncset.done $0x0  }
0x1aa: {  	s6 =	simm.s32 $0xE;
	[sflag:s11] =	ssyncadd.s32 $0xFFFFDE00  }
0x1ab: {  	_ =	swait.ge [sflag:s6], $0x2200  }
0x1ac: {  	[sflag:s6] =	ssyncset.done $0x0  }
0x1ad: {  	s7 =	simm.s32 $0xF;
	[sflag:s6] =	ssyncadd.s32 $0xFFFFDE00  }
0x1ae: {  	_ =	swait.ge [sflag:s7], $0x2200  }
0x1af: {  	[sflag:s7] =	ssyncset.done $0x0  }
0x1b0: {  	s8 =	simm.s32 $0x10;
	[sflag:s7] =	ssyncadd.s32 $0xFFFFDE00  }
0x1b1: {  	_ =	swait.ge [sflag:s8], $0x2200  }
0x1b2: {  	s10 =	rddreg [dreg:$0x8]  }
0x1b3: {  	s11 =	rddreg [dreg:$0x5];
	s7 =	sadd.s32 $0x1, s10  }
0x1b4: {  	p1 =	sne.s32 s7, s11  }
.Ltmp1:
0x1b5: {  	_ = 	snop;
	(pc) =	sbr.rel @p1 .LBB2_1-.Ltmp1, $3  }
0x1b6: {  	_ =	sdelay $0x1  }
0x1b7: {  	[sflag:s8] =	ssyncset.done $0x0  }
0x1b8: {  	[sflag:s8] =	ssyncadd.s32 $0xFFFFDE00  }
0x1b9: {  	_ =	sfence.sel $0x180000  }
0x1ba: {  	[bflag:$0x0] =	sbarrier.arrive $0xFFFF  }
0x1bb: {  	_ =	strace $0x9000004A  }
0x1bc: {  	[bflag:$0x2] =	sbarrier.arrive $0xFFFF  }
0x1bd: {  	s0 =	rddreg [dreg:$0x3]  }
0x1be: {  	s0 =	sadd.s32 @!p0 $0x100000, s0  }
0x1bf: {  	[sflag:s0] =	ssyncadd.tile.s32 @!p0 $0x1;
	_ =	shalt  }
.Lfunc_end2:
_tile_overlayer_lowered:
.L_overlay_start_2:
0x1c0: {  	(tag) =	ssettag $0x2  }
0x1c1: {  	s0 =	rddreg [dreg:$0x0];
	s2 =	stileid.u32  }
0x1c2: {  	s1 =	rddreg [dreg:$0x1];
	p0 =	sne.s32 s2, $0x0  }
0x1c3: {  	s3 =	rddreg [dreg:$0x2];
	[bflag:$0x3] =	sbarrier.arrive $0xFFFF;
	s2 =	simm.s32 @!p0 $0x1C11  }
0x1c4: {  	[timem:s3], [sflag:s2] =	dma.local @!p0 [hbm:s0], s1  }
0x1c5: {  	s0 =	simm.s32 @!p0 $0x11  }
0x1c6: {  	_ =	swait.ge @!p0 [sflag:s0], s1  }
0x1c7: {  	s1 =	ssub.s32 @!p0 $0x0, s1;
	[sflag:s0] =	ssyncset.done @!p0 $0x0  }
0x1c8: {  	[sflag:s0] =	ssyncadd.s32 @!p0 s1  }
0x1c9: {  	[bflag:$0x3] =	sbarrier.arrive $0xFFFF  }
0x1ca: {  	_ =	shalt  }

</sc_bundles>
